<compile_context>
chip_gen: v7x
topology: tpu7x:2x2x1
jax: 0.10.2.dev20260603
libtpu: 0.0.44.dev20260713+nightly
codegen_flags: <defaults>
</compile_context>

<pallas_src>
import functools

import jax
import jax.numpy as jnp
from jax import lax
from jax.experimental import pallas as pl
from jax.experimental.pallas import tpu as pltpu
from jax.experimental.pallas import tpu_sc as plsc

N = 50000
E = 800000
NODE_DIM = 64
HID = 128
OUT = 256
HEADS = 4

ROWS = 1000
GRID = N // ROWS
NEG = -100.0

C1, ROUNDS1, B1 = 176, 9, 128
C2, ROUNDS2, B2 = 528, 3, 128
NTILES = 32


def _k1_body(x_ref, w0_ref, b0_ref, vs_ref, vd_ref, h0_ref, as_ref, ad_ref,
             mx_ref):
    i = pl.program_id(0)
    h0 = jnp.maximum(jnp.dot(x_ref[...], w0_ref[...],
                             preferred_element_type=jnp.float32)
                     + b0_ref[...], 0.0)
    h0_ref[...] = h0
    ts = jnp.dot(h0, vs_ref[...], preferred_element_type=jnp.float32)
    td = jnp.dot(h0, vd_ref[...], preferred_element_type=jnp.float32)
    col = lax.broadcasted_iota(jnp.int32, (ROWS, 16), 1)
    as_ref[...] = jnp.where(col < HEADS, ts, NEG)
    ad_ref[...] = jnp.where(col < HEADS, td, NEG)
    mxs = jnp.max(ts, axis=0, keepdims=True)
    mxd = jnp.max(td, axis=0, keepdims=True)
    upd = jnp.concatenate([mxs, mxd, jnp.full((6, 16), -1e30)], axis=0)

    @pl.when(i == 0)
    def _():
        mx_ref[...] = jnp.full((8, 16), -1e30)

    mx_ref[...] = jnp.maximum(mx_ref[...], upd)


def _k1(x, w0, b0, vs, vd):
    return pl.pallas_call(
        _k1_body,
        grid=(GRID,),
        in_specs=[
            pl.BlockSpec((ROWS, NODE_DIM), lambda i: (i, 0)),
            pl.BlockSpec((NODE_DIM, HID), lambda i: (0, 0)),
            pl.BlockSpec((1, HID), lambda i: (0, 0)),
            pl.BlockSpec((HID, 16), lambda i: (0, 0)),
            pl.BlockSpec((HID, 16), lambda i: (0, 0)),
        ],
        out_specs=[
            pl.BlockSpec((ROWS, HID), lambda i: (i, 0)),
            pl.BlockSpec((ROWS, 16), lambda i: (i, 0)),
            pl.BlockSpec((ROWS, 16), lambda i: (i, 0)),
            pl.BlockSpec((8, 16), lambda i: (0, 0)),
        ],
        out_shape=[
            jax.ShapeDtypeStruct((N, HID), jnp.float32),
            jax.ShapeDtypeStruct((N, 16), jnp.float32),
            jax.ShapeDtypeStruct((N, 16), jnp.float32),
            jax.ShapeDtypeStruct((8, 16), jnp.float32),
        ],
    )(x, w0, b0, vs, vd)


def _k2_body(agg_ref, den_ref, w1_ref, b1_ref, w2_ref, a2s_ref, a2d_ref,
             h2_ref, as_ref, ad_ref, mx_ref):
    i = pl.program_id(0)
    agg = agg_ref[...]
    den = den_ref[...]
    outs = []
    for k in range(HEADS):
        cagg = agg[:, k * HID:(k + 1) * HID] / (den[:, k:k + 1] + 1e-16)
        outs.append(jnp.dot(cagg, w1_ref[:, k * HID:(k + 1) * HID],
                            preferred_element_type=jnp.float32))
    o1 = jnp.concatenate(outs, axis=1) + b1_ref[...]
    u = jnp.where(o1 > 0, o1, jnp.exp(jnp.minimum(o1, 0.0)) - 1.0)
    h2 = jnp.dot(u, w2_ref[...], preferred_element_type=jnp.float32)
    h2_ref[...] = h2
    ts = jnp.dot(h2, a2s_ref[...], preferred_element_type=jnp.float32)
    td = jnp.dot(h2, a2d_ref[...], preferred_element_type=jnp.float32)
    col = lax.broadcasted_iota(jnp.int32, (ROWS, 16), 1)
    as_ref[...] = jnp.where(col < 1, ts, NEG)
    ad_ref[...] = jnp.where(col < 1, td, NEG)
    mxs = jnp.max(ts, axis=0, keepdims=True)
    mxd = jnp.max(td, axis=0, keepdims=True)
    upd = jnp.concatenate([mxs, mxd, jnp.full((6, 16), -1e30)], axis=0)

    @pl.when(i == 0)
    def _():
        mx_ref[...] = jnp.full((8, 16), -1e30)

    mx_ref[...] = jnp.maximum(mx_ref[...], upd)


def _k2(agg1, den1, w1, b1, w2, a2s, a2d):
    return pl.pallas_call(
        _k2_body,
        grid=(GRID,),
        in_specs=[
            pl.BlockSpec((ROWS, HEADS * HID), lambda i: (i, 0)),
            pl.BlockSpec((ROWS, 16), lambda i: (i, 0)),
            pl.BlockSpec((HID, HEADS * HID), lambda i: (0, 0)),
            pl.BlockSpec((1, HEADS * HID), lambda i: (0, 0)),
            pl.BlockSpec((HEADS * HID, HID), lambda i: (0, 0)),
            pl.BlockSpec((HID, 16), lambda i: (0, 0)),
            pl.BlockSpec((HID, 16), lambda i: (0, 0)),
        ],
        out_specs=[
            pl.BlockSpec((ROWS, HID), lambda i: (i, 0)),
            pl.BlockSpec((ROWS, 16), lambda i: (i, 0)),
            pl.BlockSpec((ROWS, 16), lambda i: (i, 0)),
            pl.BlockSpec((8, 16), lambda i: (0, 0)),
        ],
        out_shape=[
            jax.ShapeDtypeStruct((N, HID), jnp.float32),
            jax.ShapeDtypeStruct((N, 16), jnp.float32),
            jax.ShapeDtypeStruct((N, 16), jnp.float32),
            jax.ShapeDtypeStruct((8, 16), jnp.float32),
        ],
    )(agg1, den1, w1, b1, w2, a2s, a2d)


def _k3_body(agg_ref, den_ref, b2_ref, w3_ref, out_ref, acc_ref):
    i = pl.program_id(0)
    v = agg_ref[...] / (den_ref[:, 0:1] + 1e-16) + b2_ref[...]
    v = jnp.where(v > 0, v, jnp.exp(jnp.minimum(v, 0.0)) - 1.0)
    s = jnp.sum(v, axis=0, keepdims=True)

    @pl.when(i == 0)
    def _():
        acc_ref[...] = jnp.zeros((8, HID), jnp.float32)

    acc_ref[0:1, :] = acc_ref[0:1, :] + s

    @pl.when(i == GRID - 1)
    def _():
        g = acc_ref[0:1, :] * (1.0 / N)
        out_ref[...] = jnp.dot(g, w3_ref[...],
                               preferred_element_type=jnp.float32)


def _k3(agg2, den2, b2, w3):
    return pl.pallas_call(
        _k3_body,
        grid=(GRID,),
        in_specs=[
            pl.BlockSpec((ROWS, HID), lambda i: (i, 0)),
            pl.BlockSpec((ROWS, 16), lambda i: (i, 0)),
            pl.BlockSpec((1, HID), lambda i: (0, 0)),
            pl.BlockSpec((HID, OUT), lambda i: (0, 0)),
        ],
        out_specs=pl.BlockSpec((1, OUT), lambda i: (0, 0)),
        out_shape=jax.ShapeDtypeStruct((1, OUT), jnp.float32),
        scratch_shapes=[pltpu.VMEM((8, HID), jnp.float32)],
    )(agg2, den2, b2, w3)


def _sc_edge(feat, asa, ada, srcs, dsts, off, m16, heads, c_rows, rounds, bat):
    np_rows = rounds * NTILES * c_rows
    rw = heads * HID
    nspans = rounds * NTILES
    noff = ((nspans + 1 + 7) // 8) * 8
    mesh = plsc.VectorSubcoreMesh(core_axis_name="c", subcore_axis_name="s",
                                  num_cores=2, num_subcores=16)

    @functools.partial(
        pl.kernel,
        out_type=[
            jax.ShapeDtypeStruct((np_rows, rw), jnp.float32),
            jax.ShapeDtypeStruct((np_rows, 16), jnp.float32),
        ],
        mesh=mesh,
        compiler_params=pltpu.CompilerParams(use_tc_tiling_on_sc=False),
        scratch_types=[
            pltpu.VMEM((c_rows, rw), jnp.float32),
            pltpu.VMEM((c_rows, 16), jnp.float32),
            pltpu.VMEM((bat,), jnp.int32),
            pltpu.VMEM((bat,), jnp.int32),
            pltpu.VMEM((bat + 16,), jnp.int32),
            pltpu.VMEM((bat, HID), jnp.float32),
            pltpu.VMEM((bat, 16), jnp.float32),
            pltpu.VMEM((bat, 16), jnp.float32),
            pltpu.VMEM((noff + 16,), jnp.int32),
            pltpu.VMEM((16,), jnp.float32),
            pltpu.SemaphoreType.DMA,
        ],
    )
    def k(feat_h, asa_h, ada_h, srcs_h, dsts_h, off_h, m_h, agg_o, den_o,
          acc, den, sidx, didxg, didx, fbuf, abuf, bbuf, offv, mbuf, sem):
        wid = lax.axis_index("s") * 2 + lax.axis_index("c")
        pltpu.sync_copy(off_h, offv.at[pl.ds(0, noff)])
        pltpu.sync_copy(m_h, mbuf)
        mvec = mbuf[...]

        def round_body(r, _):
            span = r * NTILES + wid
            base = span * c_rows

            def zrow(i, _):
                for q in range(rw // 16):
                    acc[i, pl.ds(q * 16, 16)] = jnp.zeros((16,), jnp.float32)
                den[i] = jnp.zeros((16,), jnp.float32)
                return 0

            lax.fori_loop(0, c_rows, zrow, 0)

            ov = offv[pl.ds(span, 16)]
            e0 = ov[0]
            e1 = ov[1]
            ebase = e0 - lax.rem(e0, 8)
            nbat = (e1 - ebase + (bat - 1)) // bat

            def batch_body(b, _):
                eb = pl.multiple_of(ebase + b * bat, 8)
                pltpu.sync_copy(srcs_h.at[pl.ds(eb, bat)], sidx)
                pltpu.sync_copy(dsts_h.at[pl.ds(eb, bat)], didxg)
                pltpu.sync_copy(dsts_h.at[pl.ds(eb, bat)],
                                didx.at[pl.ds(0, bat)])
                cp_f = pltpu.async_copy(feat_h.at[sidx], fbuf, sem)
                cp_a = pltpu.async_copy(asa_h.at[sidx], abuf, sem)
                cp_b = pltpu.async_copy(ada_h.at[didxg], bbuf, sem)
                cp_f.wait()
                cp_a.wait()
                cp_b.wait()
                jstart = jnp.maximum(e0 - eb, 0)
                jend = jnp.maximum(jstart, jnp.minimum(bat, e1 - eb))

                def edge_body(j, _):
                    z = abuf[j] + bbuf[j]
                    z = jnp.where(z > 0, z, z * 0.2)
                    w = jnp.exp(z - mvec)
                    ld = didx[pl.ds(j, 16)][0] - base
                    plsc.addupdate(den.at[ld], w)
                    frow = [fbuf[j, pl.ds(q * 16, 16)]
                            for q in range(HID // 16)]
                    for kk in range(heads):
                        wk = w[kk]
                        for q in range(HID // 16):
                            sl = pl.ds(kk * HID + q * 16, 16)
                            plsc.addupdate(acc.at[ld, sl], wk * frow[q])
                    return 0

                lax.fori_loop(jstart, jend, edge_body, 0)
                return 0

            lax.fori_loop(0, nbat, batch_body, 0)
            pltpu.sync_copy(acc, agg_o.at[pl.ds(base, c_rows)])
            pltpu.sync_copy(den, den_o.at[pl.ds(base, c_rows)])
            return 0

        lax.fori_loop(0, rounds, round_body, 0)

    return k(feat, asa, ada, srcs, dsts, off, m16)


def kernel(x, edge_index, W0, b0, W1, a1s, a1d, b1, W2, a2s, a2d, b2, W3, b3):
    src = edge_index[0].astype(jnp.uint32)
    dst = edge_index[1].astype(jnp.uint32)
    packed = jnp.sort(dst * jnp.uint32(65536) + src)
    dsts = (packed // jnp.uint32(65536)).astype(jnp.int32)
    srcs = (packed % jnp.uint32(65536)).astype(jnp.int32)
    epad = ((E + B1 + 7) // 8) * 8
    srcs_p = jnp.pad(srcs, (0, epad - E))
    dsts_p = jnp.pad(dsts, (0, epad - E), constant_values=N)

    def spans(c_rows, rounds):
        ns = rounds * NTILES
        noff = ((ns + 1 + 7) // 8) * 8
        bounds = jnp.arange(noff, dtype=jnp.int32) * c_rows
        off = jnp.searchsorted(dsts, bounds.astype(jnp.int32),
                               side="left").astype(jnp.int32)
        return jnp.minimum(off, E)

    off1 = spans(C1, ROUNDS1)
    off2 = spans(C2, ROUNDS2)

    w1r = W1.reshape(HID, HEADS, HID)
    vs = jnp.einsum("dkc,kc->dk", w1r, a1s[0])
    vd = jnp.einsum("dkc,kc->dk", w1r, a1d[0])
    vs16 = jnp.pad(vs, ((0, 0), (0, 16 - HEADS)))
    vd16 = jnp.pad(vd, ((0, 0), (0, 16 - HEADS)))
    a2s16 = jnp.pad(a2s[0, 0][:, None], ((0, 0), (0, 15)))
    a2d16 = jnp.pad(a2d[0, 0][:, None], ((0, 0), (0, 15)))

    h0, as1, ad1, mx1 = _k1(x, W0, b0.reshape(1, HID), vs16, vd16)
    m1 = mx1[0, :] + mx1[1, :]
    m1 = jnp.where(m1 > 0, m1, m1 * 0.2)
    m16_1 = jnp.where(jnp.arange(16) < HEADS, m1, 0.0).astype(jnp.float32)

    agg1, den1 = _sc_edge(h0, as1, ad1, srcs_p, dsts_p, off1, m16_1,
                          HEADS, C1, ROUNDS1, B1)

    h2, as2, ad2, mx2 = _k2(agg1, den1, W1, b1.reshape(1, HEADS * HID), W2,
                            a2s16, a2d16)
    m2 = mx2[0, :] + mx2[1, :]
    m2 = jnp.where(m2 > 0, m2, m2 * 0.2)
    m16_2 = jnp.where(jnp.arange(16) < 1, m2, 0.0).astype(jnp.float32)

    agg2, den2 = _sc_edge(h2, as2, ad2, srcs_p, dsts_p, off2, m16_2,
                          1, C2, ROUNDS2, B2)

    return _k3(agg2, den2, b2.reshape(1, HID), W3)

# --- scband reference (transcript-rebuilt; emitter-appended) ---
"""Pipeline reference for scband-constraint-graph-encoder-75780402970977 (READ-ONLY COPY).

The authoritative reference and input builder live on the scoring server;
editing this copy changes nothing except your own understanding.
"""

import jax, jax.numpy as jnp
import numpy as np

N = 50000
E = 800000
NODE_DIM = 64
HID = 128
OUT = 256
HEADS = 4


def setup_inputs(seed: int = 0) -> dict:
    key = jax.random.key(seed)
    ks = jax.random.split(key, 16)
    s = 0.05
    x = jax.random.normal(ks[0], (N, NODE_DIM), dtype=jnp.float32)
    edge_index = jax.random.randint(ks[1], (2, E), 0, N)
    W0 = jax.random.normal(ks[2], (NODE_DIM, HID), dtype=jnp.float32) * s
    b0 = jnp.zeros((HID,), dtype=jnp.float32)
    W1 = jax.random.normal(ks[3], (HID, HEADS * HID), dtype=jnp.float32) * s
    a1s = jax.random.normal(ks[4], (1, HEADS, HID), dtype=jnp.float32) * s
    a1d = jax.random.normal(ks[5], (1, HEADS, HID), dtype=jnp.float32) * s
    b1 = jnp.zeros((HEADS * HID,), dtype=jnp.float32)
    W2 = jax.random.normal(ks[6], (HEADS * HID, HID), dtype=jnp.float32) * s
    a2s = jax.random.normal(ks[7], (1, 1, HID), dtype=jnp.float32) * s
    a2d = jax.random.normal(ks[8], (1, 1, HID), dtype=jnp.float32) * s
    b2 = jnp.zeros((HID,), dtype=jnp.float32)
    W3 = jax.random.normal(ks[9], (HID, OUT), dtype=jnp.float32) * s
    b3 = jnp.zeros((OUT,), dtype=jnp.float32)
    return {"x": x, "edge_index": edge_index, "W0": W0, "b0": b0,
            "W1": W1, "a1s": a1s, "a1d": a1d, "b1": b1,
            "W2": W2, "a2s": a2s, "a2d": a2d, "b2": b2,
            "W3": W3, "b3": b3}


def gat_conv(x, edge_index, W, att_src, att_dst, bias, heads, out_ch, concat):
    n = x.shape[0]
    src = edge_index[0]
    dst = edge_index[1]
    h = (x @ W).reshape(n, heads, out_ch)
    alpha_src = jnp.sum(h * att_src, axis=-1)  # [N, heads]
    alpha_dst = jnp.sum(h * att_dst, axis=-1)  # [N, heads]
    alpha = alpha_src[src] + alpha_dst[dst]    # [E, heads]
    alpha = jax.nn.leaky_relu(alpha, negative_slope=0.2)
    amax = jax.ops.segment_max(alpha, dst, num_segments=n)
    amax = jnp.where(jnp.isfinite(amax), amax, 0.0)
    ex = jnp.exp(alpha - amax[dst])
    denom = jax.ops.segment_sum(ex, dst, num_segments=n)
    coef = ex / (denom[dst] + 1e-16)           # [E, heads]
    msg = h[src] * coef[:, :, None]            # [E, heads, out_ch]
    out = jax.ops.segment_sum(msg, dst, num_segments=n)  # [N, heads, out_ch]
    if concat:
        out = out.reshape(n, heads * out_ch)
    else:
        out = out.mean(axis=1)
    return out + bias


def reference(x, edge_index, W0, b0, W1, a1s, a1d, b1, W2, a2s, a2d, b2, W3, b3):
    h = jax.nn.relu(x @ W0 + b0)
    # dropout is identity in eval mode
    h = gat_conv(h, edge_index, W1, a1s, a1d, b1, HEADS, HID, True)
    h = jax.nn.elu(h)
    h = gat_conv(h, edge_index, W2, a2s, a2d, b2, 1, HID, False)
    h = jax.nn.elu(h)
    # batch=None -> all nodes in one graph; global mean pool
    g = jnp.mean(h, axis=0, keepdims=True)     # [1, HID]
    out = g @ W3 + b3                          # [1, OUT]
    return out

if __name__ == "__main__":
    import jax
    _d = setup_inputs()
    print(jax.jit(kernel)(*tuple(_d.values())))

</pallas_src>

<mosaic_0001>
#map = affine_map<(d0, d1) -> (0, 0)>
#map1 = affine_map<(d0, d1) -> (0)>
module attributes {stable_mosaic.version = 14 : i64} {
  func.func @k(%arg0: i32, %arg1: i32, %arg2: memref<50000x128xf32, #tpu.memory_space<hbm>>, %arg3: memref<50000x16xf32, #tpu.memory_space<hbm>>, %arg4: memref<50000x16xf32, #tpu.memory_space<hbm>>, %arg5: memref<800128xi32, #tpu.memory_space<hbm>>, %arg6: memref<800128xi32, #tpu.memory_space<hbm>>, %arg7: memref<296xi32, #tpu.memory_space<hbm>>, %arg8: memref<16xf32, #tpu.memory_space<hbm>>, %arg9: memref<50688x512xf32, #tpu.memory_space<hbm>>, %arg10: memref<50688x16xf32, #tpu.memory_space<hbm>>, %arg11: memref<176x512xf32, #tpu.memory_space<vmem>>, %arg12: memref<176x16xf32, #tpu.memory_space<vmem>>, %arg13: memref<128xi32, #tpu.memory_space<vmem>>, %arg14: memref<128xi32, #tpu.memory_space<vmem>>, %arg15: memref<144xi32, #tpu.memory_space<vmem>>, %arg16: memref<128x128xf32, #tpu.memory_space<vmem>>, %arg17: memref<128x16xf32, #tpu.memory_space<vmem>>, %arg18: memref<128x16xf32, #tpu.memory_space<vmem>>, %arg19: memref<312xi32, #tpu.memory_space<vmem>>, %arg20: memref<16xf32, #tpu.memory_space<vmem>>, %arg21: memref<!tpu.dma_semaphore, #tpu.memory_space<semaphore_mem>>) attributes {dimension_semantics = [#tpu.dimension_semantics<core_parallel>, #tpu.dimension_semantics<subcore_parallel>], iteration_bounds = array<i64: 2, 16>, scalar_prefetch = 0 : i64, scratch_operands = 11 : i64, tpu.core_type = #tpu.core_type<sc_vector_subcore>, window_params = [{transform_indices = #map}, {transform_indices = #map}, {transform_indices = #map}, {transform_indices = #map1}, {transform_indices = #map1}, {transform_indices = #map1}, {transform_indices = #map1}, {transform_indices = #map}, {transform_indices = #map}]} {
    %mul3A = arith.constant 2 : i32
    %mul3A_0 = arith.muli %arg1, %mul3A : i32
    %add3A = arith.addi %mul3A_0, %arg0 : i32
    "tpu.region"() ({
      %run_scoped3A = tpu.sem_alloc : memref<!tpu.dma_semaphore, #tpu.memory_space<semaphore_mem>>
      %dma_start3A = arith.constant 0 : i32
      %dma_start3A_9 = tpu.memref_slice %arg19[%dma_start3A] : memref<312xi32, #tpu.memory_space<vmem>> -> memref<296xi32, #tpu.memory_space<vmem>>
      %dma_start3A_10 = arith.constant 0 : i32
      %dma_start3A_11 = tpu.memref_slice %arg19[%dma_start3A_10] : memref<312xi32, #tpu.memory_space<vmem>> -> memref<296xi32, #tpu.memory_space<vmem>>
      tpu.enqueue_dma source(%arg7 : memref<296xi32, #tpu.memory_space<hbm>>) target(%dma_start3A_11 : memref<296xi32, #tpu.memory_space<vmem>>) target_semaphore(%run_scoped3A : memref<!tpu.dma_semaphore, #tpu.memory_space<semaphore_mem>>)
      %dma_wait3A = arith.constant 0 : i32
      %dma_wait3A_12 = tpu.memref_slice %arg19[%dma_wait3A] : memref<312xi32, #tpu.memory_space<vmem>> -> memref<296xi32, #tpu.memory_space<vmem>>
      %dma_wait3A_13 = arith.constant 0 : i32
      %dma_wait3A_14 = tpu.memref_slice %arg19[%dma_wait3A_13] : memref<312xi32, #tpu.memory_space<vmem>> -> memref<296xi32, #tpu.memory_space<vmem>>
      tpu.wait_dma2 semaphore(%run_scoped3A : memref<!tpu.dma_semaphore, #tpu.memory_space<semaphore_mem>>) src(%arg7 : memref<296xi32, #tpu.memory_space<hbm>>) dst(%dma_wait3A_14 : memref<296xi32, #tpu.memory_space<vmem>>)
      tpu.yield
    }) : () -> ()
    "tpu.region"() ({
      %run_scoped3A = tpu.sem_alloc : memref<!tpu.dma_semaphore, #tpu.memory_space<semaphore_mem>>
      tpu.enqueue_dma source(%arg8 : memref<16xf32, #tpu.memory_space<hbm>>) target(%arg20 : memref<16xf32, #tpu.memory_space<vmem>>) target_semaphore(%run_scoped3A : memref<!tpu.dma_semaphore, #tpu.memory_space<semaphore_mem>>)
      tpu.wait_dma2 semaphore(%run_scoped3A : memref<!tpu.dma_semaphore, #tpu.memory_space<semaphore_mem>>) src(%arg8 : memref<16xf32, #tpu.memory_space<hbm>>) dst(%arg20 : memref<16xf32, #tpu.memory_space<vmem>>)
      tpu.yield
    }) : () -> ()
    %get3A = arith.constant 0 : index
    %get3A_1 = tpu.vector_load %arg20[%get3A] {strides = array<i32>} : memref<16xf32, #tpu.memory_space<vmem>>, vector<16xf32>,
    %get3A_2 = vector.shape_cast %get3A_1 : vector<16xf32> to vector<16xf32>
    %scan3A = arith.constant 0 : i32
    %scan3A_3 = arith.constant 0 : i32
    %scan3A_4 = arith.constant 9 : i32
    %scan3A_5 = arith.addi %scan3A_3, %scan3A_4 : i32
    %scan3A_6 = arith.constant 1 : i32
    %scan3A_7 = scf.for %scan3A_9 = %scan3A_3 to %scan3A_5 step %scan3A_6 iter_args(%scan3A_10 = %scan3A) -> (i32)  : i32 {
      %mul3A_11 = arith.constant 32 : i32
      %mul3A_12 = arith.muli %scan3A_9, %mul3A_11 : i32
      %add3A_13 = arith.addi %mul3A_12, %add3A : i32
      %mul3A_14 = arith.constant 176 : i32
      %mul3A_15 = arith.muli %add3A_13, %mul3A_14 : i32
      %scan3A_16 = arith.constant 0 : i32
      %scan3A_17 = arith.constant 0 : i32
      %scan3A_18 = arith.constant 176 : i32
      %scan3A_19 = arith.addi %scan3A_17, %scan3A_18 : i32
      %scan3A_20 = arith.constant 1 : i32
      %scan3A_21 = scf.for %scan3A_62 = %scan3A_17 to %scan3A_19 step %scan3A_20 iter_args(%scan3A_63 = %scan3A_16) -> (i32)  : i32 {
        %broadcast_in_dim3A = arith.constant 0.000000e+00 : f32
        %broadcast_in_dim3A_64 = vector.broadcast %broadcast_in_dim3A : f32 to vector<16xf32>
        %swap3A = arith.index_cast %scan3A_62 : i32 to index
        %swap3A_65 = arith.constant 0 : index
        %swap3A_66 = tpu.vector_load %arg11[%swap3A, %swap3A_65] {strides = array<i32>} : memref<176x512xf32, #tpu.memory_space<vmem>>, vector<1x16xf32>,
        %swap3A_67 = vector.shape_cast %swap3A_66 : vector<1x16xf32> to vector<16xf32>
        %swap3A_68 = vector.shape_cast %broadcast_in_dim3A_64 : vector<16xf32> to vector<1x16xf32>
        tpu.vector_store %arg11[%swap3A, %swap3A_65], %swap3A_68 {strides = array<i32>} : memref<176x512xf32, #tpu.memory_space<vmem>>, vector<1x16xf32>,
        %broadcast_in_dim3A_69 = arith.constant 0.000000e+00 : f32
        %broadcast_in_dim3A_70 = vector.broadcast %broadcast_in_dim3A_69 : f32 to vector<16xf32>
        %swap3A_71 = arith.index_cast %scan3A_62 : i32 to index
        %swap3A_72 = arith.constant 16 : index
        %swap3A_73 = tpu.vector_load %arg11[%swap3A_71, %swap3A_72] {strides = array<i32>} : memref<176x512xf32, #tpu.memory_space<vmem>>, vector<1x16xf32>,
        %swap3A_74 = vector.shape_cast %swap3A_73 : vector<1x16xf32> to vector<16xf32>
        %swap3A_75 = vector.shape_cast %broadcast_in_dim3A_70 : vector<16xf32> to vector<1x16xf32>
        tpu.vector_store %arg11[%swap3A_71, %swap3A_72], %swap3A_75 {strides = array<i32>} : memref<176x512xf32, #tpu.memory_space<vmem>>, vector<1x16xf32>,
        %broadcast_in_dim3A_76 = arith.constant 0.000000e+00 : f32
        %broadcast_in_dim3A_77 = vector.broadcast %broadcast_in_dim3A_76 : f32 to vector<16xf32>
        %swap3A_78 = arith.index_cast %scan3A_62 : i32 to index
        %swap3A_79 = arith.constant 32 : index
        %swap3A_80 = tpu.vector_load %arg11[%swap3A_78, %swap3A_79] {strides = array<i32>} : memref<176x512xf32, #tpu.memory_space<vmem>>, vector<1x16xf32>,
        %swap3A_81 = vector.shape_cast %swap3A_80 : vector<1x16xf32> to vector<16xf32>
        %swap3A_82 = vector.shape_cast %broadcast_in_dim3A_77 : vector<16xf32> to vector<1x16xf32>
        tpu.vector_store %arg11[%swap3A_78, %swap3A_79], %swap3A_82 {strides = array<i32>} : memref<176x512xf32, #tpu.memory_space<vmem>>, vector<1x16xf32>,
        %broadcast_in_dim3A_83 = arith.constant 0.000000e+00 : f32
        %broadcast_in_dim3A_84 = vector.broadcast %broadcast_in_dim3A_83 : f32 to vector<16xf32>
        %swap3A_85 = arith.index_cast %scan3A_62 : i32 to index
        %swap3A_86 = arith.constant 48 : index
        %swap3A_87 = tpu.vector_load %arg11[%swap3A_85, %swap3A_86] {strides = array<i32>} : memref<176x512xf32, #tpu.memory_space<vmem>>, vector<1x16xf32>,
        %swap3A_88 = vector.shape_cast %swap3A_87 : vector<1x16xf32> to vector<16xf32>
        %swap3A_89 = vector.shape_cast %broadcast_in_dim3A_84 : vector<16xf32> to vector<1x16xf32>
        tpu.vector_store %arg11[%swap3A_85, %swap3A_86], %swap3A_89 {strides = array<i32>} : memref<176x512xf32, #tpu.memory_space<vmem>>, vector<1x16xf32>,
        %broadcast_in_dim3A_90 = arith.constant 0.000000e+00 : f32
        %broadcast_in_dim3A_91 = vector.broadcast %broadcast_in_dim3A_90 : f32 to vector<16xf32>
        %swap3A_92 = arith.index_cast %scan3A_62 : i32 to index
        %swap3A_93 = arith.constant 64 : index
        %swap3A_94 = tpu.vector_load %arg11[%swap3A_92, %swap3A_93] {strides = array<i32>} : memref<176x512xf32, #tpu.memory_space<vmem>>, vector<1x16xf32>,
        %swap3A_95 = vector.shape_cast %swap3A_94 : vector<1x16xf32> to vector<16xf32>
        %swap3A_96 = vector.shape_cast %broadcast_in_dim3A_91 : vector<16xf32> to vector<1x16xf32>
        tpu.vector_store %arg11[%swap3A_92, %swap3A_93], %swap3A_96 {strides = array<i32>} : memref<176x512xf32, #tpu.memory_space<vmem>>, vector<1x16xf32>,
        %broadcast_in_dim3A_97 = arith.constant 0.000000e+00 : f32
        %broadcast_in_dim3A_98 = vector.broadcast %broadcast_in_dim3A_97 : f32 to vector<16xf32>
        %swap3A_99 = arith.index_cast %scan3A_62 : i32 to index
        %swap3A_100 = arith.constant 80 : index
        %swap3A_101 = tpu.vector_load %arg11[%swap3A_99, %swap3A_100] {strides = array<i32>} : memref<176x512xf32, #tpu.memory_space<vmem>>, vector<1x16xf32>,
        %swap3A_102 = vector.shape_cast %swap3A_101 : vector<1x16xf32> to vector<16xf32>
        %swap3A_103 = vector.shape_cast %broadcast_in_dim3A_98 : vector<16xf32> to vector<1x16xf32>
        tpu.vector_store %arg11[%swap3A_99, %swap3A_100], %swap3A_103 {strides = array<i32>} : memref<176x512xf32, #tpu.memory_space<vmem>>, vector<1x16xf32>,
        %broadcast_in_dim3A_104 = arith.constant 0.000000e+00 : f32
        %broadcast_in_dim3A_105 = vector.broadcast %broadcast_in_dim3A_104 : f32 to vector<16xf32>
        %swap3A_106 = arith.index_cast %scan3A_62 : i32 to index
        %swap3A_107 = arith.constant 96 : index
        %swap3A_108 = tpu.vector_load %arg11[%swap3A_106, %swap3A_107] {strides = array<i32>} : memref<176x512xf32, #tpu.memory_space<vmem>>, vector<1x16xf32>,
        %swap3A_109 = vector.shape_cast %swap3A_108 : vector<1x16xf32> to vector<16xf32>
        %swap3A_110 = vector.shape_cast %broadcast_in_dim3A_105 : vector<16xf32> to vector<1x16xf32>
        tpu.vector_store %arg11[%swap3A_106, %swap3A_107], %swap3A_110 {strides = array<i32>} : memref<176x512xf32, #tpu.memory_space<vmem>>, vector<1x16xf32>,
        %broadcast_in_dim3A_111 = arith.constant 0.000000e+00 : f32
        %broadcast_in_dim3A_112 = vector.broadcast %broadcast_in_dim3A_111 : f32 to vector<16xf32>
        %swap3A_113 = arith.index_cast %scan3A_62 : i32 to index
        %swap3A_114 = arith.constant 112 : index
        %swap3A_115 = tpu.vector_load %arg11[%swap3A_113, %swap3A_114] {strides = array<i32>} : memref<176x512xf32, #tpu.memory_space<vmem>>, vector<1x16xf32>,
        %swap3A_116 = vector.shape_cast %swap3A_115 : vector<1x16xf32> to vector<16xf32>
        %swap3A_117 = vector.shape_cast %broadcast_in_dim3A_112 : vector<16xf32> to vector<1x16xf32>
        tpu.vector_store %arg11[%swap3A_113, %swap3A_114], %swap3A_117 {strides = array<i32>} : memref<176x512xf32, #tpu.memory_space<vmem>>, vector<1x16xf32>,
        %broadcast_in_dim3A_118 = arith.constant 0.000000e+00 : f32
        %broadcast_in_dim3A_119 = vector.broadcast %broadcast_in_dim3A_118 : f32 to vector<16xf32>
        %swap3A_120 = arith.index_cast %scan3A_62 : i32 to index
        %swap3A_121 = arith.constant 128 : index
        %swap3A_122 = tpu.vector_load %arg11[%swap3A_120, %swap3A_121] {strides = array<i32>} : memref<176x512xf32, #tpu.memory_space<vmem>>, vector<1x16xf32>,
        %swap3A_123 = vector.shape_cast %swap3A_122 : vector<1x16xf32> to vector<16xf32>
        %swap3A_124 = vector.shape_cast %broadcast_in_dim3A_119 : vector<16xf32> to vector<1x16xf32>
        tpu.vector_store %arg11[%swap3A_120, %swap3A_121], %swap3A_124 {strides = array<i32>} : memref<176x512xf32, #tpu.memory_space<vmem>>, vector<1x16xf32>,
        %broadcast_in_dim3A_125 = arith.constant 0.000000e+00 : f32
        %broadcast_in_dim3A_126 = vector.broadcast %broadcast_in_dim3A_125 : f32 to vector<16xf32>
        %swap3A_127 = arith.index_cast %scan3A_62 : i32 to index
        %swap3A_128 = arith.constant 144 : index
        %swap3A_129 = tpu.vector_load %arg11[%swap3A_127, %swap3A_128] {strides = array<i32>} : memref<176x512xf32, #tpu.memory_space<vmem>>, vector<1x16xf32>,
        %swap3A_130 = vector.shape_cast %swap3A_129 : vector<1x16xf32> to vector<16xf32>
        %swap3A_131 = vector.shape_cast %broadcast_in_dim3A_126 : vector<16xf32> to vector<1x16xf32>
        tpu.vector_store %arg11[%swap3A_127, %swap3A_128], %swap3A_131 {strides = array<i32>} : memref<176x512xf32, #tpu.memory_space<vmem>>, vector<1x16xf32>,
        %broadcast_in_dim3A_132 = arith.constant 0.000000e+00 : f32
        %broadcast_in_dim3A_133 = vector.broadcast %broadcast_in_dim3A_132 : f32 to vector<16xf32>
        %swap3A_134 = arith.index_cast %scan3A_62 : i32 to index
        %swap3A_135 = arith.constant 160 : index
        %swap3A_136 = tpu.vector_load %arg11[%swap3A_134, %swap3A_135] {strides = array<i32>} : memref<176x512xf32, #tpu.memory_space<vmem>>, vector<1x16xf32>,
        %swap3A_137 = vector.shape_cast %swap3A_136 : vector<1x16xf32> to vector<16xf32>
        %swap3A_138 = vector.shape_cast %broadcast_in_dim3A_133 : vector<16xf32> to vector<1x16xf32>
        tpu.vector_store %arg11[%swap3A_134, %swap3A_135], %swap3A_138 {strides = array<i32>} : memref<176x512xf32, #tpu.memory_space<vmem>>, vector<1x16xf32>,
        %broadcast_in_dim3A_139 = arith.constant 0.000000e+00 : f32
        %broadcast_in_dim3A_140 = vector.broadcast %broadcast_in_dim3A_139 : f32 to vector<16xf32>
        %swap3A_141 = arith.index_cast %scan3A_62 : i32 to index
        %swap3A_142 = arith.constant 176 : index
        %swap3A_143 = tpu.vector_load %arg11[%swap3A_141, %swap3A_142] {strides = array<i32>} : memref<176x512xf32, #tpu.memory_space<vmem>>, vector<1x16xf32>,
        %swap3A_144 = vector.shape_cast %swap3A_143 : vector<1x16xf32> to vector<16xf32>
        %swap3A_145 = vector.shape_cast %broadcast_in_dim3A_140 : vector<16xf32> to vector<1x16xf32>
        tpu.vector_store %arg11[%swap3A_141, %swap3A_142], %swap3A_145 {strides = array<i32>} : memref<176x512xf32, #tpu.memory_space<vmem>>, vector<1x16xf32>,
        %broadcast_in_dim3A_146 = arith.constant 0.000000e+00 : f32
        %broadcast_in_dim3A_147 = vector.broadcast %broadcast_in_dim3A_146 : f32 to vector<16xf32>
        %swap3A_148 = arith.index_cast %scan3A_62 : i32 to index
        %swap3A_149 = arith.constant 192 : index
        %swap3A_150 = tpu.vector_load %arg11[%swap3A_148, %swap3A_149] {strides = array<i32>} : memref<176x512xf32, #tpu.memory_space<vmem>>, vector<1x16xf32>,
        %swap3A_151 = vector.shape_cast %swap3A_150 : vector<1x16xf32> to vector<16xf32>
        %swap3A_152 = vector.shape_cast %broadcast_in_dim3A_147 : vector<16xf32> to vector<1x16xf32>
        tpu.vector_store %arg11[%swap3A_148, %swap3A_149], %swap3A_152 {strides = array<i32>} : memref<176x512xf32, #tpu.memory_space<vmem>>, vector<1x16xf32>,
        %broadcast_in_dim3A_153 = arith.constant 0.000000e+00 : f32
        %broadcast_in_dim3A_154 = vector.broadcast %broadcast_in_dim3A_153 : f32 to vector<16xf32>
        %swap3A_155 = arith.index_cast %scan3A_62 : i32 to index
        %swap3A_156 = arith.constant 208 : index
        %swap3A_157 = tpu.vector_load %arg11[%swap3A_155, %swap3A_156] {strides = array<i32>} : memref<176x512xf32, #tpu.memory_space<vmem>>, vector<1x16xf32>,
        %swap3A_158 = vector.shape_cast %swap3A_157 : vector<1x16xf32> to vector<16xf32>
        %swap3A_159 = vector.shape_cast %broadcast_in_dim3A_154 : vector<16xf32> to vector<1x16xf32>
        tpu.vector_store %arg11[%swap3A_155, %swap3A_156], %swap3A_159 {strides = array<i32>} : memref<176x512xf32, #tpu.memory_space<vmem>>, vector<1x16xf32>,
        %broadcast_in_dim3A_160 = arith.constant 0.000000e+00 : f32
        %broadcast_in_dim3A_161 = vector.broadcast %broadcast_in_dim3A_160 : f32 to vector<16xf32>
        %swap3A_162 = arith.index_cast %scan3A_62 : i32 to index
        %swap3A_163 = arith.constant 224 : index
        %swap3A_164 = tpu.vector_load %arg11[%swap3A_162, %swap3A_163] {strides = array<i32>} : memref<176x512xf32, #tpu.memory_space<vmem>>, vector<1x16xf32>,
        %swap3A_165 = vector.shape_cast %swap3A_164 : vector<1x16xf32> to vector<16xf32>
        %swap3A_166 = vector.shape_cast %broadcast_in_dim3A_161 : vector<16xf32> to vector<1x16xf32>
        tpu.vector_store %arg11[%swap3A_162, %swap3A_163], %swap3A_166 {strides = array<i32>} : memref<176x512xf32, #tpu.memory_space<vmem>>, vector<1x16xf32>,
        %broadcast_in_dim3A_167 = arith.constant 0.000000e+00 : f32
        %broadcast_in_dim3A_168 = vector.broadcast %broadcast_in_dim3A_167 : f32 to vector<16xf32>
        %swap3A_169 = arith.index_cast %scan3A_62 : i32 to index
        %swap3A_170 = arith.constant 240 : index
        %swap3A_171 = tpu.vector_load %arg11[%swap3A_169, %swap3A_170] {strides = array<i32>} : memref<176x512xf32, #tpu.memory_space<vmem>>, vector<1x16xf32>,
        %swap3A_172 = vector.shape_cast %swap3A_171 : vector<1x16xf32> to vector<16xf32>
        %swap3A_173 = vector.shape_cast %broadcast_in_dim3A_168 : vector<16xf32> to vector<1x16xf32>
        tpu.vector_store %arg11[%swap3A_169, %swap3A_170], %swap3A_173 {strides = array<i32>} : memref<176x512xf32, #tpu.memory_space<vmem>>, vector<1x16xf32>,
        %broadcast_in_dim3A_174 = arith.constant 0.000000e+00 : f32
        %broadcast_in_dim3A_175 = vector.broadcast %broadcast_in_dim3A_174 : f32 to vector<16xf32>
        %swap3A_176 = arith.index_cast %scan3A_62 : i32 to index
        %swap3A_177 = arith.constant 256 : index
        %swap3A_178 = tpu.vector_load %arg11[%swap3A_176, %swap3A_177] {strides = array<i32>} : memref<176x512xf32, #tpu.memory_space<vmem>>, vector<1x16xf32>,
        %swap3A_179 = vector.shape_cast %swap3A_178 : vector<1x16xf32> to vector<16xf32>
        %swap3A_180 = vector.shape_cast %broadcast_in_dim3A_175 : vector<16xf32> to vector<1x16xf32>
        tpu.vector_store %arg11[%swap3A_176, %swap3A_177], %swap3A_180 {strides = array<i32>} : memref<176x512xf32, #tpu.memory_space<vmem>>, vector<1x16xf32>,
        %broadcast_in_dim3A_181 = arith.constant 0.000000e+00 : f32
        %broadcast_in_dim3A_182 = vector.broadcast %broadcast_in_dim3A_181 : f32 to vector<16xf32>
        %swap3A_183 = arith.index_cast %scan3A_62 : i32 to index
        %swap3A_184 = arith.constant 272 : index
        %swap3A_185 = tpu.vector_load %arg11[%swap3A_183, %swap3A_184] {strides = array<i32>} : memref<176x512xf32, #tpu.memory_space<vmem>>, vector<1x16xf32>,
        %swap3A_186 = vector.shape_cast %swap3A_185 : vector<1x16xf32> to vector<16xf32>
        %swap3A_187 = vector.shape_cast %broadcast_in_dim3A_182 : vector<16xf32> to vector<1x16xf32>
        tpu.vector_store %arg11[%swap3A_183, %swap3A_184], %swap3A_187 {strides = array<i32>} : memref<176x512xf32, #tpu.memory_space<vmem>>, vector<1x16xf32>,
        %broadcast_in_dim3A_188 = arith.constant 0.000000e+00 : f32
        %broadcast_in_dim3A_189 = vector.broadcast %broadcast_in_dim3A_188 : f32 to vector<16xf32>
        %swap3A_190 = arith.index_cast %scan3A_62 : i32 to index
        %swap3A_191 = arith.constant 288 : index
        %swap3A_192 = tpu.vector_load %arg11[%swap3A_190, %swap3A_191] {strides = array<i32>} : memref<176x512xf32, #tpu.memory_space<vmem>>, vector<1x16xf32>,
        %swap3A_193 = vector.shape_cast %swap3A_192 : vector<1x16xf32> to vector<16xf32>
        %swap3A_194 = vector.shape_cast %broadcast_in_dim3A_189 : vector<16xf32> to vector<1x16xf32>
        tpu.vector_store %arg11[%swap3A_190, %swap3A_191], %swap3A_194 {strides = array<i32>} : memref<176x512xf32, #tpu.memory_space<vmem>>, vector<1x16xf32>,
        %broadcast_in_dim3A_195 = arith.constant 0.000000e+00 : f32
        %broadcast_in_dim3A_196 = vector.broadcast %broadcast_in_dim3A_195 : f32 to vector<16xf32>
        %swap3A_197 = arith.index_cast %scan3A_62 : i32 to index
        %swap3A_198 = arith.constant 304 : index
        %swap3A_199 = tpu.vector_load %arg11[%swap3A_197, %swap3A_198] {strides = array<i32>} : memref<176x512xf32, #tpu.memory_space<vmem>>, vector<1x16xf32>,
        %swap3A_200 = vector.shape_cast %swap3A_199 : vector<1x16xf32> to vector<16xf32>
        %swap3A_201 = vector.shape_cast %broadcast_in_dim3A_196 : vector<16xf32> to vector<1x16xf32>
        tpu.vector_store %arg11[%swap3A_197, %swap3A_198], %swap3A_201 {strides = array<i32>} : memref<176x512xf32, #tpu.memory_space<vmem>>, vector<1x16xf32>,
        %broadcast_in_dim3A_202 = arith.constant 0.000000e+00 : f32
        %broadcast_in_dim3A_203 = vector.broadcast %broadcast_in_dim3A_202 : f32 to vector<16xf32>
        %swap3A_204 = arith.index_cast %scan3A_62 : i32 to index
        %swap3A_205 = arith.constant 320 : index
        %swap3A_206 = tpu.vector_load %arg11[%swap3A_204, %swap3A_205] {strides = array<i32>} : memref<176x512xf32, #tpu.memory_space<vmem>>, vector<1x16xf32>,
        %swap3A_207 = vector.shape_cast %swap3A_206 : vector<1x16xf32> to vector<16xf32>
        %swap3A_208 = vector.shape_cast %broadcast_in_dim3A_203 : vector<16xf32> to vector<1x16xf32>
        tpu.vector_store %arg11[%swap3A_204, %swap3A_205], %swap3A_208 {strides = array<i32>} : memref<176x512xf32, #tpu.memory_space<vmem>>, vector<1x16xf32>,
        %broadcast_in_dim3A_209 = arith.constant 0.000000e+00 : f32
        %broadcast_in_dim3A_210 = vector.broadcast %broadcast_in_dim3A_209 : f32 to vector<16xf32>
        %swap3A_211 = arith.index_cast %scan3A_62 : i32 to index
        %swap3A_212 = arith.constant 336 : index
        %swap3A_213 = tpu.vector_load %arg11[%swap3A_211, %swap3A_212] {strides = array<i32>} : memref<176x512xf32, #tpu.memory_space<vmem>>, vector<1x16xf32>,
        %swap3A_214 = vector.shape_cast %swap3A_213 : vector<1x16xf32> to vector<16xf32>
        %swap3A_215 = vector.shape_cast %broadcast_in_dim3A_210 : vector<16xf32> to vector<1x16xf32>
        tpu.vector_store %arg11[%swap3A_211, %swap3A_212], %swap3A_215 {strides = array<i32>} : memref<176x512xf32, #tpu.memory_space<vmem>>, vector<1x16xf32>,
        %broadcast_in_dim3A_216 = arith.constant 0.000000e+00 : f32
        %broadcast_in_dim3A_217 = vector.broadcast %broadcast_in_dim3A_216 : f32 to vector<16xf32>
        %swap3A_218 = arith.index_cast %scan3A_62 : i32 to index
        %swap3A_219 = arith.constant 352 : index
        %swap3A_220 = tpu.vector_load %arg11[%swap3A_218, %swap3A_219] {strides = array<i32>} : memref<176x512xf32, #tpu.memory_space<vmem>>, vector<1x16xf32>,
        %swap3A_221 = vector.shape_cast %swap3A_220 : vector<1x16xf32> to vector<16xf32>
        %swap3A_222 = vector.shape_cast %broadcast_in_dim3A_217 : vector<16xf32> to vector<1x16xf32>
        tpu.vector_store %arg11[%swap3A_218, %swap3A_219], %swap3A_222 {strides = array<i32>} : memref<176x512xf32, #tpu.memory_space<vmem>>, vector<1x16xf32>,
        %broadcast_in_dim3A_223 = arith.constant 0.000000e+00 : f32
        %broadcast_in_dim3A_224 = vector.broadcast %broadcast_in_dim3A_223 : f32 to vector<16xf32>
        %swap3A_225 = arith.index_cast %scan3A_62 : i32 to index
        %swap3A_226 = arith.constant 368 : index
        %swap3A_227 = tpu.vector_load %arg11[%swap3A_225, %swap3A_226] {strides = array<i32>} : memref<176x512xf32, #tpu.memory_space<vmem>>, vector<1x16xf32>,
        %swap3A_228 = vector.shape_cast %swap3A_227 : vector<1x16xf32> to vector<16xf32>
        %swap3A_229 = vector.shape_cast %broadcast_in_dim3A_224 : vector<16xf32> to vector<1x16xf32>
        tpu.vector_store %arg11[%swap3A_225, %swap3A_226], %swap3A_229 {strides = array<i32>} : memref<176x512xf32, #tpu.memory_space<vmem>>, vector<1x16xf32>,
        %broadcast_in_dim3A_230 = arith.constant 0.000000e+00 : f32
        %broadcast_in_dim3A_231 = vector.broadcast %broadcast_in_dim3A_230 : f32 to vector<16xf32>
        %swap3A_232 = arith.index_cast %scan3A_62 : i32 to index
        %swap3A_233 = arith.constant 384 : index
        %swap3A_234 = tpu.vector_load %arg11[%swap3A_232, %swap3A_233] {strides = array<i32>} : memref<176x512xf32, #tpu.memory_space<vmem>>, vector<1x16xf32>,
        %swap3A_235 = vector.shape_cast %swap3A_234 : vector<1x16xf32> to vector<16xf32>
        %swap3A_236 = vector.shape_cast %broadcast_in_dim3A_231 : vector<16xf32> to vector<1x16xf32>
        tpu.vector_store %arg11[%swap3A_232, %swap3A_233], %swap3A_236 {strides = array<i32>} : memref<176x512xf32, #tpu.memory_space<vmem>>, vector<1x16xf32>,
        %broadcast_in_dim3A_237 = arith.constant 0.000000e+00 : f32
        %broadcast_in_dim3A_238 = vector.broadcast %broadcast_in_dim3A_237 : f32 to vector<16xf32>
        %swap3A_239 = arith.index_cast %scan3A_62 : i32 to index
        %swap3A_240 = arith.constant 400 : index
        %swap3A_241 = tpu.vector_load %arg11[%swap3A_239, %swap3A_240] {strides = array<i32>} : memref<176x512xf32, #tpu.memory_space<vmem>>, vector<1x16xf32>,
        %swap3A_242 = vector.shape_cast %swap3A_241 : vector<1x16xf32> to vector<16xf32>
        %swap3A_243 = vector.shape_cast %broadcast_in_dim3A_238 : vector<16xf32> to vector<1x16xf32>
        tpu.vector_store %arg11[%swap3A_239, %swap3A_240], %swap3A_243 {strides = array<i32>} : memref<176x512xf32, #tpu.memory_space<vmem>>, vector<1x16xf32>,
        %broadcast_in_dim3A_244 = arith.constant 0.000000e+00 : f32
        %broadcast_in_dim3A_245 = vector.broadcast %broadcast_in_dim3A_244 : f32 to vector<16xf32>
        %swap3A_246 = arith.index_cast %scan3A_62 : i32 to index
        %swap3A_247 = arith.constant 416 : index
        %swap3A_248 = tpu.vector_load %arg11[%swap3A_246, %swap3A_247] {strides = array<i32>} : memref<176x512xf32, #tpu.memory_space<vmem>>, vector<1x16xf32>,
        %swap3A_249 = vector.shape_cast %swap3A_248 : vector<1x16xf32> to vector<16xf32>
        %swap3A_250 = vector.shape_cast %broadcast_in_dim3A_245 : vector<16xf32> to vector<1x16xf32>
        tpu.vector_store %arg11[%swap3A_246, %swap3A_247], %swap3A_250 {strides = array<i32>} : memref<176x512xf32, #tpu.memory_space<vmem>>, vector<1x16xf32>,
        %broadcast_in_dim3A_251 = arith.constant 0.000000e+00 : f32
        %broadcast_in_dim3A_252 = vector.broadcast %broadcast_in_dim3A_251 : f32 to vector<16xf32>
        %swap3A_253 = arith.index_cast %scan3A_62 : i32 to index
        %swap3A_254 = arith.constant 432 : index
        %swap3A_255 = tpu.vector_load %arg11[%swap3A_253, %swap3A_254] {strides = array<i32>} : memref<176x512xf32, #tpu.memory_space<vmem>>, vector<1x16xf32>,
        %swap3A_256 = vector.shape_cast %swap3A_255 : vector<1x16xf32> to vector<16xf32>
        %swap3A_257 = vector.shape_cast %broadcast_in_dim3A_252 : vector<16xf32> to vector<1x16xf32>
        tpu.vector_store %arg11[%swap3A_253, %swap3A_254], %swap3A_257 {strides = array<i32>} : memref<176x512xf32, #tpu.memory_space<vmem>>, vector<1x16xf32>,
        %broadcast_in_dim3A_258 = arith.constant 0.000000e+00 : f32
        %broadcast_in_dim3A_259 = vector.broadcast %broadcast_in_dim3A_258 : f32 to vector<16xf32>
        %swap3A_260 = arith.index_cast %scan3A_62 : i32 to index
        %swap3A_261 = arith.constant 448 : index
        %swap3A_262 = tpu.vector_load %arg11[%swap3A_260, %swap3A_261] {strides = array<i32>} : memref<176x512xf32, #tpu.memory_space<vmem>>, vector<1x16xf32>,
        %swap3A_263 = vector.shape_cast %swap3A_262 : vector<1x16xf32> to vector<16xf32>
        %swap3A_264 = vector.shape_cast %broadcast_in_dim3A_259 : vector<16xf32> to vector<1x16xf32>
        tpu.vector_store %arg11[%swap3A_260, %swap3A_261], %swap3A_264 {strides = array<i32>} : memref<176x512xf32, #tpu.memory_space<vmem>>, vector<1x16xf32>,
        %broadcast_in_dim3A_265 = arith.constant 0.000000e+00 : f32
        %broadcast_in_dim3A_266 = vector.broadcast %broadcast_in_dim3A_265 : f32 to vector<16xf32>
        %swap3A_267 = arith.index_cast %scan3A_62 : i32 to index
        %swap3A_268 = arith.constant 464 : index
        %swap3A_269 = tpu.vector_load %arg11[%swap3A_267, %swap3A_268] {strides = array<i32>} : memref<176x512xf32, #tpu.memory_space<vmem>>, vector<1x16xf32>,
        %swap3A_270 = vector.shape_cast %swap3A_269 : vector<1x16xf32> to vector<16xf32>
        %swap3A_271 = vector.shape_cast %broadcast_in_dim3A_266 : vector<16xf32> to vector<1x16xf32>
        tpu.vector_store %arg11[%swap3A_267, %swap3A_268], %swap3A_271 {strides = array<i32>} : memref<176x512xf32, #tpu.memory_space<vmem>>, vector<1x16xf32>,
        %broadcast_in_dim3A_272 = arith.constant 0.000000e+00 : f32
        %broadcast_in_dim3A_273 = vector.broadcast %broadcast_in_dim3A_272 : f32 to vector<16xf32>
        %swap3A_274 = arith.index_cast %scan3A_62 : i32 to index
        %swap3A_275 = arith.constant 480 : index
        %swap3A_276 = tpu.vector_load %arg11[%swap3A_274, %swap3A_275] {strides = array<i32>} : memref<176x512xf32, #tpu.memory_space<vmem>>, vector<1x16xf32>,
        %swap3A_277 = vector.shape_cast %swap3A_276 : vector<1x16xf32> to vector<16xf32>
        %swap3A_278 = vector.shape_cast %broadcast_in_dim3A_273 : vector<16xf32> to vector<1x16xf32>
        tpu.vector_store %arg11[%swap3A_274, %swap3A_275], %swap3A_278 {strides = array<i32>} : memref<176x512xf32, #tpu.memory_space<vmem>>, vector<1x16xf32>,
        %broadcast_in_dim3A_279 = arith.constant 0.000000e+00 : f32
        %broadcast_in_dim3A_280 = vector.broadcast %broadcast_in_dim3A_279 : f32 to vector<16xf32>
        %swap3A_281 = arith.index_cast %scan3A_62 : i32 to index
        %swap3A_282 = arith.constant 496 : index
        %swap3A_283 = tpu.vector_load %arg11[%swap3A_281, %swap3A_282] {strides = array<i32>} : memref<176x512xf32, #tpu.memory_space<vmem>>, vector<1x16xf32>,
        %swap3A_284 = vector.shape_cast %swap3A_283 : vector<1x16xf32> to vector<16xf32>
        %swap3A_285 = vector.shape_cast %broadcast_in_dim3A_280 : vector<16xf32> to vector<1x16xf32>
        tpu.vector_store %arg11[%swap3A_281, %swap3A_282], %swap3A_285 {strides = array<i32>} : memref<176x512xf32, #tpu.memory_space<vmem>>, vector<1x16xf32>,
        %broadcast_in_dim3A_286 = arith.constant 0.000000e+00 : f32
        %broadcast_in_dim3A_287 = vector.broadcast %broadcast_in_dim3A_286 : f32 to vector<16xf32>
        %swap3A_288 = arith.index_cast %scan3A_62 : i32 to index
        %swap3A_289 = arith.constant 0 : index
        %swap3A_290 = tpu.vector_load %arg12[%swap3A_288, %swap3A_289] {strides = array<i32>} : memref<176x16xf32, #tpu.memory_space<vmem>>, vector<1x16xf32>,
        %swap3A_291 = vector.shape_cast %swap3A_290 : vector<1x16xf32> to vector<16xf32>
        %swap3A_292 = vector.shape_cast %broadcast_in_dim3A_287 : vector<16xf32> to vector<1x16xf32>
        tpu.vector_store %arg12[%swap3A_288, %swap3A_289], %swap3A_292 {strides = array<i32>} : memref<176x16xf32, #tpu.memory_space<vmem>>, vector<1x16xf32>,
        %scan3A_293 = arith.constant 0 : i32
        scf.yield %scan3A_293 : i32
      }
      %scan3A_22 = arith.constant 176 : i32
      %get3A_23 = arith.index_cast %add3A_13 : i32 to index
      %get3A_24 = tpu.vector_load %arg19[%get3A_23] {strides = array<i32>} : memref<312xi32, #tpu.memory_space<vmem>>, vector<16xi32>,
      %get3A_25 = vector.shape_cast %get3A_24 : vector<16xi32> to vector<16xi32>
      %slice3A = vector.extract_strided_slice %get3A_25 {offsets = [0], sizes = [1], strides = [1]} : vector<16xi32> to vector<1xi32>
      %squeeze3A = vector.extract %slice3A[0] : i32 from vector<1xi32>
      %slice3A_26 = vector.extract_strided_slice %get3A_25 {offsets = [1], sizes = [1], strides = [1]} : vector<16xi32> to vector<1xi32>
      %squeeze3A_27 = vector.extract %slice3A_26[0] : i32 from vector<1xi32>
      %rem3A = arith.constant 8 : i32
      %rem3A_28 = arith.remsi %squeeze3A, %rem3A : i32
      %sub3A = arith.subi %squeeze3A, %rem3A_28 : i32
      %sub3A_29 = arith.subi %squeeze3A_27, %sub3A : i32
      %add3A_30 = arith.constant 127 : i32
      %add3A_31 = arith.addi %sub3A_29, %add3A_30 : i32
      %jit3A = arith.constant 128 : i32
      %div3A = arith.divsi %add3A_31, %jit3A : i32
      %sign3A = arith.constant 0 : i32
      %sign3A_32 = arith.cmpi sgt, %add3A_31, %sign3A : i32
      %sign3A_33 = arith.extui %sign3A_32 : i1 to i32
      %sign3A_34 = arith.constant 0 : i32
      %sign3A_35 = arith.cmpi slt, %add3A_31, %sign3A_34 : i32
      %sign3A_36 = arith.extui %sign3A_35 : i1 to i32
      %sign3A_37 = arith.subi %sign3A_33, %sign3A_36 : i32
      %sign3A_38 = arith.constant 0 : i32
      %sign3A_39 = arith.cmpi sgt, %jit3A, %sign3A_38 : i32
      %sign3A_40 = arith.extui %sign3A_39 : i1 to i32
      %sign3A_41 = arith.constant 0 : i32
      %sign3A_42 = arith.cmpi slt, %jit3A, %sign3A_41 : i32
      %sign3A_43 = arith.extui %sign3A_42 : i1 to i32
      %sign3A_44 = arith.subi %sign3A_40, %sign3A_43 : i32
      %ne3A = arith.cmpi ne, %sign3A_37, %sign3A_44 : i32
      %rem3A_45 = arith.remsi %add3A_31, %jit3A : i32
      %ne3A_46 = arith.constant 0 : i32
      %ne3A_47 = arith.cmpi ne, %rem3A_45, %ne3A_46 : i32
      %and3A = arith.andi %ne3A, %ne3A_47 : i1
      %sub3A_48 = arith.constant 1 : i32
      %sub3A_49 = arith.subi %div3A, %sub3A_48 : i32
      %select_n3A = arith.select %and3A, %sub3A_49, %div3A : i32
      %while3A = arith.constant 0 : i32
      %while3A_50 = arith.constant 0 : i32
      %while3A_51 = arith.subi %select_n3A, %while3A : i32
      %while3A_52 = arith.addi %while3A, %while3A_51 : i32
      %while3A_53 = arith.constant 1 : i32
      %while3A_54 = arith.divsi %while3A_51, %while3A_53 : i32
      %while3A_55 = arith.muli %while3A_54, %while3A_53 : i32
      %while3A_56 = arith.addi %while3A, %while3A_55 : i32
      %while3A_57 = arith.constant 1 : i32
      %while3A_58 = scf.for %while3A_62 = %while3A to %while3A_56 step %while3A_57 iter_args(%while3A_63 = %while3A_50) -> (i32)  : i32 {
        %mul3A_64 = arith.constant 128 : i32
        %mul3A_65 = arith.muli %while3A_62, %mul3A_64 : i32
        %add3A_66 = arith.addi %sub3A, %mul3A_65 : i32
        %multiple_of3A = tpu.assume_multiple %add3A_66, 8 : i32
        "tpu.region"() ({
          %run_scoped3A = tpu.sem_alloc : memref<!tpu.dma_semaphore, #tpu.memory_space<semaphore_mem>>
          %dma_start3A_100 = tpu.memref_slice %arg5[%multiple_of3A] : memref<800128xi32, #tpu.memory_space<hbm>> -> memref<128xi32, #tpu.memory_space<hbm>>
          %dma_start3A_101 = tpu.memref_slice %arg5[%multiple_of3A] : memref<800128xi32, #tpu.memory_space<hbm>> -> memref<128xi32, #tpu.memory_space<hbm>>
          tpu.enqueue_dma source(%dma_start3A_101 : memref<128xi32, #tpu.memory_space<hbm>>) target(%arg13 : memref<128xi32, #tpu.memory_space<vmem>>) target_semaphore(%run_scoped3A : memref<!tpu.dma_semaphore, #tpu.memory_space<semaphore_mem>>)
          %dma_wait3A_102 = tpu.memref_slice %arg5[%multiple_of3A] : memref<800128xi32, #tpu.memory_space<hbm>> -> memref<128xi32, #tpu.memory_space<hbm>>
          %dma_wait3A_103 = tpu.memref_slice %arg5[%multiple_of3A] : memref<800128xi32, #tpu.memory_space<hbm>> -> memref<128xi32, #tpu.memory_space<hbm>>
          tpu.wait_dma2 semaphore(%run_scoped3A : memref<!tpu.dma_semaphore, #tpu.memory_space<semaphore_mem>>) src(%dma_wait3A_103 : memref<128xi32, #tpu.memory_space<hbm>>) dst(%arg13 : memref<128xi32, #tpu.memory_space<vmem>>)
          tpu.yield
        }) : () -> ()
        "tpu.region"() ({
          %run_scoped3A = tpu.sem_alloc : memref<!tpu.dma_semaphore, #tpu.memory_space<semaphore_mem>>
          %dma_start3A_100 = tpu.memref_slice %arg6[%multiple_of3A] : memref<800128xi32, #tpu.memory_space<hbm>> -> memref<128xi32, #tpu.memory_space<hbm>>
          %dma_start3A_101 = tpu.memref_slice %arg6[%multiple_of3A] : memref<800128xi32, #tpu.memory_space<hbm>> -> memref<128xi32, #tpu.memory_space<hbm>>
          tpu.enqueue_dma source(%dma_start3A_101 : memref<128xi32, #tpu.memory_space<hbm>>) target(%arg14 : memref<128xi32, #tpu.memory_space<vmem>>) target_semaphore(%run_scoped3A : memref<!tpu.dma_semaphore, #tpu.memory_space<semaphore_mem>>)
          %dma_wait3A_102 = tpu.memref_slice %arg6[%multiple_of3A] : memref<800128xi32, #tpu.memory_space<hbm>> -> memref<128xi32, #tpu.memory_space<hbm>>
          %dma_wait3A_103 = tpu.memref_slice %arg6[%multiple_of3A] : memref<800128xi32, #tpu.memory_space<hbm>> -> memref<128xi32, #tpu.memory_space<hbm>>
          tpu.wait_dma2 semaphore(%run_scoped3A : memref<!tpu.dma_semaphore, #tpu.memory_space<semaphore_mem>>) src(%dma_wait3A_103 : memref<128xi32, #tpu.memory_space<hbm>>) dst(%arg14 : memref<128xi32, #tpu.memory_space<vmem>>)
          tpu.yield
        }) : () -> ()
        "tpu.region"() ({
          %run_scoped3A = tpu.sem_alloc : memref<!tpu.dma_semaphore, #tpu.memory_space<semaphore_mem>>
          %dma_start3A_100 = arith.constant 0 : i32
          %dma_start3A_101 = tpu.memref_slice %arg15[%dma_start3A_100] : memref<144xi32, #tpu.memory_space<vmem>> -> memref<128xi32, #tpu.memory_space<vmem>>
          %dma_start3A_102 = tpu.memref_slice %arg6[%multiple_of3A] : memref<800128xi32, #tpu.memory_space<hbm>> -> memref<128xi32, #tpu.memory_space<hbm>>
          %dma_start3A_103 = arith.constant 0 : i32
          %dma_start3A_104 = tpu.memref_slice %arg15[%dma_start3A_103] : memref<144xi32, #tpu.memory_space<vmem>> -> memref<128xi32, #tpu.memory_space<vmem>>
          %dma_start3A_105 = tpu.memref_slice %arg6[%multiple_of3A] : memref<800128xi32, #tpu.memory_space<hbm>> -> memref<128xi32, #tpu.memory_space<hbm>>
          tpu.enqueue_dma source(%dma_start3A_105 : memref<128xi32, #tpu.memory_space<hbm>>) target(%dma_start3A_104 : memref<128xi32, #tpu.memory_space<vmem>>) target_semaphore(%run_scoped3A : memref<!tpu.dma_semaphore, #tpu.memory_space<semaphore_mem>>)
          %dma_wait3A_106 = arith.constant 0 : i32
          %dma_wait3A_107 = tpu.memref_slice %arg15[%dma_wait3A_106] : memref<144xi32, #tpu.memory_space<vmem>> -> memref<128xi32, #tpu.memory_space<vmem>>
          %dma_wait3A_108 = tpu.memref_slice %arg6[%multiple_of3A] : memref<800128xi32, #tpu.memory_space<hbm>> -> memref<128xi32, #tpu.memory_space<hbm>>
          %dma_wait3A_109 = arith.constant 0 : i32
          %dma_wait3A_110 = tpu.memref_slice %arg15[%dma_wait3A_109] : memref<144xi32, #tpu.memory_space<vmem>> -> memref<128xi32, #tpu.memory_space<vmem>>
          %dma_wait3A_111 = tpu.memref_slice %arg6[%multiple_of3A] : memref<800128xi32, #tpu.memory_space<hbm>> -> memref<128xi32, #tpu.memory_space<hbm>>
          tpu.wait_dma2 semaphore(%run_scoped3A : memref<!tpu.dma_semaphore, #tpu.memory_space<semaphore_mem>>) src(%dma_wait3A_111 : memref<128xi32, #tpu.memory_space<hbm>>) dst(%dma_wait3A_110 : memref<128xi32, #tpu.memory_space<vmem>>)
          tpu.yield
        }) : () -> ()
        %dma_start3A = arith.constant 0 : i32
        %dma_start3A_67 = arith.constant 0 : i32
        %dma_start3A_68 = tpu.memref_slice %arg2[%dma_start3A, %dma_start3A_67] : memref<50000x128xf32, #tpu.memory_space<hbm>> -> memref<50000x128xf32, #tpu.memory_space<hbm>>
        tpu.enqueue_indirect_dma source(%dma_start3A_68 : memref<50000x128xf32, #tpu.memory_space<hbm>>) target(%arg16 : memref<128x128xf32, #tpu.memory_space<vmem>>) offsets(%arg13 : memref<128xi32, #tpu.memory_space<vmem>>) semaphore(%arg21 : memref<!tpu.dma_semaphore, #tpu.memory_space<semaphore_mem>>)
        %dma_start3A_69 = arith.constant 0 : i32
        %dma_start3A_70 = arith.constant 0 : i32
        %dma_start3A_71 = tpu.memref_slice %arg3[%dma_start3A_69, %dma_start3A_70] : memref<50000x16xf32, #tpu.memory_space<hbm>> -> memref<50000x16xf32, #tpu.memory_space<hbm>>
        tpu.enqueue_indirect_dma source(%dma_start3A_71 : memref<50000x16xf32, #tpu.memory_space<hbm>>) target(%arg17 : memref<128x16xf32, #tpu.memory_space<vmem>>) offsets(%arg13 : memref<128xi32, #tpu.memory_space<vmem>>) semaphore(%arg21 : memref<!tpu.dma_semaphore, #tpu.memory_space<semaphore_mem>>)
        %dma_start3A_72 = arith.constant 0 : i32
        %dma_start3A_73 = arith.constant 0 : i32
        %dma_start3A_74 = tpu.memref_slice %arg4[%dma_start3A_72, %dma_start3A_73] : memref<50000x16xf32, #tpu.memory_space<hbm>> -> memref<50000x16xf32, #tpu.memory_space<hbm>>
        tpu.enqueue_indirect_dma source(%dma_start3A_74 : memref<50000x16xf32, #tpu.memory_space<hbm>>) target(%arg18 : memref<128x16xf32, #tpu.memory_space<vmem>>) offsets(%arg14 : memref<128xi32, #tpu.memory_space<vmem>>) semaphore(%arg21 : memref<!tpu.dma_semaphore, #tpu.memory_space<semaphore_mem>>)
        %dma_wait3A = arith.constant 0 : i32
        %dma_wait3A_75 = arith.constant 0 : i32
        %dma_wait3A_76 = tpu.memref_slice %arg2[%dma_wait3A, %dma_wait3A_75] : memref<50000x128xf32, #tpu.memory_space<hbm>> -> memref<50000x128xf32, #tpu.memory_space<hbm>>
        tpu.wait_indirect_dma semaphore(%arg21 : memref<!tpu.dma_semaphore, #tpu.memory_space<semaphore_mem>>) src(%dma_wait3A_76 : memref<50000x128xf32, #tpu.memory_space<hbm>>) dst(%arg16 : memref<128x128xf32, #tpu.memory_space<vmem>>)
        %dma_wait3A_77 = arith.constant 0 : i32
        %dma_wait3A_78 = arith.constant 0 : i32
        %dma_wait3A_79 = tpu.memref_slice %arg3[%dma_wait3A_77, %dma_wait3A_78] : memref<50000x16xf32, #tpu.memory_space<hbm>> -> memref<50000x16xf32, #tpu.memory_space<hbm>>
        tpu.wait_indirect_dma semaphore(%arg21 : memref<!tpu.dma_semaphore, #tpu.memory_space<semaphore_mem>>) src(%dma_wait3A_79 : memref<50000x16xf32, #tpu.memory_space<hbm>>) dst(%arg17 : memref<128x16xf32, #tpu.memory_space<vmem>>)
        %dma_wait3A_80 = arith.constant 0 : i32
        %dma_wait3A_81 = arith.constant 0 : i32
        %dma_wait3A_82 = tpu.memref_slice %arg4[%dma_wait3A_80, %dma_wait3A_81] : memref<50000x16xf32, #tpu.memory_space<hbm>> -> memref<50000x16xf32, #tpu.memory_space<hbm>>
        tpu.wait_indirect_dma semaphore(%arg21 : memref<!tpu.dma_semaphore, #tpu.memory_space<semaphore_mem>>) src(%dma_wait3A_82 : memref<50000x16xf32, #tpu.memory_space<hbm>>) dst(%arg18 : memref<128x16xf32, #tpu.memory_space<vmem>>)
        %sub3A_83 = arith.subi %squeeze3A, %multiple_of3A : i32
        %max3A = arith.constant 0 : i32
        %max3A_84 = arith.maxsi %sub3A_83, %max3A : i32
        %sub3A_85 = arith.subi %squeeze3A_27, %multiple_of3A : i32
        %min3A = arith.constant 128 : i32
        %min3A_86 = arith.minsi %min3A, %sub3A_85 : i32
        %max3A_87 = arith.maxsi %max3A_84, %min3A_86 : i32
        %while3A_88 = arith.constant 0 : i32
        %while3A_89 = arith.subi %max3A_87, %max3A_84 : i32
        %while3A_90 = arith.addi %max3A_84, %while3A_89 : i32
        %while3A_91 = arith.constant 1 : i32
        %while3A_92 = arith.divsi %while3A_89, %while3A_91 : i32
        %while3A_93 = arith.muli %while3A_92, %while3A_91 : i32
        %while3A_94 = arith.addi %max3A_84, %while3A_93 : i32
        %while3A_95 = arith.constant 1 : i32
        %while3A_96 = scf.for %while3A_100 = %max3A_84 to %while3A_94 step %while3A_95 iter_args(%while3A_101 = %while3A_88) -> (i32)  : i32 {
          %get3A_102 = arith.index_cast %while3A_100 : i32 to index
          %get3A_103 = arith.constant 0 : index
          %get3A_104 = tpu.vector_load %arg17[%get3A_102, %get3A_103] {strides = array<i32>} : memref<128x16xf32, #tpu.memory_space<vmem>>, vector<1x16xf32>,
          %get3A_105 = vector.shape_cast %get3A_104 : vector<1x16xf32> to vector<16xf32>
          %get3A_106 = arith.index_cast %while3A_100 : i32 to index
          %get3A_107 = arith.constant 0 : index
          %get3A_108 = tpu.vector_load %arg18[%get3A_106, %get3A_107] {strides = array<i32>} : memref<128x16xf32, #tpu.memory_space<vmem>>, vector<1x16xf32>,
          %get3A_109 = vector.shape_cast %get3A_108 : vector<1x16xf32> to vector<16xf32>
          %add3A_110 = arith.addf %get3A_105, %get3A_109 : vector<16xf32>
          %gt3A = arith.constant 0.000000e+00 : f32
          %gt3A_111 = vector.broadcast %gt3A : f32 to vector<16xf32>
          %gt3A_112 = arith.cmpf ogt, %add3A_110, %gt3A_111 : vector<16xf32>
          %mul3A_113 = arith.constant 2.000000e-01 : f32
          %mul3A_114 = vector.broadcast %mul3A_113 : f32 to vector<16xf32>
          %mul3A_115 = arith.mulf %add3A_110, %mul3A_114 : vector<16xf32>
          %select_n3A_116 = arith.select %gt3A_112, %add3A_110, %mul3A_115 : vector<16xi1>, vector<16xf32>
          %sub3A_117 = arith.subf %select_n3A_116, %get3A_2 : vector<16xf32>
          %exp3A = math.exp %sub3A_117 : vector<16xf32>
          %get3A_118 = arith.index_cast %while3A_100 : i32 to index
          %get3A_119 = tpu.vector_load %arg15[%get3A_118] {strides = array<i32>} : memref<144xi32, #tpu.memory_space<vmem>>, vector<16xi32>,
          %get3A_120 = vector.shape_cast %get3A_119 : vector<16xi32> to vector<16xi32>
          %slice3A_121 = vector.extract_strided_slice %get3A_120 {offsets = [0], sizes = [1], strides = [1]} : vector<16xi32> to vector<1xi32>
          %squeeze3A_122 = vector.extract %slice3A_121[0] : i32 from vector<1xi32>
          %sub3A_123 = arith.subi %squeeze3A_122, %mul3A_15 : i32
          %swap3A = arith.index_cast %sub3A_123 : i32 to index
          %swap3A_124 = arith.constant 0 : index
          %swap3A_125 = tpu.vector_load %arg12[%swap3A, %swap3A_124] {strides = array<i32>} : memref<176x16xf32, #tpu.memory_space<vmem>>, vector<1x16xf32>,
          %swap3A_126 = vector.shape_cast %swap3A_125 : vector<1x16xf32> to vector<16xf32>
          %swap3A_127 = vector.shape_cast %exp3A : vector<16xf32> to vector<1x16xf32>
          tpu.vector_store %arg12[%swap3A, %swap3A_124], %swap3A_127 {add = true, strides = array<i32>} : memref<176x16xf32, #tpu.memory_space<vmem>>, vector<1x16xf32>,
          %get3A_128 = arith.index_cast %while3A_100 : i32 to index
          %get3A_129 = arith.constant 0 : index
          %get3A_130 = tpu.vector_load %arg16[%get3A_128, %get3A_129] {strides = array<i32>} : memref<128x128xf32, #tpu.memory_space<vmem>>, vector<1x16xf32>,
          %get3A_131 = vector.shape_cast %get3A_130 : vector<1x16xf32> to vector<16xf32>
          %get3A_132 = arith.index_cast %while3A_100 : i32 to index
          %get3A_133 = arith.constant 16 : index
          %get3A_134 = tpu.vector_load %arg16[%get3A_132, %get3A_133] {strides = array<i32>} : memref<128x128xf32, #tpu.memory_space<vmem>>, vector<1x16xf32>,
          %get3A_135 = vector.shape_cast %get3A_134 : vector<1x16xf32> to vector<16xf32>
          %get3A_136 = arith.index_cast %while3A_100 : i32 to index
          %get3A_137 = arith.constant 32 : index
          %get3A_138 = tpu.vector_load %arg16[%get3A_136, %get3A_137] {strides = array<i32>} : memref<128x128xf32, #tpu.memory_space<vmem>>, vector<1x16xf32>,
          %get3A_139 = vector.shape_cast %get3A_138 : vector<1x16xf32> to vector<16xf32>
          %get3A_140 = arith.index_cast %while3A_100 : i32 to index
          %get3A_141 = arith.constant 48 : index
          %get3A_142 = tpu.vector_load %arg16[%get3A_140, %get3A_141] {strides = array<i32>} : memref<128x128xf32, #tpu.memory_space<vmem>>, vector<1x16xf32>,
          %get3A_143 = vector.shape_cast %get3A_142 : vector<1x16xf32> to vector<16xf32>
          %get3A_144 = arith.index_cast %while3A_100 : i32 to index
          %get3A_145 = arith.constant 64 : index
          %get3A_146 = tpu.vector_load %arg16[%get3A_144, %get3A_145] {strides = array<i32>} : memref<128x128xf32, #tpu.memory_space<vmem>>, vector<1x16xf32>,
          %get3A_147 = vector.shape_cast %get3A_146 : vector<1x16xf32> to vector<16xf32>
          %get3A_148 = arith.index_cast %while3A_100 : i32 to index
          %get3A_149 = arith.constant 80 : index
          %get3A_150 = tpu.vector_load %arg16[%get3A_148, %get3A_149] {strides = array<i32>} : memref<128x128xf32, #tpu.memory_space<vmem>>, vector<1x16xf32>,
          %get3A_151 = vector.shape_cast %get3A_150 : vector<1x16xf32> to vector<16xf32>
          %get3A_152 = arith.index_cast %while3A_100 : i32 to index
          %get3A_153 = arith.constant 96 : index
          %get3A_154 = tpu.vector_load %arg16[%get3A_152, %get3A_153] {strides = array<i32>} : memref<128x128xf32, #tpu.memory_space<vmem>>, vector<1x16xf32>,
          %get3A_155 = vector.shape_cast %get3A_154 : vector<1x16xf32> to vector<16xf32>
          %get3A_156 = arith.index_cast %while3A_100 : i32 to index
          %get3A_157 = arith.constant 112 : index
          %get3A_158 = tpu.vector_load %arg16[%get3A_156, %get3A_157] {strides = array<i32>} : memref<128x128xf32, #tpu.memory_space<vmem>>, vector<1x16xf32>,
          %get3A_159 = vector.shape_cast %get3A_158 : vector<1x16xf32> to vector<16xf32>
          %slice3A_160 = vector.extract_strided_slice %exp3A {offsets = [0], sizes = [1], strides = [1]} : vector<16xf32> to vector<1xf32>
          %squeeze3A_161 = vector.extract %slice3A_160[0] : f32 from vector<1xf32>
          %mul3A_162 = vector.broadcast %squeeze3A_161 : f32 to vector<16xf32>
          %mul3A_163 = arith.mulf %mul3A_162, %get3A_131 : vector<16xf32>
          %swap3A_164 = arith.index_cast %sub3A_123 : i32 to index
          %swap3A_165 = arith.constant 0 : index
          %swap3A_166 = tpu.vector_load %arg11[%swap3A_164, %swap3A_165] {strides = array<i32>} : memref<176x512xf32, #tpu.memory_space<vmem>>, vector<1x16xf32>,
          %swap3A_167 = vector.shape_cast %swap3A_166 : vector<1x16xf32> to vector<16xf32>
          %swap3A_168 = vector.shape_cast %mul3A_163 : vector<16xf32> to vector<1x16xf32>
          tpu.vector_store %arg11[%swap3A_164, %swap3A_165], %swap3A_168 {add = true, strides = array<i32>} : memref<176x512xf32, #tpu.memory_space<vmem>>, vector<1x16xf32>,
          %mul3A_169 = vector.broadcast %squeeze3A_161 : f32 to vector<16xf32>
          %mul3A_170 = arith.mulf %mul3A_169, %get3A_135 : vector<16xf32>
          %swap3A_171 = arith.index_cast %sub3A_123 : i32 to index
          %swap3A_172 = arith.constant 16 : index
          %swap3A_173 = tpu.vector_load %arg11[%swap3A_171, %swap3A_172] {strides = array<i32>} : memref<176x512xf32, #tpu.memory_space<vmem>>, vector<1x16xf32>,
          %swap3A_174 = vector.shape_cast %swap3A_173 : vector<1x16xf32> to vector<16xf32>
          %swap3A_175 = vector.shape_cast %mul3A_170 : vector<16xf32> to vector<1x16xf32>
          tpu.vector_store %arg11[%swap3A_171, %swap3A_172], %swap3A_175 {add = true, strides = array<i32>} : memref<176x512xf32, #tpu.memory_space<vmem>>, vector<1x16xf32>,
          %mul3A_176 = vector.broadcast %squeeze3A_161 : f32 to vector<16xf32>
          %mul3A_177 = arith.mulf %mul3A_176, %get3A_139 : vector<16xf32>
          %swap3A_178 = arith.index_cast %sub3A_123 : i32 to index
          %swap3A_179 = arith.constant 32 : index
          %swap3A_180 = tpu.vector_load %arg11[%swap3A_178, %swap3A_179] {strides = array<i32>} : memref<176x512xf32, #tpu.memory_space<vmem>>, vector<1x16xf32>,
          %swap3A_181 = vector.shape_cast %swap3A_180 : vector<1x16xf32> to vector<16xf32>
          %swap3A_182 = vector.shape_cast %mul3A_177 : vector<16xf32> to vector<1x16xf32>
          tpu.vector_store %arg11[%swap3A_178, %swap3A_179], %swap3A_182 {add = true, strides = array<i32>} : memref<176x512xf32, #tpu.memory_space<vmem>>, vector<1x16xf32>,
          %mul3A_183 = vector.broadcast %squeeze3A_161 : f32 to vector<16xf32>
          %mul3A_184 = arith.mulf %mul3A_183, %get3A_143 : vector<16xf32>
          %swap3A_185 = arith.index_cast %sub3A_123 : i32 to index
          %swap3A_186 = arith.constant 48 : index
          %swap3A_187 = tpu.vector_load %arg11[%swap3A_185, %swap3A_186] {strides = array<i32>} : memref<176x512xf32, #tpu.memory_space<vmem>>, vector<1x16xf32>,
          %swap3A_188 = vector.shape_cast %swap3A_187 : vector<1x16xf32> to vector<16xf32>
          %swap3A_189 = vector.shape_cast %mul3A_184 : vector<16xf32> to vector<1x16xf32>
          tpu.vector_store %arg11[%swap3A_185, %swap3A_186], %swap3A_189 {add = true, strides = array<i32>} : memref<176x512xf32, #tpu.memory_space<vmem>>, vector<1x16xf32>,
          %mul3A_190 = vector.broadcast %squeeze3A_161 : f32 to vector<16xf32>
          %mul3A_191 = arith.mulf %mul3A_190, %get3A_147 : vector<16xf32>
          %swap3A_192 = arith.index_cast %sub3A_123 : i32 to index
          %swap3A_193 = arith.constant 64 : index
          %swap3A_194 = tpu.vector_load %arg11[%swap3A_192, %swap3A_193] {strides = array<i32>} : memref<176x512xf32, #tpu.memory_space<vmem>>, vector<1x16xf32>,
          %swap3A_195 = vector.shape_cast %swap3A_194 : vector<1x16xf32> to vector<16xf32>
          %swap3A_196 = vector.shape_cast %mul3A_191 : vector<16xf32> to vector<1x16xf32>
          tpu.vector_store %arg11[%swap3A_192, %swap3A_193], %swap3A_196 {add = true, strides = array<i32>} : memref<176x512xf32, #tpu.memory_space<vmem>>, vector<1x16xf32>,
          %mul3A_197 = vector.broadcast %squeeze3A_161 : f32 to vector<16xf32>
          %mul3A_198 = arith.mulf %mul3A_197, %get3A_151 : vector<16xf32>
          %swap3A_199 = arith.index_cast %sub3A_123 : i32 to index
          %swap3A_200 = arith.constant 80 : index
          %swap3A_201 = tpu.vector_load %arg11[%swap3A_199, %swap3A_200] {strides = array<i32>} : memref<176x512xf32, #tpu.memory_space<vmem>>, vector<1x16xf32>,
          %swap3A_202 = vector.shape_cast %swap3A_201 : vector<1x16xf32> to vector<16xf32>
          %swap3A_203 = vector.shape_cast %mul3A_198 : vector<16xf32> to vector<1x16xf32>
          tpu.vector_store %arg11[%swap3A_199, %swap3A_200], %swap3A_203 {add = true, strides = array<i32>} : memref<176x512xf32, #tpu.memory_space<vmem>>, vector<1x16xf32>,
          %mul3A_204 = vector.broadcast %squeeze3A_161 : f32 to vector<16xf32>
          %mul3A_205 = arith.mulf %mul3A_204, %get3A_155 : vector<16xf32>
          %swap3A_206 = arith.index_cast %sub3A_123 : i32 to index
          %swap3A_207 = arith.constant 96 : index
          %swap3A_208 = tpu.vector_load %arg11[%swap3A_206, %swap3A_207] {strides = array<i32>} : memref<176x512xf32, #tpu.memory_space<vmem>>, vector<1x16xf32>,
          %swap3A_209 = vector.shape_cast %swap3A_208 : vector<1x16xf32> to vector<16xf32>
          %swap3A_210 = vector.shape_cast %mul3A_205 : vector<16xf32> to vector<1x16xf32>
          tpu.vector_store %arg11[%swap3A_206, %swap3A_207], %swap3A_210 {add = true, strides = array<i32>} : memref<176x512xf32, #tpu.memory_space<vmem>>, vector<1x16xf32>,
          %mul3A_211 = vector.broadcast %squeeze3A_161 : f32 to vector<16xf32>
          %mul3A_212 = arith.mulf %mul3A_211, %get3A_159 : vector<16xf32>
          %swap3A_213 = arith.index_cast %sub3A_123 : i32 to index
          %swap3A_214 = arith.constant 112 : index
          %swap3A_215 = tpu.vector_load %arg11[%swap3A_213, %swap3A_214] {strides = array<i32>} : memref<176x512xf32, #tpu.memory_space<vmem>>, vector<1x16xf32>,
          %swap3A_216 = vector.shape_cast %swap3A_215 : vector<1x16xf32> to vector<16xf32>
          %swap3A_217 = vector.shape_cast %mul3A_212 : vector<16xf32> to vector<1x16xf32>
          tpu.vector_store %arg11[%swap3A_213, %swap3A_214], %swap3A_217 {add = true, strides = array<i32>} : memref<176x512xf32, #tpu.memory_space<vmem>>, vector<1x16xf32>,
          %slice3A_218 = vector.extract_strided_slice %exp3A {offsets = [1], sizes = [1], strides = [1]} : vector<16xf32> to vector<1xf32>
          %squeeze3A_219 = vector.extract %slice3A_218[0] : f32 from vector<1xf32>
          %mul3A_220 = vector.broadcast %squeeze3A_219 : f32 to vector<16xf32>
          %mul3A_221 = arith.mulf %mul3A_220, %get3A_131 : vector<16xf32>
          %swap3A_222 = arith.index_cast %sub3A_123 : i32 to index
          %swap3A_223 = arith.constant 128 : index
          %swap3A_224 = tpu.vector_load %arg11[%swap3A_222, %swap3A_223] {strides = array<i32>} : memref<176x512xf32, #tpu.memory_space<vmem>>, vector<1x16xf32>,
          %swap3A_225 = vector.shape_cast %swap3A_224 : vector<1x16xf32> to vector<16xf32>
          %swap3A_226 = vector.shape_cast %mul3A_221 : vector<16xf32> to vector<1x16xf32>
          tpu.vector_store %arg11[%swap3A_222, %swap3A_223], %swap3A_226 {add = true, strides = array<i32>} : memref<176x512xf32, #tpu.memory_space<vmem>>, vector<1x16xf32>,
          %mul3A_227 = vector.broadcast %squeeze3A_219 : f32 to vector<16xf32>
          %mul3A_228 = arith.mulf %mul3A_227, %get3A_135 : vector<16xf32>
          %swap3A_229 = arith.index_cast %sub3A_123 : i32 to index
          %swap3A_230 = arith.constant 144 : index
          %swap3A_231 = tpu.vector_load %arg11[%swap3A_229, %swap3A_230] {strides = array<i32>} : memref<176x512xf32, #tpu.memory_space<vmem>>, vector<1x16xf32>,
          %swap3A_232 = vector.shape_cast %swap3A_231 : vector<1x16xf32> to vector<16xf32>
          %swap3A_233 = vector.shape_cast %mul3A_228 : vector<16xf32> to vector<1x16xf32>
          tpu.vector_store %arg11[%swap3A_229, %swap3A_230], %swap3A_233 {add = true, strides = array<i32>} : memref<176x512xf32, #tpu.memory_space<vmem>>, vector<1x16xf32>,
          %mul3A_234 = vector.broadcast %squeeze3A_219 : f32 to vector<16xf32>
          %mul3A_235 = arith.mulf %mul3A_234, %get3A_139 : vector<16xf32>
          %swap3A_236 = arith.index_cast %sub3A_123 : i32 to index
          %swap3A_237 = arith.constant 160 : index
          %swap3A_238 = tpu.vector_load %arg11[%swap3A_236, %swap3A_237] {strides = array<i32>} : memref<176x512xf32, #tpu.memory_space<vmem>>, vector<1x16xf32>,
          %swap3A_239 = vector.shape_cast %swap3A_238 : vector<1x16xf32> to vector<16xf32>
          %swap3A_240 = vector.shape_cast %mul3A_235 : vector<16xf32> to vector<1x16xf32>
          tpu.vector_store %arg11[%swap3A_236, %swap3A_237], %swap3A_240 {add = true, strides = array<i32>} : memref<176x512xf32, #tpu.memory_space<vmem>>, vector<1x16xf32>,
          %mul3A_241 = vector.broadcast %squeeze3A_219 : f32 to vector<16xf32>
          %mul3A_242 = arith.mulf %mul3A_241, %get3A_143 : vector<16xf32>
          %swap3A_243 = arith.index_cast %sub3A_123 : i32 to index
          %swap3A_244 = arith.constant 176 : index
          %swap3A_245 = tpu.vector_load %arg11[%swap3A_243, %swap3A_244] {strides = array<i32>} : memref<176x512xf32, #tpu.memory_space<vmem>>, vector<1x16xf32>,
          %swap3A_246 = vector.shape_cast %swap3A_245 : vector<1x16xf32> to vector<16xf32>
          %swap3A_247 = vector.shape_cast %mul3A_242 : vector<16xf32> to vector<1x16xf32>
          tpu.vector_store %arg11[%swap3A_243, %swap3A_244], %swap3A_247 {add = true, strides = array<i32>} : memref<176x512xf32, #tpu.memory_space<vmem>>, vector<1x16xf32>,
          %mul3A_248 = vector.broadcast %squeeze3A_219 : f32 to vector<16xf32>
          %mul3A_249 = arith.mulf %mul3A_248, %get3A_147 : vector<16xf32>
          %swap3A_250 = arith.index_cast %sub3A_123 : i32 to index
          %swap3A_251 = arith.constant 192 : index
          %swap3A_252 = tpu.vector_load %arg11[%swap3A_250, %swap3A_251] {strides = array<i32>} : memref<176x512xf32, #tpu.memory_space<vmem>>, vector<1x16xf32>,
          %swap3A_253 = vector.shape_cast %swap3A_252 : vector<1x16xf32> to vector<16xf32>
          %swap3A_254 = vector.shape_cast %mul3A_249 : vector<16xf32> to vector<1x16xf32>
          tpu.vector_store %arg11[%swap3A_250, %swap3A_251], %swap3A_254 {add = true, strides = array<i32>} : memref<176x512xf32, #tpu.memory_space<vmem>>, vector<1x16xf32>,
          %mul3A_255 = vector.broadcast %squeeze3A_219 : f32 to vector<16xf32>
          %mul3A_256 = arith.mulf %mul3A_255, %get3A_151 : vector<16xf32>
          %swap3A_257 = arith.index_cast %sub3A_123 : i32 to index
          %swap3A_258 = arith.constant 208 : index
          %swap3A_259 = tpu.vector_load %arg11[%swap3A_257, %swap3A_258] {strides = array<i32>} : memref<176x512xf32, #tpu.memory_space<vmem>>, vector<1x16xf32>,
          %swap3A_260 = vector.shape_cast %swap3A_259 : vector<1x16xf32> to vector<16xf32>
          %swap3A_261 = vector.shape_cast %mul3A_256 : vector<16xf32> to vector<1x16xf32>
          tpu.vector_store %arg11[%swap3A_257, %swap3A_258], %swap3A_261 {add = true, strides = array<i32>} : memref<176x512xf32, #tpu.memory_space<vmem>>, vector<1x16xf32>,
          %mul3A_262 = vector.broadcast %squeeze3A_219 : f32 to vector<16xf32>
          %mul3A_263 = arith.mulf %mul3A_262, %get3A_155 : vector<16xf32>
          %swap3A_264 = arith.index_cast %sub3A_123 : i32 to index
          %swap3A_265 = arith.constant 224 : index
          %swap3A_266 = tpu.vector_load %arg11[%swap3A_264, %swap3A_265] {strides = array<i32>} : memref<176x512xf32, #tpu.memory_space<vmem>>, vector<1x16xf32>,
          %swap3A_267 = vector.shape_cast %swap3A_266 : vector<1x16xf32> to vector<16xf32>
          %swap3A_268 = vector.shape_cast %mul3A_263 : vector<16xf32> to vector<1x16xf32>
          tpu.vector_store %arg11[%swap3A_264, %swap3A_265], %swap3A_268 {add = true, strides = array<i32>} : memref<176x512xf32, #tpu.memory_space<vmem>>, vector<1x16xf32>,
          %mul3A_269 = vector.broadcast %squeeze3A_219 : f32 to vector<16xf32>
          %mul3A_270 = arith.mulf %mul3A_269, %get3A_159 : vector<16xf32>
          %swap3A_271 = arith.index_cast %sub3A_123 : i32 to index
          %swap3A_272 = arith.constant 240 : index
          %swap3A_273 = tpu.vector_load %arg11[%swap3A_271, %swap3A_272] {strides = array<i32>} : memref<176x512xf32, #tpu.memory_space<vmem>>, vector<1x16xf32>,
          %swap3A_274 = vector.shape_cast %swap3A_273 : vector<1x16xf32> to vector<16xf32>
          %swap3A_275 = vector.shape_cast %mul3A_270 : vector<16xf32> to vector<1x16xf32>
          tpu.vector_store %arg11[%swap3A_271, %swap3A_272], %swap3A_275 {add = true, strides = array<i32>} : memref<176x512xf32, #tpu.memory_space<vmem>>, vector<1x16xf32>,
          %slice3A_276 = vector.extract_strided_slice %exp3A {offsets = [2], sizes = [1], strides = [1]} : vector<16xf32> to vector<1xf32>
          %squeeze3A_277 = vector.extract %slice3A_276[0] : f32 from vector<1xf32>
          %mul3A_278 = vector.broadcast %squeeze3A_277 : f32 to vector<16xf32>
          %mul3A_279 = arith.mulf %mul3A_278, %get3A_131 : vector<16xf32>
          %swap3A_280 = arith.index_cast %sub3A_123 : i32 to index
          %swap3A_281 = arith.constant 256 : index
          %swap3A_282 = tpu.vector_load %arg11[%swap3A_280, %swap3A_281] {strides = array<i32>} : memref<176x512xf32, #tpu.memory_space<vmem>>, vector<1x16xf32>,
          %swap3A_283 = vector.shape_cast %swap3A_282 : vector<1x16xf32> to vector<16xf32>
          %swap3A_284 = vector.shape_cast %mul3A_279 : vector<16xf32> to vector<1x16xf32>
          tpu.vector_store %arg11[%swap3A_280, %swap3A_281], %swap3A_284 {add = true, strides = array<i32>} : memref<176x512xf32, #tpu.memory_space<vmem>>, vector<1x16xf32>,
          %mul3A_285 = vector.broadcast %squeeze3A_277 : f32 to vector<16xf32>
          %mul3A_286 = arith.mulf %mul3A_285, %get3A_135 : vector<16xf32>
          %swap3A_287 = arith.index_cast %sub3A_123 : i32 to index
          %swap3A_288 = arith.constant 272 : index
          %swap3A_289 = tpu.vector_load %arg11[%swap3A_287, %swap3A_288] {strides = array<i32>} : memref<176x512xf32, #tpu.memory_space<vmem>>, vector<1x16xf32>,
          %swap3A_290 = vector.shape_cast %swap3A_289 : vector<1x16xf32> to vector<16xf32>
          %swap3A_291 = vector.shape_cast %mul3A_286 : vector<16xf32> to vector<1x16xf32>
          tpu.vector_store %arg11[%swap3A_287, %swap3A_288], %swap3A_291 {add = true, strides = array<i32>} : memref<176x512xf32, #tpu.memory_space<vmem>>, vector<1x16xf32>,
          %mul3A_292 = vector.broadcast %squeeze3A_277 : f32 to vector<16xf32>
          %mul3A_293 = arith.mulf %mul3A_292, %get3A_139 : vector<16xf32>
          %swap3A_294 = arith.index_cast %sub3A_123 : i32 to index
          %swap3A_295 = arith.constant 288 : index
          %swap3A_296 = tpu.vector_load %arg11[%swap3A_294, %swap3A_295] {strides = array<i32>} : memref<176x512xf32, #tpu.memory_space<vmem>>, vector<1x16xf32>,
          %swap3A_297 = vector.shape_cast %swap3A_296 : vector<1x16xf32> to vector<16xf32>
          %swap3A_298 = vector.shape_cast %mul3A_293 : vector<16xf32> to vector<1x16xf32>
          tpu.vector_store %arg11[%swap3A_294, %swap3A_295], %swap3A_298 {add = true, strides = array<i32>} : memref<176x512xf32, #tpu.memory_space<vmem>>, vector<1x16xf32>,
          %mul3A_299 = vector.broadcast %squeeze3A_277 : f32 to vector<16xf32>
          %mul3A_300 = arith.mulf %mul3A_299, %get3A_143 : vector<16xf32>
          %swap3A_301 = arith.index_cast %sub3A_123 : i32 to index
          %swap3A_302 = arith.constant 304 : index
          %swap3A_303 = tpu.vector_load %arg11[%swap3A_301, %swap3A_302] {strides = array<i32>} : memref<176x512xf32, #tpu.memory_space<vmem>>, vector<1x16xf32>,
          %swap3A_304 = vector.shape_cast %swap3A_303 : vector<1x16xf32> to vector<16xf32>
          %swap3A_305 = vector.shape_cast %mul3A_300 : vector<16xf32> to vector<1x16xf32>
          tpu.vector_store %arg11[%swap3A_301, %swap3A_302], %swap3A_305 {add = true, strides = array<i32>} : memref<176x512xf32, #tpu.memory_space<vmem>>, vector<1x16xf32>,
          %mul3A_306 = vector.broadcast %squeeze3A_277 : f32 to vector<16xf32>
          %mul3A_307 = arith.mulf %mul3A_306, %get3A_147 : vector<16xf32>
          %swap3A_308 = arith.index_cast %sub3A_123 : i32 to index
          %swap3A_309 = arith.constant 320 : index
          %swap3A_310 = tpu.vector_load %arg11[%swap3A_308, %swap3A_309] {strides = array<i32>} : memref<176x512xf32, #tpu.memory_space<vmem>>, vector<1x16xf32>,
          %swap3A_311 = vector.shape_cast %swap3A_310 : vector<1x16xf32> to vector<16xf32>
          %swap3A_312 = vector.shape_cast %mul3A_307 : vector<16xf32> to vector<1x16xf32>
          tpu.vector_store %arg11[%swap3A_308, %swap3A_309], %swap3A_312 {add = true, strides = array<i32>} : memref<176x512xf32, #tpu.memory_space<vmem>>, vector<1x16xf32>,
          %mul3A_313 = vector.broadcast %squeeze3A_277 : f32 to vector<16xf32>
          %mul3A_314 = arith.mulf %mul3A_313, %get3A_151 : vector<16xf32>
          %swap3A_315 = arith.index_cast %sub3A_123 : i32 to index
          %swap3A_316 = arith.constant 336 : index
          %swap3A_317 = tpu.vector_load %arg11[%swap3A_315, %swap3A_316] {strides = array<i32>} : memref<176x512xf32, #tpu.memory_space<vmem>>, vector<1x16xf32>,
          %swap3A_318 = vector.shape_cast %swap3A_317 : vector<1x16xf32> to vector<16xf32>
          %swap3A_319 = vector.shape_cast %mul3A_314 : vector<16xf32> to vector<1x16xf32>
          tpu.vector_store %arg11[%swap3A_315, %swap3A_316], %swap3A_319 {add = true, strides = array<i32>} : memref<176x512xf32, #tpu.memory_space<vmem>>, vector<1x16xf32>,
          %mul3A_320 = vector.broadcast %squeeze3A_277 : f32 to vector<16xf32>
          %mul3A_321 = arith.mulf %mul3A_320, %get3A_155 : vector<16xf32>
          %swap3A_322 = arith.index_cast %sub3A_123 : i32 to index
          %swap3A_323 = arith.constant 352 : index
          %swap3A_324 = tpu.vector_load %arg11[%swap3A_322, %swap3A_323] {strides = array<i32>} : memref<176x512xf32, #tpu.memory_space<vmem>>, vector<1x16xf32>,
          %swap3A_325 = vector.shape_cast %swap3A_324 : vector<1x16xf32> to vector<16xf32>
          %swap3A_326 = vector.shape_cast %mul3A_321 : vector<16xf32> to vector<1x16xf32>
          tpu.vector_store %arg11[%swap3A_322, %swap3A_323], %swap3A_326 {add = true, strides = array<i32>} : memref<176x512xf32, #tpu.memory_space<vmem>>, vector<1x16xf32>,
          %mul3A_327 = vector.broadcast %squeeze3A_277 : f32 to vector<16xf32>
          %mul3A_328 = arith.mulf %mul3A_327, %get3A_159 : vector<16xf32>
          %swap3A_329 = arith.index_cast %sub3A_123 : i32 to index
          %swap3A_330 = arith.constant 368 : index
          %swap3A_331 = tpu.vector_load %arg11[%swap3A_329, %swap3A_330] {strides = array<i32>} : memref<176x512xf32, #tpu.memory_space<vmem>>, vector<1x16xf32>,
          %swap3A_332 = vector.shape_cast %swap3A_331 : vector<1x16xf32> to vector<16xf32>
          %swap3A_333 = vector.shape_cast %mul3A_328 : vector<16xf32> to vector<1x16xf32>
          tpu.vector_store %arg11[%swap3A_329, %swap3A_330], %swap3A_333 {add = true, strides = array<i32>} : memref<176x512xf32, #tpu.memory_space<vmem>>, vector<1x16xf32>,
          %slice3A_334 = vector.extract_strided_slice %exp3A {offsets = [3], sizes = [1], strides = [1]} : vector<16xf32> to vector<1xf32>
          %squeeze3A_335 = vector.extract %slice3A_334[0] : f32 from vector<1xf32>
          %mul3A_336 = vector.broadcast %squeeze3A_335 : f32 to vector<16xf32>
          %mul3A_337 = arith.mulf %mul3A_336, %get3A_131 : vector<16xf32>
          %swap3A_338 = arith.index_cast %sub3A_123 : i32 to index
          %swap3A_339 = arith.constant 384 : index
          %swap3A_340 = tpu.vector_load %arg11[%swap3A_338, %swap3A_339] {strides = array<i32>} : memref<176x512xf32, #tpu.memory_space<vmem>>, vector<1x16xf32>,
          %swap3A_341 = vector.shape_cast %swap3A_340 : vector<1x16xf32> to vector<16xf32>
          %swap3A_342 = vector.shape_cast %mul3A_337 : vector<16xf32> to vector<1x16xf32>
          tpu.vector_store %arg11[%swap3A_338, %swap3A_339], %swap3A_342 {add = true, strides = array<i32>} : memref<176x512xf32, #tpu.memory_space<vmem>>, vector<1x16xf32>,
          %mul3A_343 = vector.broadcast %squeeze3A_335 : f32 to vector<16xf32>
          %mul3A_344 = arith.mulf %mul3A_343, %get3A_135 : vector<16xf32>
          %swap3A_345 = arith.index_cast %sub3A_123 : i32 to index
          %swap3A_346 = arith.constant 400 : index
          %swap3A_347 = tpu.vector_load %arg11[%swap3A_345, %swap3A_346] {strides = array<i32>} : memref<176x512xf32, #tpu.memory_space<vmem>>, vector<1x16xf32>,
          %swap3A_348 = vector.shape_cast %swap3A_347 : vector<1x16xf32> to vector<16xf32>
          %swap3A_349 = vector.shape_cast %mul3A_344 : vector<16xf32> to vector<1x16xf32>
          tpu.vector_store %arg11[%swap3A_345, %swap3A_346], %swap3A_349 {add = true, strides = array<i32>} : memref<176x512xf32, #tpu.memory_space<vmem>>, vector<1x16xf32>,
          %mul3A_350 = vector.broadcast %squeeze3A_335 : f32 to vector<16xf32>
          %mul3A_351 = arith.mulf %mul3A_350, %get3A_139 : vector<16xf32>
          %swap3A_352 = arith.index_cast %sub3A_123 : i32 to index
          %swap3A_353 = arith.constant 416 : index
          %swap3A_354 = tpu.vector_load %arg11[%swap3A_352, %swap3A_353] {strides = array<i32>} : memref<176x512xf32, #tpu.memory_space<vmem>>, vector<1x16xf32>,
          %swap3A_355 = vector.shape_cast %swap3A_354 : vector<1x16xf32> to vector<16xf32>
          %swap3A_356 = vector.shape_cast %mul3A_351 : vector<16xf32> to vector<1x16xf32>
          tpu.vector_store %arg11[%swap3A_352, %swap3A_353], %swap3A_356 {add = true, strides = array<i32>} : memref<176x512xf32, #tpu.memory_space<vmem>>, vector<1x16xf32>,
          %mul3A_357 = vector.broadcast %squeeze3A_335 : f32 to vector<16xf32>
          %mul3A_358 = arith.mulf %mul3A_357, %get3A_143 : vector<16xf32>
          %swap3A_359 = arith.index_cast %sub3A_123 : i32 to index
          %swap3A_360 = arith.constant 432 : index
          %swap3A_361 = tpu.vector_load %arg11[%swap3A_359, %swap3A_360] {strides = array<i32>} : memref<176x512xf32, #tpu.memory_space<vmem>>, vector<1x16xf32>,
          %swap3A_362 = vector.shape_cast %swap3A_361 : vector<1x16xf32> to vector<16xf32>
          %swap3A_363 = vector.shape_cast %mul3A_358 : vector<16xf32> to vector<1x16xf32>
          tpu.vector_store %arg11[%swap3A_359, %swap3A_360], %swap3A_363 {add = true, strides = array<i32>} : memref<176x512xf32, #tpu.memory_space<vmem>>, vector<1x16xf32>,
          %mul3A_364 = vector.broadcast %squeeze3A_335 : f32 to vector<16xf32>
          %mul3A_365 = arith.mulf %mul3A_364, %get3A_147 : vector<16xf32>
          %swap3A_366 = arith.index_cast %sub3A_123 : i32 to index
          %swap3A_367 = arith.constant 448 : index
          %swap3A_368 = tpu.vector_load %arg11[%swap3A_366, %swap3A_367] {strides = array<i32>} : memref<176x512xf32, #tpu.memory_space<vmem>>, vector<1x16xf32>,
          %swap3A_369 = vector.shape_cast %swap3A_368 : vector<1x16xf32> to vector<16xf32>
          %swap3A_370 = vector.shape_cast %mul3A_365 : vector<16xf32> to vector<1x16xf32>
          tpu.vector_store %arg11[%swap3A_366, %swap3A_367], %swap3A_370 {add = true, strides = array<i32>} : memref<176x512xf32, #tpu.memory_space<vmem>>, vector<1x16xf32>,
          %mul3A_371 = vector.broadcast %squeeze3A_335 : f32 to vector<16xf32>
          %mul3A_372 = arith.mulf %mul3A_371, %get3A_151 : vector<16xf32>
          %swap3A_373 = arith.index_cast %sub3A_123 : i32 to index
          %swap3A_374 = arith.constant 464 : index
          %swap3A_375 = tpu.vector_load %arg11[%swap3A_373, %swap3A_374] {strides = array<i32>} : memref<176x512xf32, #tpu.memory_space<vmem>>, vector<1x16xf32>,
          %swap3A_376 = vector.shape_cast %swap3A_375 : vector<1x16xf32> to vector<16xf32>
          %swap3A_377 = vector.shape_cast %mul3A_372 : vector<16xf32> to vector<1x16xf32>
          tpu.vector_store %arg11[%swap3A_373, %swap3A_374], %swap3A_377 {add = true, strides = array<i32>} : memref<176x512xf32, #tpu.memory_space<vmem>>, vector<1x16xf32>,
          %mul3A_378 = vector.broadcast %squeeze3A_335 : f32 to vector<16xf32>
          %mul3A_379 = arith.mulf %mul3A_378, %get3A_155 : vector<16xf32>
          %swap3A_380 = arith.index_cast %sub3A_123 : i32 to index
          %swap3A_381 = arith.constant 480 : index
          %swap3A_382 = tpu.vector_load %arg11[%swap3A_380, %swap3A_381] {strides = array<i32>} : memref<176x512xf32, #tpu.memory_space<vmem>>, vector<1x16xf32>,
          %swap3A_383 = vector.shape_cast %swap3A_382 : vector<1x16xf32> to vector<16xf32>
          %swap3A_384 = vector.shape_cast %mul3A_379 : vector<16xf32> to vector<1x16xf32>
          tpu.vector_store %arg11[%swap3A_380, %swap3A_381], %swap3A_384 {add = true, strides = array<i32>} : memref<176x512xf32, #tpu.memory_space<vmem>>, vector<1x16xf32>,
          %mul3A_385 = vector.broadcast %squeeze3A_335 : f32 to vector<16xf32>
          %mul3A_386 = arith.mulf %mul3A_385, %get3A_159 : vector<16xf32>
          %swap3A_387 = arith.index_cast %sub3A_123 : i32 to index
          %swap3A_388 = arith.constant 496 : index
          %swap3A_389 = tpu.vector_load %arg11[%swap3A_387, %swap3A_388] {strides = array<i32>} : memref<176x512xf32, #tpu.memory_space<vmem>>, vector<1x16xf32>,
          %swap3A_390 = vector.shape_cast %swap3A_389 : vector<1x16xf32> to vector<16xf32>
          %swap3A_391 = vector.shape_cast %mul3A_386 : vector<16xf32> to vector<1x16xf32>
          tpu.vector_store %arg11[%swap3A_387, %swap3A_388], %swap3A_391 {add = true, strides = array<i32>} : memref<176x512xf32, #tpu.memory_space<vmem>>, vector<1x16xf32>,
          %while3A_392 = arith.constant 0 : i32
          scf.yield %while3A_392 : i32
        }
        %while3A_97 = arith.constant 1 : i32
        %while3A_98 = scf.for %while3A_100 = %while3A_94 to %while3A_90 step %while3A_97 iter_args(%while3A_101 = %while3A_96) -> (i32)  : i32 {
          %get3A_102 = arith.index_cast %while3A_100 : i32 to index
          %get3A_103 = arith.constant 0 : index
          %get3A_104 = tpu.vector_load %arg17[%get3A_102, %get3A_103] {strides = array<i32>} : memref<128x16xf32, #tpu.memory_space<vmem>>, vector<1x16xf32>,
          %get3A_105 = vector.shape_cast %get3A_104 : vector<1x16xf32> to vector<16xf32>
          %get3A_106 = arith.index_cast %while3A_100 : i32 to index
          %get3A_107 = arith.constant 0 : index
          %get3A_108 = tpu.vector_load %arg18[%get3A_106, %get3A_107] {strides = array<i32>} : memref<128x16xf32, #tpu.memory_space<vmem>>, vector<1x16xf32>,
          %get3A_109 = vector.shape_cast %get3A_108 : vector<1x16xf32> to vector<16xf32>
          %add3A_110 = arith.addf %get3A_105, %get3A_109 : vector<16xf32>
          %gt3A = arith.constant 0.000000e+00 : f32
          %gt3A_111 = vector.broadcast %gt3A : f32 to vector<16xf32>
          %gt3A_112 = arith.cmpf ogt, %add3A_110, %gt3A_111 : vector<16xf32>
          %mul3A_113 = arith.constant 2.000000e-01 : f32
          %mul3A_114 = vector.broadcast %mul3A_113 : f32 to vector<16xf32>
          %mul3A_115 = arith.mulf %add3A_110, %mul3A_114 : vector<16xf32>
          %select_n3A_116 = arith.select %gt3A_112, %add3A_110, %mul3A_115 : vector<16xi1>, vector<16xf32>
          %sub3A_117 = arith.subf %select_n3A_116, %get3A_2 : vector<16xf32>
          %exp3A = math.exp %sub3A_117 : vector<16xf32>
          %get3A_118 = arith.index_cast %while3A_100 : i32 to index
          %get3A_119 = tpu.vector_load %arg15[%get3A_118] {strides = array<i32>} : memref<144xi32, #tpu.memory_space<vmem>>, vector<16xi32>,
          %get3A_120 = vector.shape_cast %get3A_119 : vector<16xi32> to vector<16xi32>
          %slice3A_121 = vector.extract_strided_slice %get3A_120 {offsets = [0], sizes = [1], strides = [1]} : vector<16xi32> to vector<1xi32>
          %squeeze3A_122 = vector.extract %slice3A_121[0] : i32 from vector<1xi32>
          %sub3A_123 = arith.subi %squeeze3A_122, %mul3A_15 : i32
          %swap3A = arith.index_cast %sub3A_123 : i32 to index
          %swap3A_124 = arith.constant 0 : index
          %swap3A_125 = tpu.vector_load %arg12[%swap3A, %swap3A_124] {strides = array<i32>} : memref<176x16xf32, #tpu.memory_space<vmem>>, vector<1x16xf32>,
          %swap3A_126 = vector.shape_cast %swap3A_125 : vector<1x16xf32> to vector<16xf32>
          %swap3A_127 = vector.shape_cast %exp3A : vector<16xf32> to vector<1x16xf32>
          tpu.vector_store %arg12[%swap3A, %swap3A_124], %swap3A_127 {add = true, strides = array<i32>} : memref<176x16xf32, #tpu.memory_space<vmem>>, vector<1x16xf32>,
          %get3A_128 = arith.index_cast %while3A_100 : i32 to index
          %get3A_129 = arith.constant 0 : index
          %get3A_130 = tpu.vector_load %arg16[%get3A_128, %get3A_129] {strides = array<i32>} : memref<128x128xf32, #tpu.memory_space<vmem>>, vector<1x16xf32>,
          %get3A_131 = vector.shape_cast %get3A_130 : vector<1x16xf32> to vector<16xf32>
          %get3A_132 = arith.index_cast %while3A_100 : i32 to index
          %get3A_133 = arith.constant 16 : index
          %get3A_134 = tpu.vector_load %arg16[%get3A_132, %get3A_133] {strides = array<i32>} : memref<128x128xf32, #tpu.memory_space<vmem>>, vector<1x16xf32>,
          %get3A_135 = vector.shape_cast %get3A_134 : vector<1x16xf32> to vector<16xf32>
          %get3A_136 = arith.index_cast %while3A_100 : i32 to index
          %get3A_137 = arith.constant 32 : index
          %get3A_138 = tpu.vector_load %arg16[%get3A_136, %get3A_137] {strides = array<i32>} : memref<128x128xf32, #tpu.memory_space<vmem>>, vector<1x16xf32>,
          %get3A_139 = vector.shape_cast %get3A_138 : vector<1x16xf32> to vector<16xf32>
          %get3A_140 = arith.index_cast %while3A_100 : i32 to index
          %get3A_141 = arith.constant 48 : index
          %get3A_142 = tpu.vector_load %arg16[%get3A_140, %get3A_141] {strides = array<i32>} : memref<128x128xf32, #tpu.memory_space<vmem>>, vector<1x16xf32>,
          %get3A_143 = vector.shape_cast %get3A_142 : vector<1x16xf32> to vector<16xf32>
          %get3A_144 = arith.index_cast %while3A_100 : i32 to index
          %get3A_145 = arith.constant 64 : index
          %get3A_146 = tpu.vector_load %arg16[%get3A_144, %get3A_145] {strides = array<i32>} : memref<128x128xf32, #tpu.memory_space<vmem>>, vector<1x16xf32>,
          %get3A_147 = vector.shape_cast %get3A_146 : vector<1x16xf32> to vector<16xf32>
          %get3A_148 = arith.index_cast %while3A_100 : i32 to index
          %get3A_149 = arith.constant 80 : index
          %get3A_150 = tpu.vector_load %arg16[%get3A_148, %get3A_149] {strides = array<i32>} : memref<128x128xf32, #tpu.memory_space<vmem>>, vector<1x16xf32>,
          %get3A_151 = vector.shape_cast %get3A_150 : vector<1x16xf32> to vector<16xf32>
          %get3A_152 = arith.index_cast %while3A_100 : i32 to index
          %get3A_153 = arith.constant 96 : index
          %get3A_154 = tpu.vector_load %arg16[%get3A_152, %get3A_153] {strides = array<i32>} : memref<128x128xf32, #tpu.memory_space<vmem>>, vector<1x16xf32>,
          %get3A_155 = vector.shape_cast %get3A_154 : vector<1x16xf32> to vector<16xf32>
          %get3A_156 = arith.index_cast %while3A_100 : i32 to index
          %get3A_157 = arith.constant 112 : index
          %get3A_158 = tpu.vector_load %arg16[%get3A_156, %get3A_157] {strides = array<i32>} : memref<128x128xf32, #tpu.memory_space<vmem>>, vector<1x16xf32>,
          %get3A_159 = vector.shape_cast %get3A_158 : vector<1x16xf32> to vector<16xf32>
          %slice3A_160 = vector.extract_strided_slice %exp3A {offsets = [0], sizes = [1], strides = [1]} : vector<16xf32> to vector<1xf32>
          %squeeze3A_161 = vector.extract %slice3A_160[0] : f32 from vector<1xf32>
          %mul3A_162 = vector.broadcast %squeeze3A_161 : f32 to vector<16xf32>
          %mul3A_163 = arith.mulf %mul3A_162, %get3A_131 : vector<16xf32>
          %swap3A_164 = arith.index_cast %sub3A_123 : i32 to index
          %swap3A_165 = arith.constant 0 : index
          %swap3A_166 = tpu.vector_load %arg11[%swap3A_164, %swap3A_165] {strides = array<i32>} : memref<176x512xf32, #tpu.memory_space<vmem>>, vector<1x16xf32>,
          %swap3A_167 = vector.shape_cast %swap3A_166 : vector<1x16xf32> to vector<16xf32>
          %swap3A_168 = vector.shape_cast %mul3A_163 : vector<16xf32> to vector<1x16xf32>
          tpu.vector_store %arg11[%swap3A_164, %swap3A_165], %swap3A_168 {add = true, strides = array<i32>} : memref<176x512xf32, #tpu.memory_space<vmem>>, vector<1x16xf32>,
          %mul3A_169 = vector.broadcast %squeeze3A_161 : f32 to vector<16xf32>
          %mul3A_170 = arith.mulf %mul3A_169, %get3A_135 : vector<16xf32>
          %swap3A_171 = arith.index_cast %sub3A_123 : i32 to index
          %swap3A_172 = arith.constant 16 : index
          %swap3A_173 = tpu.vector_load %arg11[%swap3A_171, %swap3A_172] {strides = array<i32>} : memref<176x512xf32, #tpu.memory_space<vmem>>, vector<1x16xf32>,
          %swap3A_174 = vector.shape_cast %swap3A_173 : vector<1x16xf32> to vector<16xf32>
          %swap3A_175 = vector.shape_cast %mul3A_170 : vector<16xf32> to vector<1x16xf32>
          tpu.vector_store %arg11[%swap3A_171, %swap3A_172], %swap3A_175 {add = true, strides = array<i32>} : memref<176x512xf32, #tpu.memory_space<vmem>>, vector<1x16xf32>,
          %mul3A_176 = vector.broadcast %squeeze3A_161 : f32 to vector<16xf32>
          %mul3A_177 = arith.mulf %mul3A_176, %get3A_139 : vector<16xf32>
          %swap3A_178 = arith.index_cast %sub3A_123 : i32 to index
          %swap3A_179 = arith.constant 32 : index
          %swap3A_180 = tpu.vector_load %arg11[%swap3A_178, %swap3A_179] {strides = array<i32>} : memref<176x512xf32, #tpu.memory_space<vmem>>, vector<1x16xf32>,
          %swap3A_181 = vector.shape_cast %swap3A_180 : vector<1x16xf32> to vector<16xf32>
          %swap3A_182 = vector.shape_cast %mul3A_177 : vector<16xf32> to vector<1x16xf32>
          tpu.vector_store %arg11[%swap3A_178, %swap3A_179], %swap3A_182 {add = true, strides = array<i32>} : memref<176x512xf32, #tpu.memory_space<vmem>>, vector<1x16xf32>,
          %mul3A_183 = vector.broadcast %squeeze3A_161 : f32 to vector<16xf32>
          %mul3A_184 = arith.mulf %mul3A_183, %get3A_143 : vector<16xf32>
          %swap3A_185 = arith.index_cast %sub3A_123 : i32 to index
          %swap3A_186 = arith.constant 48 : index
          %swap3A_187 = tpu.vector_load %arg11[%swap3A_185, %swap3A_186] {strides = array<i32>} : memref<176x512xf32, #tpu.memory_space<vmem>>, vector<1x16xf32>,
          %swap3A_188 = vector.shape_cast %swap3A_187 : vector<1x16xf32> to vector<16xf32>
          %swap3A_189 = vector.shape_cast %mul3A_184 : vector<16xf32> to vector<1x16xf32>
          tpu.vector_store %arg11[%swap3A_185, %swap3A_186], %swap3A_189 {add = true, strides = array<i32>} : memref<176x512xf32, #tpu.memory_space<vmem>>, vector<1x16xf32>,
          %mul3A_190 = vector.broadcast %squeeze3A_161 : f32 to vector<16xf32>
          %mul3A_191 = arith.mulf %mul3A_190, %get3A_147 : vector<16xf32>
          %swap3A_192 = arith.index_cast %sub3A_123 : i32 to index
          %swap3A_193 = arith.constant 64 : index
          %swap3A_194 = tpu.vector_load %arg11[%swap3A_192, %swap3A_193] {strides = array<i32>} : memref<176x512xf32, #tpu.memory_space<vmem>>, vector<1x16xf32>,
          %swap3A_195 = vector.shape_cast %swap3A_194 : vector<1x16xf32> to vector<16xf32>
          %swap3A_196 = vector.shape_cast %mul3A_191 : vector<16xf32> to vector<1x16xf32>
          tpu.vector_store %arg11[%swap3A_192, %swap3A_193], %swap3A_196 {add = true, strides = array<i32>} : memref<176x512xf32, #tpu.memory_space<vmem>>, vector<1x16xf32>,
          %mul3A_197 = vector.broadcast %squeeze3A_161 : f32 to vector<16xf32>
          %mul3A_198 = arith.mulf %mul3A_197, %get3A_151 : vector<16xf32>
          %swap3A_199 = arith.index_cast %sub3A_123 : i32 to index
          %swap3A_200 = arith.constant 80 : index
          %swap3A_201 = tpu.vector_load %arg11[%swap3A_199, %swap3A_200] {strides = array<i32>} : memref<176x512xf32, #tpu.memory_space<vmem>>, vector<1x16xf32>,
          %swap3A_202 = vector.shape_cast %swap3A_201 : vector<1x16xf32> to vector<16xf32>
          %swap3A_203 = vector.shape_cast %mul3A_198 : vector<16xf32> to vector<1x16xf32>
          tpu.vector_store %arg11[%swap3A_199, %swap3A_200], %swap3A_203 {add = true, strides = array<i32>} : memref<176x512xf32, #tpu.memory_space<vmem>>, vector<1x16xf32>,
          %mul3A_204 = vector.broadcast %squeeze3A_161 : f32 to vector<16xf32>
          %mul3A_205 = arith.mulf %mul3A_204, %get3A_155 : vector<16xf32>
          %swap3A_206 = arith.index_cast %sub3A_123 : i32 to index
          %swap3A_207 = arith.constant 96 : index
          %swap3A_208 = tpu.vector_load %arg11[%swap3A_206, %swap3A_207] {strides = array<i32>} : memref<176x512xf32, #tpu.memory_space<vmem>>, vector<1x16xf32>,
          %swap3A_209 = vector.shape_cast %swap3A_208 : vector<1x16xf32> to vector<16xf32>
          %swap3A_210 = vector.shape_cast %mul3A_205 : vector<16xf32> to vector<1x16xf32>
          tpu.vector_store %arg11[%swap3A_206, %swap3A_207], %swap3A_210 {add = true, strides = array<i32>} : memref<176x512xf32, #tpu.memory_space<vmem>>, vector<1x16xf32>,
          %mul3A_211 = vector.broadcast %squeeze3A_161 : f32 to vector<16xf32>
          %mul3A_212 = arith.mulf %mul3A_211, %get3A_159 : vector<16xf32>
          %swap3A_213 = arith.index_cast %sub3A_123 : i32 to index
          %swap3A_214 = arith.constant 112 : index
          %swap3A_215 = tpu.vector_load %arg11[%swap3A_213, %swap3A_214] {strides = array<i32>} : memref<176x512xf32, #tpu.memory_space<vmem>>, vector<1x16xf32>,
          %swap3A_216 = vector.shape_cast %swap3A_215 : vector<1x16xf32> to vector<16xf32>
          %swap3A_217 = vector.shape_cast %mul3A_212 : vector<16xf32> to vector<1x16xf32>
          tpu.vector_store %arg11[%swap3A_213, %swap3A_214], %swap3A_217 {add = true, strides = array<i32>} : memref<176x512xf32, #tpu.memory_space<vmem>>, vector<1x16xf32>,
          %slice3A_218 = vector.extract_strided_slice %exp3A {offsets = [1], sizes = [1], strides = [1]} : vector<16xf32> to vector<1xf32>
          %squeeze3A_219 = vector.extract %slice3A_218[0] : f32 from vector<1xf32>
          %mul3A_220 = vector.broadcast %squeeze3A_219 : f32 to vector<16xf32>
          %mul3A_221 = arith.mulf %mul3A_220, %get3A_131 : vector<16xf32>
          %swap3A_222 = arith.index_cast %sub3A_123 : i32 to index
          %swap3A_223 = arith.constant 128 : index
          %swap3A_224 = tpu.vector_load %arg11[%swap3A_222, %swap3A_223] {strides = array<i32>} : memref<176x512xf32, #tpu.memory_space<vmem>>, vector<1x16xf32>,
          %swap3A_225 = vector.shape_cast %swap3A_224 : vector<1x16xf32> to vector<16xf32>
          %swap3A_226 = vector.shape_cast %mul3A_221 : vector<16xf32> to vector<1x16xf32>
          tpu.vector_store %arg11[%swap3A_222, %swap3A_223], %swap3A_226 {add = true, strides = array<i32>} : memref<176x512xf32, #tpu.memory_space<vmem>>, vector<1x16xf32>,
          %mul3A_227 = vector.broadcast %squeeze3A_219 : f32 to vector<16xf32>
          %mul3A_228 = arith.mulf %mul3A_227, %get3A_135 : vector<16xf32>
          %swap3A_229 = arith.index_cast %sub3A_123 : i32 to index
          %swap3A_230 = arith.constant 144 : index
          %swap3A_231 = tpu.vector_load %arg11[%swap3A_229, %swap3A_230] {strides = array<i32>} : memref<176x512xf32, #tpu.memory_space<vmem>>, vector<1x16xf32>,
          %swap3A_232 = vector.shape_cast %swap3A_231 : vector<1x16xf32> to vector<16xf32>
          %swap3A_233 = vector.shape_cast %mul3A_228 : vector<16xf32> to vector<1x16xf32>
          tpu.vector_store %arg11[%swap3A_229, %swap3A_230], %swap3A_233 {add = true, strides = array<i32>} : memref<176x512xf32, #tpu.memory_space<vmem>>, vector<1x16xf32>,
          %mul3A_234 = vector.broadcast %squeeze3A_219 : f32 to vector<16xf32>
          %mul3A_235 = arith.mulf %mul3A_234, %get3A_139 : vector<16xf32>
          %swap3A_236 = arith.index_cast %sub3A_123 : i32 to index
          %swap3A_237 = arith.constant 160 : index
          %swap3A_238 = tpu.vector_load %arg11[%swap3A_236, %swap3A_237] {strides = array<i32>} : memref<176x512xf32, #tpu.memory_space<vmem>>, vector<1x16xf32>,
          %swap3A_239 = vector.shape_cast %swap3A_238 : vector<1x16xf32> to vector<16xf32>
          %swap3A_240 = vector.shape_cast %mul3A_235 : vector<16xf32> to vector<1x16xf32>
          tpu.vector_store %arg11[%swap3A_236, %swap3A_237], %swap3A_240 {add = true, strides = array<i32>} : memref<176x512xf32, #tpu.memory_space<vmem>>, vector<1x16xf32>,
          %mul3A_241 = vector.broadcast %squeeze3A_219 : f32 to vector<16xf32>
          %mul3A_242 = arith.mulf %mul3A_241, %get3A_143 : vector<16xf32>
          %swap3A_243 = arith.index_cast %sub3A_123 : i32 to index
          %swap3A_244 = arith.constant 176 : index
          %swap3A_245 = tpu.vector_load %arg11[%swap3A_243, %swap3A_244] {strides = array<i32>} : memref<176x512xf32, #tpu.memory_space<vmem>>, vector<1x16xf32>,
          %swap3A_246 = vector.shape_cast %swap3A_245 : vector<1x16xf32> to vector<16xf32>
          %swap3A_247 = vector.shape_cast %mul3A_242 : vector<16xf32> to vector<1x16xf32>
          tpu.vector_store %arg11[%swap3A_243, %swap3A_244], %swap3A_247 {add = true, strides = array<i32>} : memref<176x512xf32, #tpu.memory_space<vmem>>, vector<1x16xf32>,
          %mul3A_248 = vector.broadcast %squeeze3A_219 : f32 to vector<16xf32>
          %mul3A_249 = arith.mulf %mul3A_248, %get3A_147 : vector<16xf32>
          %swap3A_250 = arith.index_cast %sub3A_123 : i32 to index
          %swap3A_251 = arith.constant 192 : index
          %swap3A_252 = tpu.vector_load %arg11[%swap3A_250, %swap3A_251] {strides = array<i32>} : memref<176x512xf32, #tpu.memory_space<vmem>>, vector<1x16xf32>,
          %swap3A_253 = vector.shape_cast %swap3A_252 : vector<1x16xf32> to vector<16xf32>
          %swap3A_254 = vector.shape_cast %mul3A_249 : vector<16xf32> to vector<1x16xf32>
          tpu.vector_store %arg11[%swap3A_250, %swap3A_251], %swap3A_254 {add = true, strides = array<i32>} : memref<176x512xf32, #tpu.memory_space<vmem>>, vector<1x16xf32>,
          %mul3A_255 = vector.broadcast %squeeze3A_219 : f32 to vector<16xf32>
          %mul3A_256 = arith.mulf %mul3A_255, %get3A_151 : vector<16xf32>
          %swap3A_257 = arith.index_cast %sub3A_123 : i32 to index
          %swap3A_258 = arith.constant 208 : index
          %swap3A_259 = tpu.vector_load %arg11[%swap3A_257, %swap3A_258] {strides = array<i32>} : memref<176x512xf32, #tpu.memory_space<vmem>>, vector<1x16xf32>,
          %swap3A_260 = vector.shape_cast %swap3A_259 : vector<1x16xf32> to vector<16xf32>
          %swap3A_261 = vector.shape_cast %mul3A_256 : vector<16xf32> to vector<1x16xf32>
          tpu.vector_store %arg11[%swap3A_257, %swap3A_258], %swap3A_261 {add = true, strides = array<i32>} : memref<176x512xf32, #tpu.memory_space<vmem>>, vector<1x16xf32>,
          %mul3A_262 = vector.broadcast %squeeze3A_219 : f32 to vector<16xf32>
          %mul3A_263 = arith.mulf %mul3A_262, %get3A_155 : vector<16xf32>
          %swap3A_264 = arith.index_cast %sub3A_123 : i32 to index
          %swap3A_265 = arith.constant 224 : index
          %swap3A_266 = tpu.vector_load %arg11[%swap3A_264, %swap3A_265] {strides = array<i32>} : memref<176x512xf32, #tpu.memory_space<vmem>>, vector<1x16xf32>,
          %swap3A_267 = vector.shape_cast %swap3A_266 : vector<1x16xf32> to vector<16xf32>
          %swap3A_268 = vector.shape_cast %mul3A_263 : vector<16xf32> to vector<1x16xf32>
          tpu.vector_store %arg11[%swap3A_264, %swap3A_265], %swap3A_268 {add = true, strides = array<i32>} : memref<176x512xf32, #tpu.memory_space<vmem>>, vector<1x16xf32>,
          %mul3A_269 = vector.broadcast %squeeze3A_219 : f32 to vector<16xf32>
          %mul3A_270 = arith.mulf %mul3A_269, %get3A_159 : vector<16xf32>
          %swap3A_271 = arith.index_cast %sub3A_123 : i32 to index
          %swap3A_272 = arith.constant 240 : index
          %swap3A_273 = tpu.vector_load %arg11[%swap3A_271, %swap3A_272] {strides = array<i32>} : memref<176x512xf32, #tpu.memory_space<vmem>>, vector<1x16xf32>,
          %swap3A_274 = vector.shape_cast %swap3A_273 : vector<1x16xf32> to vector<16xf32>
          %swap3A_275 = vector.shape_cast %mul3A_270 : vector<16xf32> to vector<1x16xf32>
          tpu.vector_store %arg11[%swap3A_271, %swap3A_272], %swap3A_275 {add = true, strides = array<i32>} : memref<176x512xf32, #tpu.memory_space<vmem>>, vector<1x16xf32>,
          %slice3A_276 = vector.extract_strided_slice %exp3A {offsets = [2], sizes = [1], strides = [1]} : vector<16xf32> to vector<1xf32>
          %squeeze3A_277 = vector.extract %slice3A_276[0] : f32 from vector<1xf32>
          %mul3A_278 = vector.broadcast %squeeze3A_277 : f32 to vector<16xf32>
          %mul3A_279 = arith.mulf %mul3A_278, %get3A_131 : vector<16xf32>
          %swap3A_280 = arith.index_cast %sub3A_123 : i32 to index
          %swap3A_281 = arith.constant 256 : index
          %swap3A_282 = tpu.vector_load %arg11[%swap3A_280, %swap3A_281] {strides = array<i32>} : memref<176x512xf32, #tpu.memory_space<vmem>>, vector<1x16xf32>,
          %swap3A_283 = vector.shape_cast %swap3A_282 : vector<1x16xf32> to vector<16xf32>
          %swap3A_284 = vector.shape_cast %mul3A_279 : vector<16xf32> to vector<1x16xf32>
          tpu.vector_store %arg11[%swap3A_280, %swap3A_281], %swap3A_284 {add = true, strides = array<i32>} : memref<176x512xf32, #tpu.memory_space<vmem>>, vector<1x16xf32>,
          %mul3A_285 = vector.broadcast %squeeze3A_277 : f32 to vector<16xf32>
          %mul3A_286 = arith.mulf %mul3A_285, %get3A_135 : vector<16xf32>
          %swap3A_287 = arith.index_cast %sub3A_123 : i32 to index
          %swap3A_288 = arith.constant 272 : index
          %swap3A_289 = tpu.vector_load %arg11[%swap3A_287, %swap3A_288] {strides = array<i32>} : memref<176x512xf32, #tpu.memory_space<vmem>>, vector<1x16xf32>,
          %swap3A_290 = vector.shape_cast %swap3A_289 : vector<1x16xf32> to vector<16xf32>
          %swap3A_291 = vector.shape_cast %mul3A_286 : vector<16xf32> to vector<1x16xf32>
          tpu.vector_store %arg11[%swap3A_287, %swap3A_288], %swap3A_291 {add = true, strides = array<i32>} : memref<176x512xf32, #tpu.memory_space<vmem>>, vector<1x16xf32>,
          %mul3A_292 = vector.broadcast %squeeze3A_277 : f32 to vector<16xf32>
          %mul3A_293 = arith.mulf %mul3A_292, %get3A_139 : vector<16xf32>
          %swap3A_294 = arith.index_cast %sub3A_123 : i32 to index
          %swap3A_295 = arith.constant 288 : index
          %swap3A_296 = tpu.vector_load %arg11[%swap3A_294, %swap3A_295] {strides = array<i32>} : memref<176x512xf32, #tpu.memory_space<vmem>>, vector<1x16xf32>,
          %swap3A_297 = vector.shape_cast %swap3A_296 : vector<1x16xf32> to vector<16xf32>
          %swap3A_298 = vector.shape_cast %mul3A_293 : vector<16xf32> to vector<1x16xf32>
          tpu.vector_store %arg11[%swap3A_294, %swap3A_295], %swap3A_298 {add = true, strides = array<i32>} : memref<176x512xf32, #tpu.memory_space<vmem>>, vector<1x16xf32>,
          %mul3A_299 = vector.broadcast %squeeze3A_277 : f32 to vector<16xf32>
          %mul3A_300 = arith.mulf %mul3A_299, %get3A_143 : vector<16xf32>
          %swap3A_301 = arith.index_cast %sub3A_123 : i32 to index
          %swap3A_302 = arith.constant 304 : index
          %swap3A_303 = tpu.vector_load %arg11[%swap3A_301, %swap3A_302] {strides = array<i32>} : memref<176x512xf32, #tpu.memory_space<vmem>>, vector<1x16xf32>,
          %swap3A_304 = vector.shape_cast %swap3A_303 : vector<1x16xf32> to vector<16xf32>
          %swap3A_305 = vector.shape_cast %mul3A_300 : vector<16xf32> to vector<1x16xf32>
          tpu.vector_store %arg11[%swap3A_301, %swap3A_302], %swap3A_305 {add = true, strides = array<i32>} : memref<176x512xf32, #tpu.memory_space<vmem>>, vector<1x16xf32>,
          %mul3A_306 = vector.broadcast %squeeze3A_277 : f32 to vector<16xf32>
          %mul3A_307 = arith.mulf %mul3A_306, %get3A_147 : vector<16xf32>
          %swap3A_308 = arith.index_cast %sub3A_123 : i32 to index
          %swap3A_309 = arith.constant 320 : index
          %swap3A_310 = tpu.vector_load %arg11[%swap3A_308, %swap3A_309] {strides = array<i32>} : memref<176x512xf32, #tpu.memory_space<vmem>>, vector<1x16xf32>,
          %swap3A_311 = vector.shape_cast %swap3A_310 : vector<1x16xf32> to vector<16xf32>
          %swap3A_312 = vector.shape_cast %mul3A_307 : vector<16xf32> to vector<1x16xf32>
          tpu.vector_store %arg11[%swap3A_308, %swap3A_309], %swap3A_312 {add = true, strides = array<i32>} : memref<176x512xf32, #tpu.memory_space<vmem>>, vector<1x16xf32>,
          %mul3A_313 = vector.broadcast %squeeze3A_277 : f32 to vector<16xf32>
          %mul3A_314 = arith.mulf %mul3A_313, %get3A_151 : vector<16xf32>
          %swap3A_315 = arith.index_cast %sub3A_123 : i32 to index
          %swap3A_316 = arith.constant 336 : index
          %swap3A_317 = tpu.vector_load %arg11[%swap3A_315, %swap3A_316] {strides = array<i32>} : memref<176x512xf32, #tpu.memory_space<vmem>>, vector<1x16xf32>,
          %swap3A_318 = vector.shape_cast %swap3A_317 : vector<1x16xf32> to vector<16xf32>
          %swap3A_319 = vector.shape_cast %mul3A_314 : vector<16xf32> to vector<1x16xf32>
          tpu.vector_store %arg11[%swap3A_315, %swap3A_316], %swap3A_319 {add = true, strides = array<i32>} : memref<176x512xf32, #tpu.memory_space<vmem>>, vector<1x16xf32>,
          %mul3A_320 = vector.broadcast %squeeze3A_277 : f32 to vector<16xf32>
          %mul3A_321 = arith.mulf %mul3A_320, %get3A_155 : vector<16xf32>
          %swap3A_322 = arith.index_cast %sub3A_123 : i32 to index
          %swap3A_323 = arith.constant 352 : index
          %swap3A_324 = tpu.vector_load %arg11[%swap3A_322, %swap3A_323] {strides = array<i32>} : memref<176x512xf32, #tpu.memory_space<vmem>>, vector<1x16xf32>,
          %swap3A_325 = vector.shape_cast %swap3A_324 : vector<1x16xf32> to vector<16xf32>
          %swap3A_326 = vector.shape_cast %mul3A_321 : vector<16xf32> to vector<1x16xf32>
          tpu.vector_store %arg11[%swap3A_322, %swap3A_323], %swap3A_326 {add = true, strides = array<i32>} : memref<176x512xf32, #tpu.memory_space<vmem>>, vector<1x16xf32>,
          %mul3A_327 = vector.broadcast %squeeze3A_277 : f32 to vector<16xf32>
          %mul3A_328 = arith.mulf %mul3A_327, %get3A_159 : vector<16xf32>
          %swap3A_329 = arith.index_cast %sub3A_123 : i32 to index
          %swap3A_330 = arith.constant 368 : index
          %swap3A_331 = tpu.vector_load %arg11[%swap3A_329, %swap3A_330] {strides = array<i32>} : memref<176x512xf32, #tpu.memory_space<vmem>>, vector<1x16xf32>,
          %swap3A_332 = vector.shape_cast %swap3A_331 : vector<1x16xf32> to vector<16xf32>
          %swap3A_333 = vector.shape_cast %mul3A_328 : vector<16xf32> to vector<1x16xf32>
          tpu.vector_store %arg11[%swap3A_329, %swap3A_330], %swap3A_333 {add = true, strides = array<i32>} : memref<176x512xf32, #tpu.memory_space<vmem>>, vector<1x16xf32>,
          %slice3A_334 = vector.extract_strided_slice %exp3A {offsets = [3], sizes = [1], strides = [1]} : vector<16xf32> to vector<1xf32>
          %squeeze3A_335 = vector.extract %slice3A_334[0] : f32 from vector<1xf32>
          %mul3A_336 = vector.broadcast %squeeze3A_335 : f32 to vector<16xf32>
          %mul3A_337 = arith.mulf %mul3A_336, %get3A_131 : vector<16xf32>
          %swap3A_338 = arith.index_cast %sub3A_123 : i32 to index
          %swap3A_339 = arith.constant 384 : index
          %swap3A_340 = tpu.vector_load %arg11[%swap3A_338, %swap3A_339] {strides = array<i32>} : memref<176x512xf32, #tpu.memory_space<vmem>>, vector<1x16xf32>,
          %swap3A_341 = vector.shape_cast %swap3A_340 : vector<1x16xf32> to vector<16xf32>
          %swap3A_342 = vector.shape_cast %mul3A_337 : vector<16xf32> to vector<1x16xf32>
          tpu.vector_store %arg11[%swap3A_338, %swap3A_339], %swap3A_342 {add = true, strides = array<i32>} : memref<176x512xf32, #tpu.memory_space<vmem>>, vector<1x16xf32>,
          %mul3A_343 = vector.broadcast %squeeze3A_335 : f32 to vector<16xf32>
          %mul3A_344 = arith.mulf %mul3A_343, %get3A_135 : vector<16xf32>
          %swap3A_345 = arith.index_cast %sub3A_123 : i32 to index
          %swap3A_346 = arith.constant 400 : index
          %swap3A_347 = tpu.vector_load %arg11[%swap3A_345, %swap3A_346] {strides = array<i32>} : memref<176x512xf32, #tpu.memory_space<vmem>>, vector<1x16xf32>,
          %swap3A_348 = vector.shape_cast %swap3A_347 : vector<1x16xf32> to vector<16xf32>
          %swap3A_349 = vector.shape_cast %mul3A_344 : vector<16xf32> to vector<1x16xf32>
          tpu.vector_store %arg11[%swap3A_345, %swap3A_346], %swap3A_349 {add = true, strides = array<i32>} : memref<176x512xf32, #tpu.memory_space<vmem>>, vector<1x16xf32>,
          %mul3A_350 = vector.broadcast %squeeze3A_335 : f32 to vector<16xf32>
          %mul3A_351 = arith.mulf %mul3A_350, %get3A_139 : vector<16xf32>
          %swap3A_352 = arith.index_cast %sub3A_123 : i32 to index
          %swap3A_353 = arith.constant 416 : index
          %swap3A_354 = tpu.vector_load %arg11[%swap3A_352, %swap3A_353] {strides = array<i32>} : memref<176x512xf32, #tpu.memory_space<vmem>>, vector<1x16xf32>,
          %swap3A_355 = vector.shape_cast %swap3A_354 : vector<1x16xf32> to vector<16xf32>
          %swap3A_356 = vector.shape_cast %mul3A_351 : vector<16xf32> to vector<1x16xf32>
          tpu.vector_store %arg11[%swap3A_352, %swap3A_353], %swap3A_356 {add = true, strides = array<i32>} : memref<176x512xf32, #tpu.memory_space<vmem>>, vector<1x16xf32>,
          %mul3A_357 = vector.broadcast %squeeze3A_335 : f32 to vector<16xf32>
          %mul3A_358 = arith.mulf %mul3A_357, %get3A_143 : vector<16xf32>
          %swap3A_359 = arith.index_cast %sub3A_123 : i32 to index
          %swap3A_360 = arith.constant 432 : index
          %swap3A_361 = tpu.vector_load %arg11[%swap3A_359, %swap3A_360] {strides = array<i32>} : memref<176x512xf32, #tpu.memory_space<vmem>>, vector<1x16xf32>,
          %swap3A_362 = vector.shape_cast %swap3A_361 : vector<1x16xf32> to vector<16xf32>
          %swap3A_363 = vector.shape_cast %mul3A_358 : vector<16xf32> to vector<1x16xf32>
          tpu.vector_store %arg11[%swap3A_359, %swap3A_360], %swap3A_363 {add = true, strides = array<i32>} : memref<176x512xf32, #tpu.memory_space<vmem>>, vector<1x16xf32>,
          %mul3A_364 = vector.broadcast %squeeze3A_335 : f32 to vector<16xf32>
          %mul3A_365 = arith.mulf %mul3A_364, %get3A_147 : vector<16xf32>
          %swap3A_366 = arith.index_cast %sub3A_123 : i32 to index
          %swap3A_367 = arith.constant 448 : index
          %swap3A_368 = tpu.vector_load %arg11[%swap3A_366, %swap3A_367] {strides = array<i32>} : memref<176x512xf32, #tpu.memory_space<vmem>>, vector<1x16xf32>,
          %swap3A_369 = vector.shape_cast %swap3A_368 : vector<1x16xf32> to vector<16xf32>
          %swap3A_370 = vector.shape_cast %mul3A_365 : vector<16xf32> to vector<1x16xf32>
          tpu.vector_store %arg11[%swap3A_366, %swap3A_367], %swap3A_370 {add = true, strides = array<i32>} : memref<176x512xf32, #tpu.memory_space<vmem>>, vector<1x16xf32>,
          %mul3A_371 = vector.broadcast %squeeze3A_335 : f32 to vector<16xf32>
          %mul3A_372 = arith.mulf %mul3A_371, %get3A_151 : vector<16xf32>
          %swap3A_373 = arith.index_cast %sub3A_123 : i32 to index
          %swap3A_374 = arith.constant 464 : index
          %swap3A_375 = tpu.vector_load %arg11[%swap3A_373, %swap3A_374] {strides = array<i32>} : memref<176x512xf32, #tpu.memory_space<vmem>>, vector<1x16xf32>,
          %swap3A_376 = vector.shape_cast %swap3A_375 : vector<1x16xf32> to vector<16xf32>
          %swap3A_377 = vector.shape_cast %mul3A_372 : vector<16xf32> to vector<1x16xf32>
          tpu.vector_store %arg11[%swap3A_373, %swap3A_374], %swap3A_377 {add = true, strides = array<i32>} : memref<176x512xf32, #tpu.memory_space<vmem>>, vector<1x16xf32>,
          %mul3A_378 = vector.broadcast %squeeze3A_335 : f32 to vector<16xf32>
          %mul3A_379 = arith.mulf %mul3A_378, %get3A_155 : vector<16xf32>
          %swap3A_380 = arith.index_cast %sub3A_123 : i32 to index
          %swap3A_381 = arith.constant 480 : index
          %swap3A_382 = tpu.vector_load %arg11[%swap3A_380, %swap3A_381] {strides = array<i32>} : memref<176x512xf32, #tpu.memory_space<vmem>>, vector<1x16xf32>,
          %swap3A_383 = vector.shape_cast %swap3A_382 : vector<1x16xf32> to vector<16xf32>
          %swap3A_384 = vector.shape_cast %mul3A_379 : vector<16xf32> to vector<1x16xf32>
          tpu.vector_store %arg11[%swap3A_380, %swap3A_381], %swap3A_384 {add = true, strides = array<i32>} : memref<176x512xf32, #tpu.memory_space<vmem>>, vector<1x16xf32>,
          %mul3A_385 = vector.broadcast %squeeze3A_335 : f32 to vector<16xf32>
          %mul3A_386 = arith.mulf %mul3A_385, %get3A_159 : vector<16xf32>
          %swap3A_387 = arith.index_cast %sub3A_123 : i32 to index
          %swap3A_388 = arith.constant 496 : index
          %swap3A_389 = tpu.vector_load %arg11[%swap3A_387, %swap3A_388] {strides = array<i32>} : memref<176x512xf32, #tpu.memory_space<vmem>>, vector<1x16xf32>,
          %swap3A_390 = vector.shape_cast %swap3A_389 : vector<1x16xf32> to vector<16xf32>
          %swap3A_391 = vector.shape_cast %mul3A_386 : vector<16xf32> to vector<1x16xf32>
          tpu.vector_store %arg11[%swap3A_387, %swap3A_388], %swap3A_391 {add = true, strides = array<i32>} : memref<176x512xf32, #tpu.memory_space<vmem>>, vector<1x16xf32>,
          %while3A_392 = arith.constant 0 : i32
          scf.yield %while3A_392 : i32
        }
        %while3A_99 = arith.constant 0 : i32
        scf.yield %while3A_99 : i32
      }
      %while3A_59 = arith.constant 1 : i32
      %while3A_60 = scf.for %while3A_62 = %while3A_56 to %while3A_52 step %while3A_59 iter_args(%while3A_63 = %while3A_58) -> (i32)  : i32 {
        %mul3A_64 = arith.constant 128 : i32
        %mul3A_65 = arith.muli %while3A_62, %mul3A_64 : i32
        %add3A_66 = arith.addi %sub3A, %mul3A_65 : i32
        %multiple_of3A = tpu.assume_multiple %add3A_66, 8 : i32
        "tpu.region"() ({
          %run_scoped3A = tpu.sem_alloc : memref<!tpu.dma_semaphore, #tpu.memory_space<semaphore_mem>>
          %dma_start3A_100 = tpu.memref_slice %arg5[%multiple_of3A] : memref<800128xi32, #tpu.memory_space<hbm>> -> memref<128xi32, #tpu.memory_space<hbm>>
          %dma_start3A_101 = tpu.memref_slice %arg5[%multiple_of3A] : memref<800128xi32, #tpu.memory_space<hbm>> -> memref<128xi32, #tpu.memory_space<hbm>>
          tpu.enqueue_dma source(%dma_start3A_101 : memref<128xi32, #tpu.memory_space<hbm>>) target(%arg13 : memref<128xi32, #tpu.memory_space<vmem>>) target_semaphore(%run_scoped3A : memref<!tpu.dma_semaphore, #tpu.memory_space<semaphore_mem>>)
          %dma_wait3A_102 = tpu.memref_slice %arg5[%multiple_of3A] : memref<800128xi32, #tpu.memory_space<hbm>> -> memref<128xi32, #tpu.memory_space<hbm>>
          %dma_wait3A_103 = tpu.memref_slice %arg5[%multiple_of3A] : memref<800128xi32, #tpu.memory_space<hbm>> -> memref<128xi32, #tpu.memory_space<hbm>>
          tpu.wait_dma2 semaphore(%run_scoped3A : memref<!tpu.dma_semaphore, #tpu.memory_space<semaphore_mem>>) src(%dma_wait3A_103 : memref<128xi32, #tpu.memory_space<hbm>>) dst(%arg13 : memref<128xi32, #tpu.memory_space<vmem>>)
          tpu.yield
        }) : () -> ()
        "tpu.region"() ({
          %run_scoped3A = tpu.sem_alloc : memref<!tpu.dma_semaphore, #tpu.memory_space<semaphore_mem>>
          %dma_start3A_100 = tpu.memref_slice %arg6[%multiple_of3A] : memref<800128xi32, #tpu.memory_space<hbm>> -> memref<128xi32, #tpu.memory_space<hbm>>
          %dma_start3A_101 = tpu.memref_slice %arg6[%multiple_of3A] : memref<800128xi32, #tpu.memory_space<hbm>> -> memref<128xi32, #tpu.memory_space<hbm>>
          tpu.enqueue_dma source(%dma_start3A_101 : memref<128xi32, #tpu.memory_space<hbm>>) target(%arg14 : memref<128xi32, #tpu.memory_space<vmem>>) target_semaphore(%run_scoped3A : memref<!tpu.dma_semaphore, #tpu.memory_space<semaphore_mem>>)
          %dma_wait3A_102 = tpu.memref_slice %arg6[%multiple_of3A] : memref<800128xi32, #tpu.memory_space<hbm>> -> memref<128xi32, #tpu.memory_space<hbm>>
          %dma_wait3A_103 = tpu.memref_slice %arg6[%multiple_of3A] : memref<800128xi32, #tpu.memory_space<hbm>> -> memref<128xi32, #tpu.memory_space<hbm>>
          tpu.wait_dma2 semaphore(%run_scoped3A : memref<!tpu.dma_semaphore, #tpu.memory_space<semaphore_mem>>) src(%dma_wait3A_103 : memref<128xi32, #tpu.memory_space<hbm>>) dst(%arg14 : memref<128xi32, #tpu.memory_space<vmem>>)
          tpu.yield
        }) : () -> ()
        "tpu.region"() ({
          %run_scoped3A = tpu.sem_alloc : memref<!tpu.dma_semaphore, #tpu.memory_space<semaphore_mem>>
          %dma_start3A_100 = arith.constant 0 : i32
          %dma_start3A_101 = tpu.memref_slice %arg15[%dma_start3A_100] : memref<144xi32, #tpu.memory_space<vmem>> -> memref<128xi32, #tpu.memory_space<vmem>>
          %dma_start3A_102 = tpu.memref_slice %arg6[%multiple_of3A] : memref<800128xi32, #tpu.memory_space<hbm>> -> memref<128xi32, #tpu.memory_space<hbm>>
          %dma_start3A_103 = arith.constant 0 : i32
          %dma_start3A_104 = tpu.memref_slice %arg15[%dma_start3A_103] : memref<144xi32, #tpu.memory_space<vmem>> -> memref<128xi32, #tpu.memory_space<vmem>>
          %dma_start3A_105 = tpu.memref_slice %arg6[%multiple_of3A] : memref<800128xi32, #tpu.memory_space<hbm>> -> memref<128xi32, #tpu.memory_space<hbm>>
          tpu.enqueue_dma source(%dma_start3A_105 : memref<128xi32, #tpu.memory_space<hbm>>) target(%dma_start3A_104 : memref<128xi32, #tpu.memory_space<vmem>>) target_semaphore(%run_scoped3A : memref<!tpu.dma_semaphore, #tpu.memory_space<semaphore_mem>>)
          %dma_wait3A_106 = arith.constant 0 : i32
          %dma_wait3A_107 = tpu.memref_slice %arg15[%dma_wait3A_106] : memref<144xi32, #tpu.memory_space<vmem>> -> memref<128xi32, #tpu.memory_space<vmem>>
          %dma_wait3A_108 = tpu.memref_slice %arg6[%multiple_of3A] : memref<800128xi32, #tpu.memory_space<hbm>> -> memref<128xi32, #tpu.memory_space<hbm>>
          %dma_wait3A_109 = arith.constant 0 : i32
          %dma_wait3A_110 = tpu.memref_slice %arg15[%dma_wait3A_109] : memref<144xi32, #tpu.memory_space<vmem>> -> memref<128xi32, #tpu.memory_space<vmem>>
          %dma_wait3A_111 = tpu.memref_slice %arg6[%multiple_of3A] : memref<800128xi32, #tpu.memory_space<hbm>> -> memref<128xi32, #tpu.memory_space<hbm>>
          tpu.wait_dma2 semaphore(%run_scoped3A : memref<!tpu.dma_semaphore, #tpu.memory_space<semaphore_mem>>) src(%dma_wait3A_111 : memref<128xi32, #tpu.memory_space<hbm>>) dst(%dma_wait3A_110 : memref<128xi32, #tpu.memory_space<vmem>>)
          tpu.yield
        }) : () -> ()
        %dma_start3A = arith.constant 0 : i32
        %dma_start3A_67 = arith.constant 0 : i32
        %dma_start3A_68 = tpu.memref_slice %arg2[%dma_start3A, %dma_start3A_67] : memref<50000x128xf32, #tpu.memory_space<hbm>> -> memref<50000x128xf32, #tpu.memory_space<hbm>>
        tpu.enqueue_indirect_dma source(%dma_start3A_68 : memref<50000x128xf32, #tpu.memory_space<hbm>>) target(%arg16 : memref<128x128xf32, #tpu.memory_space<vmem>>) offsets(%arg13 : memref<128xi32, #tpu.memory_space<vmem>>) semaphore(%arg21 : memref<!tpu.dma_semaphore, #tpu.memory_space<semaphore_mem>>)
        %dma_start3A_69 = arith.constant 0 : i32
        %dma_start3A_70 = arith.constant 0 : i32
        %dma_start3A_71 = tpu.memref_slice %arg3[%dma_start3A_69, %dma_start3A_70] : memref<50000x16xf32, #tpu.memory_space<hbm>> -> memref<50000x16xf32, #tpu.memory_space<hbm>>
        tpu.enqueue_indirect_dma source(%dma_start3A_71 : memref<50000x16xf32, #tpu.memory_space<hbm>>) target(%arg17 : memref<128x16xf32, #tpu.memory_space<vmem>>) offsets(%arg13 : memref<128xi32, #tpu.memory_space<vmem>>) semaphore(%arg21 : memref<!tpu.dma_semaphore, #tpu.memory_space<semaphore_mem>>)
        %dma_start3A_72 = arith.constant 0 : i32
        %dma_start3A_73 = arith.constant 0 : i32
        %dma_start3A_74 = tpu.memref_slice %arg4[%dma_start3A_72, %dma_start3A_73] : memref<50000x16xf32, #tpu.memory_space<hbm>> -> memref<50000x16xf32, #tpu.memory_space<hbm>>
        tpu.enqueue_indirect_dma source(%dma_start3A_74 : memref<50000x16xf32, #tpu.memory_space<hbm>>) target(%arg18 : memref<128x16xf32, #tpu.memory_space<vmem>>) offsets(%arg14 : memref<128xi32, #tpu.memory_space<vmem>>) semaphore(%arg21 : memref<!tpu.dma_semaphore, #tpu.memory_space<semaphore_mem>>)
        %dma_wait3A = arith.constant 0 : i32
        %dma_wait3A_75 = arith.constant 0 : i32
        %dma_wait3A_76 = tpu.memref_slice %arg2[%dma_wait3A, %dma_wait3A_75] : memref<50000x128xf32, #tpu.memory_space<hbm>> -> memref<50000x128xf32, #tpu.memory_space<hbm>>
        tpu.wait_indirect_dma semaphore(%arg21 : memref<!tpu.dma_semaphore, #tpu.memory_space<semaphore_mem>>) src(%dma_wait3A_76 : memref<50000x128xf32, #tpu.memory_space<hbm>>) dst(%arg16 : memref<128x128xf32, #tpu.memory_space<vmem>>)
        %dma_wait3A_77 = arith.constant 0 : i32
        %dma_wait3A_78 = arith.constant 0 : i32
        %dma_wait3A_79 = tpu.memref_slice %arg3[%dma_wait3A_77, %dma_wait3A_78] : memref<50000x16xf32, #tpu.memory_space<hbm>> -> memref<50000x16xf32, #tpu.memory_space<hbm>>
        tpu.wait_indirect_dma semaphore(%arg21 : memref<!tpu.dma_semaphore, #tpu.memory_space<semaphore_mem>>) src(%dma_wait3A_79 : memref<50000x16xf32, #tpu.memory_space<hbm>>) dst(%arg17 : memref<128x16xf32, #tpu.memory_space<vmem>>)
        %dma_wait3A_80 = arith.constant 0 : i32
        %dma_wait3A_81 = arith.constant 0 : i32
        %dma_wait3A_82 = tpu.memref_slice %arg4[%dma_wait3A_80, %dma_wait3A_81] : memref<50000x16xf32, #tpu.memory_space<hbm>> -> memref<50000x16xf32, #tpu.memory_space<hbm>>
        tpu.wait_indirect_dma semaphore(%arg21 : memref<!tpu.dma_semaphore, #tpu.memory_space<semaphore_mem>>) src(%dma_wait3A_82 : memref<50000x16xf32, #tpu.memory_space<hbm>>) dst(%arg18 : memref<128x16xf32, #tpu.memory_space<vmem>>)
        %sub3A_83 = arith.subi %squeeze3A, %multiple_of3A : i32
        %max3A = arith.constant 0 : i32
        %max3A_84 = arith.maxsi %sub3A_83, %max3A : i32
        %sub3A_85 = arith.subi %squeeze3A_27, %multiple_of3A : i32
        %min3A = arith.constant 128 : i32
        %min3A_86 = arith.minsi %min3A, %sub3A_85 : i32
        %max3A_87 = arith.maxsi %max3A_84, %min3A_86 : i32
        %while3A_88 = arith.constant 0 : i32
        %while3A_89 = arith.subi %max3A_87, %max3A_84 : i32
        %while3A_90 = arith.addi %max3A_84, %while3A_89 : i32
        %while3A_91 = arith.constant 1 : i32
        %while3A_92 = arith.divsi %while3A_89, %while3A_91 : i32
        %while3A_93 = arith.muli %while3A_92, %while3A_91 : i32
        %while3A_94 = arith.addi %max3A_84, %while3A_93 : i32
        %while3A_95 = arith.constant 1 : i32
        %while3A_96 = scf.for %while3A_100 = %max3A_84 to %while3A_94 step %while3A_95 iter_args(%while3A_101 = %while3A_88) -> (i32)  : i32 {
          %get3A_102 = arith.index_cast %while3A_100 : i32 to index
          %get3A_103 = arith.constant 0 : index
          %get3A_104 = tpu.vector_load %arg17[%get3A_102, %get3A_103] {strides = array<i32>} : memref<128x16xf32, #tpu.memory_space<vmem>>, vector<1x16xf32>,
          %get3A_105 = vector.shape_cast %get3A_104 : vector<1x16xf32> to vector<16xf32>
          %get3A_106 = arith.index_cast %while3A_100 : i32 to index
          %get3A_107 = arith.constant 0 : index
          %get3A_108 = tpu.vector_load %arg18[%get3A_106, %get3A_107] {strides = array<i32>} : memref<128x16xf32, #tpu.memory_space<vmem>>, vector<1x16xf32>,
          %get3A_109 = vector.shape_cast %get3A_108 : vector<1x16xf32> to vector<16xf32>
          %add3A_110 = arith.addf %get3A_105, %get3A_109 : vector<16xf32>
          %gt3A = arith.constant 0.000000e+00 : f32
          %gt3A_111 = vector.broadcast %gt3A : f32 to vector<16xf32>
          %gt3A_112 = arith.cmpf ogt, %add3A_110, %gt3A_111 : vector<16xf32>
          %mul3A_113 = arith.constant 2.000000e-01 : f32
          %mul3A_114 = vector.broadcast %mul3A_113 : f32 to vector<16xf32>
          %mul3A_115 = arith.mulf %add3A_110, %mul3A_114 : vector<16xf32>
          %select_n3A_116 = arith.select %gt3A_112, %add3A_110, %mul3A_115 : vector<16xi1>, vector<16xf32>
          %sub3A_117 = arith.subf %select_n3A_116, %get3A_2 : vector<16xf32>
          %exp3A = math.exp %sub3A_117 : vector<16xf32>
          %get3A_118 = arith.index_cast %while3A_100 : i32 to index
          %get3A_119 = tpu.vector_load %arg15[%get3A_118] {strides = array<i32>} : memref<144xi32, #tpu.memory_space<vmem>>, vector<16xi32>,
          %get3A_120 = vector.shape_cast %get3A_119 : vector<16xi32> to vector<16xi32>
          %slice3A_121 = vector.extract_strided_slice %get3A_120 {offsets = [0], sizes = [1], strides = [1]} : vector<16xi32> to vector<1xi32>
          %squeeze3A_122 = vector.extract %slice3A_121[0] : i32 from vector<1xi32>
          %sub3A_123 = arith.subi %squeeze3A_122, %mul3A_15 : i32
          %swap3A = arith.index_cast %sub3A_123 : i32 to index
          %swap3A_124 = arith.constant 0 : index
          %swap3A_125 = tpu.vector_load %arg12[%swap3A, %swap3A_124] {strides = array<i32>} : memref<176x16xf32, #tpu.memory_space<vmem>>, vector<1x16xf32>,
          %swap3A_126 = vector.shape_cast %swap3A_125 : vector<1x16xf32> to vector<16xf32>
          %swap3A_127 = vector.shape_cast %exp3A : vector<16xf32> to vector<1x16xf32>
          tpu.vector_store %arg12[%swap3A, %swap3A_124], %swap3A_127 {add = true, strides = array<i32>} : memref<176x16xf32, #tpu.memory_space<vmem>>, vector<1x16xf32>,
          %get3A_128 = arith.index_cast %while3A_100 : i32 to index
          %get3A_129 = arith.constant 0 : index
          %get3A_130 = tpu.vector_load %arg16[%get3A_128, %get3A_129] {strides = array<i32>} : memref<128x128xf32, #tpu.memory_space<vmem>>, vector<1x16xf32>,
          %get3A_131 = vector.shape_cast %get3A_130 : vector<1x16xf32> to vector<16xf32>
          %get3A_132 = arith.index_cast %while3A_100 : i32 to index
          %get3A_133 = arith.constant 16 : index
          %get3A_134 = tpu.vector_load %arg16[%get3A_132, %get3A_133] {strides = array<i32>} : memref<128x128xf32, #tpu.memory_space<vmem>>, vector<1x16xf32>,
          %get3A_135 = vector.shape_cast %get3A_134 : vector<1x16xf32> to vector<16xf32>
          %get3A_136 = arith.index_cast %while3A_100 : i32 to index
          %get3A_137 = arith.constant 32 : index
          %get3A_138 = tpu.vector_load %arg16[%get3A_136, %get3A_137] {strides = array<i32>} : memref<128x128xf32, #tpu.memory_space<vmem>>, vector<1x16xf32>,
          %get3A_139 = vector.shape_cast %get3A_138 : vector<1x16xf32> to vector<16xf32>
          %get3A_140 = arith.index_cast %while3A_100 : i32 to index
          %get3A_141 = arith.constant 48 : index
          %get3A_142 = tpu.vector_load %arg16[%get3A_140, %get3A_141] {strides = array<i32>} : memref<128x128xf32, #tpu.memory_space<vmem>>, vector<1x16xf32>,
          %get3A_143 = vector.shape_cast %get3A_142 : vector<1x16xf32> to vector<16xf32>
          %get3A_144 = arith.index_cast %while3A_100 : i32 to index
          %get3A_145 = arith.constant 64 : index
          %get3A_146 = tpu.vector_load %arg16[%get3A_144, %get3A_145] {strides = array<i32>} : memref<128x128xf32, #tpu.memory_space<vmem>>, vector<1x16xf32>,
          %get3A_147 = vector.shape_cast %get3A_146 : vector<1x16xf32> to vector<16xf32>
          %get3A_148 = arith.index_cast %while3A_100 : i32 to index
          %get3A_149 = arith.constant 80 : index
          %get3A_150 = tpu.vector_load %arg16[%get3A_148, %get3A_149] {strides = array<i32>} : memref<128x128xf32, #tpu.memory_space<vmem>>, vector<1x16xf32>,
          %get3A_151 = vector.shape_cast %get3A_150 : vector<1x16xf32> to vector<16xf32>
          %get3A_152 = arith.index_cast %while3A_100 : i32 to index
          %get3A_153 = arith.constant 96 : index
          %get3A_154 = tpu.vector_load %arg16[%get3A_152, %get3A_153] {strides = array<i32>} : memref<128x128xf32, #tpu.memory_space<vmem>>, vector<1x16xf32>,
          %get3A_155 = vector.shape_cast %get3A_154 : vector<1x16xf32> to vector<16xf32>
          %get3A_156 = arith.index_cast %while3A_100 : i32 to index
          %get3A_157 = arith.constant 112 : index
          %get3A_158 = tpu.vector_load %arg16[%get3A_156, %get3A_157] {strides = array<i32>} : memref<128x128xf32, #tpu.memory_space<vmem>>, vector<1x16xf32>,
          %get3A_159 = vector.shape_cast %get3A_158 : vector<1x16xf32> to vector<16xf32>
          %slice3A_160 = vector.extract_strided_slice %exp3A {offsets = [0], sizes = [1], strides = [1]} : vector<16xf32> to vector<1xf32>
          %squeeze3A_161 = vector.extract %slice3A_160[0] : f32 from vector<1xf32>
          %mul3A_162 = vector.broadcast %squeeze3A_161 : f32 to vector<16xf32>
          %mul3A_163 = arith.mulf %mul3A_162, %get3A_131 : vector<16xf32>
          %swap3A_164 = arith.index_cast %sub3A_123 : i32 to index
          %swap3A_165 = arith.constant 0 : index
          %swap3A_166 = tpu.vector_load %arg11[%swap3A_164, %swap3A_165] {strides = array<i32>} : memref<176x512xf32, #tpu.memory_space<vmem>>, vector<1x16xf32>,
          %swap3A_167 = vector.shape_cast %swap3A_166 : vector<1x16xf32> to vector<16xf32>
          %swap3A_168 = vector.shape_cast %mul3A_163 : vector<16xf32> to vector<1x16xf32>
          tpu.vector_store %arg11[%swap3A_164, %swap3A_165], %swap3A_168 {add = true, strides = array<i32>} : memref<176x512xf32, #tpu.memory_space<vmem>>, vector<1x16xf32>,
          %mul3A_169 = vector.broadcast %squeeze3A_161 : f32 to vector<16xf32>
          %mul3A_170 = arith.mulf %mul3A_169, %get3A_135 : vector<16xf32>
          %swap3A_171 = arith.index_cast %sub3A_123 : i32 to index
          %swap3A_172 = arith.constant 16 : index
          %swap3A_173 = tpu.vector_load %arg11[%swap3A_171, %swap3A_172] {strides = array<i32>} : memref<176x512xf32, #tpu.memory_space<vmem>>, vector<1x16xf32>,
          %swap3A_174 = vector.shape_cast %swap3A_173 : vector<1x16xf32> to vector<16xf32>
          %swap3A_175 = vector.shape_cast %mul3A_170 : vector<16xf32> to vector<1x16xf32>
          tpu.vector_store %arg11[%swap3A_171, %swap3A_172], %swap3A_175 {add = true, strides = array<i32>} : memref<176x512xf32, #tpu.memory_space<vmem>>, vector<1x16xf32>,
          %mul3A_176 = vector.broadcast %squeeze3A_161 : f32 to vector<16xf32>
          %mul3A_177 = arith.mulf %mul3A_176, %get3A_139 : vector<16xf32>
          %swap3A_178 = arith.index_cast %sub3A_123 : i32 to index
          %swap3A_179 = arith.constant 32 : index
          %swap3A_180 = tpu.vector_load %arg11[%swap3A_178, %swap3A_179] {strides = array<i32>} : memref<176x512xf32, #tpu.memory_space<vmem>>, vector<1x16xf32>,
          %swap3A_181 = vector.shape_cast %swap3A_180 : vector<1x16xf32> to vector<16xf32>
          %swap3A_182 = vector.shape_cast %mul3A_177 : vector<16xf32> to vector<1x16xf32>
          tpu.vector_store %arg11[%swap3A_178, %swap3A_179], %swap3A_182 {add = true, strides = array<i32>} : memref<176x512xf32, #tpu.memory_space<vmem>>, vector<1x16xf32>,
          %mul3A_183 = vector.broadcast %squeeze3A_161 : f32 to vector<16xf32>
          %mul3A_184 = arith.mulf %mul3A_183, %get3A_143 : vector<16xf32>
          %swap3A_185 = arith.index_cast %sub3A_123 : i32 to index
          %swap3A_186 = arith.constant 48 : index
          %swap3A_187 = tpu.vector_load %arg11[%swap3A_185, %swap3A_186] {strides = array<i32>} : memref<176x512xf32, #tpu.memory_space<vmem>>, vector<1x16xf32>,
          %swap3A_188 = vector.shape_cast %swap3A_187 : vector<1x16xf32> to vector<16xf32>
          %swap3A_189 = vector.shape_cast %mul3A_184 : vector<16xf32> to vector<1x16xf32>
          tpu.vector_store %arg11[%swap3A_185, %swap3A_186], %swap3A_189 {add = true, strides = array<i32>} : memref<176x512xf32, #tpu.memory_space<vmem>>, vector<1x16xf32>,
          %mul3A_190 = vector.broadcast %squeeze3A_161 : f32 to vector<16xf32>
          %mul3A_191 = arith.mulf %mul3A_190, %get3A_147 : vector<16xf32>
          %swap3A_192 = arith.index_cast %sub3A_123 : i32 to index
          %swap3A_193 = arith.constant 64 : index
          %swap3A_194 = tpu.vector_load %arg11[%swap3A_192, %swap3A_193] {strides = array<i32>} : memref<176x512xf32, #tpu.memory_space<vmem>>, vector<1x16xf32>,
          %swap3A_195 = vector.shape_cast %swap3A_194 : vector<1x16xf32> to vector<16xf32>
          %swap3A_196 = vector.shape_cast %mul3A_191 : vector<16xf32> to vector<1x16xf32>
          tpu.vector_store %arg11[%swap3A_192, %swap3A_193], %swap3A_196 {add = true, strides = array<i32>} : memref<176x512xf32, #tpu.memory_space<vmem>>, vector<1x16xf32>,
          %mul3A_197 = vector.broadcast %squeeze3A_161 : f32 to vector<16xf32>
          %mul3A_198 = arith.mulf %mul3A_197, %get3A_151 : vector<16xf32>
          %swap3A_199 = arith.index_cast %sub3A_123 : i32 to index
          %swap3A_200 = arith.constant 80 : index
          %swap3A_201 = tpu.vector_load %arg11[%swap3A_199, %swap3A_200] {strides = array<i32>} : memref<176x512xf32, #tpu.memory_space<vmem>>, vector<1x16xf32>,
          %swap3A_202 = vector.shape_cast %swap3A_201 : vector<1x16xf32> to vector<16xf32>
          %swap3A_203 = vector.shape_cast %mul3A_198 : vector<16xf32> to vector<1x16xf32>
          tpu.vector_store %arg11[%swap3A_199, %swap3A_200], %swap3A_203 {add = true, strides = array<i32>} : memref<176x512xf32, #tpu.memory_space<vmem>>, vector<1x16xf32>,
          %mul3A_204 = vector.broadcast %squeeze3A_161 : f32 to vector<16xf32>
          %mul3A_205 = arith.mulf %mul3A_204, %get3A_155 : vector<16xf32>
          %swap3A_206 = arith.index_cast %sub3A_123 : i32 to index
          %swap3A_207 = arith.constant 96 : index
          %swap3A_208 = tpu.vector_load %arg11[%swap3A_206, %swap3A_207] {strides = array<i32>} : memref<176x512xf32, #tpu.memory_space<vmem>>, vector<1x16xf32>,
          %swap3A_209 = vector.shape_cast %swap3A_208 : vector<1x16xf32> to vector<16xf32>
          %swap3A_210 = vector.shape_cast %mul3A_205 : vector<16xf32> to vector<1x16xf32>
          tpu.vector_store %arg11[%swap3A_206, %swap3A_207], %swap3A_210 {add = true, strides = array<i32>} : memref<176x512xf32, #tpu.memory_space<vmem>>, vector<1x16xf32>,
          %mul3A_211 = vector.broadcast %squeeze3A_161 : f32 to vector<16xf32>
          %mul3A_212 = arith.mulf %mul3A_211, %get3A_159 : vector<16xf32>
          %swap3A_213 = arith.index_cast %sub3A_123 : i32 to index
          %swap3A_214 = arith.constant 112 : index
          %swap3A_215 = tpu.vector_load %arg11[%swap3A_213, %swap3A_214] {strides = array<i32>} : memref<176x512xf32, #tpu.memory_space<vmem>>, vector<1x16xf32>,
          %swap3A_216 = vector.shape_cast %swap3A_215 : vector<1x16xf32> to vector<16xf32>
          %swap3A_217 = vector.shape_cast %mul3A_212 : vector<16xf32> to vector<1x16xf32>
          tpu.vector_store %arg11[%swap3A_213, %swap3A_214], %swap3A_217 {add = true, strides = array<i32>} : memref<176x512xf32, #tpu.memory_space<vmem>>, vector<1x16xf32>,
          %slice3A_218 = vector.extract_strided_slice %exp3A {offsets = [1], sizes = [1], strides = [1]} : vector<16xf32> to vector<1xf32>
          %squeeze3A_219 = vector.extract %slice3A_218[0] : f32 from vector<1xf32>
          %mul3A_220 = vector.broadcast %squeeze3A_219 : f32 to vector<16xf32>
          %mul3A_221 = arith.mulf %mul3A_220, %get3A_131 : vector<16xf32>
          %swap3A_222 = arith.index_cast %sub3A_123 : i32 to index
          %swap3A_223 = arith.constant 128 : index
          %swap3A_224 = tpu.vector_load %arg11[%swap3A_222, %swap3A_223] {strides = array<i32>} : memref<176x512xf32, #tpu.memory_space<vmem>>, vector<1x16xf32>,
          %swap3A_225 = vector.shape_cast %swap3A_224 : vector<1x16xf32> to vector<16xf32>
          %swap3A_226 = vector.shape_cast %mul3A_221 : vector<16xf32> to vector<1x16xf32>
          tpu.vector_store %arg11[%swap3A_222, %swap3A_223], %swap3A_226 {add = true, strides = array<i32>} : memref<176x512xf32, #tpu.memory_space<vmem>>, vector<1x16xf32>,
          %mul3A_227 = vector.broadcast %squeeze3A_219 : f32 to vector<16xf32>
          %mul3A_228 = arith.mulf %mul3A_227, %get3A_135 : vector<16xf32>
          %swap3A_229 = arith.index_cast %sub3A_123 : i32 to index
          %swap3A_230 = arith.constant 144 : index
          %swap3A_231 = tpu.vector_load %arg11[%swap3A_229, %swap3A_230] {strides = array<i32>} : memref<176x512xf32, #tpu.memory_space<vmem>>, vector<1x16xf32>,
          %swap3A_232 = vector.shape_cast %swap3A_231 : vector<1x16xf32> to vector<16xf32>
          %swap3A_233 = vector.shape_cast %mul3A_228 : vector<16xf32> to vector<1x16xf32>
          tpu.vector_store %arg11[%swap3A_229, %swap3A_230], %swap3A_233 {add = true, strides = array<i32>} : memref<176x512xf32, #tpu.memory_space<vmem>>, vector<1x16xf32>,
          %mul3A_234 = vector.broadcast %squeeze3A_219 : f32 to vector<16xf32>
          %mul3A_235 = arith.mulf %mul3A_234, %get3A_139 : vector<16xf32>
          %swap3A_236 = arith.index_cast %sub3A_123 : i32 to index
          %swap3A_237 = arith.constant 160 : index
          %swap3A_238 = tpu.vector_load %arg11[%swap3A_236, %swap3A_237] {strides = array<i32>} : memref<176x512xf32, #tpu.memory_space<vmem>>, vector<1x16xf32>,
          %swap3A_239 = vector.shape_cast %swap3A_238 : vector<1x16xf32> to vector<16xf32>
          %swap3A_240 = vector.shape_cast %mul3A_235 : vector<16xf32> to vector<1x16xf32>
          tpu.vector_store %arg11[%swap3A_236, %swap3A_237], %swap3A_240 {add = true, strides = array<i32>} : memref<176x512xf32, #tpu.memory_space<vmem>>, vector<1x16xf32>,
          %mul3A_241 = vector.broadcast %squeeze3A_219 : f32 to vector<16xf32>
          %mul3A_242 = arith.mulf %mul3A_241, %get3A_143 : vector<16xf32>
          %swap3A_243 = arith.index_cast %sub3A_123 : i32 to index
          %swap3A_244 = arith.constant 176 : index
          %swap3A_245 = tpu.vector_load %arg11[%swap3A_243, %swap3A_244] {strides = array<i32>} : memref<176x512xf32, #tpu.memory_space<vmem>>, vector<1x16xf32>,
          %swap3A_246 = vector.shape_cast %swap3A_245 : vector<1x16xf32> to vector<16xf32>
          %swap3A_247 = vector.shape_cast %mul3A_242 : vector<16xf32> to vector<1x16xf32>
          tpu.vector_store %arg11[%swap3A_243, %swap3A_244], %swap3A_247 {add = true, strides = array<i32>} : memref<176x512xf32, #tpu.memory_space<vmem>>, vector<1x16xf32>,
          %mul3A_248 = vector.broadcast %squeeze3A_219 : f32 to vector<16xf32>
          %mul3A_249 = arith.mulf %mul3A_248, %get3A_147 : vector<16xf32>
          %swap3A_250 = arith.index_cast %sub3A_123 : i32 to index
          %swap3A_251 = arith.constant 192 : index
          %swap3A_252 = tpu.vector_load %arg11[%swap3A_250, %swap3A_251] {strides = array<i32>} : memref<176x512xf32, #tpu.memory_space<vmem>>, vector<1x16xf32>,
          %swap3A_253 = vector.shape_cast %swap3A_252 : vector<1x16xf32> to vector<16xf32>
          %swap3A_254 = vector.shape_cast %mul3A_249 : vector<16xf32> to vector<1x16xf32>
          tpu.vector_store %arg11[%swap3A_250, %swap3A_251], %swap3A_254 {add = true, strides = array<i32>} : memref<176x512xf32, #tpu.memory_space<vmem>>, vector<1x16xf32>,
          %mul3A_255 = vector.broadcast %squeeze3A_219 : f32 to vector<16xf32>
          %mul3A_256 = arith.mulf %mul3A_255, %get3A_151 : vector<16xf32>
          %swap3A_257 = arith.index_cast %sub3A_123 : i32 to index
          %swap3A_258 = arith.constant 208 : index
          %swap3A_259 = tpu.vector_load %arg11[%swap3A_257, %swap3A_258] {strides = array<i32>} : memref<176x512xf32, #tpu.memory_space<vmem>>, vector<1x16xf32>,
          %swap3A_260 = vector.shape_cast %swap3A_259 : vector<1x16xf32> to vector<16xf32>
          %swap3A_261 = vector.shape_cast %mul3A_256 : vector<16xf32> to vector<1x16xf32>
          tpu.vector_store %arg11[%swap3A_257, %swap3A_258], %swap3A_261 {add = true, strides = array<i32>} : memref<176x512xf32, #tpu.memory_space<vmem>>, vector<1x16xf32>,
          %mul3A_262 = vector.broadcast %squeeze3A_219 : f32 to vector<16xf32>
          %mul3A_263 = arith.mulf %mul3A_262, %get3A_155 : vector<16xf32>
          %swap3A_264 = arith.index_cast %sub3A_123 : i32 to index
          %swap3A_265 = arith.constant 224 : index
          %swap3A_266 = tpu.vector_load %arg11[%swap3A_264, %swap3A_265] {strides = array<i32>} : memref<176x512xf32, #tpu.memory_space<vmem>>, vector<1x16xf32>,
          %swap3A_267 = vector.shape_cast %swap3A_266 : vector<1x16xf32> to vector<16xf32>
          %swap3A_268 = vector.shape_cast %mul3A_263 : vector<16xf32> to vector<1x16xf32>
          tpu.vector_store %arg11[%swap3A_264, %swap3A_265], %swap3A_268 {add = true, strides = array<i32>} : memref<176x512xf32, #tpu.memory_space<vmem>>, vector<1x16xf32>,
          %mul3A_269 = vector.broadcast %squeeze3A_219 : f32 to vector<16xf32>
          %mul3A_270 = arith.mulf %mul3A_269, %get3A_159 : vector<16xf32>
          %swap3A_271 = arith.index_cast %sub3A_123 : i32 to index
          %swap3A_272 = arith.constant 240 : index
          %swap3A_273 = tpu.vector_load %arg11[%swap3A_271, %swap3A_272] {strides = array<i32>} : memref<176x512xf32, #tpu.memory_space<vmem>>, vector<1x16xf32>,
          %swap3A_274 = vector.shape_cast %swap3A_273 : vector<1x16xf32> to vector<16xf32>
          %swap3A_275 = vector.shape_cast %mul3A_270 : vector<16xf32> to vector<1x16xf32>
          tpu.vector_store %arg11[%swap3A_271, %swap3A_272], %swap3A_275 {add = true, strides = array<i32>} : memref<176x512xf32, #tpu.memory_space<vmem>>, vector<1x16xf32>,
          %slice3A_276 = vector.extract_strided_slice %exp3A {offsets = [2], sizes = [1], strides = [1]} : vector<16xf32> to vector<1xf32>
          %squeeze3A_277 = vector.extract %slice3A_276[0] : f32 from vector<1xf32>
          %mul3A_278 = vector.broadcast %squeeze3A_277 : f32 to vector<16xf32>
          %mul3A_279 = arith.mulf %mul3A_278, %get3A_131 : vector<16xf32>
          %swap3A_280 = arith.index_cast %sub3A_123 : i32 to index
          %swap3A_281 = arith.constant 256 : index
          %swap3A_282 = tpu.vector_load %arg11[%swap3A_280, %swap3A_281] {strides = array<i32>} : memref<176x512xf32, #tpu.memory_space<vmem>>, vector<1x16xf32>,
          %swap3A_283 = vector.shape_cast %swap3A_282 : vector<1x16xf32> to vector<16xf32>
          %swap3A_284 = vector.shape_cast %mul3A_279 : vector<16xf32> to vector<1x16xf32>
          tpu.vector_store %arg11[%swap3A_280, %swap3A_281], %swap3A_284 {add = true, strides = array<i32>} : memref<176x512xf32, #tpu.memory_space<vmem>>, vector<1x16xf32>,
          %mul3A_285 = vector.broadcast %squeeze3A_277 : f32 to vector<16xf32>
          %mul3A_286 = arith.mulf %mul3A_285, %get3A_135 : vector<16xf32>
          %swap3A_287 = arith.index_cast %sub3A_123 : i32 to index
          %swap3A_288 = arith.constant 272 : index
          %swap3A_289 = tpu.vector_load %arg11[%swap3A_287, %swap3A_288] {strides = array<i32>} : memref<176x512xf32, #tpu.memory_space<vmem>>, vector<1x16xf32>,
          %swap3A_290 = vector.shape_cast %swap3A_289 : vector<1x16xf32> to vector<16xf32>
          %swap3A_291 = vector.shape_cast %mul3A_286 : vector<16xf32> to vector<1x16xf32>
          tpu.vector_store %arg11[%swap3A_287, %swap3A_288], %swap3A_291 {add = true, strides = array<i32>} : memref<176x512xf32, #tpu.memory_space<vmem>>, vector<1x16xf32>,
          %mul3A_292 = vector.broadcast %squeeze3A_277 : f32 to vector<16xf32>
          %mul3A_293 = arith.mulf %mul3A_292, %get3A_139 : vector<16xf32>
          %swap3A_294 = arith.index_cast %sub3A_123 : i32 to index
          %swap3A_295 = arith.constant 288 : index
          %swap3A_296 = tpu.vector_load %arg11[%swap3A_294, %swap3A_295] {strides = array<i32>} : memref<176x512xf32, #tpu.memory_space<vmem>>, vector<1x16xf32>,
          %swap3A_297 = vector.shape_cast %swap3A_296 : vector<1x16xf32> to vector<16xf32>
          %swap3A_298 = vector.shape_cast %mul3A_293 : vector<16xf32> to vector<1x16xf32>
          tpu.vector_store %arg11[%swap3A_294, %swap3A_295], %swap3A_298 {add = true, strides = array<i32>} : memref<176x512xf32, #tpu.memory_space<vmem>>, vector<1x16xf32>,
          %mul3A_299 = vector.broadcast %squeeze3A_277 : f32 to vector<16xf32>
          %mul3A_300 = arith.mulf %mul3A_299, %get3A_143 : vector<16xf32>
          %swap3A_301 = arith.index_cast %sub3A_123 : i32 to index
          %swap3A_302 = arith.constant 304 : index
          %swap3A_303 = tpu.vector_load %arg11[%swap3A_301, %swap3A_302] {strides = array<i32>} : memref<176x512xf32, #tpu.memory_space<vmem>>, vector<1x16xf32>,
          %swap3A_304 = vector.shape_cast %swap3A_303 : vector<1x16xf32> to vector<16xf32>
          %swap3A_305 = vector.shape_cast %mul3A_300 : vector<16xf32> to vector<1x16xf32>
          tpu.vector_store %arg11[%swap3A_301, %swap3A_302], %swap3A_305 {add = true, strides = array<i32>} : memref<176x512xf32, #tpu.memory_space<vmem>>, vector<1x16xf32>,
          %mul3A_306 = vector.broadcast %squeeze3A_277 : f32 to vector<16xf32>
          %mul3A_307 = arith.mulf %mul3A_306, %get3A_147 : vector<16xf32>
          %swap3A_308 = arith.index_cast %sub3A_123 : i32 to index
          %swap3A_309 = arith.constant 320 : index
          %swap3A_310 = tpu.vector_load %arg11[%swap3A_308, %swap3A_309] {strides = array<i32>} : memref<176x512xf32, #tpu.memory_space<vmem>>, vector<1x16xf32>,
          %swap3A_311 = vector.shape_cast %swap3A_310 : vector<1x16xf32> to vector<16xf32>
          %swap3A_312 = vector.shape_cast %mul3A_307 : vector<16xf32> to vector<1x16xf32>
          tpu.vector_store %arg11[%swap3A_308, %swap3A_309], %swap3A_312 {add = true, strides = array<i32>} : memref<176x512xf32, #tpu.memory_space<vmem>>, vector<1x16xf32>,
          %mul3A_313 = vector.broadcast %squeeze3A_277 : f32 to vector<16xf32>
          %mul3A_314 = arith.mulf %mul3A_313, %get3A_151 : vector<16xf32>
          %swap3A_315 = arith.index_cast %sub3A_123 : i32 to index
          %swap3A_316 = arith.constant 336 : index
          %swap3A_317 = tpu.vector_load %arg11[%swap3A_315, %swap3A_316] {strides = array<i32>} : memref<176x512xf32, #tpu.memory_space<vmem>>, vector<1x16xf32>,
          %swap3A_318 = vector.shape_cast %swap3A_317 : vector<1x16xf32> to vector<16xf32>
          %swap3A_319 = vector.shape_cast %mul3A_314 : vector<16xf32> to vector<1x16xf32>
          tpu.vector_store %arg11[%swap3A_315, %swap3A_316], %swap3A_319 {add = true, strides = array<i32>} : memref<176x512xf32, #tpu.memory_space<vmem>>, vector<1x16xf32>,
          %mul3A_320 = vector.broadcast %squeeze3A_277 : f32 to vector<16xf32>
          %mul3A_321 = arith.mulf %mul3A_320, %get3A_155 : vector<16xf32>
          %swap3A_322 = arith.index_cast %sub3A_123 : i32 to index
          %swap3A_323 = arith.constant 352 : index
          %swap3A_324 = tpu.vector_load %arg11[%swap3A_322, %swap3A_323] {strides = array<i32>} : memref<176x512xf32, #tpu.memory_space<vmem>>, vector<1x16xf32>,
          %swap3A_325 = vector.shape_cast %swap3A_324 : vector<1x16xf32> to vector<16xf32>
          %swap3A_326 = vector.shape_cast %mul3A_321 : vector<16xf32> to vector<1x16xf32>
          tpu.vector_store %arg11[%swap3A_322, %swap3A_323], %swap3A_326 {add = true, strides = array<i32>} : memref<176x512xf32, #tpu.memory_space<vmem>>, vector<1x16xf32>,
          %mul3A_327 = vector.broadcast %squeeze3A_277 : f32 to vector<16xf32>
          %mul3A_328 = arith.mulf %mul3A_327, %get3A_159 : vector<16xf32>
          %swap3A_329 = arith.index_cast %sub3A_123 : i32 to index
          %swap3A_330 = arith.constant 368 : index
          %swap3A_331 = tpu.vector_load %arg11[%swap3A_329, %swap3A_330] {strides = array<i32>} : memref<176x512xf32, #tpu.memory_space<vmem>>, vector<1x16xf32>,
          %swap3A_332 = vector.shape_cast %swap3A_331 : vector<1x16xf32> to vector<16xf32>
          %swap3A_333 = vector.shape_cast %mul3A_328 : vector<16xf32> to vector<1x16xf32>
          tpu.vector_store %arg11[%swap3A_329, %swap3A_330], %swap3A_333 {add = true, strides = array<i32>} : memref<176x512xf32, #tpu.memory_space<vmem>>, vector<1x16xf32>,
          %slice3A_334 = vector.extract_strided_slice %exp3A {offsets = [3], sizes = [1], strides = [1]} : vector<16xf32> to vector<1xf32>
          %squeeze3A_335 = vector.extract %slice3A_334[0] : f32 from vector<1xf32>
          %mul3A_336 = vector.broadcast %squeeze3A_335 : f32 to vector<16xf32>
          %mul3A_337 = arith.mulf %mul3A_336, %get3A_131 : vector<16xf32>
          %swap3A_338 = arith.index_cast %sub3A_123 : i32 to index
          %swap3A_339 = arith.constant 384 : index
          %swap3A_340 = tpu.vector_load %arg11[%swap3A_338, %swap3A_339] {strides = array<i32>} : memref<176x512xf32, #tpu.memory_space<vmem>>, vector<1x16xf32>,
          %swap3A_341 = vector.shape_cast %swap3A_340 : vector<1x16xf32> to vector<16xf32>
          %swap3A_342 = vector.shape_cast %mul3A_337 : vector<16xf32> to vector<1x16xf32>
          tpu.vector_store %arg11[%swap3A_338, %swap3A_339], %swap3A_342 {add = true, strides = array<i32>} : memref<176x512xf32, #tpu.memory_space<vmem>>, vector<1x16xf32>,
          %mul3A_343 = vector.broadcast %squeeze3A_335 : f32 to vector<16xf32>
          %mul3A_344 = arith.mulf %mul3A_343, %get3A_135 : vector<16xf32>
          %swap3A_345 = arith.index_cast %sub3A_123 : i32 to index
          %swap3A_346 = arith.constant 400 : index
          %swap3A_347 = tpu.vector_load %arg11[%swap3A_345, %swap3A_346] {strides = array<i32>} : memref<176x512xf32, #tpu.memory_space<vmem>>, vector<1x16xf32>,
          %swap3A_348 = vector.shape_cast %swap3A_347 : vector<1x16xf32> to vector<16xf32>
          %swap3A_349 = vector.shape_cast %mul3A_344 : vector<16xf32> to vector<1x16xf32>
          tpu.vector_store %arg11[%swap3A_345, %swap3A_346], %swap3A_349 {add = true, strides = array<i32>} : memref<176x512xf32, #tpu.memory_space<vmem>>, vector<1x16xf32>,
          %mul3A_350 = vector.broadcast %squeeze3A_335 : f32 to vector<16xf32>
          %mul3A_351 = arith.mulf %mul3A_350, %get3A_139 : vector<16xf32>
          %swap3A_352 = arith.index_cast %sub3A_123 : i32 to index
          %swap3A_353 = arith.constant 416 : index
          %swap3A_354 = tpu.vector_load %arg11[%swap3A_352, %swap3A_353] {strides = array<i32>} : memref<176x512xf32, #tpu.memory_space<vmem>>, vector<1x16xf32>,
          %swap3A_355 = vector.shape_cast %swap3A_354 : vector<1x16xf32> to vector<16xf32>
          %swap3A_356 = vector.shape_cast %mul3A_351 : vector<16xf32> to vector<1x16xf32>
          tpu.vector_store %arg11[%swap3A_352, %swap3A_353], %swap3A_356 {add = true, strides = array<i32>} : memref<176x512xf32, #tpu.memory_space<vmem>>, vector<1x16xf32>,
          %mul3A_357 = vector.broadcast %squeeze3A_335 : f32 to vector<16xf32>
          %mul3A_358 = arith.mulf %mul3A_357, %get3A_143 : vector<16xf32>
          %swap3A_359 = arith.index_cast %sub3A_123 : i32 to index
          %swap3A_360 = arith.constant 432 : index
          %swap3A_361 = tpu.vector_load %arg11[%swap3A_359, %swap3A_360] {strides = array<i32>} : memref<176x512xf32, #tpu.memory_space<vmem>>, vector<1x16xf32>,
          %swap3A_362 = vector.shape_cast %swap3A_361 : vector<1x16xf32> to vector<16xf32>
          %swap3A_363 = vector.shape_cast %mul3A_358 : vector<16xf32> to vector<1x16xf32>
          tpu.vector_store %arg11[%swap3A_359, %swap3A_360], %swap3A_363 {add = true, strides = array<i32>} : memref<176x512xf32, #tpu.memory_space<vmem>>, vector<1x16xf32>,
          %mul3A_364 = vector.broadcast %squeeze3A_335 : f32 to vector<16xf32>
          %mul3A_365 = arith.mulf %mul3A_364, %get3A_147 : vector<16xf32>
          %swap3A_366 = arith.index_cast %sub3A_123 : i32 to index
          %swap3A_367 = arith.constant 448 : index
          %swap3A_368 = tpu.vector_load %arg11[%swap3A_366, %swap3A_367] {strides = array<i32>} : memref<176x512xf32, #tpu.memory_space<vmem>>, vector<1x16xf32>,
          %swap3A_369 = vector.shape_cast %swap3A_368 : vector<1x16xf32> to vector<16xf32>
          %swap3A_370 = vector.shape_cast %mul3A_365 : vector<16xf32> to vector<1x16xf32>
          tpu.vector_store %arg11[%swap3A_366, %swap3A_367], %swap3A_370 {add = true, strides = array<i32>} : memref<176x512xf32, #tpu.memory_space<vmem>>, vector<1x16xf32>,
          %mul3A_371 = vector.broadcast %squeeze3A_335 : f32 to vector<16xf32>
          %mul3A_372 = arith.mulf %mul3A_371, %get3A_151 : vector<16xf32>
          %swap3A_373 = arith.index_cast %sub3A_123 : i32 to index
          %swap3A_374 = arith.constant 464 : index
          %swap3A_375 = tpu.vector_load %arg11[%swap3A_373, %swap3A_374] {strides = array<i32>} : memref<176x512xf32, #tpu.memory_space<vmem>>, vector<1x16xf32>,
          %swap3A_376 = vector.shape_cast %swap3A_375 : vector<1x16xf32> to vector<16xf32>
          %swap3A_377 = vector.shape_cast %mul3A_372 : vector<16xf32> to vector<1x16xf32>
          tpu.vector_store %arg11[%swap3A_373, %swap3A_374], %swap3A_377 {add = true, strides = array<i32>} : memref<176x512xf32, #tpu.memory_space<vmem>>, vector<1x16xf32>,
          %mul3A_378 = vector.broadcast %squeeze3A_335 : f32 to vector<16xf32>
          %mul3A_379 = arith.mulf %mul3A_378, %get3A_155 : vector<16xf32>
          %swap3A_380 = arith.index_cast %sub3A_123 : i32 to index
          %swap3A_381 = arith.constant 480 : index
          %swap3A_382 = tpu.vector_load %arg11[%swap3A_380, %swap3A_381] {strides = array<i32>} : memref<176x512xf32, #tpu.memory_space<vmem>>, vector<1x16xf32>,
          %swap3A_383 = vector.shape_cast %swap3A_382 : vector<1x16xf32> to vector<16xf32>
          %swap3A_384 = vector.shape_cast %mul3A_379 : vector<16xf32> to vector<1x16xf32>
          tpu.vector_store %arg11[%swap3A_380, %swap3A_381], %swap3A_384 {add = true, strides = array<i32>} : memref<176x512xf32, #tpu.memory_space<vmem>>, vector<1x16xf32>,
          %mul3A_385 = vector.broadcast %squeeze3A_335 : f32 to vector<16xf32>
          %mul3A_386 = arith.mulf %mul3A_385, %get3A_159 : vector<16xf32>
          %swap3A_387 = arith.index_cast %sub3A_123 : i32 to index
          %swap3A_388 = arith.constant 496 : index
          %swap3A_389 = tpu.vector_load %arg11[%swap3A_387, %swap3A_388] {strides = array<i32>} : memref<176x512xf32, #tpu.memory_space<vmem>>, vector<1x16xf32>,
          %swap3A_390 = vector.shape_cast %swap3A_389 : vector<1x16xf32> to vector<16xf32>
          %swap3A_391 = vector.shape_cast %mul3A_386 : vector<16xf32> to vector<1x16xf32>
          tpu.vector_store %arg11[%swap3A_387, %swap3A_388], %swap3A_391 {add = true, strides = array<i32>} : memref<176x512xf32, #tpu.memory_space<vmem>>, vector<1x16xf32>,
          %while3A_392 = arith.constant 0 : i32
          scf.yield %while3A_392 : i32
        }
        %while3A_97 = arith.constant 1 : i32
        %while3A_98 = scf.for %while3A_100 = %while3A_94 to %while3A_90 step %while3A_97 iter_args(%while3A_101 = %while3A_96) -> (i32)  : i32 {
          %get3A_102 = arith.index_cast %while3A_100 : i32 to index
          %get3A_103 = arith.constant 0 : index
          %get3A_104 = tpu.vector_load %arg17[%get3A_102, %get3A_103] {strides = array<i32>} : memref<128x16xf32, #tpu.memory_space<vmem>>, vector<1x16xf32>,
          %get3A_105 = vector.shape_cast %get3A_104 : vector<1x16xf32> to vector<16xf32>
          %get3A_106 = arith.index_cast %while3A_100 : i32 to index
          %get3A_107 = arith.constant 0 : index
          %get3A_108 = tpu.vector_load %arg18[%get3A_106, %get3A_107] {strides = array<i32>} : memref<128x16xf32, #tpu.memory_space<vmem>>, vector<1x16xf32>,
          %get3A_109 = vector.shape_cast %get3A_108 : vector<1x16xf32> to vector<16xf32>
          %add3A_110 = arith.addf %get3A_105, %get3A_109 : vector<16xf32>
          %gt3A = arith.constant 0.000000e+00 : f32
          %gt3A_111 = vector.broadcast %gt3A : f32 to vector<16xf32>
          %gt3A_112 = arith.cmpf ogt, %add3A_110, %gt3A_111 : vector<16xf32>
          %mul3A_113 = arith.constant 2.000000e-01 : f32
          %mul3A_114 = vector.broadcast %mul3A_113 : f32 to vector<16xf32>
          %mul3A_115 = arith.mulf %add3A_110, %mul3A_114 : vector<16xf32>
          %select_n3A_116 = arith.select %gt3A_112, %add3A_110, %mul3A_115 : vector<16xi1>, vector<16xf32>
          %sub3A_117 = arith.subf %select_n3A_116, %get3A_2 : vector<16xf32>
          %exp3A = math.exp %sub3A_117 : vector<16xf32>
          %get3A_118 = arith.index_cast %while3A_100 : i32 to index
          %get3A_119 = tpu.vector_load %arg15[%get3A_118] {strides = array<i32>} : memref<144xi32, #tpu.memory_space<vmem>>, vector<16xi32>,
          %get3A_120 = vector.shape_cast %get3A_119 : vector<16xi32> to vector<16xi32>
          %slice3A_121 = vector.extract_strided_slice %get3A_120 {offsets = [0], sizes = [1], strides = [1]} : vector<16xi32> to vector<1xi32>
          %squeeze3A_122 = vector.extract %slice3A_121[0] : i32 from vector<1xi32>
          %sub3A_123 = arith.subi %squeeze3A_122, %mul3A_15 : i32
          %swap3A = arith.index_cast %sub3A_123 : i32 to index
          %swap3A_124 = arith.constant 0 : index
          %swap3A_125 = tpu.vector_load %arg12[%swap3A, %swap3A_124] {strides = array<i32>} : memref<176x16xf32, #tpu.memory_space<vmem>>, vector<1x16xf32>,
          %swap3A_126 = vector.shape_cast %swap3A_125 : vector<1x16xf32> to vector<16xf32>
          %swap3A_127 = vector.shape_cast %exp3A : vector<16xf32> to vector<1x16xf32>
          tpu.vector_store %arg12[%swap3A, %swap3A_124], %swap3A_127 {add = true, strides = array<i32>} : memref<176x16xf32, #tpu.memory_space<vmem>>, vector<1x16xf32>,
          %get3A_128 = arith.index_cast %while3A_100 : i32 to index
          %get3A_129 = arith.constant 0 : index
          %get3A_130 = tpu.vector_load %arg16[%get3A_128, %get3A_129] {strides = array<i32>} : memref<128x128xf32, #tpu.memory_space<vmem>>, vector<1x16xf32>,
          %get3A_131 = vector.shape_cast %get3A_130 : vector<1x16xf32> to vector<16xf32>
          %get3A_132 = arith.index_cast %while3A_100 : i32 to index
          %get3A_133 = arith.constant 16 : index
          %get3A_134 = tpu.vector_load %arg16[%get3A_132, %get3A_133] {strides = array<i32>} : memref<128x128xf32, #tpu.memory_space<vmem>>, vector<1x16xf32>,
          %get3A_135 = vector.shape_cast %get3A_134 : vector<1x16xf32> to vector<16xf32>
          %get3A_136 = arith.index_cast %while3A_100 : i32 to index
          %get3A_137 = arith.constant 32 : index
          %get3A_138 = tpu.vector_load %arg16[%get3A_136, %get3A_137] {strides = array<i32>} : memref<128x128xf32, #tpu.memory_space<vmem>>, vector<1x16xf32>,
          %get3A_139 = vector.shape_cast %get3A_138 : vector<1x16xf32> to vector<16xf32>
          %get3A_140 = arith.index_cast %while3A_100 : i32 to index
          %get3A_141 = arith.constant 48 : index
          %get3A_142 = tpu.vector_load %arg16[%get3A_140, %get3A_141] {strides = array<i32>} : memref<128x128xf32, #tpu.memory_space<vmem>>, vector<1x16xf32>,
          %get3A_143 = vector.shape_cast %get3A_142 : vector<1x16xf32> to vector<16xf32>
          %get3A_144 = arith.index_cast %while3A_100 : i32 to index
          %get3A_145 = arith.constant 64 : index
          %get3A_146 = tpu.vector_load %arg16[%get3A_144, %get3A_145] {strides = array<i32>} : memref<128x128xf32, #tpu.memory_space<vmem>>, vector<1x16xf32>,
          %get3A_147 = vector.shape_cast %get3A_146 : vector<1x16xf32> to vector<16xf32>
          %get3A_148 = arith.index_cast %while3A_100 : i32 to index
          %get3A_149 = arith.constant 80 : index
          %get3A_150 = tpu.vector_load %arg16[%get3A_148, %get3A_149] {strides = array<i32>} : memref<128x128xf32, #tpu.memory_space<vmem>>, vector<1x16xf32>,
          %get3A_151 = vector.shape_cast %get3A_150 : vector<1x16xf32> to vector<16xf32>
          %get3A_152 = arith.index_cast %while3A_100 : i32 to index
          %get3A_153 = arith.constant 96 : index
          %get3A_154 = tpu.vector_load %arg16[%get3A_152, %get3A_153] {strides = array<i32>} : memref<128x128xf32, #tpu.memory_space<vmem>>, vector<1x16xf32>,
          %get3A_155 = vector.shape_cast %get3A_154 : vector<1x16xf32> to vector<16xf32>
          %get3A_156 = arith.index_cast %while3A_100 : i32 to index
          %get3A_157 = arith.constant 112 : index
          %get3A_158 = tpu.vector_load %arg16[%get3A_156, %get3A_157] {strides = array<i32>} : memref<128x128xf32, #tpu.memory_space<vmem>>, vector<1x16xf32>,
          %get3A_159 = vector.shape_cast %get3A_158 : vector<1x16xf32> to vector<16xf32>
          %slice3A_160 = vector.extract_strided_slice %exp3A {offsets = [0], sizes = [1], strides = [1]} : vector<16xf32> to vector<1xf32>
          %squeeze3A_161 = vector.extract %slice3A_160[0] : f32 from vector<1xf32>
          %mul3A_162 = vector.broadcast %squeeze3A_161 : f32 to vector<16xf32>
          %mul3A_163 = arith.mulf %mul3A_162, %get3A_131 : vector<16xf32>
          %swap3A_164 = arith.index_cast %sub3A_123 : i32 to index
          %swap3A_165 = arith.constant 0 : index
          %swap3A_166 = tpu.vector_load %arg11[%swap3A_164, %swap3A_165] {strides = array<i32>} : memref<176x512xf32, #tpu.memory_space<vmem>>, vector<1x16xf32>,
          %swap3A_167 = vector.shape_cast %swap3A_166 : vector<1x16xf32> to vector<16xf32>
          %swap3A_168 = vector.shape_cast %mul3A_163 : vector<16xf32> to vector<1x16xf32>
          tpu.vector_store %arg11[%swap3A_164, %swap3A_165], %swap3A_168 {add = true, strides = array<i32>} : memref<176x512xf32, #tpu.memory_space<vmem>>, vector<1x16xf32>,
          %mul3A_169 = vector.broadcast %squeeze3A_161 : f32 to vector<16xf32>
          %mul3A_170 = arith.mulf %mul3A_169, %get3A_135 : vector<16xf32>
          %swap3A_171 = arith.index_cast %sub3A_123 : i32 to index
          %swap3A_172 = arith.constant 16 : index
          %swap3A_173 = tpu.vector_load %arg11[%swap3A_171, %swap3A_172] {strides = array<i32>} : memref<176x512xf32, #tpu.memory_space<vmem>>, vector<1x16xf32>,
          %swap3A_174 = vector.shape_cast %swap3A_173 : vector<1x16xf32> to vector<16xf32>
          %swap3A_175 = vector.shape_cast %mul3A_170 : vector<16xf32> to vector<1x16xf32>
          tpu.vector_store %arg11[%swap3A_171, %swap3A_172], %swap3A_175 {add = true, strides = array<i32>} : memref<176x512xf32, #tpu.memory_space<vmem>>, vector<1x16xf32>,
          %mul3A_176 = vector.broadcast %squeeze3A_161 : f32 to vector<16xf32>
          %mul3A_177 = arith.mulf %mul3A_176, %get3A_139 : vector<16xf32>
          %swap3A_178 = arith.index_cast %sub3A_123 : i32 to index
          %swap3A_179 = arith.constant 32 : index
          %swap3A_180 = tpu.vector_load %arg11[%swap3A_178, %swap3A_179] {strides = array<i32>} : memref<176x512xf32, #tpu.memory_space<vmem>>, vector<1x16xf32>,
          %swap3A_181 = vector.shape_cast %swap3A_180 : vector<1x16xf32> to vector<16xf32>
          %swap3A_182 = vector.shape_cast %mul3A_177 : vector<16xf32> to vector<1x16xf32>
          tpu.vector_store %arg11[%swap3A_178, %swap3A_179], %swap3A_182 {add = true, strides = array<i32>} : memref<176x512xf32, #tpu.memory_space<vmem>>, vector<1x16xf32>,
          %mul3A_183 = vector.broadcast %squeeze3A_161 : f32 to vector<16xf32>
          %mul3A_184 = arith.mulf %mul3A_183, %get3A_143 : vector<16xf32>
          %swap3A_185 = arith.index_cast %sub3A_123 : i32 to index
          %swap3A_186 = arith.constant 48 : index
          %swap3A_187 = tpu.vector_load %arg11[%swap3A_185, %swap3A_186] {strides = array<i32>} : memref<176x512xf32, #tpu.memory_space<vmem>>, vector<1x16xf32>,
          %swap3A_188 = vector.shape_cast %swap3A_187 : vector<1x16xf32> to vector<16xf32>
          %swap3A_189 = vector.shape_cast %mul3A_184 : vector<16xf32> to vector<1x16xf32>
          tpu.vector_store %arg11[%swap3A_185, %swap3A_186], %swap3A_189 {add = true, strides = array<i32>} : memref<176x512xf32, #tpu.memory_space<vmem>>, vector<1x16xf32>,
          %mul3A_190 = vector.broadcast %squeeze3A_161 : f32 to vector<16xf32>
          %mul3A_191 = arith.mulf %mul3A_190, %get3A_147 : vector<16xf32>
          %swap3A_192 = arith.index_cast %sub3A_123 : i32 to index
          %swap3A_193 = arith.constant 64 : index
          %swap3A_194 = tpu.vector_load %arg11[%swap3A_192, %swap3A_193] {strides = array<i32>} : memref<176x512xf32, #tpu.memory_space<vmem>>, vector<1x16xf32>,
          %swap3A_195 = vector.shape_cast %swap3A_194 : vector<1x16xf32> to vector<16xf32>
          %swap3A_196 = vector.shape_cast %mul3A_191 : vector<16xf32> to vector<1x16xf32>
          tpu.vector_store %arg11[%swap3A_192, %swap3A_193], %swap3A_196 {add = true, strides = array<i32>} : memref<176x512xf32, #tpu.memory_space<vmem>>, vector<1x16xf32>,
          %mul3A_197 = vector.broadcast %squeeze3A_161 : f32 to vector<16xf32>
          %mul3A_198 = arith.mulf %mul3A_197, %get3A_151 : vector<16xf32>
          %swap3A_199 = arith.index_cast %sub3A_123 : i32 to index
          %swap3A_200 = arith.constant 80 : index
          %swap3A_201 = tpu.vector_load %arg11[%swap3A_199, %swap3A_200] {strides = array<i32>} : memref<176x512xf32, #tpu.memory_space<vmem>>, vector<1x16xf32>,
          %swap3A_202 = vector.shape_cast %swap3A_201 : vector<1x16xf32> to vector<16xf32>
          %swap3A_203 = vector.shape_cast %mul3A_198 : vector<16xf32> to vector<1x16xf32>
          tpu.vector_store %arg11[%swap3A_199, %swap3A_200], %swap3A_203 {add = true, strides = array<i32>} : memref<176x512xf32, #tpu.memory_space<vmem>>, vector<1x16xf32>,
          %mul3A_204 = vector.broadcast %squeeze3A_161 : f32 to vector<16xf32>
          %mul3A_205 = arith.mulf %mul3A_204, %get3A_155 : vector<16xf32>
          %swap3A_206 = arith.index_cast %sub3A_123 : i32 to index
          %swap3A_207 = arith.constant 96 : index
          %swap3A_208 = tpu.vector_load %arg11[%swap3A_206, %swap3A_207] {strides = array<i32>} : memref<176x512xf32, #tpu.memory_space<vmem>>, vector<1x16xf32>,
          %swap3A_209 = vector.shape_cast %swap3A_208 : vector<1x16xf32> to vector<16xf32>
          %swap3A_210 = vector.shape_cast %mul3A_205 : vector<16xf32> to vector<1x16xf32>
          tpu.vector_store %arg11[%swap3A_206, %swap3A_207], %swap3A_210 {add = true, strides = array<i32>} : memref<176x512xf32, #tpu.memory_space<vmem>>, vector<1x16xf32>,
          %mul3A_211 = vector.broadcast %squeeze3A_161 : f32 to vector<16xf32>
          %mul3A_212 = arith.mulf %mul3A_211, %get3A_159 : vector<16xf32>
          %swap3A_213 = arith.index_cast %sub3A_123 : i32 to index
          %swap3A_214 = arith.constant 112 : index
          %swap3A_215 = tpu.vector_load %arg11[%swap3A_213, %swap3A_214] {strides = array<i32>} : memref<176x512xf32, #tpu.memory_space<vmem>>, vector<1x16xf32>,
          %swap3A_216 = vector.shape_cast %swap3A_215 : vector<1x16xf32> to vector<16xf32>
          %swap3A_217 = vector.shape_cast %mul3A_212 : vector<16xf32> to vector<1x16xf32>
          tpu.vector_store %arg11[%swap3A_213, %swap3A_214], %swap3A_217 {add = true, strides = array<i32>} : memref<176x512xf32, #tpu.memory_space<vmem>>, vector<1x16xf32>,
          %slice3A_218 = vector.extract_strided_slice %exp3A {offsets = [1], sizes = [1], strides = [1]} : vector<16xf32> to vector<1xf32>
          %squeeze3A_219 = vector.extract %slice3A_218[0] : f32 from vector<1xf32>
          %mul3A_220 = vector.broadcast %squeeze3A_219 : f32 to vector<16xf32>
          %mul3A_221 = arith.mulf %mul3A_220, %get3A_131 : vector<16xf32>
          %swap3A_222 = arith.index_cast %sub3A_123 : i32 to index
          %swap3A_223 = arith.constant 128 : index
          %swap3A_224 = tpu.vector_load %arg11[%swap3A_222, %swap3A_223] {strides = array<i32>} : memref<176x512xf32, #tpu.memory_space<vmem>>, vector<1x16xf32>,
          %swap3A_225 = vector.shape_cast %swap3A_224 : vector<1x16xf32> to vector<16xf32>
          %swap3A_226 = vector.shape_cast %mul3A_221 : vector<16xf32> to vector<1x16xf32>
          tpu.vector_store %arg11[%swap3A_222, %swap3A_223], %swap3A_226 {add = true, strides = array<i32>} : memref<176x512xf32, #tpu.memory_space<vmem>>, vector<1x16xf32>,
          %mul3A_227 = vector.broadcast %squeeze3A_219 : f32 to vector<16xf32>
          %mul3A_228 = arith.mulf %mul3A_227, %get3A_135 : vector<16xf32>
          %swap3A_229 = arith.index_cast %sub3A_123 : i32 to index
          %swap3A_230 = arith.constant 144 : index
          %swap3A_231 = tpu.vector_load %arg11[%swap3A_229, %swap3A_230] {strides = array<i32>} : memref<176x512xf32, #tpu.memory_space<vmem>>, vector<1x16xf32>,
          %swap3A_232 = vector.shape_cast %swap3A_231 : vector<1x16xf32> to vector<16xf32>
          %swap3A_233 = vector.shape_cast %mul3A_228 : vector<16xf32> to vector<1x16xf32>
          tpu.vector_store %arg11[%swap3A_229, %swap3A_230], %swap3A_233 {add = true, strides = array<i32>} : memref<176x512xf32, #tpu.memory_space<vmem>>, vector<1x16xf32>,
          %mul3A_234 = vector.broadcast %squeeze3A_219 : f32 to vector<16xf32>
          %mul3A_235 = arith.mulf %mul3A_234, %get3A_139 : vector<16xf32>
          %swap3A_236 = arith.index_cast %sub3A_123 : i32 to index
          %swap3A_237 = arith.constant 160 : index
          %swap3A_238 = tpu.vector_load %arg11[%swap3A_236, %swap3A_237] {strides = array<i32>} : memref<176x512xf32, #tpu.memory_space<vmem>>, vector<1x16xf32>,
          %swap3A_239 = vector.shape_cast %swap3A_238 : vector<1x16xf32> to vector<16xf32>
          %swap3A_240 = vector.shape_cast %mul3A_235 : vector<16xf32> to vector<1x16xf32>
          tpu.vector_store %arg11[%swap3A_236, %swap3A_237], %swap3A_240 {add = true, strides = array<i32>} : memref<176x512xf32, #tpu.memory_space<vmem>>, vector<1x16xf32>,
          %mul3A_241 = vector.broadcast %squeeze3A_219 : f32 to vector<16xf32>
          %mul3A_242 = arith.mulf %mul3A_241, %get3A_143 : vector<16xf32>
          %swap3A_243 = arith.index_cast %sub3A_123 : i32 to index
          %swap3A_244 = arith.constant 176 : index
          %swap3A_245 = tpu.vector_load %arg11[%swap3A_243, %swap3A_244] {strides = array<i32>} : memref<176x512xf32, #tpu.memory_space<vmem>>, vector<1x16xf32>,
          %swap3A_246 = vector.shape_cast %swap3A_245 : vector<1x16xf32> to vector<16xf32>
          %swap3A_247 = vector.shape_cast %mul3A_242 : vector<16xf32> to vector<1x16xf32>
          tpu.vector_store %arg11[%swap3A_243, %swap3A_244], %swap3A_247 {add = true, strides = array<i32>} : memref<176x512xf32, #tpu.memory_space<vmem>>, vector<1x16xf32>,
          %mul3A_248 = vector.broadcast %squeeze3A_219 : f32 to vector<16xf32>
          %mul3A_249 = arith.mulf %mul3A_248, %get3A_147 : vector<16xf32>
          %swap3A_250 = arith.index_cast %sub3A_123 : i32 to index
          %swap3A_251 = arith.constant 192 : index
          %swap3A_252 = tpu.vector_load %arg11[%swap3A_250, %swap3A_251] {strides = array<i32>} : memref<176x512xf32, #tpu.memory_space<vmem>>, vector<1x16xf32>,
          %swap3A_253 = vector.shape_cast %swap3A_252 : vector<1x16xf32> to vector<16xf32>
          %swap3A_254 = vector.shape_cast %mul3A_249 : vector<16xf32> to vector<1x16xf32>
          tpu.vector_store %arg11[%swap3A_250, %swap3A_251], %swap3A_254 {add = true, strides = array<i32>} : memref<176x512xf32, #tpu.memory_space<vmem>>, vector<1x16xf32>,
          %mul3A_255 = vector.broadcast %squeeze3A_219 : f32 to vector<16xf32>
          %mul3A_256 = arith.mulf %mul3A_255, %get3A_151 : vector<16xf32>
          %swap3A_257 = arith.index_cast %sub3A_123 : i32 to index
          %swap3A_258 = arith.constant 208 : index
          %swap3A_259 = tpu.vector_load %arg11[%swap3A_257, %swap3A_258] {strides = array<i32>} : memref<176x512xf32, #tpu.memory_space<vmem>>, vector<1x16xf32>,
          %swap3A_260 = vector.shape_cast %swap3A_259 : vector<1x16xf32> to vector<16xf32>
          %swap3A_261 = vector.shape_cast %mul3A_256 : vector<16xf32> to vector<1x16xf32>
          tpu.vector_store %arg11[%swap3A_257, %swap3A_258], %swap3A_261 {add = true, strides = array<i32>} : memref<176x512xf32, #tpu.memory_space<vmem>>, vector<1x16xf32>,
          %mul3A_262 = vector.broadcast %squeeze3A_219 : f32 to vector<16xf32>
          %mul3A_263 = arith.mulf %mul3A_262, %get3A_155 : vector<16xf32>
          %swap3A_264 = arith.index_cast %sub3A_123 : i32 to index
          %swap3A_265 = arith.constant 224 : index
          %swap3A_266 = tpu.vector_load %arg11[%swap3A_264, %swap3A_265] {strides = array<i32>} : memref<176x512xf32, #tpu.memory_space<vmem>>, vector<1x16xf32>,
          %swap3A_267 = vector.shape_cast %swap3A_266 : vector<1x16xf32> to vector<16xf32>
          %swap3A_268 = vector.shape_cast %mul3A_263 : vector<16xf32> to vector<1x16xf32>
          tpu.vector_store %arg11[%swap3A_264, %swap3A_265], %swap3A_268 {add = true, strides = array<i32>} : memref<176x512xf32, #tpu.memory_space<vmem>>, vector<1x16xf32>,
          %mul3A_269 = vector.broadcast %squeeze3A_219 : f32 to vector<16xf32>
          %mul3A_270 = arith.mulf %mul3A_269, %get3A_159 : vector<16xf32>
          %swap3A_271 = arith.index_cast %sub3A_123 : i32 to index
          %swap3A_272 = arith.constant 240 : index
          %swap3A_273 = tpu.vector_load %arg11[%swap3A_271, %swap3A_272] {strides = array<i32>} : memref<176x512xf32, #tpu.memory_space<vmem>>, vector<1x16xf32>,
          %swap3A_274 = vector.shape_cast %swap3A_273 : vector<1x16xf32> to vector<16xf32>
          %swap3A_275 = vector.shape_cast %mul3A_270 : vector<16xf32> to vector<1x16xf32>
          tpu.vector_store %arg11[%swap3A_271, %swap3A_272], %swap3A_275 {add = true, strides = array<i32>} : memref<176x512xf32, #tpu.memory_space<vmem>>, vector<1x16xf32>,
          %slice3A_276 = vector.extract_strided_slice %exp3A {offsets = [2], sizes = [1], strides = [1]} : vector<16xf32> to vector<1xf32>
          %squeeze3A_277 = vector.extract %slice3A_276[0] : f32 from vector<1xf32>
          %mul3A_278 = vector.broadcast %squeeze3A_277 : f32 to vector<16xf32>
          %mul3A_279 = arith.mulf %mul3A_278, %get3A_131 : vector<16xf32>
          %swap3A_280 = arith.index_cast %sub3A_123 : i32 to index
          %swap3A_281 = arith.constant 256 : index
          %swap3A_282 = tpu.vector_load %arg11[%swap3A_280, %swap3A_281] {strides = array<i32>} : memref<176x512xf32, #tpu.memory_space<vmem>>, vector<1x16xf32>,
          %swap3A_283 = vector.shape_cast %swap3A_282 : vector<1x16xf32> to vector<16xf32>
          %swap3A_284 = vector.shape_cast %mul3A_279 : vector<16xf32> to vector<1x16xf32>
          tpu.vector_store %arg11[%swap3A_280, %swap3A_281], %swap3A_284 {add = true, strides = array<i32>} : memref<176x512xf32, #tpu.memory_space<vmem>>, vector<1x16xf32>,
          %mul3A_285 = vector.broadcast %squeeze3A_277 : f32 to vector<16xf32>
          %mul3A_286 = arith.mulf %mul3A_285, %get3A_135 : vector<16xf32>
          %swap3A_287 = arith.index_cast %sub3A_123 : i32 to index
          %swap3A_288 = arith.constant 272 : index
          %swap3A_289 = tpu.vector_load %arg11[%swap3A_287, %swap3A_288] {strides = array<i32>} : memref<176x512xf32, #tpu.memory_space<vmem>>, vector<1x16xf32>,
          %swap3A_290 = vector.shape_cast %swap3A_289 : vector<1x16xf32> to vector<16xf32>
          %swap3A_291 = vector.shape_cast %mul3A_286 : vector<16xf32> to vector<1x16xf32>
          tpu.vector_store %arg11[%swap3A_287, %swap3A_288], %swap3A_291 {add = true, strides = array<i32>} : memref<176x512xf32, #tpu.memory_space<vmem>>, vector<1x16xf32>,
          %mul3A_292 = vector.broadcast %squeeze3A_277 : f32 to vector<16xf32>
          %mul3A_293 = arith.mulf %mul3A_292, %get3A_139 : vector<16xf32>
          %swap3A_294 = arith.index_cast %sub3A_123 : i32 to index
          %swap3A_295 = arith.constant 288 : index
          %swap3A_296 = tpu.vector_load %arg11[%swap3A_294, %swap3A_295] {strides = array<i32>} : memref<176x512xf32, #tpu.memory_space<vmem>>, vector<1x16xf32>,
          %swap3A_297 = vector.shape_cast %swap3A_296 : vector<1x16xf32> to vector<16xf32>
          %swap3A_298 = vector.shape_cast %mul3A_293 : vector<16xf32> to vector<1x16xf32>
          tpu.vector_store %arg11[%swap3A_294, %swap3A_295], %swap3A_298 {add = true, strides = array<i32>} : memref<176x512xf32, #tpu.memory_space<vmem>>, vector<1x16xf32>,
          %mul3A_299 = vector.broadcast %squeeze3A_277 : f32 to vector<16xf32>
          %mul3A_300 = arith.mulf %mul3A_299, %get3A_143 : vector<16xf32>
          %swap3A_301 = arith.index_cast %sub3A_123 : i32 to index
          %swap3A_302 = arith.constant 304 : index
          %swap3A_303 = tpu.vector_load %arg11[%swap3A_301, %swap3A_302] {strides = array<i32>} : memref<176x512xf32, #tpu.memory_space<vmem>>, vector<1x16xf32>,
          %swap3A_304 = vector.shape_cast %swap3A_303 : vector<1x16xf32> to vector<16xf32>
          %swap3A_305 = vector.shape_cast %mul3A_300 : vector<16xf32> to vector<1x16xf32>
          tpu.vector_store %arg11[%swap3A_301, %swap3A_302], %swap3A_305 {add = true, strides = array<i32>} : memref<176x512xf32, #tpu.memory_space<vmem>>, vector<1x16xf32>,
          %mul3A_306 = vector.broadcast %squeeze3A_277 : f32 to vector<16xf32>
          %mul3A_307 = arith.mulf %mul3A_306, %get3A_147 : vector<16xf32>
          %swap3A_308 = arith.index_cast %sub3A_123 : i32 to index
          %swap3A_309 = arith.constant 320 : index
          %swap3A_310 = tpu.vector_load %arg11[%swap3A_308, %swap3A_309] {strides = array<i32>} : memref<176x512xf32, #tpu.memory_space<vmem>>, vector<1x16xf32>,
          %swap3A_311 = vector.shape_cast %swap3A_310 : vector<1x16xf32> to vector<16xf32>
          %swap3A_312 = vector.shape_cast %mul3A_307 : vector<16xf32> to vector<1x16xf32>
          tpu.vector_store %arg11[%swap3A_308, %swap3A_309], %swap3A_312 {add = true, strides = array<i32>} : memref<176x512xf32, #tpu.memory_space<vmem>>, vector<1x16xf32>,
          %mul3A_313 = vector.broadcast %squeeze3A_277 : f32 to vector<16xf32>
          %mul3A_314 = arith.mulf %mul3A_313, %get3A_151 : vector<16xf32>
          %swap3A_315 = arith.index_cast %sub3A_123 : i32 to index
          %swap3A_316 = arith.constant 336 : index
          %swap3A_317 = tpu.vector_load %arg11[%swap3A_315, %swap3A_316] {strides = array<i32>} : memref<176x512xf32, #tpu.memory_space<vmem>>, vector<1x16xf32>,
          %swap3A_318 = vector.shape_cast %swap3A_317 : vector<1x16xf32> to vector<16xf32>
          %swap3A_319 = vector.shape_cast %mul3A_314 : vector<16xf32> to vector<1x16xf32>
          tpu.vector_store %arg11[%swap3A_315, %swap3A_316], %swap3A_319 {add = true, strides = array<i32>} : memref<176x512xf32, #tpu.memory_space<vmem>>, vector<1x16xf32>,
          %mul3A_320 = vector.broadcast %squeeze3A_277 : f32 to vector<16xf32>
          %mul3A_321 = arith.mulf %mul3A_320, %get3A_155 : vector<16xf32>
          %swap3A_322 = arith.index_cast %sub3A_123 : i32 to index
          %swap3A_323 = arith.constant 352 : index
          %swap3A_324 = tpu.vector_load %arg11[%swap3A_322, %swap3A_323] {strides = array<i32>} : memref<176x512xf32, #tpu.memory_space<vmem>>, vector<1x16xf32>,
          %swap3A_325 = vector.shape_cast %swap3A_324 : vector<1x16xf32> to vector<16xf32>
          %swap3A_326 = vector.shape_cast %mul3A_321 : vector<16xf32> to vector<1x16xf32>
          tpu.vector_store %arg11[%swap3A_322, %swap3A_323], %swap3A_326 {add = true, strides = array<i32>} : memref<176x512xf32, #tpu.memory_space<vmem>>, vector<1x16xf32>,
          %mul3A_327 = vector.broadcast %squeeze3A_277 : f32 to vector<16xf32>
          %mul3A_328 = arith.mulf %mul3A_327, %get3A_159 : vector<16xf32>
          %swap3A_329 = arith.index_cast %sub3A_123 : i32 to index
          %swap3A_330 = arith.constant 368 : index
          %swap3A_331 = tpu.vector_load %arg11[%swap3A_329, %swap3A_330] {strides = array<i32>} : memref<176x512xf32, #tpu.memory_space<vmem>>, vector<1x16xf32>,
          %swap3A_332 = vector.shape_cast %swap3A_331 : vector<1x16xf32> to vector<16xf32>
          %swap3A_333 = vector.shape_cast %mul3A_328 : vector<16xf32> to vector<1x16xf32>
          tpu.vector_store %arg11[%swap3A_329, %swap3A_330], %swap3A_333 {add = true, strides = array<i32>} : memref<176x512xf32, #tpu.memory_space<vmem>>, vector<1x16xf32>,
          %slice3A_334 = vector.extract_strided_slice %exp3A {offsets = [3], sizes = [1], strides = [1]} : vector<16xf32> to vector<1xf32>
          %squeeze3A_335 = vector.extract %slice3A_334[0] : f32 from vector<1xf32>
          %mul3A_336 = vector.broadcast %squeeze3A_335 : f32 to vector<16xf32>
          %mul3A_337 = arith.mulf %mul3A_336, %get3A_131 : vector<16xf32>
          %swap3A_338 = arith.index_cast %sub3A_123 : i32 to index
          %swap3A_339 = arith.constant 384 : index
          %swap3A_340 = tpu.vector_load %arg11[%swap3A_338, %swap3A_339] {strides = array<i32>} : memref<176x512xf32, #tpu.memory_space<vmem>>, vector<1x16xf32>,
          %swap3A_341 = vector.shape_cast %swap3A_340 : vector<1x16xf32> to vector<16xf32>
          %swap3A_342 = vector.shape_cast %mul3A_337 : vector<16xf32> to vector<1x16xf32>
          tpu.vector_store %arg11[%swap3A_338, %swap3A_339], %swap3A_342 {add = true, strides = array<i32>} : memref<176x512xf32, #tpu.memory_space<vmem>>, vector<1x16xf32>,
          %mul3A_343 = vector.broadcast %squeeze3A_335 : f32 to vector<16xf32>
          %mul3A_344 = arith.mulf %mul3A_343, %get3A_135 : vector<16xf32>
          %swap3A_345 = arith.index_cast %sub3A_123 : i32 to index
          %swap3A_346 = arith.constant 400 : index
          %swap3A_347 = tpu.vector_load %arg11[%swap3A_345, %swap3A_346] {strides = array<i32>} : memref<176x512xf32, #tpu.memory_space<vmem>>, vector<1x16xf32>,
          %swap3A_348 = vector.shape_cast %swap3A_347 : vector<1x16xf32> to vector<16xf32>
          %swap3A_349 = vector.shape_cast %mul3A_344 : vector<16xf32> to vector<1x16xf32>
          tpu.vector_store %arg11[%swap3A_345, %swap3A_346], %swap3A_349 {add = true, strides = array<i32>} : memref<176x512xf32, #tpu.memory_space<vmem>>, vector<1x16xf32>,
          %mul3A_350 = vector.broadcast %squeeze3A_335 : f32 to vector<16xf32>
          %mul3A_351 = arith.mulf %mul3A_350, %get3A_139 : vector<16xf32>
          %swap3A_352 = arith.index_cast %sub3A_123 : i32 to index
          %swap3A_353 = arith.constant 416 : index
          %swap3A_354 = tpu.vector_load %arg11[%swap3A_352, %swap3A_353] {strides = array<i32>} : memref<176x512xf32, #tpu.memory_space<vmem>>, vector<1x16xf32>,
          %swap3A_355 = vector.shape_cast %swap3A_354 : vector<1x16xf32> to vector<16xf32>
          %swap3A_356 = vector.shape_cast %mul3A_351 : vector<16xf32> to vector<1x16xf32>
          tpu.vector_store %arg11[%swap3A_352, %swap3A_353], %swap3A_356 {add = true, strides = array<i32>} : memref<176x512xf32, #tpu.memory_space<vmem>>, vector<1x16xf32>,
          %mul3A_357 = vector.broadcast %squeeze3A_335 : f32 to vector<16xf32>
          %mul3A_358 = arith.mulf %mul3A_357, %get3A_143 : vector<16xf32>
          %swap3A_359 = arith.index_cast %sub3A_123 : i32 to index
          %swap3A_360 = arith.constant 432 : index
          %swap3A_361 = tpu.vector_load %arg11[%swap3A_359, %swap3A_360] {strides = array<i32>} : memref<176x512xf32, #tpu.memory_space<vmem>>, vector<1x16xf32>,
          %swap3A_362 = vector.shape_cast %swap3A_361 : vector<1x16xf32> to vector<16xf32>
          %swap3A_363 = vector.shape_cast %mul3A_358 : vector<16xf32> to vector<1x16xf32>
          tpu.vector_store %arg11[%swap3A_359, %swap3A_360], %swap3A_363 {add = true, strides = array<i32>} : memref<176x512xf32, #tpu.memory_space<vmem>>, vector<1x16xf32>,
          %mul3A_364 = vector.broadcast %squeeze3A_335 : f32 to vector<16xf32>
          %mul3A_365 = arith.mulf %mul3A_364, %get3A_147 : vector<16xf32>
          %swap3A_366 = arith.index_cast %sub3A_123 : i32 to index
          %swap3A_367 = arith.constant 448 : index
          %swap3A_368 = tpu.vector_load %arg11[%swap3A_366, %swap3A_367] {strides = array<i32>} : memref<176x512xf32, #tpu.memory_space<vmem>>, vector<1x16xf32>,
          %swap3A_369 = vector.shape_cast %swap3A_368 : vector<1x16xf32> to vector<16xf32>
          %swap3A_370 = vector.shape_cast %mul3A_365 : vector<16xf32> to vector<1x16xf32>
          tpu.vector_store %arg11[%swap3A_366, %swap3A_367], %swap3A_370 {add = true, strides = array<i32>} : memref<176x512xf32, #tpu.memory_space<vmem>>, vector<1x16xf32>,
          %mul3A_371 = vector.broadcast %squeeze3A_335 : f32 to vector<16xf32>
          %mul3A_372 = arith.mulf %mul3A_371, %get3A_151 : vector<16xf32>
          %swap3A_373 = arith.index_cast %sub3A_123 : i32 to index
          %swap3A_374 = arith.constant 464 : index
          %swap3A_375 = tpu.vector_load %arg11[%swap3A_373, %swap3A_374] {strides = array<i32>} : memref<176x512xf32, #tpu.memory_space<vmem>>, vector<1x16xf32>,
          %swap3A_376 = vector.shape_cast %swap3A_375 : vector<1x16xf32> to vector<16xf32>
          %swap3A_377 = vector.shape_cast %mul3A_372 : vector<16xf32> to vector<1x16xf32>
          tpu.vector_store %arg11[%swap3A_373, %swap3A_374], %swap3A_377 {add = true, strides = array<i32>} : memref<176x512xf32, #tpu.memory_space<vmem>>, vector<1x16xf32>,
          %mul3A_378 = vector.broadcast %squeeze3A_335 : f32 to vector<16xf32>
          %mul3A_379 = arith.mulf %mul3A_378, %get3A_155 : vector<16xf32>
          %swap3A_380 = arith.index_cast %sub3A_123 : i32 to index
          %swap3A_381 = arith.constant 480 : index
          %swap3A_382 = tpu.vector_load %arg11[%swap3A_380, %swap3A_381] {strides = array<i32>} : memref<176x512xf32, #tpu.memory_space<vmem>>, vector<1x16xf32>,
          %swap3A_383 = vector.shape_cast %swap3A_382 : vector<1x16xf32> to vector<16xf32>
          %swap3A_384 = vector.shape_cast %mul3A_379 : vector<16xf32> to vector<1x16xf32>
          tpu.vector_store %arg11[%swap3A_380, %swap3A_381], %swap3A_384 {add = true, strides = array<i32>} : memref<176x512xf32, #tpu.memory_space<vmem>>, vector<1x16xf32>,
          %mul3A_385 = vector.broadcast %squeeze3A_335 : f32 to vector<16xf32>
          %mul3A_386 = arith.mulf %mul3A_385, %get3A_159 : vector<16xf32>
          %swap3A_387 = arith.index_cast %sub3A_123 : i32 to index
          %swap3A_388 = arith.constant 496 : index
          %swap3A_389 = tpu.vector_load %arg11[%swap3A_387, %swap3A_388] {strides = array<i32>} : memref<176x512xf32, #tpu.memory_space<vmem>>, vector<1x16xf32>,
          %swap3A_390 = vector.shape_cast %swap3A_389 : vector<1x16xf32> to vector<16xf32>
          %swap3A_391 = vector.shape_cast %mul3A_386 : vector<16xf32> to vector<1x16xf32>
          tpu.vector_store %arg11[%swap3A_387, %swap3A_388], %swap3A_391 {add = true, strides = array<i32>} : memref<176x512xf32, #tpu.memory_space<vmem>>, vector<1x16xf32>,
          %while3A_392 = arith.constant 0 : i32
          scf.yield %while3A_392 : i32
        }
        %while3A_99 = arith.constant 0 : i32
        scf.yield %while3A_99 : i32
      }
      "tpu.region"() ({
        %run_scoped3A = tpu.sem_alloc : memref<!tpu.dma_semaphore, #tpu.memory_space<semaphore_mem>>
        %dma_start3A = arith.constant 0 : i32
        %dma_start3A_62 = tpu.memref_slice %arg9[%mul3A_15, %dma_start3A] : memref<50688x512xf32, #tpu.memory_space<hbm>> -> memref<176x512xf32, #tpu.memory_space<hbm>>
        %dma_start3A_63 = arith.constant 0 : i32
        %dma_start3A_64 = tpu.memref_slice %arg9[%mul3A_15, %dma_start3A_63] : memref<50688x512xf32, #tpu.memory_space<hbm>> -> memref<176x512xf32, #tpu.memory_space<hbm>>
        tpu.enqueue_dma source(%arg11 : memref<176x512xf32, #tpu.memory_space<vmem>>) target(%dma_start3A_64 : memref<176x512xf32, #tpu.memory_space<hbm>>) target_semaphore(%run_scoped3A : memref<!tpu.dma_semaphore, #tpu.memory_space<semaphore_mem>>)
        %dma_wait3A = arith.constant 0 : i32
        %dma_wait3A_65 = tpu.memref_slice %arg9[%mul3A_15, %dma_wait3A] : memref<50688x512xf32, #tpu.memory_space<hbm>> -> memref<176x512xf32, #tpu.memory_space<hbm>>
        %dma_wait3A_66 = arith.constant 0 : i32
        %dma_wait3A_67 = tpu.memref_slice %arg9[%mul3A_15, %dma_wait3A_66] : memref<50688x512xf32, #tpu.memory_space<hbm>> -> memref<176x512xf32, #tpu.memory_space<hbm>>
        tpu.wait_dma2 semaphore(%run_scoped3A : memref<!tpu.dma_semaphore, #tpu.memory_space<semaphore_mem>>) src(%arg11 : memref<176x512xf32, #tpu.memory_space<vmem>>) dst(%dma_wait3A_67 : memref<176x512xf32, #tpu.memory_space<hbm>>)
        tpu.yield
      }) : () -> ()
      "tpu.region"() ({
        %run_scoped3A = tpu.sem_alloc : memref<!tpu.dma_semaphore, #tpu.memory_space<semaphore_mem>>
        %dma_start3A = arith.constant 0 : i32
        %dma_start3A_62 = tpu.memref_slice %arg10[%mul3A_15, %dma_start3A] : memref<50688x16xf32, #tpu.memory_space<hbm>> -> memref<176x16xf32, #tpu.memory_space<hbm>>
        %dma_start3A_63 = arith.constant 0 : i32
        %dma_start3A_64 = tpu.memref_slice %arg10[%mul3A_15, %dma_start3A_63] : memref<50688x16xf32, #tpu.memory_space<hbm>> -> memref<176x16xf32, #tpu.memory_space<hbm>>
        tpu.enqueue_dma source(%arg12 : memref<176x16xf32, #tpu.memory_space<vmem>>) target(%dma_start3A_64 : memref<176x16xf32, #tpu.memory_space<hbm>>) target_semaphore(%run_scoped3A : memref<!tpu.dma_semaphore, #tpu.memory_space<semaphore_mem>>)
        %dma_wait3A = arith.constant 0 : i32
        %dma_wait3A_65 = tpu.memref_slice %arg10[%mul3A_15, %dma_wait3A] : memref<50688x16xf32, #tpu.memory_space<hbm>> -> memref<176x16xf32, #tpu.memory_space<hbm>>
        %dma_wait3A_66 = arith.constant 0 : i32
        %dma_wait3A_67 = tpu.memref_slice %arg10[%mul3A_15, %dma_wait3A_66] : memref<50688x16xf32, #tpu.memory_space<hbm>> -> memref<176x16xf32, #tpu.memory_space<hbm>>
        tpu.wait_dma2 semaphore(%run_scoped3A : memref<!tpu.dma_semaphore, #tpu.memory_space<semaphore_mem>>) src(%arg12 : memref<176x16xf32, #tpu.memory_space<vmem>>) dst(%dma_wait3A_67 : memref<176x16xf32, #tpu.memory_space<hbm>>)
        tpu.yield
      }) : () -> ()
      %scan3A_61 = arith.constant 0 : i32
      scf.yield %scan3A_61 : i32
    }
    %scan3A_8 = arith.constant 9 : i32
    return
  }
}

#map = affine_map<(d0, d1) -> (0, 0)>
#map1 = affine_map<(d0, d1) -> (0)>
module attributes {stable_mosaic.version = 14 : i64} {
  func.func @k(%arg0: i32, %arg1: i32, %arg2: memref<50000x128xf32, #tpu.memory_space<hbm>>, %arg3: memref<50000x16xf32, #tpu.memory_space<hbm>>, %arg4: memref<50000x16xf32, #tpu.memory_space<hbm>>, %arg5: memref<800128xi32, #tpu.memory_space<hbm>>, %arg6: memref<800128xi32, #tpu.memory_space<hbm>>, %arg7: memref<104xi32, #tpu.memory_space<hbm>>, %arg8: memref<16xf32, #tpu.memory_space<hbm>>, %arg9: memref<50688x128xf32, #tpu.memory_space<hbm>>, %arg10: memref<50688x16xf32, #tpu.memory_space<hbm>>, %arg11: memref<528x128xf32, #tpu.memory_space<vmem>>, %arg12: memref<528x16xf32, #tpu.memory_space<vmem>>, %arg13: memref<128xi32, #tpu.memory_space<vmem>>, %arg14: memref<128xi32, #tpu.memory_space<vmem>>, %arg15: memref<144xi32, #tpu.memory_space<vmem>>, %arg16: memref<128x128xf32, #tpu.memory_space<vmem>>, %arg17: memref<128x16xf32, #tpu.memory_space<vmem>>, %arg18: memref<128x16xf32, #tpu.memory_space<vmem>>, %arg19: memref<120xi32, #tpu.memory_space<vmem>>, %arg20: memref<16xf32, #tpu.memory_space<vmem>>, %arg21: memref<!tpu.dma_semaphore, #tpu.memory_space<semaphore_mem>>) attributes {dimension_semantics = [#tpu.dimension_semantics<core_parallel>, #tpu.dimension_semantics<subcore_parallel>], iteration_bounds = array<i64: 2, 16>, scalar_prefetch = 0 : i64, scratch_operands = 11 : i64, tpu.core_type = #tpu.core_type<sc_vector_subcore>, window_params = [{transform_indices = #map}, {transform_indices = #map}, {transform_indices = #map}, {transform_indices = #map1}, {transform_indices = #map1}, {transform_indices = #map1}, {transform_indices = #map1}, {transform_indices = #map}, {transform_indices = #map}]} {
    %mul3A = arith.constant 2 : i32
    %mul3A_0 = arith.muli %arg1, %mul3A : i32
    %add3A = arith.addi %mul3A_0, %arg0 : i32
    "tpu.region"() ({
      %run_scoped3A = tpu.sem_alloc : memref<!tpu.dma_semaphore, #tpu.memory_space<semaphore_mem>>
      %dma_start3A = arith.constant 0 : i32
      %dma_start3A_9 = tpu.memref_slice %arg19[%dma_start3A] : memref<120xi32, #tpu.memory_space<vmem>> -> memref<104xi32, #tpu.memory_space<vmem>>
      %dma_start3A_10 = arith.constant 0 : i32
      %dma_start3A_11 = tpu.memref_slice %arg19[%dma_start3A_10] : memref<120xi32, #tpu.memory_space<vmem>> -> memref<104xi32, #tpu.memory_space<vmem>>
      tpu.enqueue_dma source(%arg7 : memref<104xi32, #tpu.memory_space<hbm>>) target(%dma_start3A_11 : memref<104xi32, #tpu.memory_space<vmem>>) target_semaphore(%run_scoped3A : memref<!tpu.dma_semaphore, #tpu.memory_space<semaphore_mem>>)
      %dma_wait3A = arith.constant 0 : i32
      %dma_wait3A_12 = tpu.memref_slice %arg19[%dma_wait3A] : memref<120xi32, #tpu.memory_space<vmem>> -> memref<104xi32, #tpu.memory_space<vmem>>
      %dma_wait3A_13 = arith.constant 0 : i32
      %dma_wait3A_14 = tpu.memref_slice %arg19[%dma_wait3A_13] : memref<120xi32, #tpu.memory_space<vmem>> -> memref<104xi32, #tpu.memory_space<vmem>>
      tpu.wait_dma2 semaphore(%run_scoped3A : memref<!tpu.dma_semaphore, #tpu.memory_space<semaphore_mem>>) src(%arg7 : memref<104xi32, #tpu.memory_space<hbm>>) dst(%dma_wait3A_14 : memref<104xi32, #tpu.memory_space<vmem>>)
      tpu.yield
    }) : () -> ()
    "tpu.region"() ({
      %run_scoped3A = tpu.sem_alloc : memref<!tpu.dma_semaphore, #tpu.memory_space<semaphore_mem>>
      tpu.enqueue_dma source(%arg8 : memref<16xf32, #tpu.memory_space<hbm>>) target(%arg20 : memref<16xf32, #tpu.memory_space<vmem>>) target_semaphore(%run_scoped3A : memref<!tpu.dma_semaphore, #tpu.memory_space<semaphore_mem>>)
      tpu.wait_dma2 semaphore(%run_scoped3A : memref<!tpu.dma_semaphore, #tpu.memory_space<semaphore_mem>>) src(%arg8 : memref<16xf32, #tpu.memory_space<hbm>>) dst(%arg20 : memref<16xf32, #tpu.memory_space<vmem>>)
      tpu.yield
    }) : () -> ()
    %get3A = arith.constant 0 : index
    %get3A_1 = tpu.vector_load %arg20[%get3A] {strides = array<i32>} : memref<16xf32, #tpu.memory_space<vmem>>, vector<16xf32>,
    %get3A_2 = vector.shape_cast %get3A_1 : vector<16xf32> to vector<16xf32>
    %scan3A = arith.constant 0 : i32
    %scan3A_3 = arith.constant 0 : i32
    %scan3A_4 = arith.constant 3 : i32
    %scan3A_5 = arith.addi %scan3A_3, %scan3A_4 : i32
    %scan3A_6 = arith.constant 1 : i32
    %scan3A_7 = scf.for %scan3A_9 = %scan3A_3 to %scan3A_5 step %scan3A_6 iter_args(%scan3A_10 = %scan3A) -> (i32)  : i32 {
      %mul3A_11 = arith.constant 32 : i32
      %mul3A_12 = arith.muli %scan3A_9, %mul3A_11 : i32
      %add3A_13 = arith.addi %mul3A_12, %add3A : i32
      %mul3A_14 = arith.constant 528 : i32
      %mul3A_15 = arith.muli %add3A_13, %mul3A_14 : i32
      %scan3A_16 = arith.constant 0 : i32
      %scan3A_17 = arith.constant 0 : i32
      %scan3A_18 = arith.constant 528 : i32
      %scan3A_19 = arith.addi %scan3A_17, %scan3A_18 : i32
      %scan3A_20 = arith.constant 1 : i32
      %scan3A_21 = scf.for %scan3A_62 = %scan3A_17 to %scan3A_19 step %scan3A_20 iter_args(%scan3A_63 = %scan3A_16) -> (i32)  : i32 {
        %broadcast_in_dim3A = arith.constant 0.000000e+00 : f32
        %broadcast_in_dim3A_64 = vector.broadcast %broadcast_in_dim3A : f32 to vector<16xf32>
        %swap3A = arith.index_cast %scan3A_62 : i32 to index
        %swap3A_65 = arith.constant 0 : index
        %swap3A_66 = tpu.vector_load %arg11[%swap3A, %swap3A_65] {strides = array<i32>} : memref<528x128xf32, #tpu.memory_space<vmem>>, vector<1x16xf32>,
        %swap3A_67 = vector.shape_cast %swap3A_66 : vector<1x16xf32> to vector<16xf32>
        %swap3A_68 = vector.shape_cast %broadcast_in_dim3A_64 : vector<16xf32> to vector<1x16xf32>
        tpu.vector_store %arg11[%swap3A, %swap3A_65], %swap3A_68 {strides = array<i32>} : memref<528x128xf32, #tpu.memory_space<vmem>>, vector<1x16xf32>,
        %broadcast_in_dim3A_69 = arith.constant 0.000000e+00 : f32
        %broadcast_in_dim3A_70 = vector.broadcast %broadcast_in_dim3A_69 : f32 to vector<16xf32>
        %swap3A_71 = arith.index_cast %scan3A_62 : i32 to index
        %swap3A_72 = arith.constant 16 : index
        %swap3A_73 = tpu.vector_load %arg11[%swap3A_71, %swap3A_72] {strides = array<i32>} : memref<528x128xf32, #tpu.memory_space<vmem>>, vector<1x16xf32>,
        %swap3A_74 = vector.shape_cast %swap3A_73 : vector<1x16xf32> to vector<16xf32>
        %swap3A_75 = vector.shape_cast %broadcast_in_dim3A_70 : vector<16xf32> to vector<1x16xf32>
        tpu.vector_store %arg11[%swap3A_71, %swap3A_72], %swap3A_75 {strides = array<i32>} : memref<528x128xf32, #tpu.memory_space<vmem>>, vector<1x16xf32>,
        %broadcast_in_dim3A_76 = arith.constant 0.000000e+00 : f32
        %broadcast_in_dim3A_77 = vector.broadcast %broadcast_in_dim3A_76 : f32 to vector<16xf32>
        %swap3A_78 = arith.index_cast %scan3A_62 : i32 to index
        %swap3A_79 = arith.constant 32 : index
        %swap3A_80 = tpu.vector_load %arg11[%swap3A_78, %swap3A_79] {strides = array<i32>} : memref<528x128xf32, #tpu.memory_space<vmem>>, vector<1x16xf32>,
        %swap3A_81 = vector.shape_cast %swap3A_80 : vector<1x16xf32> to vector<16xf32>
        %swap3A_82 = vector.shape_cast %broadcast_in_dim3A_77 : vector<16xf32> to vector<1x16xf32>
        tpu.vector_store %arg11[%swap3A_78, %swap3A_79], %swap3A_82 {strides = array<i32>} : memref<528x128xf32, #tpu.memory_space<vmem>>, vector<1x16xf32>,
        %broadcast_in_dim3A_83 = arith.constant 0.000000e+00 : f32
        %broadcast_in_dim3A_84 = vector.broadcast %broadcast_in_dim3A_83 : f32 to vector<16xf32>
        %swap3A_85 = arith.index_cast %scan3A_62 : i32 to index
        %swap3A_86 = arith.constant 48 : index
        %swap3A_87 = tpu.vector_load %arg11[%swap3A_85, %swap3A_86] {strides = array<i32>} : memref<528x128xf32, #tpu.memory_space<vmem>>, vector<1x16xf32>,
        %swap3A_88 = vector.shape_cast %swap3A_87 : vector<1x16xf32> to vector<16xf32>
        %swap3A_89 = vector.shape_cast %broadcast_in_dim3A_84 : vector<16xf32> to vector<1x16xf32>
        tpu.vector_store %arg11[%swap3A_85, %swap3A_86], %swap3A_89 {strides = array<i32>} : memref<528x128xf32, #tpu.memory_space<vmem>>, vector<1x16xf32>,
        %broadcast_in_dim3A_90 = arith.constant 0.000000e+00 : f32
        %broadcast_in_dim3A_91 = vector.broadcast %broadcast_in_dim3A_90 : f32 to vector<16xf32>
        %swap3A_92 = arith.index_cast %scan3A_62 : i32 to index
        %swap3A_93 = arith.constant 64 : index
        %swap3A_94 = tpu.vector_load %arg11[%swap3A_92, %swap3A_93] {strides = array<i32>} : memref<528x128xf32, #tpu.memory_space<vmem>>, vector<1x16xf32>,
        %swap3A_95 = vector.shape_cast %swap3A_94 : vector<1x16xf32> to vector<16xf32>
        %swap3A_96 = vector.shape_cast %broadcast_in_dim3A_91 : vector<16xf32> to vector<1x16xf32>
        tpu.vector_store %arg11[%swap3A_92, %swap3A_93], %swap3A_96 {strides = array<i32>} : memref<528x128xf32, #tpu.memory_space<vmem>>, vector<1x16xf32>,
        %broadcast_in_dim3A_97 = arith.constant 0.000000e+00 : f32
        %broadcast_in_dim3A_98 = vector.broadcast %broadcast_in_dim3A_97 : f32 to vector<16xf32>
        %swap3A_99 = arith.index_cast %scan3A_62 : i32 to index
        %swap3A_100 = arith.constant 80 : index
        %swap3A_101 = tpu.vector_load %arg11[%swap3A_99, %swap3A_100] {strides = array<i32>} : memref<528x128xf32, #tpu.memory_space<vmem>>, vector<1x16xf32>,
        %swap3A_102 = vector.shape_cast %swap3A_101 : vector<1x16xf32> to vector<16xf32>
        %swap3A_103 = vector.shape_cast %broadcast_in_dim3A_98 : vector<16xf32> to vector<1x16xf32>
        tpu.vector_store %arg11[%swap3A_99, %swap3A_100], %swap3A_103 {strides = array<i32>} : memref<528x128xf32, #tpu.memory_space<vmem>>, vector<1x16xf32>,
        %broadcast_in_dim3A_104 = arith.constant 0.000000e+00 : f32
        %broadcast_in_dim3A_105 = vector.broadcast %broadcast_in_dim3A_104 : f32 to vector<16xf32>
        %swap3A_106 = arith.index_cast %scan3A_62 : i32 to index
        %swap3A_107 = arith.constant 96 : index
        %swap3A_108 = tpu.vector_load %arg11[%swap3A_106, %swap3A_107] {strides = array<i32>} : memref<528x128xf32, #tpu.memory_space<vmem>>, vector<1x16xf32>,
        %swap3A_109 = vector.shape_cast %swap3A_108 : vector<1x16xf32> to vector<16xf32>
        %swap3A_110 = vector.shape_cast %broadcast_in_dim3A_105 : vector<16xf32> to vector<1x16xf32>
        tpu.vector_store %arg11[%swap3A_106, %swap3A_107], %swap3A_110 {strides = array<i32>} : memref<528x128xf32, #tpu.memory_space<vmem>>, vector<1x16xf32>,
        %broadcast_in_dim3A_111 = arith.constant 0.000000e+00 : f32
        %broadcast_in_dim3A_112 = vector.broadcast %broadcast_in_dim3A_111 : f32 to vector<16xf32>
        %swap3A_113 = arith.index_cast %scan3A_62 : i32 to index
        %swap3A_114 = arith.constant 112 : index
        %swap3A_115 = tpu.vector_load %arg11[%swap3A_113, %swap3A_114] {strides = array<i32>} : memref<528x128xf32, #tpu.memory_space<vmem>>, vector<1x16xf32>,
        %swap3A_116 = vector.shape_cast %swap3A_115 : vector<1x16xf32> to vector<16xf32>
        %swap3A_117 = vector.shape_cast %broadcast_in_dim3A_112 : vector<16xf32> to vector<1x16xf32>
        tpu.vector_store %arg11[%swap3A_113, %swap3A_114], %swap3A_117 {strides = array<i32>} : memref<528x128xf32, #tpu.memory_space<vmem>>, vector<1x16xf32>,
        %broadcast_in_dim3A_118 = arith.constant 0.000000e+00 : f32
        %broadcast_in_dim3A_119 = vector.broadcast %broadcast_in_dim3A_118 : f32 to vector<16xf32>
        %swap3A_120 = arith.index_cast %scan3A_62 : i32 to index
        %swap3A_121 = arith.constant 0 : index
        %swap3A_122 = tpu.vector_load %arg12[%swap3A_120, %swap3A_121] {strides = array<i32>} : memref<528x16xf32, #tpu.memory_space<vmem>>, vector<1x16xf32>,
        %swap3A_123 = vector.shape_cast %swap3A_122 : vector<1x16xf32> to vector<16xf32>
        %swap3A_124 = vector.shape_cast %broadcast_in_dim3A_119 : vector<16xf32> to vector<1x16xf32>
        tpu.vector_store %arg12[%swap3A_120, %swap3A_121], %swap3A_124 {strides = array<i32>} : memref<528x16xf32, #tpu.memory_space<vmem>>, vector<1x16xf32>,
        %scan3A_125 = arith.constant 0 : i32
        scf.yield %scan3A_125 : i32
      }
      %scan3A_22 = arith.constant 528 : i32
      %get3A_23 = arith.index_cast %add3A_13 : i32 to index
      %get3A_24 = tpu.vector_load %arg19[%get3A_23] {strides = array<i32>} : memref<120xi32, #tpu.memory_space<vmem>>, vector<16xi32>,
      %get3A_25 = vector.shape_cast %get3A_24 : vector<16xi32> to vector<16xi32>
      %slice3A = vector.extract_strided_slice %get3A_25 {offsets = [0], sizes = [1], strides = [1]} : vector<16xi32> to vector<1xi32>
      %squeeze3A = vector.extract %slice3A[0] : i32 from vector<1xi32>
      %slice3A_26 = vector.extract_strided_slice %get3A_25 {offsets = [1], sizes = [1], strides = [1]} : vector<16xi32> to vector<1xi32>
      %squeeze3A_27 = vector.extract %slice3A_26[0] : i32 from vector<1xi32>
      %rem3A = arith.constant 8 : i32
      %rem3A_28 = arith.remsi %squeeze3A, %rem3A : i32
      %sub3A = arith.subi %squeeze3A, %rem3A_28 : i32
      %sub3A_29 = arith.subi %squeeze3A_27, %sub3A : i32
      %add3A_30 = arith.constant 127 : i32
      %add3A_31 = arith.addi %sub3A_29, %add3A_30 : i32
      %jit3A = arith.constant 128 : i32
      %div3A = arith.divsi %add3A_31, %jit3A : i32
      %sign3A = arith.constant 0 : i32
      %sign3A_32 = arith.cmpi sgt, %add3A_31, %sign3A : i32
      %sign3A_33 = arith.extui %sign3A_32 : i1 to i32
      %sign3A_34 = arith.constant 0 : i32
      %sign3A_35 = arith.cmpi slt, %add3A_31, %sign3A_34 : i32
      %sign3A_36 = arith.extui %sign3A_35 : i1 to i32
      %sign3A_37 = arith.subi %sign3A_33, %sign3A_36 : i32
      %sign3A_38 = arith.constant 0 : i32
      %sign3A_39 = arith.cmpi sgt, %jit3A, %sign3A_38 : i32
      %sign3A_40 = arith.extui %sign3A_39 : i1 to i32
      %sign3A_41 = arith.constant 0 : i32
      %sign3A_42 = arith.cmpi slt, %jit3A, %sign3A_41 : i32
      %sign3A_43 = arith.extui %sign3A_42 : i1 to i32
      %sign3A_44 = arith.subi %sign3A_40, %sign3A_43 : i32
      %ne3A = arith.cmpi ne, %sign3A_37, %sign3A_44 : i32
      %rem3A_45 = arith.remsi %add3A_31, %jit3A : i32
      %ne3A_46 = arith.constant 0 : i32
      %ne3A_47 = arith.cmpi ne, %rem3A_45, %ne3A_46 : i32
      %and3A = arith.andi %ne3A, %ne3A_47 : i1
      %sub3A_48 = arith.constant 1 : i32
      %sub3A_49 = arith.subi %div3A, %sub3A_48 : i32
      %select_n3A = arith.select %and3A, %sub3A_49, %div3A : i32
      %while3A = arith.constant 0 : i32
      %while3A_50 = arith.constant 0 : i32
      %while3A_51 = arith.subi %select_n3A, %while3A : i32
      %while3A_52 = arith.addi %while3A, %while3A_51 : i32
      %while3A_53 = arith.constant 1 : i32
      %while3A_54 = arith.divsi %while3A_51, %while3A_53 : i32
      %while3A_55 = arith.muli %while3A_54, %while3A_53 : i32
      %while3A_56 = arith.addi %while3A, %while3A_55 : i32
      %while3A_57 = arith.constant 1 : i32
      %while3A_58 = scf.for %while3A_62 = %while3A to %while3A_56 step %while3A_57 iter_args(%while3A_63 = %while3A_50) -> (i32)  : i32 {
        %mul3A_64 = arith.constant 128 : i32
        %mul3A_65 = arith.muli %while3A_62, %mul3A_64 : i32
        %add3A_66 = arith.addi %sub3A, %mul3A_65 : i32
        %multiple_of3A = tpu.assume_multiple %add3A_66, 8 : i32
        "tpu.region"() ({
          %run_scoped3A = tpu.sem_alloc : memref<!tpu.dma_semaphore, #tpu.memory_space<semaphore_mem>>
          %dma_start3A_100 = tpu.memref_slice %arg5[%multiple_of3A] : memref<800128xi32, #tpu.memory_space<hbm>> -> memref<128xi32, #tpu.memory_space<hbm>>
          %dma_start3A_101 = tpu.memref_slice %arg5[%multiple_of3A] : memref<800128xi32, #tpu.memory_space<hbm>> -> memref<128xi32, #tpu.memory_space<hbm>>
          tpu.enqueue_dma source(%dma_start3A_101 : memref<128xi32, #tpu.memory_space<hbm>>) target(%arg13 : memref<128xi32, #tpu.memory_space<vmem>>) target_semaphore(%run_scoped3A : memref<!tpu.dma_semaphore, #tpu.memory_space<semaphore_mem>>)
          %dma_wait3A_102 = tpu.memref_slice %arg5[%multiple_of3A] : memref<800128xi32, #tpu.memory_space<hbm>> -> memref<128xi32, #tpu.memory_space<hbm>>
          %dma_wait3A_103 = tpu.memref_slice %arg5[%multiple_of3A] : memref<800128xi32, #tpu.memory_space<hbm>> -> memref<128xi32, #tpu.memory_space<hbm>>
          tpu.wait_dma2 semaphore(%run_scoped3A : memref<!tpu.dma_semaphore, #tpu.memory_space<semaphore_mem>>) src(%dma_wait3A_103 : memref<128xi32, #tpu.memory_space<hbm>>) dst(%arg13 : memref<128xi32, #tpu.memory_space<vmem>>)
          tpu.yield
        }) : () -> ()
        "tpu.region"() ({
          %run_scoped3A = tpu.sem_alloc : memref<!tpu.dma_semaphore, #tpu.memory_space<semaphore_mem>>
          %dma_start3A_100 = tpu.memref_slice %arg6[%multiple_of3A] : memref<800128xi32, #tpu.memory_space<hbm>> -> memref<128xi32, #tpu.memory_space<hbm>>
          %dma_start3A_101 = tpu.memref_slice %arg6[%multiple_of3A] : memref<800128xi32, #tpu.memory_space<hbm>> -> memref<128xi32, #tpu.memory_space<hbm>>
          tpu.enqueue_dma source(%dma_start3A_101 : memref<128xi32, #tpu.memory_space<hbm>>) target(%arg14 : memref<128xi32, #tpu.memory_space<vmem>>) target_semaphore(%run_scoped3A : memref<!tpu.dma_semaphore, #tpu.memory_space<semaphore_mem>>)
          %dma_wait3A_102 = tpu.memref_slice %arg6[%multiple_of3A] : memref<800128xi32, #tpu.memory_space<hbm>> -> memref<128xi32, #tpu.memory_space<hbm>>
          %dma_wait3A_103 = tpu.memref_slice %arg6[%multiple_of3A] : memref<800128xi32, #tpu.memory_space<hbm>> -> memref<128xi32, #tpu.memory_space<hbm>>
          tpu.wait_dma2 semaphore(%run_scoped3A : memref<!tpu.dma_semaphore, #tpu.memory_space<semaphore_mem>>) src(%dma_wait3A_103 : memref<128xi32, #tpu.memory_space<hbm>>) dst(%arg14 : memref<128xi32, #tpu.memory_space<vmem>>)
          tpu.yield
        }) : () -> ()
        "tpu.region"() ({
          %run_scoped3A = tpu.sem_alloc : memref<!tpu.dma_semaphore, #tpu.memory_space<semaphore_mem>>
          %dma_start3A_100 = arith.constant 0 : i32
          %dma_start3A_101 = tpu.memref_slice %arg15[%dma_start3A_100] : memref<144xi32, #tpu.memory_space<vmem>> -> memref<128xi32, #tpu.memory_space<vmem>>
          %dma_start3A_102 = tpu.memref_slice %arg6[%multiple_of3A] : memref<800128xi32, #tpu.memory_space<hbm>> -> memref<128xi32, #tpu.memory_space<hbm>>
          %dma_start3A_103 = arith.constant 0 : i32
          %dma_start3A_104 = tpu.memref_slice %arg15[%dma_start3A_103] : memref<144xi32, #tpu.memory_space<vmem>> -> memref<128xi32, #tpu.memory_space<vmem>>
          %dma_start3A_105 = tpu.memref_slice %arg6[%multiple_of3A] : memref<800128xi32, #tpu.memory_space<hbm>> -> memref<128xi32, #tpu.memory_space<hbm>>
          tpu.enqueue_dma source(%dma_start3A_105 : memref<128xi32, #tpu.memory_space<hbm>>) target(%dma_start3A_104 : memref<128xi32, #tpu.memory_space<vmem>>) target_semaphore(%run_scoped3A : memref<!tpu.dma_semaphore, #tpu.memory_space<semaphore_mem>>)
          %dma_wait3A_106 = arith.constant 0 : i32
          %dma_wait3A_107 = tpu.memref_slice %arg15[%dma_wait3A_106] : memref<144xi32, #tpu.memory_space<vmem>> -> memref<128xi32, #tpu.memory_space<vmem>>
          %dma_wait3A_108 = tpu.memref_slice %arg6[%multiple_of3A] : memref<800128xi32, #tpu.memory_space<hbm>> -> memref<128xi32, #tpu.memory_space<hbm>>
          %dma_wait3A_109 = arith.constant 0 : i32
          %dma_wait3A_110 = tpu.memref_slice %arg15[%dma_wait3A_109] : memref<144xi32, #tpu.memory_space<vmem>> -> memref<128xi32, #tpu.memory_space<vmem>>
          %dma_wait3A_111 = tpu.memref_slice %arg6[%multiple_of3A] : memref<800128xi32, #tpu.memory_space<hbm>> -> memref<128xi32, #tpu.memory_space<hbm>>
          tpu.wait_dma2 semaphore(%run_scoped3A : memref<!tpu.dma_semaphore, #tpu.memory_space<semaphore_mem>>) src(%dma_wait3A_111 : memref<128xi32, #tpu.memory_space<hbm>>) dst(%dma_wait3A_110 : memref<128xi32, #tpu.memory_space<vmem>>)
          tpu.yield
        }) : () -> ()
        %dma_start3A = arith.constant 0 : i32
        %dma_start3A_67 = arith.constant 0 : i32
        %dma_start3A_68 = tpu.memref_slice %arg2[%dma_start3A, %dma_start3A_67] : memref<50000x128xf32, #tpu.memory_space<hbm>> -> memref<50000x128xf32, #tpu.memory_space<hbm>>
        tpu.enqueue_indirect_dma source(%dma_start3A_68 : memref<50000x128xf32, #tpu.memory_space<hbm>>) target(%arg16 : memref<128x128xf32, #tpu.memory_space<vmem>>) offsets(%arg13 : memref<128xi32, #tpu.memory_space<vmem>>) semaphore(%arg21 : memref<!tpu.dma_semaphore, #tpu.memory_space<semaphore_mem>>)
        %dma_start3A_69 = arith.constant 0 : i32
        %dma_start3A_70 = arith.constant 0 : i32
        %dma_start3A_71 = tpu.memref_slice %arg3[%dma_start3A_69, %dma_start3A_70] : memref<50000x16xf32, #tpu.memory_space<hbm>> -> memref<50000x16xf32, #tpu.memory_space<hbm>>
        tpu.enqueue_indirect_dma source(%dma_start3A_71 : memref<50000x16xf32, #tpu.memory_space<hbm>>) target(%arg17 : memref<128x16xf32, #tpu.memory_space<vmem>>) offsets(%arg13 : memref<128xi32, #tpu.memory_space<vmem>>) semaphore(%arg21 : memref<!tpu.dma_semaphore, #tpu.memory_space<semaphore_mem>>)
        %dma_start3A_72 = arith.constant 0 : i32
        %dma_start3A_73 = arith.constant 0 : i32
        %dma_start3A_74 = tpu.memref_slice %arg4[%dma_start3A_72, %dma_start3A_73] : memref<50000x16xf32, #tpu.memory_space<hbm>> -> memref<50000x16xf32, #tpu.memory_space<hbm>>
        tpu.enqueue_indirect_dma source(%dma_start3A_74 : memref<50000x16xf32, #tpu.memory_space<hbm>>) target(%arg18 : memref<128x16xf32, #tpu.memory_space<vmem>>) offsets(%arg14 : memref<128xi32, #tpu.memory_space<vmem>>) semaphore(%arg21 : memref<!tpu.dma_semaphore, #tpu.memory_space<semaphore_mem>>)
        %dma_wait3A = arith.constant 0 : i32
        %dma_wait3A_75 = arith.constant 0 : i32
        %dma_wait3A_76 = tpu.memref_slice %arg2[%dma_wait3A, %dma_wait3A_75] : memref<50000x128xf32, #tpu.memory_space<hbm>> -> memref<50000x128xf32, #tpu.memory_space<hbm>>
        tpu.wait_indirect_dma semaphore(%arg21 : memref<!tpu.dma_semaphore, #tpu.memory_space<semaphore_mem>>) src(%dma_wait3A_76 : memref<50000x128xf32, #tpu.memory_space<hbm>>) dst(%arg16 : memref<128x128xf32, #tpu.memory_space<vmem>>)
        %dma_wait3A_77 = arith.constant 0 : i32
        %dma_wait3A_78 = arith.constant 0 : i32
        %dma_wait3A_79 = tpu.memref_slice %arg3[%dma_wait3A_77, %dma_wait3A_78] : memref<50000x16xf32, #tpu.memory_space<hbm>> -> memref<50000x16xf32, #tpu.memory_space<hbm>>
        tpu.wait_indirect_dma semaphore(%arg21 : memref<!tpu.dma_semaphore, #tpu.memory_space<semaphore_mem>>) src(%dma_wait3A_79 : memref<50000x16xf32, #tpu.memory_space<hbm>>) dst(%arg17 : memref<128x16xf32, #tpu.memory_space<vmem>>)
        %dma_wait3A_80 = arith.constant 0 : i32
        %dma_wait3A_81 = arith.constant 0 : i32
        %dma_wait3A_82 = tpu.memref_slice %arg4[%dma_wait3A_80, %dma_wait3A_81] : memref<50000x16xf32, #tpu.memory_space<hbm>> -> memref<50000x16xf32, #tpu.memory_space<hbm>>
        tpu.wait_indirect_dma semaphore(%arg21 : memref<!tpu.dma_semaphore, #tpu.memory_space<semaphore_mem>>) src(%dma_wait3A_82 : memref<50000x16xf32, #tpu.memory_space<hbm>>) dst(%arg18 : memref<128x16xf32, #tpu.memory_space<vmem>>)
        %sub3A_83 = arith.subi %squeeze3A, %multiple_of3A : i32
        %max3A = arith.constant 0 : i32
        %max3A_84 = arith.maxsi %sub3A_83, %max3A : i32
        %sub3A_85 = arith.subi %squeeze3A_27, %multiple_of3A : i32
        %min3A = arith.constant 128 : i32
        %min3A_86 = arith.minsi %min3A, %sub3A_85 : i32
        %max3A_87 = arith.maxsi %max3A_84, %min3A_86 : i32
        %while3A_88 = arith.constant 0 : i32
        %while3A_89 = arith.subi %max3A_87, %max3A_84 : i32
        %while3A_90 = arith.addi %max3A_84, %while3A_89 : i32
        %while3A_91 = arith.constant 1 : i32
        %while3A_92 = arith.divsi %while3A_89, %while3A_91 : i32
        %while3A_93 = arith.muli %while3A_92, %while3A_91 : i32
        %while3A_94 = arith.addi %max3A_84, %while3A_93 : i32
        %while3A_95 = arith.constant 1 : i32
        %while3A_96 = scf.for %while3A_100 = %max3A_84 to %while3A_94 step %while3A_95 iter_args(%while3A_101 = %while3A_88) -> (i32)  : i32 {
          %get3A_102 = arith.index_cast %while3A_100 : i32 to index
          %get3A_103 = arith.constant 0 : index
          %get3A_104 = tpu.vector_load %arg17[%get3A_102, %get3A_103] {strides = array<i32>} : memref<128x16xf32, #tpu.memory_space<vmem>>, vector<1x16xf32>,
          %get3A_105 = vector.shape_cast %get3A_104 : vector<1x16xf32> to vector<16xf32>
          %get3A_106 = arith.index_cast %while3A_100 : i32 to index
          %get3A_107 = arith.constant 0 : index
          %get3A_108 = tpu.vector_load %arg18[%get3A_106, %get3A_107] {strides = array<i32>} : memref<128x16xf32, #tpu.memory_space<vmem>>, vector<1x16xf32>,
          %get3A_109 = vector.shape_cast %get3A_108 : vector<1x16xf32> to vector<16xf32>
          %add3A_110 = arith.addf %get3A_105, %get3A_109 : vector<16xf32>
          %gt3A = arith.constant 0.000000e+00 : f32
          %gt3A_111 = vector.broadcast %gt3A : f32 to vector<16xf32>
          %gt3A_112 = arith.cmpf ogt, %add3A_110, %gt3A_111 : vector<16xf32>
          %mul3A_113 = arith.constant 2.000000e-01 : f32
          %mul3A_114 = vector.broadcast %mul3A_113 : f32 to vector<16xf32>
          %mul3A_115 = arith.mulf %add3A_110, %mul3A_114 : vector<16xf32>
          %select_n3A_116 = arith.select %gt3A_112, %add3A_110, %mul3A_115 : vector<16xi1>, vector<16xf32>
          %sub3A_117 = arith.subf %select_n3A_116, %get3A_2 : vector<16xf32>
          %exp3A = math.exp %sub3A_117 : vector<16xf32>
          %get3A_118 = arith.index_cast %while3A_100 : i32 to index
          %get3A_119 = tpu.vector_load %arg15[%get3A_118] {strides = array<i32>} : memref<144xi32, #tpu.memory_space<vmem>>, vector<16xi32>,
          %get3A_120 = vector.shape_cast %get3A_119 : vector<16xi32> to vector<16xi32>
          %slice3A_121 = vector.extract_strided_slice %get3A_120 {offsets = [0], sizes = [1], strides = [1]} : vector<16xi32> to vector<1xi32>
          %squeeze3A_122 = vector.extract %slice3A_121[0] : i32 from vector<1xi32>
          %sub3A_123 = arith.subi %squeeze3A_122, %mul3A_15 : i32
          %swap3A = arith.index_cast %sub3A_123 : i32 to index
          %swap3A_124 = arith.constant 0 : index
          %swap3A_125 = tpu.vector_load %arg12[%swap3A, %swap3A_124] {strides = array<i32>} : memref<528x16xf32, #tpu.memory_space<vmem>>, vector<1x16xf32>,
          %swap3A_126 = vector.shape_cast %swap3A_125 : vector<1x16xf32> to vector<16xf32>
          %swap3A_127 = vector.shape_cast %exp3A : vector<16xf32> to vector<1x16xf32>
          tpu.vector_store %arg12[%swap3A, %swap3A_124], %swap3A_127 {add = true, strides = array<i32>} : memref<528x16xf32, #tpu.memory_space<vmem>>, vector<1x16xf32>,
          %get3A_128 = arith.index_cast %while3A_100 : i32 to index
          %get3A_129 = arith.constant 0 : index
          %get3A_130 = tpu.vector_load %arg16[%get3A_128, %get3A_129] {strides = array<i32>} : memref<128x128xf32, #tpu.memory_space<vmem>>, vector<1x16xf32>,
          %get3A_131 = vector.shape_cast %get3A_130 : vector<1x16xf32> to vector<16xf32>
          %get3A_132 = arith.index_cast %while3A_100 : i32 to index
          %get3A_133 = arith.constant 16 : index
          %get3A_134 = tpu.vector_load %arg16[%get3A_132, %get3A_133] {strides = array<i32>} : memref<128x128xf32, #tpu.memory_space<vmem>>, vector<1x16xf32>,
          %get3A_135 = vector.shape_cast %get3A_134 : vector<1x16xf32> to vector<16xf32>
          %get3A_136 = arith.index_cast %while3A_100 : i32 to index
          %get3A_137 = arith.constant 32 : index
          %get3A_138 = tpu.vector_load %arg16[%get3A_136, %get3A_137] {strides = array<i32>} : memref<128x128xf32, #tpu.memory_space<vmem>>, vector<1x16xf32>,
          %get3A_139 = vector.shape_cast %get3A_138 : vector<1x16xf32> to vector<16xf32>
          %get3A_140 = arith.index_cast %while3A_100 : i32 to index
          %get3A_141 = arith.constant 48 : index
          %get3A_142 = tpu.vector_load %arg16[%get3A_140, %get3A_141] {strides = array<i32>} : memref<128x128xf32, #tpu.memory_space<vmem>>, vector<1x16xf32>,
          %get3A_143 = vector.shape_cast %get3A_142 : vector<1x16xf32> to vector<16xf32>
          %get3A_144 = arith.index_cast %while3A_100 : i32 to index
          %get3A_145 = arith.constant 64 : index
          %get3A_146 = tpu.vector_load %arg16[%get3A_144, %get3A_145] {strides = array<i32>} : memref<128x128xf32, #tpu.memory_space<vmem>>, vector<1x16xf32>,
          %get3A_147 = vector.shape_cast %get3A_146 : vector<1x16xf32> to vector<16xf32>
          %get3A_148 = arith.index_cast %while3A_100 : i32 to index
          %get3A_149 = arith.constant 80 : index
          %get3A_150 = tpu.vector_load %arg16[%get3A_148, %get3A_149] {strides = array<i32>} : memref<128x128xf32, #tpu.memory_space<vmem>>, vector<1x16xf32>,
          %get3A_151 = vector.shape_cast %get3A_150 : vector<1x16xf32> to vector<16xf32>
          %get3A_152 = arith.index_cast %while3A_100 : i32 to index
          %get3A_153 = arith.constant 96 : index
          %get3A_154 = tpu.vector_load %arg16[%get3A_152, %get3A_153] {strides = array<i32>} : memref<128x128xf32, #tpu.memory_space<vmem>>, vector<1x16xf32>,
          %get3A_155 = vector.shape_cast %get3A_154 : vector<1x16xf32> to vector<16xf32>
          %get3A_156 = arith.index_cast %while3A_100 : i32 to index
          %get3A_157 = arith.constant 112 : index
          %get3A_158 = tpu.vector_load %arg16[%get3A_156, %get3A_157] {strides = array<i32>} : memref<128x128xf32, #tpu.memory_space<vmem>>, vector<1x16xf32>,
          %get3A_159 = vector.shape_cast %get3A_158 : vector<1x16xf32> to vector<16xf32>
          %slice3A_160 = vector.extract_strided_slice %exp3A {offsets = [0], sizes = [1], strides = [1]} : vector<16xf32> to vector<1xf32>
          %squeeze3A_161 = vector.extract %slice3A_160[0] : f32 from vector<1xf32>
          %mul3A_162 = vector.broadcast %squeeze3A_161 : f32 to vector<16xf32>
          %mul3A_163 = arith.mulf %mul3A_162, %get3A_131 : vector<16xf32>
          %swap3A_164 = arith.index_cast %sub3A_123 : i32 to index
          %swap3A_165 = arith.constant 0 : index
          %swap3A_166 = tpu.vector_load %arg11[%swap3A_164, %swap3A_165] {strides = array<i32>} : memref<528x128xf32, #tpu.memory_space<vmem>>, vector<1x16xf32>,
          %swap3A_167 = vector.shape_cast %swap3A_166 : vector<1x16xf32> to vector<16xf32>
          %swap3A_168 = vector.shape_cast %mul3A_163 : vector<16xf32> to vector<1x16xf32>
          tpu.vector_store %arg11[%swap3A_164, %swap3A_165], %swap3A_168 {add = true, strides = array<i32>} : memref<528x128xf32, #tpu.memory_space<vmem>>, vector<1x16xf32>,
          %mul3A_169 = vector.broadcast %squeeze3A_161 : f32 to vector<16xf32>
          %mul3A_170 = arith.mulf %mul3A_169, %get3A_135 : vector<16xf32>
          %swap3A_171 = arith.index_cast %sub3A_123 : i32 to index
          %swap3A_172 = arith.constant 16 : index
          %swap3A_173 = tpu.vector_load %arg11[%swap3A_171, %swap3A_172] {strides = array<i32>} : memref<528x128xf32, #tpu.memory_space<vmem>>, vector<1x16xf32>,
          %swap3A_174 = vector.shape_cast %swap3A_173 : vector<1x16xf32> to vector<16xf32>
          %swap3A_175 = vector.shape_cast %mul3A_170 : vector<16xf32> to vector<1x16xf32>
          tpu.vector_store %arg11[%swap3A_171, %swap3A_172], %swap3A_175 {add = true, strides = array<i32>} : memref<528x128xf32, #tpu.memory_space<vmem>>, vector<1x16xf32>,
          %mul3A_176 = vector.broadcast %squeeze3A_161 : f32 to vector<16xf32>
          %mul3A_177 = arith.mulf %mul3A_176, %get3A_139 : vector<16xf32>
          %swap3A_178 = arith.index_cast %sub3A_123 : i32 to index
          %swap3A_179 = arith.constant 32 : index
          %swap3A_180 = tpu.vector_load %arg11[%swap3A_178, %swap3A_179] {strides = array<i32>} : memref<528x128xf32, #tpu.memory_space<vmem>>, vector<1x16xf32>,
          %swap3A_181 = vector.shape_cast %swap3A_180 : vector<1x16xf32> to vector<16xf32>
          %swap3A_182 = vector.shape_cast %mul3A_177 : vector<16xf32> to vector<1x16xf32>
          tpu.vector_store %arg11[%swap3A_178, %swap3A_179], %swap3A_182 {add = true, strides = array<i32>} : memref<528x128xf32, #tpu.memory_space<vmem>>, vector<1x16xf32>,
          %mul3A_183 = vector.broadcast %squeeze3A_161 : f32 to vector<16xf32>
          %mul3A_184 = arith.mulf %mul3A_183, %get3A_143 : vector<16xf32>
          %swap3A_185 = arith.index_cast %sub3A_123 : i32 to index
          %swap3A_186 = arith.constant 48 : index
          %swap3A_187 = tpu.vector_load %arg11[%swap3A_185, %swap3A_186] {strides = array<i32>} : memref<528x128xf32, #tpu.memory_space<vmem>>, vector<1x16xf32>,
          %swap3A_188 = vector.shape_cast %swap3A_187 : vector<1x16xf32> to vector<16xf32>
          %swap3A_189 = vector.shape_cast %mul3A_184 : vector<16xf32> to vector<1x16xf32>
          tpu.vector_store %arg11[%swap3A_185, %swap3A_186], %swap3A_189 {add = true, strides = array<i32>} : memref<528x128xf32, #tpu.memory_space<vmem>>, vector<1x16xf32>,
          %mul3A_190 = vector.broadcast %squeeze3A_161 : f32 to vector<16xf32>
          %mul3A_191 = arith.mulf %mul3A_190, %get3A_147 : vector<16xf32>
          %swap3A_192 = arith.index_cast %sub3A_123 : i32 to index
          %swap3A_193 = arith.constant 64 : index
          %swap3A_194 = tpu.vector_load %arg11[%swap3A_192, %swap3A_193] {strides = array<i32>} : memref<528x128xf32, #tpu.memory_space<vmem>>, vector<1x16xf32>,
          %swap3A_195 = vector.shape_cast %swap3A_194 : vector<1x16xf32> to vector<16xf32>
          %swap3A_196 = vector.shape_cast %mul3A_191 : vector<16xf32> to vector<1x16xf32>
          tpu.vector_store %arg11[%swap3A_192, %swap3A_193], %swap3A_196 {add = true, strides = array<i32>} : memref<528x128xf32, #tpu.memory_space<vmem>>, vector<1x16xf32>,
          %mul3A_197 = vector.broadcast %squeeze3A_161 : f32 to vector<16xf32>
          %mul3A_198 = arith.mulf %mul3A_197, %get3A_151 : vector<16xf32>
          %swap3A_199 = arith.index_cast %sub3A_123 : i32 to index
          %swap3A_200 = arith.constant 80 : index
          %swap3A_201 = tpu.vector_load %arg11[%swap3A_199, %swap3A_200] {strides = array<i32>} : memref<528x128xf32, #tpu.memory_space<vmem>>, vector<1x16xf32>,
          %swap3A_202 = vector.shape_cast %swap3A_201 : vector<1x16xf32> to vector<16xf32>
          %swap3A_203 = vector.shape_cast %mul3A_198 : vector<16xf32> to vector<1x16xf32>
          tpu.vector_store %arg11[%swap3A_199, %swap3A_200], %swap3A_203 {add = true, strides = array<i32>} : memref<528x128xf32, #tpu.memory_space<vmem>>, vector<1x16xf32>,
          %mul3A_204 = vector.broadcast %squeeze3A_161 : f32 to vector<16xf32>
          %mul3A_205 = arith.mulf %mul3A_204, %get3A_155 : vector<16xf32>
          %swap3A_206 = arith.index_cast %sub3A_123 : i32 to index
          %swap3A_207 = arith.constant 96 : index
          %swap3A_208 = tpu.vector_load %arg11[%swap3A_206, %swap3A_207] {strides = array<i32>} : memref<528x128xf32, #tpu.memory_space<vmem>>, vector<1x16xf32>,
          %swap3A_209 = vector.shape_cast %swap3A_208 : vector<1x16xf32> to vector<16xf32>
          %swap3A_210 = vector.shape_cast %mul3A_205 : vector<16xf32> to vector<1x16xf32>
          tpu.vector_store %arg11[%swap3A_206, %swap3A_207], %swap3A_210 {add = true, strides = array<i32>} : memref<528x128xf32, #tpu.memory_space<vmem>>, vector<1x16xf32>,
          %mul3A_211 = vector.broadcast %squeeze3A_161 : f32 to vector<16xf32>
          %mul3A_212 = arith.mulf %mul3A_211, %get3A_159 : vector<16xf32>
          %swap3A_213 = arith.index_cast %sub3A_123 : i32 to index
          %swap3A_214 = arith.constant 112 : index
          %swap3A_215 = tpu.vector_load %arg11[%swap3A_213, %swap3A_214] {strides = array<i32>} : memref<528x128xf32, #tpu.memory_space<vmem>>, vector<1x16xf32>,
          %swap3A_216 = vector.shape_cast %swap3A_215 : vector<1x16xf32> to vector<16xf32>
          %swap3A_217 = vector.shape_cast %mul3A_212 : vector<16xf32> to vector<1x16xf32>
          tpu.vector_store %arg11[%swap3A_213, %swap3A_214], %swap3A_217 {add = true, strides = array<i32>} : memref<528x128xf32, #tpu.memory_space<vmem>>, vector<1x16xf32>,
          %while3A_218 = arith.constant 0 : i32
          scf.yield %while3A_218 : i32
        }
        %while3A_97 = arith.constant 1 : i32
        %while3A_98 = scf.for %while3A_100 = %while3A_94 to %while3A_90 step %while3A_97 iter_args(%while3A_101 = %while3A_96) -> (i32)  : i32 {
          %get3A_102 = arith.index_cast %while3A_100 : i32 to index
          %get3A_103 = arith.constant 0 : index
          %get3A_104 = tpu.vector_load %arg17[%get3A_102, %get3A_103] {strides = array<i32>} : memref<128x16xf32, #tpu.memory_space<vmem>>, vector<1x16xf32>,
          %get3A_105 = vector.shape_cast %get3A_104 : vector<1x16xf32> to vector<16xf32>
          %get3A_106 = arith.index_cast %while3A_100 : i32 to index
          %get3A_107 = arith.constant 0 : index
          %get3A_108 = tpu.vector_load %arg18[%get3A_106, %get3A_107] {strides = array<i32>} : memref<128x16xf32, #tpu.memory_space<vmem>>, vector<1x16xf32>,
          %get3A_109 = vector.shape_cast %get3A_108 : vector<1x16xf32> to vector<16xf32>
          %add3A_110 = arith.addf %get3A_105, %get3A_109 : vector<16xf32>
          %gt3A = arith.constant 0.000000e+00 : f32
          %gt3A_111 = vector.broadcast %gt3A : f32 to vector<16xf32>
          %gt3A_112 = arith.cmpf ogt, %add3A_110, %gt3A_111 : vector<16xf32>
          %mul3A_113 = arith.constant 2.000000e-01 : f32
          %mul3A_114 = vector.broadcast %mul3A_113 : f32 to vector<16xf32>
          %mul3A_115 = arith.mulf %add3A_110, %mul3A_114 : vector<16xf32>
          %select_n3A_116 = arith.select %gt3A_112, %add3A_110, %mul3A_115 : vector<16xi1>, vector<16xf32>
          %sub3A_117 = arith.subf %select_n3A_116, %get3A_2 : vector<16xf32>
          %exp3A = math.exp %sub3A_117 : vector<16xf32>
          %get3A_118 = arith.index_cast %while3A_100 : i32 to index
          %get3A_119 = tpu.vector_load %arg15[%get3A_118] {strides = array<i32>} : memref<144xi32, #tpu.memory_space<vmem>>, vector<16xi32>,
          %get3A_120 = vector.shape_cast %get3A_119 : vector<16xi32> to vector<16xi32>
          %slice3A_121 = vector.extract_strided_slice %get3A_120 {offsets = [0], sizes = [1], strides = [1]} : vector<16xi32> to vector<1xi32>
          %squeeze3A_122 = vector.extract %slice3A_121[0] : i32 from vector<1xi32>
          %sub3A_123 = arith.subi %squeeze3A_122, %mul3A_15 : i32
          %swap3A = arith.index_cast %sub3A_123 : i32 to index
          %swap3A_124 = arith.constant 0 : index
          %swap3A_125 = tpu.vector_load %arg12[%swap3A, %swap3A_124] {strides = array<i32>} : memref<528x16xf32, #tpu.memory_space<vmem>>, vector<1x16xf32>,
          %swap3A_126 = vector.shape_cast %swap3A_125 : vector<1x16xf32> to vector<16xf32>
          %swap3A_127 = vector.shape_cast %exp3A : vector<16xf32> to vector<1x16xf32>
          tpu.vector_store %arg12[%swap3A, %swap3A_124], %swap3A_127 {add = true, strides = array<i32>} : memref<528x16xf32, #tpu.memory_space<vmem>>, vector<1x16xf32>,
          %get3A_128 = arith.index_cast %while3A_100 : i32 to index
          %get3A_129 = arith.constant 0 : index
          %get3A_130 = tpu.vector_load %arg16[%get3A_128, %get3A_129] {strides = array<i32>} : memref<128x128xf32, #tpu.memory_space<vmem>>, vector<1x16xf32>,
          %get3A_131 = vector.shape_cast %get3A_130 : vector<1x16xf32> to vector<16xf32>
          %get3A_132 = arith.index_cast %while3A_100 : i32 to index
          %get3A_133 = arith.constant 16 : index
          %get3A_134 = tpu.vector_load %arg16[%get3A_132, %get3A_133] {strides = array<i32>} : memref<128x128xf32, #tpu.memory_space<vmem>>, vector<1x16xf32>,
          %get3A_135 = vector.shape_cast %get3A_134 : vector<1x16xf32> to vector<16xf32>
          %get3A_136 = arith.index_cast %while3A_100 : i32 to index
          %get3A_137 = arith.constant 32 : index
          %get3A_138 = tpu.vector_load %arg16[%get3A_136, %get3A_137] {strides = array<i32>} : memref<128x128xf32, #tpu.memory_space<vmem>>, vector<1x16xf32>,
          %get3A_139 = vector.shape_cast %get3A_138 : vector<1x16xf32> to vector<16xf32>
          %get3A_140 = arith.index_cast %while3A_100 : i32 to index
          %get3A_141 = arith.constant 48 : index
          %get3A_142 = tpu.vector_load %arg16[%get3A_140, %get3A_141] {strides = array<i32>} : memref<128x128xf32, #tpu.memory_space<vmem>>, vector<1x16xf32>,
          %get3A_143 = vector.shape_cast %get3A_142 : vector<1x16xf32> to vector<16xf32>
          %get3A_144 = arith.index_cast %while3A_100 : i32 to index
          %get3A_145 = arith.constant 64 : index
          %get3A_146 = tpu.vector_load %arg16[%get3A_144, %get3A_145] {strides = array<i32>} : memref<128x128xf32, #tpu.memory_space<vmem>>, vector<1x16xf32>,
          %get3A_147 = vector.shape_cast %get3A_146 : vector<1x16xf32> to vector<16xf32>
          %get3A_148 = arith.index_cast %while3A_100 : i32 to index
          %get3A_149 = arith.constant 80 : index
          %get3A_150 = tpu.vector_load %arg16[%get3A_148, %get3A_149] {strides = array<i32>} : memref<128x128xf32, #tpu.memory_space<vmem>>, vector<1x16xf32>,
          %get3A_151 = vector.shape_cast %get3A_150 : vector<1x16xf32> to vector<16xf32>
          %get3A_152 = arith.index_cast %while3A_100 : i32 to index
          %get3A_153 = arith.constant 96 : index
          %get3A_154 = tpu.vector_load %arg16[%get3A_152, %get3A_153] {strides = array<i32>} : memref<128x128xf32, #tpu.memory_space<vmem>>, vector<1x16xf32>,
          %get3A_155 = vector.shape_cast %get3A_154 : vector<1x16xf32> to vector<16xf32>
          %get3A_156 = arith.index_cast %while3A_100 : i32 to index
          %get3A_157 = arith.constant 112 : index
          %get3A_158 = tpu.vector_load %arg16[%get3A_156, %get3A_157] {strides = array<i32>} : memref<128x128xf32, #tpu.memory_space<vmem>>, vector<1x16xf32>,
          %get3A_159 = vector.shape_cast %get3A_158 : vector<1x16xf32> to vector<16xf32>
          %slice3A_160 = vector.extract_strided_slice %exp3A {offsets = [0], sizes = [1], strides = [1]} : vector<16xf32> to vector<1xf32>
          %squeeze3A_161 = vector.extract %slice3A_160[0] : f32 from vector<1xf32>
          %mul3A_162 = vector.broadcast %squeeze3A_161 : f32 to vector<16xf32>
          %mul3A_163 = arith.mulf %mul3A_162, %get3A_131 : vector<16xf32>
          %swap3A_164 = arith.index_cast %sub3A_123 : i32 to index
          %swap3A_165 = arith.constant 0 : index
          %swap3A_166 = tpu.vector_load %arg11[%swap3A_164, %swap3A_165] {strides = array<i32>} : memref<528x128xf32, #tpu.memory_space<vmem>>, vector<1x16xf32>,
          %swap3A_167 = vector.shape_cast %swap3A_166 : vector<1x16xf32> to vector<16xf32>
          %swap3A_168 = vector.shape_cast %mul3A_163 : vector<16xf32> to vector<1x16xf32>
          tpu.vector_store %arg11[%swap3A_164, %swap3A_165], %swap3A_168 {add = true, strides = array<i32>} : memref<528x128xf32, #tpu.memory_space<vmem>>, vector<1x16xf32>,
          %mul3A_169 = vector.broadcast %squeeze3A_161 : f32 to vector<16xf32>
          %mul3A_170 = arith.mulf %mul3A_169, %get3A_135 : vector<16xf32>
          %swap3A_171 = arith.index_cast %sub3A_123 : i32 to index
          %swap3A_172 = arith.constant 16 : index
          %swap3A_173 = tpu.vector_load %arg11[%swap3A_171, %swap3A_172] {strides = array<i32>} : memref<528x128xf32, #tpu.memory_space<vmem>>, vector<1x16xf32>,
          %swap3A_174 = vector.shape_cast %swap3A_173 : vector<1x16xf32> to vector<16xf32>
          %swap3A_175 = vector.shape_cast %mul3A_170 : vector<16xf32> to vector<1x16xf32>
          tpu.vector_store %arg11[%swap3A_171, %swap3A_172], %swap3A_175 {add = true, strides = array<i32>} : memref<528x128xf32, #tpu.memory_space<vmem>>, vector<1x16xf32>,
          %mul3A_176 = vector.broadcast %squeeze3A_161 : f32 to vector<16xf32>
          %mul3A_177 = arith.mulf %mul3A_176, %get3A_139 : vector<16xf32>
          %swap3A_178 = arith.index_cast %sub3A_123 : i32 to index
          %swap3A_179 = arith.constant 32 : index
          %swap3A_180 = tpu.vector_load %arg11[%swap3A_178, %swap3A_179] {strides = array<i32>} : memref<528x128xf32, #tpu.memory_space<vmem>>, vector<1x16xf32>,
          %swap3A_181 = vector.shape_cast %swap3A_180 : vector<1x16xf32> to vector<16xf32>
          %swap3A_182 = vector.shape_cast %mul3A_177 : vector<16xf32> to vector<1x16xf32>
          tpu.vector_store %arg11[%swap3A_178, %swap3A_179], %swap3A_182 {add = true, strides = array<i32>} : memref<528x128xf32, #tpu.memory_space<vmem>>, vector<1x16xf32>,
          %mul3A_183 = vector.broadcast %squeeze3A_161 : f32 to vector<16xf32>
          %mul3A_184 = arith.mulf %mul3A_183, %get3A_143 : vector<16xf32>
          %swap3A_185 = arith.index_cast %sub3A_123 : i32 to index
          %swap3A_186 = arith.constant 48 : index
          %swap3A_187 = tpu.vector_load %arg11[%swap3A_185, %swap3A_186] {strides = array<i32>} : memref<528x128xf32, #tpu.memory_space<vmem>>, vector<1x16xf32>,
          %swap3A_188 = vector.shape_cast %swap3A_187 : vector<1x16xf32> to vector<16xf32>
          %swap3A_189 = vector.shape_cast %mul3A_184 : vector<16xf32> to vector<1x16xf32>
          tpu.vector_store %arg11[%swap3A_185, %swap3A_186], %swap3A_189 {add = true, strides = array<i32>} : memref<528x128xf32, #tpu.memory_space<vmem>>, vector<1x16xf32>,
          %mul3A_190 = vector.broadcast %squeeze3A_161 : f32 to vector<16xf32>
          %mul3A_191 = arith.mulf %mul3A_190, %get3A_147 : vector<16xf32>
          %swap3A_192 = arith.index_cast %sub3A_123 : i32 to index
          %swap3A_193 = arith.constant 64 : index
          %swap3A_194 = tpu.vector_load %arg11[%swap3A_192, %swap3A_193] {strides = array<i32>} : memref<528x128xf32, #tpu.memory_space<vmem>>, vector<1x16xf32>,
          %swap3A_195 = vector.shape_cast %swap3A_194 : vector<1x16xf32> to vector<16xf32>
          %swap3A_196 = vector.shape_cast %mul3A_191 : vector<16xf32> to vector<1x16xf32>
          tpu.vector_store %arg11[%swap3A_192, %swap3A_193], %swap3A_196 {add = true, strides = array<i32>} : memref<528x128xf32, #tpu.memory_space<vmem>>, vector<1x16xf32>,
          %mul3A_197 = vector.broadcast %squeeze3A_161 : f32 to vector<16xf32>
          %mul3A_198 = arith.mulf %mul3A_197, %get3A_151 : vector<16xf32>
          %swap3A_199 = arith.index_cast %sub3A_123 : i32 to index
          %swap3A_200 = arith.constant 80 : index
          %swap3A_201 = tpu.vector_load %arg11[%swap3A_199, %swap3A_200] {strides = array<i32>} : memref<528x128xf32, #tpu.memory_space<vmem>>, vector<1x16xf32>,
          %swap3A_202 = vector.shape_cast %swap3A_201 : vector<1x16xf32> to vector<16xf32>
          %swap3A_203 = vector.shape_cast %mul3A_198 : vector<16xf32> to vector<1x16xf32>
          tpu.vector_store %arg11[%swap3A_199, %swap3A_200], %swap3A_203 {add = true, strides = array<i32>} : memref<528x128xf32, #tpu.memory_space<vmem>>, vector<1x16xf32>,
          %mul3A_204 = vector.broadcast %squeeze3A_161 : f32 to vector<16xf32>
          %mul3A_205 = arith.mulf %mul3A_204, %get3A_155 : vector<16xf32>
          %swap3A_206 = arith.index_cast %sub3A_123 : i32 to index
          %swap3A_207 = arith.constant 96 : index
          %swap3A_208 = tpu.vector_load %arg11[%swap3A_206, %swap3A_207] {strides = array<i32>} : memref<528x128xf32, #tpu.memory_space<vmem>>, vector<1x16xf32>,
          %swap3A_209 = vector.shape_cast %swap3A_208 : vector<1x16xf32> to vector<16xf32>
          %swap3A_210 = vector.shape_cast %mul3A_205 : vector<16xf32> to vector<1x16xf32>
          tpu.vector_store %arg11[%swap3A_206, %swap3A_207], %swap3A_210 {add = true, strides = array<i32>} : memref<528x128xf32, #tpu.memory_space<vmem>>, vector<1x16xf32>,
          %mul3A_211 = vector.broadcast %squeeze3A_161 : f32 to vector<16xf32>
          %mul3A_212 = arith.mulf %mul3A_211, %get3A_159 : vector<16xf32>
          %swap3A_213 = arith.index_cast %sub3A_123 : i32 to index
          %swap3A_214 = arith.constant 112 : index
          %swap3A_215 = tpu.vector_load %arg11[%swap3A_213, %swap3A_214] {strides = array<i32>} : memref<528x128xf32, #tpu.memory_space<vmem>>, vector<1x16xf32>,
          %swap3A_216 = vector.shape_cast %swap3A_215 : vector<1x16xf32> to vector<16xf32>
          %swap3A_217 = vector.shape_cast %mul3A_212 : vector<16xf32> to vector<1x16xf32>
          tpu.vector_store %arg11[%swap3A_213, %swap3A_214], %swap3A_217 {add = true, strides = array<i32>} : memref<528x128xf32, #tpu.memory_space<vmem>>, vector<1x16xf32>,
          %while3A_218 = arith.constant 0 : i32
          scf.yield %while3A_218 : i32
        }
        %while3A_99 = arith.constant 0 : i32
        scf.yield %while3A_99 : i32
      }
      %while3A_59 = arith.constant 1 : i32
      %while3A_60 = scf.for %while3A_62 = %while3A_56 to %while3A_52 step %while3A_59 iter_args(%while3A_63 = %while3A_58) -> (i32)  : i32 {
        %mul3A_64 = arith.constant 128 : i32
        %mul3A_65 = arith.muli %while3A_62, %mul3A_64 : i32
        %add3A_66 = arith.addi %sub3A, %mul3A_65 : i32
        %multiple_of3A = tpu.assume_multiple %add3A_66, 8 : i32
        "tpu.region"() ({
          %run_scoped3A = tpu.sem_alloc : memref<!tpu.dma_semaphore, #tpu.memory_space<semaphore_mem>>
          %dma_start3A_100 = tpu.memref_slice %arg5[%multiple_of3A] : memref<800128xi32, #tpu.memory_space<hbm>> -> memref<128xi32, #tpu.memory_space<hbm>>
          %dma_start3A_101 = tpu.memref_slice %arg5[%multiple_of3A] : memref<800128xi32, #tpu.memory_space<hbm>> -> memref<128xi32, #tpu.memory_space<hbm>>
          tpu.enqueue_dma source(%dma_start3A_101 : memref<128xi32, #tpu.memory_space<hbm>>) target(%arg13 : memref<128xi32, #tpu.memory_space<vmem>>) target_semaphore(%run_scoped3A : memref<!tpu.dma_semaphore, #tpu.memory_space<semaphore_mem>>)
          %dma_wait3A_102 = tpu.memref_slice %arg5[%multiple_of3A] : memref<800128xi32, #tpu.memory_space<hbm>> -> memref<128xi32, #tpu.memory_space<hbm>>
          %dma_wait3A_103 = tpu.memref_slice %arg5[%multiple_of3A] : memref<800128xi32, #tpu.memory_space<hbm>> -> memref<128xi32, #tpu.memory_space<hbm>>
          tpu.wait_dma2 semaphore(%run_scoped3A : memref<!tpu.dma_semaphore, #tpu.memory_space<semaphore_mem>>) src(%dma_wait3A_103 : memref<128xi32, #tpu.memory_space<hbm>>) dst(%arg13 : memref<128xi32, #tpu.memory_space<vmem>>)
          tpu.yield
        }) : () -> ()
        "tpu.region"() ({
          %run_scoped3A = tpu.sem_alloc : memref<!tpu.dma_semaphore, #tpu.memory_space<semaphore_mem>>
          %dma_start3A_100 = tpu.memref_slice %arg6[%multiple_of3A] : memref<800128xi32, #tpu.memory_space<hbm>> -> memref<128xi32, #tpu.memory_space<hbm>>
          %dma_start3A_101 = tpu.memref_slice %arg6[%multiple_of3A] : memref<800128xi32, #tpu.memory_space<hbm>> -> memref<128xi32, #tpu.memory_space<hbm>>
          tpu.enqueue_dma source(%dma_start3A_101 : memref<128xi32, #tpu.memory_space<hbm>>) target(%arg14 : memref<128xi32, #tpu.memory_space<vmem>>) target_semaphore(%run_scoped3A : memref<!tpu.dma_semaphore, #tpu.memory_space<semaphore_mem>>)
          %dma_wait3A_102 = tpu.memref_slice %arg6[%multiple_of3A] : memref<800128xi32, #tpu.memory_space<hbm>> -> memref<128xi32, #tpu.memory_space<hbm>>
          %dma_wait3A_103 = tpu.memref_slice %arg6[%multiple_of3A] : memref<800128xi32, #tpu.memory_space<hbm>> -> memref<128xi32, #tpu.memory_space<hbm>>
          tpu.wait_dma2 semaphore(%run_scoped3A : memref<!tpu.dma_semaphore, #tpu.memory_space<semaphore_mem>>) src(%dma_wait3A_103 : memref<128xi32, #tpu.memory_space<hbm>>) dst(%arg14 : memref<128xi32, #tpu.memory_space<vmem>>)
          tpu.yield
        }) : () -> ()
        "tpu.region"() ({
          %run_scoped3A = tpu.sem_alloc : memref<!tpu.dma_semaphore, #tpu.memory_space<semaphore_mem>>
          %dma_start3A_100 = arith.constant 0 : i32
          %dma_start3A_101 = tpu.memref_slice %arg15[%dma_start3A_100] : memref<144xi32, #tpu.memory_space<vmem>> -> memref<128xi32, #tpu.memory_space<vmem>>
          %dma_start3A_102 = tpu.memref_slice %arg6[%multiple_of3A] : memref<800128xi32, #tpu.memory_space<hbm>> -> memref<128xi32, #tpu.memory_space<hbm>>
          %dma_start3A_103 = arith.constant 0 : i32
          %dma_start3A_104 = tpu.memref_slice %arg15[%dma_start3A_103] : memref<144xi32, #tpu.memory_space<vmem>> -> memref<128xi32, #tpu.memory_space<vmem>>
          %dma_start3A_105 = tpu.memref_slice %arg6[%multiple_of3A] : memref<800128xi32, #tpu.memory_space<hbm>> -> memref<128xi32, #tpu.memory_space<hbm>>
          tpu.enqueue_dma source(%dma_start3A_105 : memref<128xi32, #tpu.memory_space<hbm>>) target(%dma_start3A_104 : memref<128xi32, #tpu.memory_space<vmem>>) target_semaphore(%run_scoped3A : memref<!tpu.dma_semaphore, #tpu.memory_space<semaphore_mem>>)
          %dma_wait3A_106 = arith.constant 0 : i32
          %dma_wait3A_107 = tpu.memref_slice %arg15[%dma_wait3A_106] : memref<144xi32, #tpu.memory_space<vmem>> -> memref<128xi32, #tpu.memory_space<vmem>>
          %dma_wait3A_108 = tpu.memref_slice %arg6[%multiple_of3A] : memref<800128xi32, #tpu.memory_space<hbm>> -> memref<128xi32, #tpu.memory_space<hbm>>
          %dma_wait3A_109 = arith.constant 0 : i32
          %dma_wait3A_110 = tpu.memref_slice %arg15[%dma_wait3A_109] : memref<144xi32, #tpu.memory_space<vmem>> -> memref<128xi32, #tpu.memory_space<vmem>>
          %dma_wait3A_111 = tpu.memref_slice %arg6[%multiple_of3A] : memref<800128xi32, #tpu.memory_space<hbm>> -> memref<128xi32, #tpu.memory_space<hbm>>
          tpu.wait_dma2 semaphore(%run_scoped3A : memref<!tpu.dma_semaphore, #tpu.memory_space<semaphore_mem>>) src(%dma_wait3A_111 : memref<128xi32, #tpu.memory_space<hbm>>) dst(%dma_wait3A_110 : memref<128xi32, #tpu.memory_space<vmem>>)
          tpu.yield
        }) : () -> ()
        %dma_start3A = arith.constant 0 : i32
        %dma_start3A_67 = arith.constant 0 : i32
        %dma_start3A_68 = tpu.memref_slice %arg2[%dma_start3A, %dma_start3A_67] : memref<50000x128xf32, #tpu.memory_space<hbm>> -> memref<50000x128xf32, #tpu.memory_space<hbm>>
        tpu.enqueue_indirect_dma source(%dma_start3A_68 : memref<50000x128xf32, #tpu.memory_space<hbm>>) target(%arg16 : memref<128x128xf32, #tpu.memory_space<vmem>>) offsets(%arg13 : memref<128xi32, #tpu.memory_space<vmem>>) semaphore(%arg21 : memref<!tpu.dma_semaphore, #tpu.memory_space<semaphore_mem>>)
        %dma_start3A_69 = arith.constant 0 : i32
        %dma_start3A_70 = arith.constant 0 : i32
        %dma_start3A_71 = tpu.memref_slice %arg3[%dma_start3A_69, %dma_start3A_70] : memref<50000x16xf32, #tpu.memory_space<hbm>> -> memref<50000x16xf32, #tpu.memory_space<hbm>>
        tpu.enqueue_indirect_dma source(%dma_start3A_71 : memref<50000x16xf32, #tpu.memory_space<hbm>>) target(%arg17 : memref<128x16xf32, #tpu.memory_space<vmem>>) offsets(%arg13 : memref<128xi32, #tpu.memory_space<vmem>>) semaphore(%arg21 : memref<!tpu.dma_semaphore, #tpu.memory_space<semaphore_mem>>)
        %dma_start3A_72 = arith.constant 0 : i32
        %dma_start3A_73 = arith.constant 0 : i32
        %dma_start3A_74 = tpu.memref_slice %arg4[%dma_start3A_72, %dma_start3A_73] : memref<50000x16xf32, #tpu.memory_space<hbm>> -> memref<50000x16xf32, #tpu.memory_space<hbm>>
        tpu.enqueue_indirect_dma source(%dma_start3A_74 : memref<50000x16xf32, #tpu.memory_space<hbm>>) target(%arg18 : memref<128x16xf32, #tpu.memory_space<vmem>>) offsets(%arg14 : memref<128xi32, #tpu.memory_space<vmem>>) semaphore(%arg21 : memref<!tpu.dma_semaphore, #tpu.memory_space<semaphore_mem>>)
        %dma_wait3A = arith.constant 0 : i32
        %dma_wait3A_75 = arith.constant 0 : i32
        %dma_wait3A_76 = tpu.memref_slice %arg2[%dma_wait3A, %dma_wait3A_75] : memref<50000x128xf32, #tpu.memory_space<hbm>> -> memref<50000x128xf32, #tpu.memory_space<hbm>>
        tpu.wait_indirect_dma semaphore(%arg21 : memref<!tpu.dma_semaphore, #tpu.memory_space<semaphore_mem>>) src(%dma_wait3A_76 : memref<50000x128xf32, #tpu.memory_space<hbm>>) dst(%arg16 : memref<128x128xf32, #tpu.memory_space<vmem>>)
        %dma_wait3A_77 = arith.constant 0 : i32
        %dma_wait3A_78 = arith.constant 0 : i32
        %dma_wait3A_79 = tpu.memref_slice %arg3[%dma_wait3A_77, %dma_wait3A_78] : memref<50000x16xf32, #tpu.memory_space<hbm>> -> memref<50000x16xf32, #tpu.memory_space<hbm>>
        tpu.wait_indirect_dma semaphore(%arg21 : memref<!tpu.dma_semaphore, #tpu.memory_space<semaphore_mem>>) src(%dma_wait3A_79 : memref<50000x16xf32, #tpu.memory_space<hbm>>) dst(%arg17 : memref<128x16xf32, #tpu.memory_space<vmem>>)
        %dma_wait3A_80 = arith.constant 0 : i32
        %dma_wait3A_81 = arith.constant 0 : i32
        %dma_wait3A_82 = tpu.memref_slice %arg4[%dma_wait3A_80, %dma_wait3A_81] : memref<50000x16xf32, #tpu.memory_space<hbm>> -> memref<50000x16xf32, #tpu.memory_space<hbm>>
        tpu.wait_indirect_dma semaphore(%arg21 : memref<!tpu.dma_semaphore, #tpu.memory_space<semaphore_mem>>) src(%dma_wait3A_82 : memref<50000x16xf32, #tpu.memory_space<hbm>>) dst(%arg18 : memref<128x16xf32, #tpu.memory_space<vmem>>)
        %sub3A_83 = arith.subi %squeeze3A, %multiple_of3A : i32
        %max3A = arith.constant 0 : i32
        %max3A_84 = arith.maxsi %sub3A_83, %max3A : i32
        %sub3A_85 = arith.subi %squeeze3A_27, %multiple_of3A : i32
        %min3A = arith.constant 128 : i32
        %min3A_86 = arith.minsi %min3A, %sub3A_85 : i32
        %max3A_87 = arith.maxsi %max3A_84, %min3A_86 : i32
        %while3A_88 = arith.constant 0 : i32
        %while3A_89 = arith.subi %max3A_87, %max3A_84 : i32
        %while3A_90 = arith.addi %max3A_84, %while3A_89 : i32
        %while3A_91 = arith.constant 1 : i32
        %while3A_92 = arith.divsi %while3A_89, %while3A_91 : i32
        %while3A_93 = arith.muli %while3A_92, %while3A_91 : i32
        %while3A_94 = arith.addi %max3A_84, %while3A_93 : i32
        %while3A_95 = arith.constant 1 : i32
        %while3A_96 = scf.for %while3A_100 = %max3A_84 to %while3A_94 step %while3A_95 iter_args(%while3A_101 = %while3A_88) -> (i32)  : i32 {
          %get3A_102 = arith.index_cast %while3A_100 : i32 to index
          %get3A_103 = arith.constant 0 : index
          %get3A_104 = tpu.vector_load %arg17[%get3A_102, %get3A_103] {strides = array<i32>} : memref<128x16xf32, #tpu.memory_space<vmem>>, vector<1x16xf32>,
          %get3A_105 = vector.shape_cast %get3A_104 : vector<1x16xf32> to vector<16xf32>
          %get3A_106 = arith.index_cast %while3A_100 : i32 to index
          %get3A_107 = arith.constant 0 : index
          %get3A_108 = tpu.vector_load %arg18[%get3A_106, %get3A_107] {strides = array<i32>} : memref<128x16xf32, #tpu.memory_space<vmem>>, vector<1x16xf32>,
          %get3A_109 = vector.shape_cast %get3A_108 : vector<1x16xf32> to vector<16xf32>
          %add3A_110 = arith.addf %get3A_105, %get3A_109 : vector<16xf32>
          %gt3A = arith.constant 0.000000e+00 : f32
          %gt3A_111 = vector.broadcast %gt3A : f32 to vector<16xf32>
          %gt3A_112 = arith.cmpf ogt, %add3A_110, %gt3A_111 : vector<16xf32>
          %mul3A_113 = arith.constant 2.000000e-01 : f32
          %mul3A_114 = vector.broadcast %mul3A_113 : f32 to vector<16xf32>
          %mul3A_115 = arith.mulf %add3A_110, %mul3A_114 : vector<16xf32>
          %select_n3A_116 = arith.select %gt3A_112, %add3A_110, %mul3A_115 : vector<16xi1>, vector<16xf32>
          %sub3A_117 = arith.subf %select_n3A_116, %get3A_2 : vector<16xf32>
          %exp3A = math.exp %sub3A_117 : vector<16xf32>
          %get3A_118 = arith.index_cast %while3A_100 : i32 to index
          %get3A_119 = tpu.vector_load %arg15[%get3A_118] {strides = array<i32>} : memref<144xi32, #tpu.memory_space<vmem>>, vector<16xi32>,
          %get3A_120 = vector.shape_cast %get3A_119 : vector<16xi32> to vector<16xi32>
          %slice3A_121 = vector.extract_strided_slice %get3A_120 {offsets = [0], sizes = [1], strides = [1]} : vector<16xi32> to vector<1xi32>
          %squeeze3A_122 = vector.extract %slice3A_121[0] : i32 from vector<1xi32>
          %sub3A_123 = arith.subi %squeeze3A_122, %mul3A_15 : i32
          %swap3A = arith.index_cast %sub3A_123 : i32 to index
          %swap3A_124 = arith.constant 0 : index
          %swap3A_125 = tpu.vector_load %arg12[%swap3A, %swap3A_124] {strides = array<i32>} : memref<528x16xf32, #tpu.memory_space<vmem>>, vector<1x16xf32>,
          %swap3A_126 = vector.shape_cast %swap3A_125 : vector<1x16xf32> to vector<16xf32>
          %swap3A_127 = vector.shape_cast %exp3A : vector<16xf32> to vector<1x16xf32>
          tpu.vector_store %arg12[%swap3A, %swap3A_124], %swap3A_127 {add = true, strides = array<i32>} : memref<528x16xf32, #tpu.memory_space<vmem>>, vector<1x16xf32>,
          %get3A_128 = arith.index_cast %while3A_100 : i32 to index
          %get3A_129 = arith.constant 0 : index
          %get3A_130 = tpu.vector_load %arg16[%get3A_128, %get3A_129] {strides = array<i32>} : memref<128x128xf32, #tpu.memory_space<vmem>>, vector<1x16xf32>,
          %get3A_131 = vector.shape_cast %get3A_130 : vector<1x16xf32> to vector<16xf32>
          %get3A_132 = arith.index_cast %while3A_100 : i32 to index
          %get3A_133 = arith.constant 16 : index
          %get3A_134 = tpu.vector_load %arg16[%get3A_132, %get3A_133] {strides = array<i32>} : memref<128x128xf32, #tpu.memory_space<vmem>>, vector<1x16xf32>,
          %get3A_135 = vector.shape_cast %get3A_134 : vector<1x16xf32> to vector<16xf32>
          %get3A_136 = arith.index_cast %while3A_100 : i32 to index
          %get3A_137 = arith.constant 32 : index
          %get3A_138 = tpu.vector_load %arg16[%get3A_136, %get3A_137] {strides = array<i32>} : memref<128x128xf32, #tpu.memory_space<vmem>>, vector<1x16xf32>,
          %get3A_139 = vector.shape_cast %get3A_138 : vector<1x16xf32> to vector<16xf32>
          %get3A_140 = arith.index_cast %while3A_100 : i32 to index
          %get3A_141 = arith.constant 48 : index
          %get3A_142 = tpu.vector_load %arg16[%get3A_140, %get3A_141] {strides = array<i32>} : memref<128x128xf32, #tpu.memory_space<vmem>>, vector<1x16xf32>,
          %get3A_143 = vector.shape_cast %get3A_142 : vector<1x16xf32> to vector<16xf32>
          %get3A_144 = arith.index_cast %while3A_100 : i32 to index
          %get3A_145 = arith.constant 64 : index
          %get3A_146 = tpu.vector_load %arg16[%get3A_144, %get3A_145] {strides = array<i32>} : memref<128x128xf32, #tpu.memory_space<vmem>>, vector<1x16xf32>,
          %get3A_147 = vector.shape_cast %get3A_146 : vector<1x16xf32> to vector<16xf32>
          %get3A_148 = arith.index_cast %while3A_100 : i32 to index
          %get3A_149 = arith.constant 80 : index
          %get3A_150 = tpu.vector_load %arg16[%get3A_148, %get3A_149] {strides = array<i32>} : memref<128x128xf32, #tpu.memory_space<vmem>>, vector<1x16xf32>,
          %get3A_151 = vector.shape_cast %get3A_150 : vector<1x16xf32> to vector<16xf32>
          %get3A_152 = arith.index_cast %while3A_100 : i32 to index
          %get3A_153 = arith.constant 96 : index
          %get3A_154 = tpu.vector_load %arg16[%get3A_152, %get3A_153] {strides = array<i32>} : memref<128x128xf32, #tpu.memory_space<vmem>>, vector<1x16xf32>,
          %get3A_155 = vector.shape_cast %get3A_154 : vector<1x16xf32> to vector<16xf32>
          %get3A_156 = arith.index_cast %while3A_100 : i32 to index
          %get3A_157 = arith.constant 112 : index
          %get3A_158 = tpu.vector_load %arg16[%get3A_156, %get3A_157] {strides = array<i32>} : memref<128x128xf32, #tpu.memory_space<vmem>>, vector<1x16xf32>,
          %get3A_159 = vector.shape_cast %get3A_158 : vector<1x16xf32> to vector<16xf32>
          %slice3A_160 = vector.extract_strided_slice %exp3A {offsets = [0], sizes = [1], strides = [1]} : vector<16xf32> to vector<1xf32>
          %squeeze3A_161 = vector.extract %slice3A_160[0] : f32 from vector<1xf32>
          %mul3A_162 = vector.broadcast %squeeze3A_161 : f32 to vector<16xf32>
          %mul3A_163 = arith.mulf %mul3A_162, %get3A_131 : vector<16xf32>
          %swap3A_164 = arith.index_cast %sub3A_123 : i32 to index
          %swap3A_165 = arith.constant 0 : index
          %swap3A_166 = tpu.vector_load %arg11[%swap3A_164, %swap3A_165] {strides = array<i32>} : memref<528x128xf32, #tpu.memory_space<vmem>>, vector<1x16xf32>,
          %swap3A_167 = vector.shape_cast %swap3A_166 : vector<1x16xf32> to vector<16xf32>
          %swap3A_168 = vector.shape_cast %mul3A_163 : vector<16xf32> to vector<1x16xf32>
          tpu.vector_store %arg11[%swap3A_164, %swap3A_165], %swap3A_168 {add = true, strides = array<i32>} : memref<528x128xf32, #tpu.memory_space<vmem>>, vector<1x16xf32>,
          %mul3A_169 = vector.broadcast %squeeze3A_161 : f32 to vector<16xf32>
          %mul3A_170 = arith.mulf %mul3A_169, %get3A_135 : vector<16xf32>
          %swap3A_171 = arith.index_cast %sub3A_123 : i32 to index
          %swap3A_172 = arith.constant 16 : index
          %swap3A_173 = tpu.vector_load %arg11[%swap3A_171, %swap3A_172] {strides = array<i32>} : memref<528x128xf32, #tpu.memory_space<vmem>>, vector<1x16xf32>,
          %swap3A_174 = vector.shape_cast %swap3A_173 : vector<1x16xf32> to vector<16xf32>
          %swap3A_175 = vector.shape_cast %mul3A_170 : vector<16xf32> to vector<1x16xf32>
          tpu.vector_store %arg11[%swap3A_171, %swap3A_172], %swap3A_175 {add = true, strides = array<i32>} : memref<528x128xf32, #tpu.memory_space<vmem>>, vector<1x16xf32>,
          %mul3A_176 = vector.broadcast %squeeze3A_161 : f32 to vector<16xf32>
          %mul3A_177 = arith.mulf %mul3A_176, %get3A_139 : vector<16xf32>
          %swap3A_178 = arith.index_cast %sub3A_123 : i32 to index
          %swap3A_179 = arith.constant 32 : index
          %swap3A_180 = tpu.vector_load %arg11[%swap3A_178, %swap3A_179] {strides = array<i32>} : memref<528x128xf32, #tpu.memory_space<vmem>>, vector<1x16xf32>,
          %swap3A_181 = vector.shape_cast %swap3A_180 : vector<1x16xf32> to vector<16xf32>
          %swap3A_182 = vector.shape_cast %mul3A_177 : vector<16xf32> to vector<1x16xf32>
          tpu.vector_store %arg11[%swap3A_178, %swap3A_179], %swap3A_182 {add = true, strides = array<i32>} : memref<528x128xf32, #tpu.memory_space<vmem>>, vector<1x16xf32>,
          %mul3A_183 = vector.broadcast %squeeze3A_161 : f32 to vector<16xf32>
          %mul3A_184 = arith.mulf %mul3A_183, %get3A_143 : vector<16xf32>
          %swap3A_185 = arith.index_cast %sub3A_123 : i32 to index
          %swap3A_186 = arith.constant 48 : index
          %swap3A_187 = tpu.vector_load %arg11[%swap3A_185, %swap3A_186] {strides = array<i32>} : memref<528x128xf32, #tpu.memory_space<vmem>>, vector<1x16xf32>,
          %swap3A_188 = vector.shape_cast %swap3A_187 : vector<1x16xf32> to vector<16xf32>
          %swap3A_189 = vector.shape_cast %mul3A_184 : vector<16xf32> to vector<1x16xf32>
          tpu.vector_store %arg11[%swap3A_185, %swap3A_186], %swap3A_189 {add = true, strides = array<i32>} : memref<528x128xf32, #tpu.memory_space<vmem>>, vector<1x16xf32>,
          %mul3A_190 = vector.broadcast %squeeze3A_161 : f32 to vector<16xf32>
          %mul3A_191 = arith.mulf %mul3A_190, %get3A_147 : vector<16xf32>
          %swap3A_192 = arith.index_cast %sub3A_123 : i32 to index
          %swap3A_193 = arith.constant 64 : index
          %swap3A_194 = tpu.vector_load %arg11[%swap3A_192, %swap3A_193] {strides = array<i32>} : memref<528x128xf32, #tpu.memory_space<vmem>>, vector<1x16xf32>,
          %swap3A_195 = vector.shape_cast %swap3A_194 : vector<1x16xf32> to vector<16xf32>
          %swap3A_196 = vector.shape_cast %mul3A_191 : vector<16xf32> to vector<1x16xf32>
          tpu.vector_store %arg11[%swap3A_192, %swap3A_193], %swap3A_196 {add = true, strides = array<i32>} : memref<528x128xf32, #tpu.memory_space<vmem>>, vector<1x16xf32>,
          %mul3A_197 = vector.broadcast %squeeze3A_161 : f32 to vector<16xf32>
          %mul3A_198 = arith.mulf %mul3A_197, %get3A_151 : vector<16xf32>
          %swap3A_199 = arith.index_cast %sub3A_123 : i32 to index
          %swap3A_200 = arith.constant 80 : index
          %swap3A_201 = tpu.vector_load %arg11[%swap3A_199, %swap3A_200] {strides = array<i32>} : memref<528x128xf32, #tpu.memory_space<vmem>>, vector<1x16xf32>,
          %swap3A_202 = vector.shape_cast %swap3A_201 : vector<1x16xf32> to vector<16xf32>
          %swap3A_203 = vector.shape_cast %mul3A_198 : vector<16xf32> to vector<1x16xf32>
          tpu.vector_store %arg11[%swap3A_199, %swap3A_200], %swap3A_203 {add = true, strides = array<i32>} : memref<528x128xf32, #tpu.memory_space<vmem>>, vector<1x16xf32>,
          %mul3A_204 = vector.broadcast %squeeze3A_161 : f32 to vector<16xf32>
          %mul3A_205 = arith.mulf %mul3A_204, %get3A_155 : vector<16xf32>
          %swap3A_206 = arith.index_cast %sub3A_123 : i32 to index
          %swap3A_207 = arith.constant 96 : index
          %swap3A_208 = tpu.vector_load %arg11[%swap3A_206, %swap3A_207] {strides = array<i32>} : memref<528x128xf32, #tpu.memory_space<vmem>>, vector<1x16xf32>,
          %swap3A_209 = vector.shape_cast %swap3A_208 : vector<1x16xf32> to vector<16xf32>
          %swap3A_210 = vector.shape_cast %mul3A_205 : vector<16xf32> to vector<1x16xf32>
          tpu.vector_store %arg11[%swap3A_206, %swap3A_207], %swap3A_210 {add = true, strides = array<i32>} : memref<528x128xf32, #tpu.memory_space<vmem>>, vector<1x16xf32>,
          %mul3A_211 = vector.broadcast %squeeze3A_161 : f32 to vector<16xf32>
          %mul3A_212 = arith.mulf %mul3A_211, %get3A_159 : vector<16xf32>
          %swap3A_213 = arith.index_cast %sub3A_123 : i32 to index
          %swap3A_214 = arith.constant 112 : index
          %swap3A_215 = tpu.vector_load %arg11[%swap3A_213, %swap3A_214] {strides = array<i32>} : memref<528x128xf32, #tpu.memory_space<vmem>>, vector<1x16xf32>,
          %swap3A_216 = vector.shape_cast %swap3A_215 : vector<1x16xf32> to vector<16xf32>
          %swap3A_217 = vector.shape_cast %mul3A_212 : vector<16xf32> to vector<1x16xf32>
          tpu.vector_store %arg11[%swap3A_213, %swap3A_214], %swap3A_217 {add = true, strides = array<i32>} : memref<528x128xf32, #tpu.memory_space<vmem>>, vector<1x16xf32>,
          %while3A_218 = arith.constant 0 : i32
          scf.yield %while3A_218 : i32
        }
        %while3A_97 = arith.constant 1 : i32
        %while3A_98 = scf.for %while3A_100 = %while3A_94 to %while3A_90 step %while3A_97 iter_args(%while3A_101 = %while3A_96) -> (i32)  : i32 {
          %get3A_102 = arith.index_cast %while3A_100 : i32 to index
          %get3A_103 = arith.constant 0 : index
          %get3A_104 = tpu.vector_load %arg17[%get3A_102, %get3A_103] {strides = array<i32>} : memref<128x16xf32, #tpu.memory_space<vmem>>, vector<1x16xf32>,
          %get3A_105 = vector.shape_cast %get3A_104 : vector<1x16xf32> to vector<16xf32>
          %get3A_106 = arith.index_cast %while3A_100 : i32 to index
          %get3A_107 = arith.constant 0 : index
          %get3A_108 = tpu.vector_load %arg18[%get3A_106, %get3A_107] {strides = array<i32>} : memref<128x16xf32, #tpu.memory_space<vmem>>, vector<1x16xf32>,
          %get3A_109 = vector.shape_cast %get3A_108 : vector<1x16xf32> to vector<16xf32>
          %add3A_110 = arith.addf %get3A_105, %get3A_109 : vector<16xf32>
          %gt3A = arith.constant 0.000000e+00 : f32
          %gt3A_111 = vector.broadcast %gt3A : f32 to vector<16xf32>
          %gt3A_112 = arith.cmpf ogt, %add3A_110, %gt3A_111 : vector<16xf32>
          %mul3A_113 = arith.constant 2.000000e-01 : f32
          %mul3A_114 = vector.broadcast %mul3A_113 : f32 to vector<16xf32>
          %mul3A_115 = arith.mulf %add3A_110, %mul3A_114 : vector<16xf32>
          %select_n3A_116 = arith.select %gt3A_112, %add3A_110, %mul3A_115 : vector<16xi1>, vector<16xf32>
          %sub3A_117 = arith.subf %select_n3A_116, %get3A_2 : vector<16xf32>
          %exp3A = math.exp %sub3A_117 : vector<16xf32>
          %get3A_118 = arith.index_cast %while3A_100 : i32 to index
          %get3A_119 = tpu.vector_load %arg15[%get3A_118] {strides = array<i32>} : memref<144xi32, #tpu.memory_space<vmem>>, vector<16xi32>,
          %get3A_120 = vector.shape_cast %get3A_119 : vector<16xi32> to vector<16xi32>
          %slice3A_121 = vector.extract_strided_slice %get3A_120 {offsets = [0], sizes = [1], strides = [1]} : vector<16xi32> to vector<1xi32>
          %squeeze3A_122 = vector.extract %slice3A_121[0] : i32 from vector<1xi32>
          %sub3A_123 = arith.subi %squeeze3A_122, %mul3A_15 : i32
          %swap3A = arith.index_cast %sub3A_123 : i32 to index
          %swap3A_124 = arith.constant 0 : index
          %swap3A_125 = tpu.vector_load %arg12[%swap3A, %swap3A_124] {strides = array<i32>} : memref<528x16xf32, #tpu.memory_space<vmem>>, vector<1x16xf32>,
          %swap3A_126 = vector.shape_cast %swap3A_125 : vector<1x16xf32> to vector<16xf32>
          %swap3A_127 = vector.shape_cast %exp3A : vector<16xf32> to vector<1x16xf32>
          tpu.vector_store %arg12[%swap3A, %swap3A_124], %swap3A_127 {add = true, strides = array<i32>} : memref<528x16xf32, #tpu.memory_space<vmem>>, vector<1x16xf32>,
          %get3A_128 = arith.index_cast %while3A_100 : i32 to index
          %get3A_129 = arith.constant 0 : index
          %get3A_130 = tpu.vector_load %arg16[%get3A_128, %get3A_129] {strides = array<i32>} : memref<128x128xf32, #tpu.memory_space<vmem>>, vector<1x16xf32>,
          %get3A_131 = vector.shape_cast %get3A_130 : vector<1x16xf32> to vector<16xf32>
          %get3A_132 = arith.index_cast %while3A_100 : i32 to index
          %get3A_133 = arith.constant 16 : index
          %get3A_134 = tpu.vector_load %arg16[%get3A_132, %get3A_133] {strides = array<i32>} : memref<128x128xf32, #tpu.memory_space<vmem>>, vector<1x16xf32>,
          %get3A_135 = vector.shape_cast %get3A_134 : vector<1x16xf32> to vector<16xf32>
          %get3A_136 = arith.index_cast %while3A_100 : i32 to index
          %get3A_137 = arith.constant 32 : index
          %get3A_138 = tpu.vector_load %arg16[%get3A_136, %get3A_137] {strides = array<i32>} : memref<128x128xf32, #tpu.memory_space<vmem>>, vector<1x16xf32>,
          %get3A_139 = vector.shape_cast %get3A_138 : vector<1x16xf32> to vector<16xf32>
          %get3A_140 = arith.index_cast %while3A_100 : i32 to index
          %get3A_141 = arith.constant 48 : index
          %get3A_142 = tpu.vector_load %arg16[%get3A_140, %get3A_141] {strides = array<i32>} : memref<128x128xf32, #tpu.memory_space<vmem>>, vector<1x16xf32>,
          %get3A_143 = vector.shape_cast %get3A_142 : vector<1x16xf32> to vector<16xf32>
          %get3A_144 = arith.index_cast %while3A_100 : i32 to index
          %get3A_145 = arith.constant 64 : index
          %get3A_146 = tpu.vector_load %arg16[%get3A_144, %get3A_145] {strides = array<i32>} : memref<128x128xf32, #tpu.memory_space<vmem>>, vector<1x16xf32>,
          %get3A_147 = vector.shape_cast %get3A_146 : vector<1x16xf32> to vector<16xf32>
          %get3A_148 = arith.index_cast %while3A_100 : i32 to index
          %get3A_149 = arith.constant 80 : index
          %get3A_150 = tpu.vector_load %arg16[%get3A_148, %get3A_149] {strides = array<i32>} : memref<128x128xf32, #tpu.memory_space<vmem>>, vector<1x16xf32>,
          %get3A_151 = vector.shape_cast %get3A_150 : vector<1x16xf32> to vector<16xf32>
          %get3A_152 = arith.index_cast %while3A_100 : i32 to index
          %get3A_153 = arith.constant 96 : index
          %get3A_154 = tpu.vector_load %arg16[%get3A_152, %get3A_153] {strides = array<i32>} : memref<128x128xf32, #tpu.memory_space<vmem>>, vector<1x16xf32>,
          %get3A_155 = vector.shape_cast %get3A_154 : vector<1x16xf32> to vector<16xf32>
          %get3A_156 = arith.index_cast %while3A_100 : i32 to index
          %get3A_157 = arith.constant 112 : index
          %get3A_158 = tpu.vector_load %arg16[%get3A_156, %get3A_157] {strides = array<i32>} : memref<128x128xf32, #tpu.memory_space<vmem>>, vector<1x16xf32>,
          %get3A_159 = vector.shape_cast %get3A_158 : vector<1x16xf32> to vector<16xf32>
          %slice3A_160 = vector.extract_strided_slice %exp3A {offsets = [0], sizes = [1], strides = [1]} : vector<16xf32> to vector<1xf32>
          %squeeze3A_161 = vector.extract %slice3A_160[0] : f32 from vector<1xf32>
          %mul3A_162 = vector.broadcast %squeeze3A_161 : f32 to vector<16xf32>
          %mul3A_163 = arith.mulf %mul3A_162, %get3A_131 : vector<16xf32>
          %swap3A_164 = arith.index_cast %sub3A_123 : i32 to index
          %swap3A_165 = arith.constant 0 : index
          %swap3A_166 = tpu.vector_load %arg11[%swap3A_164, %swap3A_165] {strides = array<i32>} : memref<528x128xf32, #tpu.memory_space<vmem>>, vector<1x16xf32>,
          %swap3A_167 = vector.shape_cast %swap3A_166 : vector<1x16xf32> to vector<16xf32>
          %swap3A_168 = vector.shape_cast %mul3A_163 : vector<16xf32> to vector<1x16xf32>
          tpu.vector_store %arg11[%swap3A_164, %swap3A_165], %swap3A_168 {add = true, strides = array<i32>} : memref<528x128xf32, #tpu.memory_space<vmem>>, vector<1x16xf32>,
          %mul3A_169 = vector.broadcast %squeeze3A_161 : f32 to vector<16xf32>
          %mul3A_170 = arith.mulf %mul3A_169, %get3A_135 : vector<16xf32>
          %swap3A_171 = arith.index_cast %sub3A_123 : i32 to index
          %swap3A_172 = arith.constant 16 : index
          %swap3A_173 = tpu.vector_load %arg11[%swap3A_171, %swap3A_172] {strides = array<i32>} : memref<528x128xf32, #tpu.memory_space<vmem>>, vector<1x16xf32>,
          %swap3A_174 = vector.shape_cast %swap3A_173 : vector<1x16xf32> to vector<16xf32>
          %swap3A_175 = vector.shape_cast %mul3A_170 : vector<16xf32> to vector<1x16xf32>
          tpu.vector_store %arg11[%swap3A_171, %swap3A_172], %swap3A_175 {add = true, strides = array<i32>} : memref<528x128xf32, #tpu.memory_space<vmem>>, vector<1x16xf32>,
          %mul3A_176 = vector.broadcast %squeeze3A_161 : f32 to vector<16xf32>
          %mul3A_177 = arith.mulf %mul3A_176, %get3A_139 : vector<16xf32>
          %swap3A_178 = arith.index_cast %sub3A_123 : i32 to index
          %swap3A_179 = arith.constant 32 : index
          %swap3A_180 = tpu.vector_load %arg11[%swap3A_178, %swap3A_179] {strides = array<i32>} : memref<528x128xf32, #tpu.memory_space<vmem>>, vector<1x16xf32>,
          %swap3A_181 = vector.shape_cast %swap3A_180 : vector<1x16xf32> to vector<16xf32>
          %swap3A_182 = vector.shape_cast %mul3A_177 : vector<16xf32> to vector<1x16xf32>
          tpu.vector_store %arg11[%swap3A_178, %swap3A_179], %swap3A_182 {add = true, strides = array<i32>} : memref<528x128xf32, #tpu.memory_space<vmem>>, vector<1x16xf32>,
          %mul3A_183 = vector.broadcast %squeeze3A_161 : f32 to vector<16xf32>
          %mul3A_184 = arith.mulf %mul3A_183, %get3A_143 : vector<16xf32>
          %swap3A_185 = arith.index_cast %sub3A_123 : i32 to index
          %swap3A_186 = arith.constant 48 : index
          %swap3A_187 = tpu.vector_load %arg11[%swap3A_185, %swap3A_186] {strides = array<i32>} : memref<528x128xf32, #tpu.memory_space<vmem>>, vector<1x16xf32>,
          %swap3A_188 = vector.shape_cast %swap3A_187 : vector<1x16xf32> to vector<16xf32>
          %swap3A_189 = vector.shape_cast %mul3A_184 : vector<16xf32> to vector<1x16xf32>
          tpu.vector_store %arg11[%swap3A_185, %swap3A_186], %swap3A_189 {add = true, strides = array<i32>} : memref<528x128xf32, #tpu.memory_space<vmem>>, vector<1x16xf32>,
          %mul3A_190 = vector.broadcast %squeeze3A_161 : f32 to vector<16xf32>
          %mul3A_191 = arith.mulf %mul3A_190, %get3A_147 : vector<16xf32>
          %swap3A_192 = arith.index_cast %sub3A_123 : i32 to index
          %swap3A_193 = arith.constant 64 : index
          %swap3A_194 = tpu.vector_load %arg11[%swap3A_192, %swap3A_193] {strides = array<i32>} : memref<528x128xf32, #tpu.memory_space<vmem>>, vector<1x16xf32>,
          %swap3A_195 = vector.shape_cast %swap3A_194 : vector<1x16xf32> to vector<16xf32>
          %swap3A_196 = vector.shape_cast %mul3A_191 : vector<16xf32> to vector<1x16xf32>
          tpu.vector_store %arg11[%swap3A_192, %swap3A_193], %swap3A_196 {add = true, strides = array<i32>} : memref<528x128xf32, #tpu.memory_space<vmem>>, vector<1x16xf32>,
          %mul3A_197 = vector.broadcast %squeeze3A_161 : f32 to vector<16xf32>
          %mul3A_198 = arith.mulf %mul3A_197, %get3A_151 : vector<16xf32>
          %swap3A_199 = arith.index_cast %sub3A_123 : i32 to index
          %swap3A_200 = arith.constant 80 : index
          %swap3A_201 = tpu.vector_load %arg11[%swap3A_199, %swap3A_200] {strides = array<i32>} : memref<528x128xf32, #tpu.memory_space<vmem>>, vector<1x16xf32>,
          %swap3A_202 = vector.shape_cast %swap3A_201 : vector<1x16xf32> to vector<16xf32>
          %swap3A_203 = vector.shape_cast %mul3A_198 : vector<16xf32> to vector<1x16xf32>
          tpu.vector_store %arg11[%swap3A_199, %swap3A_200], %swap3A_203 {add = true, strides = array<i32>} : memref<528x128xf32, #tpu.memory_space<vmem>>, vector<1x16xf32>,
          %mul3A_204 = vector.broadcast %squeeze3A_161 : f32 to vector<16xf32>
          %mul3A_205 = arith.mulf %mul3A_204, %get3A_155 : vector<16xf32>
          %swap3A_206 = arith.index_cast %sub3A_123 : i32 to index
          %swap3A_207 = arith.constant 96 : index
          %swap3A_208 = tpu.vector_load %arg11[%swap3A_206, %swap3A_207] {strides = array<i32>} : memref<528x128xf32, #tpu.memory_space<vmem>>, vector<1x16xf32>,
          %swap3A_209 = vector.shape_cast %swap3A_208 : vector<1x16xf32> to vector<16xf32>
          %swap3A_210 = vector.shape_cast %mul3A_205 : vector<16xf32> to vector<1x16xf32>
          tpu.vector_store %arg11[%swap3A_206, %swap3A_207], %swap3A_210 {add = true, strides = array<i32>} : memref<528x128xf32, #tpu.memory_space<vmem>>, vector<1x16xf32>,
          %mul3A_211 = vector.broadcast %squeeze3A_161 : f32 to vector<16xf32>
          %mul3A_212 = arith.mulf %mul3A_211, %get3A_159 : vector<16xf32>
          %swap3A_213 = arith.index_cast %sub3A_123 : i32 to index
          %swap3A_214 = arith.constant 112 : index
          %swap3A_215 = tpu.vector_load %arg11[%swap3A_213, %swap3A_214] {strides = array<i32>} : memref<528x128xf32, #tpu.memory_space<vmem>>, vector<1x16xf32>,
          %swap3A_216 = vector.shape_cast %swap3A_215 : vector<1x16xf32> to vector<16xf32>
          %swap3A_217 = vector.shape_cast %mul3A_212 : vector<16xf32> to vector<1x16xf32>
          tpu.vector_store %arg11[%swap3A_213, %swap3A_214], %swap3A_217 {add = true, strides = array<i32>} : memref<528x128xf32, #tpu.memory_space<vmem>>, vector<1x16xf32>,
          %while3A_218 = arith.constant 0 : i32
          scf.yield %while3A_218 : i32
        }
        %while3A_99 = arith.constant 0 : i32
        scf.yield %while3A_99 : i32
      }
      "tpu.region"() ({
        %run_scoped3A = tpu.sem_alloc : memref<!tpu.dma_semaphore, #tpu.memory_space<semaphore_mem>>
        %dma_start3A = arith.constant 0 : i32
        %dma_start3A_62 = tpu.memref_slice %arg9[%mul3A_15, %dma_start3A] : memref<50688x128xf32, #tpu.memory_space<hbm>> -> memref<528x128xf32, #tpu.memory_space<hbm>>
        %dma_start3A_63 = arith.constant 0 : i32
        %dma_start3A_64 = tpu.memref_slice %arg9[%mul3A_15, %dma_start3A_63] : memref<50688x128xf32, #tpu.memory_space<hbm>> -> memref<528x128xf32, #tpu.memory_space<hbm>>
        tpu.enqueue_dma source(%arg11 : memref<528x128xf32, #tpu.memory_space<vmem>>) target(%dma_start3A_64 : memref<528x128xf32, #tpu.memory_space<hbm>>) target_semaphore(%run_scoped3A : memref<!tpu.dma_semaphore, #tpu.memory_space<semaphore_mem>>)
        %dma_wait3A = arith.constant 0 : i32
        %dma_wait3A_65 = tpu.memref_slice %arg9[%mul3A_15, %dma_wait3A] : memref<50688x128xf32, #tpu.memory_space<hbm>> -> memref<528x128xf32, #tpu.memory_space<hbm>>
        %dma_wait3A_66 = arith.constant 0 : i32
        %dma_wait3A_67 = tpu.memref_slice %arg9[%mul3A_15, %dma_wait3A_66] : memref<50688x128xf32, #tpu.memory_space<hbm>> -> memref<528x128xf32, #tpu.memory_space<hbm>>
        tpu.wait_dma2 semaphore(%run_scoped3A : memref<!tpu.dma_semaphore, #tpu.memory_space<semaphore_mem>>) src(%arg11 : memref<528x128xf32, #tpu.memory_space<vmem>>) dst(%dma_wait3A_67 : memref<528x128xf32, #tpu.memory_space<hbm>>)
        tpu.yield
      }) : () -> ()
      "tpu.region"() ({
        %run_scoped3A = tpu.sem_alloc : memref<!tpu.dma_semaphore, #tpu.memory_space<semaphore_mem>>
        %dma_start3A = arith.constant 0 : i32
        %dma_start3A_62 = tpu.memref_slice %arg10[%mul3A_15, %dma_start3A] : memref<50688x16xf32, #tpu.memory_space<hbm>> -> memref<528x16xf32, #tpu.memory_space<hbm>>
        %dma_start3A_63 = arith.constant 0 : i32
        %dma_start3A_64 = tpu.memref_slice %arg10[%mul3A_15, %dma_start3A_63] : memref<50688x16xf32, #tpu.memory_space<hbm>> -> memref<528x16xf32, #tpu.memory_space<hbm>>
        tpu.enqueue_dma source(%arg12 : memref<528x16xf32, #tpu.memory_space<vmem>>) target(%dma_start3A_64 : memref<528x16xf32, #tpu.memory_space<hbm>>) target_semaphore(%run_scoped3A : memref<!tpu.dma_semaphore, #tpu.memory_space<semaphore_mem>>)
        %dma_wait3A = arith.constant 0 : i32
        %dma_wait3A_65 = tpu.memref_slice %arg10[%mul3A_15, %dma_wait3A] : memref<50688x16xf32, #tpu.memory_space<hbm>> -> memref<528x16xf32, #tpu.memory_space<hbm>>
        %dma_wait3A_66 = arith.constant 0 : i32
        %dma_wait3A_67 = tpu.memref_slice %arg10[%mul3A_15, %dma_wait3A_66] : memref<50688x16xf32, #tpu.memory_space<hbm>> -> memref<528x16xf32, #tpu.memory_space<hbm>>
        tpu.wait_dma2 semaphore(%run_scoped3A : memref<!tpu.dma_semaphore, #tpu.memory_space<semaphore_mem>>) src(%arg12 : memref<528x16xf32, #tpu.memory_space<vmem>>) dst(%dma_wait3A_67 : memref<528x16xf32, #tpu.memory_space<hbm>>)
        tpu.yield
      }) : () -> ()
      %scan3A_61 = arith.constant 0 : i32
      scf.yield %scan3A_61 : i32
    }
    %scan3A_8 = arith.constant 3 : i32
    return
  }
}

module attributes {stable_mosaic.version = 14 : i64} {
  func.func @_k1_body(%arg0: i32, %arg1: memref<1000x64xf32, #tpu.memory_space<vmem>>, %arg2: memref<64x128xf32, #tpu.memory_space<vmem>>, %arg3: memref<1x128xf32, #tpu.memory_space<vmem>>, %arg4: memref<128x16xf32, #tpu.memory_space<vmem>>, %arg5: memref<128x16xf32, #tpu.memory_space<vmem>>, %arg6: memref<1000x128xf32, #tpu.memory_space<vmem>>, %arg7: memref<1000x16xf32, #tpu.memory_space<vmem>>, %arg8: memref<1000x16xf32, #tpu.memory_space<vmem>>, %arg9: memref<8x16xf32, #tpu.memory_space<vmem>>) attributes {dimension_semantics = [#tpu.dimension_semantics<arbitrary>], iteration_bounds = array<i64: 50>, scalar_prefetch = 0 : i64, scratch_operands = 0 : i64, tpu.core_type = #tpu.core_type<tc>, window_params = [{transform_indices = @transform_0, window_bounds = array<i64: 1000, 64>}, {pipeline_mode = #tpu.pipeline_mode<synchronous>, transform_indices = @transform_1, window_bounds = array<i64: 64, 128>}, {pipeline_mode = #tpu.pipeline_mode<synchronous>, transform_indices = @transform_2, window_bounds = array<i64: 1, 128>}, {pipeline_mode = #tpu.pipeline_mode<synchronous>, transform_indices = @transform_3, window_bounds = array<i64: 128, 16>}, {pipeline_mode = #tpu.pipeline_mode<synchronous>, transform_indices = @transform_4, window_bounds = array<i64: 128, 16>}, {transform_indices = @transform_5, window_bounds = array<i64: 1000, 128>}, {transform_indices = @transform_6, window_bounds = array<i64: 1000, 16>}, {transform_indices = @transform_7, window_bounds = array<i64: 1000, 16>}, {pipeline_mode = #tpu.pipeline_mode<synchronous>, transform_indices = @transform_8, window_bounds = array<i64: 8, 16>}]} {
    %get3A = arith.constant 0 : index
    %get3A_0 = arith.constant 0 : index
    %get3A_1 = vector.load %arg1[%get3A, %get3A_0] : memref<1000x64xf32, #tpu.memory_space<vmem>>, vector<1000x64xf32>
    %get3A_2 = arith.constant 0 : index
    %get3A_3 = arith.constant 0 : index
    %get3A_4 = vector.load %arg2[%get3A_2, %get3A_3] : memref<64x128xf32, #tpu.memory_space<vmem>>, vector<64x128xf32>
    %dot_general3A = arith.constant dense<0.000000e+00> : vector<1000x128xf32>
    %dot_general3A_5 = tpu.matmul %get3A_1, %get3A_4, %dot_general3A {dimension_numbers = #tpu.dot_dimension_numbers<[1], [0], [0], [1], [0, 0, 1, 1], [], []>, transpose_lhs_hint = false} : vector<1000x64xf32>, vector<64x128xf32>, vector<1000x128xf32> -> vector<1000x128xf32>
    %get3A_6 = arith.constant 0 : index
    %get3A_7 = arith.constant 0 : index
    %get3A_8 = vector.load %arg3[%get3A_6, %get3A_7] : memref<1x128xf32, #tpu.memory_space<vmem>>, vector<1x128xf32>
    %add3A = vector.broadcast %get3A_8 : vector<1x128xf32> to vector<1000x128xf32>
    %add3A_9 = arith.addf %dot_general3A_5, %add3A : vector<1000x128xf32>
    %max3A = arith.constant 0.000000e+00 : f32
    %max3A_10 = vector.broadcast %max3A : f32 to vector<1000x128xf32>
    %max3A_11 = arith.maximumf %add3A_9, %max3A_10 : vector<1000x128xf32>
    %swap3A = arith.constant 0 : index
    %swap3A_12 = arith.constant 0 : index
    %swap3A_13 = vector.load %arg6[%swap3A, %swap3A_12] : memref<1000x128xf32, #tpu.memory_space<vmem>>, vector<1000x128xf32>
    tpu.vector_store %arg6[%swap3A, %swap3A_12], %max3A_11 {strides = array<i32>} : memref<1000x128xf32, #tpu.memory_space<vmem>>, vector<1000x128xf32>,
    %get3A_14 = arith.constant 0 : index
    %get3A_15 = arith.constant 0 : index
    %get3A_16 = vector.load %arg4[%get3A_14, %get3A_15] : memref<128x16xf32, #tpu.memory_space<vmem>>, vector<128x16xf32>
    %dot_general3A_17 = arith.constant dense<0.000000e+00> : vector<1000x16xf32>
    %dot_general3A_18 = tpu.matmul %max3A_11, %get3A_16, %dot_general3A_17 {dimension_numbers = #tpu.dot_dimension_numbers<[1], [0], [0], [1], [0, 0, 1, 1], [], []>, transpose_lhs_hint = false} : vector<1000x128xf32>, vector<128x16xf32>, vector<1000x16xf32> -> vector<1000x16xf32>
    %get3A_19 = arith.constant 0 : index
    %get3A_20 = arith.constant 0 : index
    %get3A_21 = vector.load %arg5[%get3A_19, %get3A_20] : memref<128x16xf32, #tpu.memory_space<vmem>>, vector<128x16xf32>
    %dot_general3A_22 = arith.constant dense<0.000000e+00> : vector<1000x16xf32>
    %dot_general3A_23 = tpu.matmul %max3A_11, %get3A_21, %dot_general3A_22 {dimension_numbers = #tpu.dot_dimension_numbers<[1], [0], [0], [1], [0, 0, 1, 1], [], []>, transpose_lhs_hint = false} : vector<1000x128xf32>, vector<128x16xf32>, vector<1000x16xf32> -> vector<1000x16xf32>
    %iota3A = tpu.iota {dimensions = array<i32: 1>} : vector<1000x16xi32>
    %lt3A = arith.constant 4 : i32
    %lt3A_24 = vector.broadcast %lt3A : i32 to vector<1000x16xi32>
    %lt3A_25 = arith.cmpi slt, %iota3A, %lt3A_24 : vector<1000x16xi32>
    %jit3A = arith.constant -1.000000e+02 : f32
    %broadcast_in_dim3A = vector.broadcast %jit3A : f32 to vector<1000x16xf32>
    %select_n3A = arith.select %lt3A_25, %dot_general3A_18, %broadcast_in_dim3A : vector<1000x16xi1>, vector<1000x16xf32>
    %swap3A_26 = arith.constant 0 : index
    %swap3A_27 = arith.constant 0 : index
    %swap3A_28 = vector.load %arg7[%swap3A_26, %swap3A_27] : memref<1000x16xf32, #tpu.memory_space<vmem>>, vector<1000x16xf32>
    tpu.vector_store %arg7[%swap3A_26, %swap3A_27], %select_n3A {strides = array<i32>} : memref<1000x16xf32, #tpu.memory_space<vmem>>, vector<1000x16xf32>,
    %lt3A_29 = arith.constant 4 : i32
    %lt3A_30 = vector.broadcast %lt3A_29 : i32 to vector<1000x16xi32>
    %lt3A_31 = arith.cmpi slt, %iota3A, %lt3A_30 : vector<1000x16xi32>
    %jit3A_32 = arith.constant -1.000000e+02 : f32
    %broadcast_in_dim3A_33 = vector.broadcast %jit3A_32 : f32 to vector<1000x16xf32>
    %select_n3A_34 = arith.select %lt3A_31, %dot_general3A_23, %broadcast_in_dim3A_33 : vector<1000x16xi1>, vector<1000x16xf32>
    %swap3A_35 = arith.constant 0 : index
    %swap3A_36 = arith.constant 0 : index
    %swap3A_37 = vector.load %arg8[%swap3A_35, %swap3A_36] : memref<1000x16xf32, #tpu.memory_space<vmem>>, vector<1000x16xf32>
    tpu.vector_store %arg8[%swap3A_35, %swap3A_36], %select_n3A_34 {strides = array<i32>} : memref<1000x16xf32, #tpu.memory_space<vmem>>, vector<1000x16xf32>,
    %reduce_max3A = arith.constant dense<0xFF800000> : vector<16xf32>
    %reduce_max3A_38 = vector.multi_reduction <maximumf>, %dot_general3A_18, %reduce_max3A [0] : vector<1000x16xf32> to vector<16xf32>
    %broadcast_in_dim3A_39 = vector.shape_cast %reduce_max3A_38 : vector<16xf32> to vector<1x16xf32>
    %reduce_max3A_40 = arith.constant dense<0xFF800000> : vector<16xf32>
    %reduce_max3A_41 = vector.multi_reduction <maximumf>, %dot_general3A_23, %reduce_max3A_40 [0] : vector<1000x16xf32> to vector<16xf32>
    %broadcast_in_dim3A_42 = vector.shape_cast %reduce_max3A_41 : vector<16xf32> to vector<1x16xf32>
    %broadcast_in_dim3A_43 = arith.constant -1.000000e+30 : f32
    %broadcast_in_dim3A_44 = vector.broadcast %broadcast_in_dim3A_43 : f32 to vector<6x16xf32>
    %concatenate3A = tpu.concatenate %broadcast_in_dim3A_39, %broadcast_in_dim3A_42, %broadcast_in_dim3A_44 in 0 : vector<1x16xf32>, vector<1x16xf32>, vector<6x16xf32> -> vector<8x16xf32>
    %eq3A = arith.constant 0 : i32
    %eq3A_45 = arith.cmpi eq, %arg0, %eq3A : i32
    %convert_element_type3A = arith.extui %eq3A_45 : i1 to i32
    %cond3A = arith.constant 0 : i32
    %cond3A_46 = arith.cmpi ne, %convert_element_type3A, %cond3A : i32
    scf.if %cond3A_46 {
      %broadcast_in_dim3A_54 = arith.constant -1.000000e+30 : f32
      %broadcast_in_dim3A_55 = vector.broadcast %broadcast_in_dim3A_54 : f32 to vector<8x16xf32>
      %swap3A_56 = arith.constant 0 : index
      %swap3A_57 = arith.constant 0 : index
      %swap3A_58 = vector.load %arg9[%swap3A_56, %swap3A_57] : memref<8x16xf32, #tpu.memory_space<vmem>>, vector<8x16xf32>
      tpu.vector_store %arg9[%swap3A_56, %swap3A_57], %broadcast_in_dim3A_55 {strides = array<i32>} : memref<8x16xf32, #tpu.memory_space<vmem>>, vector<8x16xf32>,
    } else {
    }
    %get3A_47 = arith.constant 0 : index
    %get3A_48 = arith.constant 0 : index
    %get3A_49 = vector.load %arg9[%get3A_47, %get3A_48] : memref<8x16xf32, #tpu.memory_space<vmem>>, vector<8x16xf32>
    %max3A_50 = arith.maximumf %get3A_49, %concatenate3A : vector<8x16xf32>
    %swap3A_51 = arith.constant 0 : index
    %swap3A_52 = arith.constant 0 : index
    %swap3A_53 = vector.load %arg9[%swap3A_51, %swap3A_52] : memref<8x16xf32, #tpu.memory_space<vmem>>, vector<8x16xf32>
    tpu.vector_store %arg9[%swap3A_51, %swap3A_52], %max3A_50 {strides = array<i32>} : memref<8x16xf32, #tpu.memory_space<vmem>>, vector<8x16xf32>,
    return
  }
  func.func @transform_0(%arg0: i32) -> (i32, i32) {
    %c0_i32 = arith.constant 0 : i32
    %c0_i32_0 = arith.constant 0 : i32
    return %arg0, %c0_i32 : i32, i32
  }
  func.func @transform_1(%arg0: i32) -> (i32, i32) {
    %c0_i32 = arith.constant 0 : i32
    %c0_i32_0 = arith.constant 0 : i32
    %c0_i32_1 = arith.constant 0 : i32
    return %c0_i32, %c0_i32_0 : i32, i32
  }
  func.func @transform_2(%arg0: i32) -> (i32, i32) {
    %c0_i32 = arith.constant 0 : i32
    %c0_i32_0 = arith.constant 0 : i32
    %c0_i32_1 = arith.constant 0 : i32
    return %c0_i32, %c0_i32_0 : i32, i32
  }
  func.func @transform_3(%arg0: i32) -> (i32, i32) {
    %c0_i32 = arith.constant 0 : i32
    %c0_i32_0 = arith.constant 0 : i32
    %c0_i32_1 = arith.constant 0 : i32
    return %c0_i32, %c0_i32_0 : i32, i32
  }
  func.func @transform_4(%arg0: i32) -> (i32, i32) {
    %c0_i32 = arith.constant 0 : i32
    %c0_i32_0 = arith.constant 0 : i32
    %c0_i32_1 = arith.constant 0 : i32
    return %c0_i32, %c0_i32_0 : i32, i32
  }
  func.func @transform_5(%arg0: i32) -> (i32, i32) {
    %c0_i32 = arith.constant 0 : i32
    %c0_i32_0 = arith.constant 0 : i32
    return %arg0, %c0_i32 : i32, i32
  }
  func.func @transform_6(%arg0: i32) -> (i32, i32) {
    %c0_i32 = arith.constant 0 : i32
    %c0_i32_0 = arith.constant 0 : i32
    return %arg0, %c0_i32 : i32, i32
  }
  func.func @transform_7(%arg0: i32) -> (i32, i32) {
    %c0_i32 = arith.constant 0 : i32
    %c0_i32_0 = arith.constant 0 : i32
    return %arg0, %c0_i32 : i32, i32
  }
  func.func @transform_8(%arg0: i32) -> (i32, i32) {
    %c0_i32 = arith.constant 0 : i32
    %c0_i32_0 = arith.constant 0 : i32
    %c0_i32_1 = arith.constant 0 : i32
    return %c0_i32, %c0_i32_0 : i32, i32
  }
}

module attributes {stable_mosaic.version = 14 : i64} {
  func.func @_k2_body(%arg0: i32, %arg1: memref<1000x512xf32, #tpu.memory_space<vmem>>, %arg2: memref<1000x16xf32, #tpu.memory_space<vmem>>, %arg3: memref<128x512xf32, #tpu.memory_space<vmem>>, %arg4: memref<1x512xf32, #tpu.memory_space<vmem>>, %arg5: memref<512x128xf32, #tpu.memory_space<vmem>>, %arg6: memref<128x16xf32, #tpu.memory_space<vmem>>, %arg7: memref<128x16xf32, #tpu.memory_space<vmem>>, %arg8: memref<1000x128xf32, #tpu.memory_space<vmem>>, %arg9: memref<1000x16xf32, #tpu.memory_space<vmem>>, %arg10: memref<1000x16xf32, #tpu.memory_space<vmem>>, %arg11: memref<8x16xf32, #tpu.memory_space<vmem>>) attributes {dimension_semantics = [#tpu.dimension_semantics<arbitrary>], iteration_bounds = array<i64: 50>, scalar_prefetch = 0 : i64, scratch_operands = 0 : i64, tpu.core_type = #tpu.core_type<tc>, window_params = [{transform_indices = @transform_0, window_bounds = array<i64: 1000, 512>}, {transform_indices = @transform_1, window_bounds = array<i64: 1000, 16>}, {pipeline_mode = #tpu.pipeline_mode<synchronous>, transform_indices = @transform_2, window_bounds = array<i64: 128, 512>}, {pipeline_mode = #tpu.pipeline_mode<synchronous>, transform_indices = @transform_3, window_bounds = array<i64: 1, 512>}, {pipeline_mode = #tpu.pipeline_mode<synchronous>, transform_indices = @transform_4, window_bounds = array<i64: 512, 128>}, {pipeline_mode = #tpu.pipeline_mode<synchronous>, transform_indices = @transform_5, window_bounds = array<i64: 128, 16>}, {pipeline_mode = #tpu.pipeline_mode<synchronous>, transform_indices = @transform_6, window_bounds = array<i64: 128, 16>}, {transform_indices = @transform_7, window_bounds = array<i64: 1000, 128>}, {transform_indices = @transform_8, window_bounds = array<i64: 1000, 16>}, {transform_indices = @transform_9, window_bounds = array<i64: 1000, 16>}, {pipeline_mode = #tpu.pipeline_mode<synchronous>, transform_indices = @transform_10, window_bounds = array<i64: 8, 16>}]} {
    %get3A = arith.constant 0 : index
    %get3A_0 = arith.constant 0 : index
    %get3A_1 = vector.load %arg1[%get3A, %get3A_0] : memref<1000x512xf32, #tpu.memory_space<vmem>>, vector<1000x512xf32>
    %get3A_2 = arith.constant 0 : index
    %get3A_3 = arith.constant 0 : index
    %get3A_4 = vector.load %arg2[%get3A_2, %get3A_3] : memref<1000x16xf32, #tpu.memory_space<vmem>>, vector<1000x16xf32>
    %slice3A = vector.extract_strided_slice %get3A_1 {offsets = [0, 0], sizes = [1000, 128], strides = [1, 1]} : vector<1000x512xf32> to vector<1000x128xf32>
    %slice3A_5 = vector.extract_strided_slice %get3A_4 {offsets = [0, 0], sizes = [1000, 1], strides = [1, 1]} : vector<1000x16xf32> to vector<1000x1xf32>
    %add3A = arith.constant 1.000000e-16 : f32
    %add3A_6 = vector.broadcast %add3A : f32 to vector<1000x1xf32>
    %add3A_7 = arith.addf %slice3A_5, %add3A_6 : vector<1000x1xf32>
    %div3A = vector.broadcast %add3A_7 : vector<1000x1xf32> to vector<1000x128xf32>
    %div3A_8 = arith.divf %slice3A, %div3A : vector<1000x128xf32>
    %get3A_9 = arith.constant 0 : index
    %get3A_10 = arith.constant 0 : index
    %get3A_11 = vector.load %arg3[%get3A_9, %get3A_10] : memref<128x512xf32, #tpu.memory_space<vmem>>, vector<128x128xf32>
    %dot_general3A = arith.constant dense<0.000000e+00> : vector<1000x128xf32>
    %dot_general3A_12 = tpu.matmul %div3A_8, %get3A_11, %dot_general3A {dimension_numbers = #tpu.dot_dimension_numbers<[1], [0], [0], [1], [0, 0, 1, 1], [], []>, transpose_lhs_hint = false} : vector<1000x128xf32>, vector<128x128xf32>, vector<1000x128xf32> -> vector<1000x128xf32>
    %slice3A_13 = vector.extract_strided_slice %get3A_1 {offsets = [0, 128], sizes = [1000, 128], strides = [1, 1]} : vector<1000x512xf32> to vector<1000x128xf32>
    %slice3A_14 = vector.extract_strided_slice %get3A_4 {offsets = [0, 1], sizes = [1000, 1], strides = [1, 1]} : vector<1000x16xf32> to vector<1000x1xf32>
    %add3A_15 = arith.constant 1.000000e-16 : f32
    %add3A_16 = vector.broadcast %add3A_15 : f32 to vector<1000x1xf32>
    %add3A_17 = arith.addf %slice3A_14, %add3A_16 : vector<1000x1xf32>
    %div3A_18 = vector.broadcast %add3A_17 : vector<1000x1xf32> to vector<1000x128xf32>
    %div3A_19 = arith.divf %slice3A_13, %div3A_18 : vector<1000x128xf32>
    %get3A_20 = arith.constant 0 : index
    %get3A_21 = arith.constant 128 : index
    %get3A_22 = vector.load %arg3[%get3A_20, %get3A_21] : memref<128x512xf32, #tpu.memory_space<vmem>>, vector<128x128xf32>
    %dot_general3A_23 = arith.constant dense<0.000000e+00> : vector<1000x128xf32>
    %dot_general3A_24 = tpu.matmul %div3A_19, %get3A_22, %dot_general3A_23 {dimension_numbers = #tpu.dot_dimension_numbers<[1], [0], [0], [1], [0, 0, 1, 1], [], []>, transpose_lhs_hint = false} : vector<1000x128xf32>, vector<128x128xf32>, vector<1000x128xf32> -> vector<1000x128xf32>
    %slice3A_25 = vector.extract_strided_slice %get3A_1 {offsets = [0, 256], sizes = [1000, 128], strides = [1, 1]} : vector<1000x512xf32> to vector<1000x128xf32>
    %slice3A_26 = vector.extract_strided_slice %get3A_4 {offsets = [0, 2], sizes = [1000, 1], strides = [1, 1]} : vector<1000x16xf32> to vector<1000x1xf32>
    %add3A_27 = arith.constant 1.000000e-16 : f32
    %add3A_28 = vector.broadcast %add3A_27 : f32 to vector<1000x1xf32>
    %add3A_29 = arith.addf %slice3A_26, %add3A_28 : vector<1000x1xf32>
    %div3A_30 = vector.broadcast %add3A_29 : vector<1000x1xf32> to vector<1000x128xf32>
    %div3A_31 = arith.divf %slice3A_25, %div3A_30 : vector<1000x128xf32>
    %get3A_32 = arith.constant 0 : index
    %get3A_33 = arith.constant 256 : index
    %get3A_34 = vector.load %arg3[%get3A_32, %get3A_33] : memref<128x512xf32, #tpu.memory_space<vmem>>, vector<128x128xf32>
    %dot_general3A_35 = arith.constant dense<0.000000e+00> : vector<1000x128xf32>
    %dot_general3A_36 = tpu.matmul %div3A_31, %get3A_34, %dot_general3A_35 {dimension_numbers = #tpu.dot_dimension_numbers<[1], [0], [0], [1], [0, 0, 1, 1], [], []>, transpose_lhs_hint = false} : vector<1000x128xf32>, vector<128x128xf32>, vector<1000x128xf32> -> vector<1000x128xf32>
    %slice3A_37 = vector.extract_strided_slice %get3A_1 {offsets = [0, 384], sizes = [1000, 128], strides = [1, 1]} : vector<1000x512xf32> to vector<1000x128xf32>
    %slice3A_38 = vector.extract_strided_slice %get3A_4 {offsets = [0, 3], sizes = [1000, 1], strides = [1, 1]} : vector<1000x16xf32> to vector<1000x1xf32>
    %add3A_39 = arith.constant 1.000000e-16 : f32
    %add3A_40 = vector.broadcast %add3A_39 : f32 to vector<1000x1xf32>
    %add3A_41 = arith.addf %slice3A_38, %add3A_40 : vector<1000x1xf32>
    %div3A_42 = vector.broadcast %add3A_41 : vector<1000x1xf32> to vector<1000x128xf32>
    %div3A_43 = arith.divf %slice3A_37, %div3A_42 : vector<1000x128xf32>
    %get3A_44 = arith.constant 0 : index
    %get3A_45 = arith.constant 384 : index
    %get3A_46 = vector.load %arg3[%get3A_44, %get3A_45] : memref<128x512xf32, #tpu.memory_space<vmem>>, vector<128x128xf32>
    %dot_general3A_47 = arith.constant dense<0.000000e+00> : vector<1000x128xf32>
    %dot_general3A_48 = tpu.matmul %div3A_43, %get3A_46, %dot_general3A_47 {dimension_numbers = #tpu.dot_dimension_numbers<[1], [0], [0], [1], [0, 0, 1, 1], [], []>, transpose_lhs_hint = false} : vector<1000x128xf32>, vector<128x128xf32>, vector<1000x128xf32> -> vector<1000x128xf32>
    %concatenate3A = tpu.concatenate %dot_general3A_12, %dot_general3A_24, %dot_general3A_36, %dot_general3A_48 in 1 : vector<1000x128xf32>, vector<1000x128xf32>, vector<1000x128xf32>, vector<1000x128xf32> -> vector<1000x512xf32>
    %get3A_49 = arith.constant 0 : index
    %get3A_50 = arith.constant 0 : index
    %get3A_51 = vector.load %arg4[%get3A_49, %get3A_50] : memref<1x512xf32, #tpu.memory_space<vmem>>, vector<1x512xf32>
    %add3A_52 = vector.broadcast %get3A_51 : vector<1x512xf32> to vector<1000x512xf32>
    %add3A_53 = arith.addf %concatenate3A, %add3A_52 : vector<1000x512xf32>
    %gt3A = arith.constant 0.000000e+00 : f32
    %gt3A_54 = vector.broadcast %gt3A : f32 to vector<1000x512xf32>
    %gt3A_55 = arith.cmpf ogt, %add3A_53, %gt3A_54 : vector<1000x512xf32>
    %min3A = arith.constant 0.000000e+00 : f32
    %min3A_56 = vector.broadcast %min3A : f32 to vector<1000x512xf32>
    %min3A_57 = arith.minimumf %add3A_53, %min3A_56 : vector<1000x512xf32>
    %exp3A = math.exp %min3A_57 : vector<1000x512xf32>
    %sub3A = arith.constant 1.000000e+00 : f32
    %sub3A_58 = vector.broadcast %sub3A : f32 to vector<1000x512xf32>
    %sub3A_59 = arith.subf %exp3A, %sub3A_58 : vector<1000x512xf32>
    %select_n3A = arith.select %gt3A_55, %add3A_53, %sub3A_59 : vector<1000x512xi1>, vector<1000x512xf32>
    %get3A_60 = arith.constant 0 : index
    %get3A_61 = arith.constant 0 : index
    %get3A_62 = vector.load %arg5[%get3A_60, %get3A_61] : memref<512x128xf32, #tpu.memory_space<vmem>>, vector<512x128xf32>
    %dot_general3A_63 = arith.constant dense<0.000000e+00> : vector<1000x128xf32>
    %dot_general3A_64 = tpu.matmul %select_n3A, %get3A_62, %dot_general3A_63 {dimension_numbers = #tpu.dot_dimension_numbers<[1], [0], [0], [1], [0, 0, 1, 1], [], []>, transpose_lhs_hint = false} : vector<1000x512xf32>, vector<512x128xf32>, vector<1000x128xf32> -> vector<1000x128xf32>
    %swap3A = arith.constant 0 : index
    %swap3A_65 = arith.constant 0 : index
    %swap3A_66 = vector.load %arg8[%swap3A, %swap3A_65] : memref<1000x128xf32, #tpu.memory_space<vmem>>, vector<1000x128xf32>
    tpu.vector_store %arg8[%swap3A, %swap3A_65], %dot_general3A_64 {strides = array<i32>} : memref<1000x128xf32, #tpu.memory_space<vmem>>, vector<1000x128xf32>,
    %get3A_67 = arith.constant 0 : index
    %get3A_68 = arith.constant 0 : index
    %get3A_69 = vector.load %arg6[%get3A_67, %get3A_68] : memref<128x16xf32, #tpu.memory_space<vmem>>, vector<128x16xf32>
    %dot_general3A_70 = arith.constant dense<0.000000e+00> : vector<1000x16xf32>
    %dot_general3A_71 = tpu.matmul %dot_general3A_64, %get3A_69, %dot_general3A_70 {dimension_numbers = #tpu.dot_dimension_numbers<[1], [0], [0], [1], [0, 0, 1, 1], [], []>, transpose_lhs_hint = false} : vector<1000x128xf32>, vector<128x16xf32>, vector<1000x16xf32> -> vector<1000x16xf32>
    %get3A_72 = arith.constant 0 : index
    %get3A_73 = arith.constant 0 : index
    %get3A_74 = vector.load %arg7[%get3A_72, %get3A_73] : memref<128x16xf32, #tpu.memory_space<vmem>>, vector<128x16xf32>
    %dot_general3A_75 = arith.constant dense<0.000000e+00> : vector<1000x16xf32>
    %dot_general3A_76 = tpu.matmul %dot_general3A_64, %get3A_74, %dot_general3A_75 {dimension_numbers = #tpu.dot_dimension_numbers<[1], [0], [0], [1], [0, 0, 1, 1], [], []>, transpose_lhs_hint = false} : vector<1000x128xf32>, vector<128x16xf32>, vector<1000x16xf32> -> vector<1000x16xf32>
    %iota3A = tpu.iota {dimensions = array<i32: 1>} : vector<1000x16xi32>
    %lt3A = arith.constant 1 : i32
    %lt3A_77 = vector.broadcast %lt3A : i32 to vector<1000x16xi32>
    %lt3A_78 = arith.cmpi slt, %iota3A, %lt3A_77 : vector<1000x16xi32>
    %jit3A = arith.constant -1.000000e+02 : f32
    %broadcast_in_dim3A = vector.broadcast %jit3A : f32 to vector<1000x16xf32>
    %select_n3A_79 = arith.select %lt3A_78, %dot_general3A_71, %broadcast_in_dim3A : vector<1000x16xi1>, vector<1000x16xf32>
    %swap3A_80 = arith.constant 0 : index
    %swap3A_81 = arith.constant 0 : index
    %swap3A_82 = vector.load %arg9[%swap3A_80, %swap3A_81] : memref<1000x16xf32, #tpu.memory_space<vmem>>, vector<1000x16xf32>
    tpu.vector_store %arg9[%swap3A_80, %swap3A_81], %select_n3A_79 {strides = array<i32>} : memref<1000x16xf32, #tpu.memory_space<vmem>>, vector<1000x16xf32>,
    %lt3A_83 = arith.constant 1 : i32
    %lt3A_84 = vector.broadcast %lt3A_83 : i32 to vector<1000x16xi32>
    %lt3A_85 = arith.cmpi slt, %iota3A, %lt3A_84 : vector<1000x16xi32>
    %jit3A_86 = arith.constant -1.000000e+02 : f32
    %broadcast_in_dim3A_87 = vector.broadcast %jit3A_86 : f32 to vector<1000x16xf32>
    %select_n3A_88 = arith.select %lt3A_85, %dot_general3A_76, %broadcast_in_dim3A_87 : vector<1000x16xi1>, vector<1000x16xf32>
    %swap3A_89 = arith.constant 0 : index
    %swap3A_90 = arith.constant 0 : index
    %swap3A_91 = vector.load %arg10[%swap3A_89, %swap3A_90] : memref<1000x16xf32, #tpu.memory_space<vmem>>, vector<1000x16xf32>
    tpu.vector_store %arg10[%swap3A_89, %swap3A_90], %select_n3A_88 {strides = array<i32>} : memref<1000x16xf32, #tpu.memory_space<vmem>>, vector<1000x16xf32>,
    %reduce_max3A = arith.constant dense<0xFF800000> : vector<16xf32>
    %reduce_max3A_92 = vector.multi_reduction <maximumf>, %dot_general3A_71, %reduce_max3A [0] : vector<1000x16xf32> to vector<16xf32>
    %broadcast_in_dim3A_93 = vector.shape_cast %reduce_max3A_92 : vector<16xf32> to vector<1x16xf32>
    %reduce_max3A_94 = arith.constant dense<0xFF800000> : vector<16xf32>
    %reduce_max3A_95 = vector.multi_reduction <maximumf>, %dot_general3A_76, %reduce_max3A_94 [0] : vector<1000x16xf32> to vector<16xf32>
    %broadcast_in_dim3A_96 = vector.shape_cast %reduce_max3A_95 : vector<16xf32> to vector<1x16xf32>
    %broadcast_in_dim3A_97 = arith.constant -1.000000e+30 : f32
    %broadcast_in_dim3A_98 = vector.broadcast %broadcast_in_dim3A_97 : f32 to vector<6x16xf32>
    %concatenate3A_99 = tpu.concatenate %broadcast_in_dim3A_93, %broadcast_in_dim3A_96, %broadcast_in_dim3A_98 in 0 : vector<1x16xf32>, vector<1x16xf32>, vector<6x16xf32> -> vector<8x16xf32>
    %eq3A = arith.constant 0 : i32
    %eq3A_100 = arith.cmpi eq, %arg0, %eq3A : i32
    %convert_element_type3A = arith.extui %eq3A_100 : i1 to i32
    %cond3A = arith.constant 0 : i32
    %cond3A_101 = arith.cmpi ne, %convert_element_type3A, %cond3A : i32
    scf.if %cond3A_101 {
      %broadcast_in_dim3A_108 = arith.constant -1.000000e+30 : f32
      %broadcast_in_dim3A_109 = vector.broadcast %broadcast_in_dim3A_108 : f32 to vector<8x16xf32>
      %swap3A_110 = arith.constant 0 : index
      %swap3A_111 = arith.constant 0 : index
      %swap3A_112 = vector.load %arg11[%swap3A_110, %swap3A_111] : memref<8x16xf32, #tpu.memory_space<vmem>>, vector<8x16xf32>
      tpu.vector_store %arg11[%swap3A_110, %swap3A_111], %broadcast_in_dim3A_109 {strides = array<i32>} : memref<8x16xf32, #tpu.memory_space<vmem>>, vector<8x16xf32>,
    } else {
    }
    %get3A_102 = arith.constant 0 : index
    %get3A_103 = arith.constant 0 : index
    %get3A_104 = vector.load %arg11[%get3A_102, %get3A_103] : memref<8x16xf32, #tpu.memory_space<vmem>>, vector<8x16xf32>
    %max3A = arith.maximumf %get3A_104, %concatenate3A_99 : vector<8x16xf32>
    %swap3A_105 = arith.constant 0 : index
    %swap3A_106 = arith.constant 0 : index
    %swap3A_107 = vector.load %arg11[%swap3A_105, %swap3A_106] : memref<8x16xf32, #tpu.memory_space<vmem>>, vector<8x16xf32>
    tpu.vector_store %arg11[%swap3A_105, %swap3A_106], %max3A {strides = array<i32>} : memref<8x16xf32, #tpu.memory_space<vmem>>, vector<8x16xf32>,
    return
  }
  func.func @transform_0(%arg0: i32) -> (i32, i32) {
    %c0_i32 = arith.constant 0 : i32
    %c0_i32_0 = arith.constant 0 : i32
    return %arg0, %c0_i32 : i32, i32
  }
  func.func @transform_1(%arg0: i32) -> (i32, i32) {
    %c0_i32 = arith.constant 0 : i32
    %c0_i32_0 = arith.constant 0 : i32
    return %arg0, %c0_i32 : i32, i32
  }
  func.func @transform_2(%arg0: i32) -> (i32, i32) {
    %c0_i32 = arith.constant 0 : i32
    %c0_i32_0 = arith.constant 0 : i32
    %c0_i32_1 = arith.constant 0 : i32
    return %c0_i32, %c0_i32_0 : i32, i32
  }
  func.func @transform_3(%arg0: i32) -> (i32, i32) {
    %c0_i32 = arith.constant 0 : i32
    %c0_i32_0 = arith.constant 0 : i32
    %c0_i32_1 = arith.constant 0 : i32
    return %c0_i32, %c0_i32_0 : i32, i32
  }
  func.func @transform_4(%arg0: i32) -> (i32, i32) {
    %c0_i32 = arith.constant 0 : i32
    %c0_i32_0 = arith.constant 0 : i32
    %c0_i32_1 = arith.constant 0 : i32
    return %c0_i32, %c0_i32_0 : i32, i32
  }
  func.func @transform_5(%arg0: i32) -> (i32, i32) {
    %c0_i32 = arith.constant 0 : i32
    %c0_i32_0 = arith.constant 0 : i32
    %c0_i32_1 = arith.constant 0 : i32
    return %c0_i32, %c0_i32_0 : i32, i32
  }
  func.func @transform_6(%arg0: i32) -> (i32, i32) {
    %c0_i32 = arith.constant 0 : i32
    %c0_i32_0 = arith.constant 0 : i32
    %c0_i32_1 = arith.constant 0 : i32
    return %c0_i32, %c0_i32_0 : i32, i32
  }
  func.func @transform_7(%arg0: i32) -> (i32, i32) {
    %c0_i32 = arith.constant 0 : i32
    %c0_i32_0 = arith.constant 0 : i32
    return %arg0, %c0_i32 : i32, i32
  }
  func.func @transform_8(%arg0: i32) -> (i32, i32) {
    %c0_i32 = arith.constant 0 : i32
    %c0_i32_0 = arith.constant 0 : i32
    return %arg0, %c0_i32 : i32, i32
  }
  func.func @transform_9(%arg0: i32) -> (i32, i32) {
    %c0_i32 = arith.constant 0 : i32
    %c0_i32_0 = arith.constant 0 : i32
    return %arg0, %c0_i32 : i32, i32
  }
  func.func @transform_10(%arg0: i32) -> (i32, i32) {
    %c0_i32 = arith.constant 0 : i32
    %c0_i32_0 = arith.constant 0 : i32
    %c0_i32_1 = arith.constant 0 : i32
    return %c0_i32, %c0_i32_0 : i32, i32
  }
}

module attributes {stable_mosaic.version = 14 : i64} {
  func.func @_k3_body(%arg0: i32, %arg1: memref<1000x128xf32, #tpu.memory_space<vmem>>, %arg2: memref<1000x16xf32, #tpu.memory_space<vmem>>, %arg3: memref<1x128xf32, #tpu.memory_space<vmem>>, %arg4: memref<128x256xf32, #tpu.memory_space<vmem>>, %arg5: memref<1x256xf32, #tpu.memory_space<vmem>>, %arg6: memref<8x128xf32, #tpu.memory_space<vmem>>) attributes {dimension_semantics = [#tpu.dimension_semantics<arbitrary>], iteration_bounds = array<i64: 50>, scalar_prefetch = 0 : i64, scratch_operands = 1 : i64, tpu.core_type = #tpu.core_type<tc>, window_params = [{transform_indices = @transform_0, window_bounds = array<i64: 1000, 128>}, {transform_indices = @transform_1, window_bounds = array<i64: 1000, 16>}, {pipeline_mode = #tpu.pipeline_mode<synchronous>, transform_indices = @transform_2, window_bounds = array<i64: 1, 128>}, {pipeline_mode = #tpu.pipeline_mode<synchronous>, transform_indices = @transform_3, window_bounds = array<i64: 128, 256>}, {pipeline_mode = #tpu.pipeline_mode<synchronous>, transform_indices = @transform_4, window_bounds = array<i64: 1, 256>}]} {
    %get3A = arith.constant 0 : index
    %get3A_0 = arith.constant 0 : index
    %get3A_1 = vector.load %arg1[%get3A, %get3A_0] : memref<1000x128xf32, #tpu.memory_space<vmem>>, vector<1000x128xf32>
    %get3A_2 = arith.constant 0 : index
    %get3A_3 = arith.constant 0 : index
    %get3A_4 = vector.load %arg2[%get3A_2, %get3A_3] : memref<1000x16xf32, #tpu.memory_space<vmem>>, vector<1000x1xf32>
    %add3A = arith.constant 1.000000e-16 : f32
    %add3A_5 = vector.broadcast %add3A : f32 to vector<1000x1xf32>
    %add3A_6 = arith.addf %get3A_4, %add3A_5 : vector<1000x1xf32>
    %div3A = vector.broadcast %add3A_6 : vector<1000x1xf32> to vector<1000x128xf32>
    %div3A_7 = arith.divf %get3A_1, %div3A : vector<1000x128xf32>
    %get3A_8 = arith.constant 0 : index
    %get3A_9 = arith.constant 0 : index
    %get3A_10 = vector.load %arg3[%get3A_8, %get3A_9] : memref<1x128xf32, #tpu.memory_space<vmem>>, vector<1x128xf32>
    %add3A_11 = vector.broadcast %get3A_10 : vector<1x128xf32> to vector<1000x128xf32>
    %add3A_12 = arith.addf %div3A_7, %add3A_11 : vector<1000x128xf32>
    %gt3A = arith.constant 0.000000e+00 : f32
    %gt3A_13 = vector.broadcast %gt3A : f32 to vector<1000x128xf32>
    %gt3A_14 = arith.cmpf ogt, %add3A_12, %gt3A_13 : vector<1000x128xf32>
    %min3A = arith.constant 0.000000e+00 : f32
    %min3A_15 = vector.broadcast %min3A : f32 to vector<1000x128xf32>
    %min3A_16 = arith.minimumf %add3A_12, %min3A_15 : vector<1000x128xf32>
    %exp3A = math.exp %min3A_16 : vector<1000x128xf32>
    %sub3A = arith.constant 1.000000e+00 : f32
    %sub3A_17 = vector.broadcast %sub3A : f32 to vector<1000x128xf32>
    %sub3A_18 = arith.subf %exp3A, %sub3A_17 : vector<1000x128xf32>
    %select_n3A = arith.select %gt3A_14, %add3A_12, %sub3A_18 : vector<1000x128xi1>, vector<1000x128xf32>
    %reduce_sum3A = arith.constant dense<0.000000e+00> : vector<128xf32>
    %reduce_sum3A_19 = vector.multi_reduction <add>, %select_n3A, %reduce_sum3A [0] : vector<1000x128xf32> to vector<128xf32>
    %broadcast_in_dim3A = vector.shape_cast %reduce_sum3A_19 : vector<128xf32> to vector<1x128xf32>
    %eq3A = arith.constant 0 : i32
    %eq3A_20 = arith.cmpi eq, %arg0, %eq3A : i32
    %convert_element_type3A = arith.extui %eq3A_20 : i1 to i32
    %cond3A = arith.constant 0 : i32
    %cond3A_21 = arith.cmpi ne, %convert_element_type3A, %cond3A : i32
    scf.if %cond3A_21 {
      %broadcast_in_dim3A_33 = arith.constant 0.000000e+00 : f32
      %broadcast_in_dim3A_34 = vector.broadcast %broadcast_in_dim3A_33 : f32 to vector<8x128xf32>
      %swap3A_35 = arith.constant 0 : index
      %swap3A_36 = arith.constant 0 : index
      %swap3A_37 = vector.load %arg6[%swap3A_35, %swap3A_36] : memref<8x128xf32, #tpu.memory_space<vmem>>, vector<8x128xf32>
      tpu.vector_store %arg6[%swap3A_35, %swap3A_36], %broadcast_in_dim3A_34 {strides = array<i32>} : memref<8x128xf32, #tpu.memory_space<vmem>>, vector<8x128xf32>,
    } else {
    }
    %get3A_22 = arith.constant 0 : index
    %get3A_23 = arith.constant 0 : index
    %get3A_24 = vector.load %arg6[%get3A_22, %get3A_23] : memref<8x128xf32, #tpu.memory_space<vmem>>, vector<1x128xf32>
    %add3A_25 = arith.addf %get3A_24, %broadcast_in_dim3A : vector<1x128xf32>
    %swap3A = arith.constant 0 : index
    %swap3A_26 = arith.constant 0 : index
    %swap3A_27 = vector.load %arg6[%swap3A, %swap3A_26] : memref<8x128xf32, #tpu.memory_space<vmem>>, vector<1x128xf32>
    tpu.vector_store %arg6[%swap3A, %swap3A_26], %add3A_25 {strides = array<i32>} : memref<8x128xf32, #tpu.memory_space<vmem>>, vector<1x128xf32>,
    %eq3A_28 = arith.constant 49 : i32
    %eq3A_29 = arith.cmpi eq, %arg0, %eq3A_28 : i32
    %convert_element_type3A_30 = arith.extui %eq3A_29 : i1 to i32
    %cond3A_31 = arith.constant 0 : i32
    %cond3A_32 = arith.cmpi ne, %convert_element_type3A_30, %cond3A_31 : i32
    scf.if %cond3A_32 {
      %get3A_33 = arith.constant 0 : index
      %get3A_34 = arith.constant 0 : index
      %get3A_35 = vector.load %arg6[%get3A_33, %get3A_34] : memref<8x128xf32, #tpu.memory_space<vmem>>, vector<1x128xf32>
      %mul3A = arith.constant 2.000000e-05 : f32
      %mul3A_36 = vector.broadcast %mul3A : f32 to vector<1x128xf32>
      %mul3A_37 = arith.mulf %get3A_35, %mul3A_36 : vector<1x128xf32>
      %get3A_38 = arith.constant 0 : index
      %get3A_39 = arith.constant 0 : index
      %get3A_40 = vector.load %arg4[%get3A_38, %get3A_39] : memref<128x256xf32, #tpu.memory_space<vmem>>, vector<128x256xf32>
      %dot_general3A = arith.constant dense<0.000000e+00> : vector<1x256xf32>
      %dot_general3A_41 = tpu.matmul %mul3A_37, %get3A_40, %dot_general3A {dimension_numbers = #tpu.dot_dimension_numbers<[1], [0], [0], [1], [0, 0, 1, 1], [], []>, transpose_lhs_hint = false} : vector<1x128xf32>, vector<128x256xf32>, vector<1x256xf32> -> vector<1x256xf32>
      %swap3A_42 = arith.constant 0 : index
      %swap3A_43 = arith.constant 0 : index
      %swap3A_44 = vector.load %arg5[%swap3A_42, %swap3A_43] : memref<1x256xf32, #tpu.memory_space<vmem>>, vector<1x256xf32>
      tpu.vector_store %arg5[%swap3A_42, %swap3A_43], %dot_general3A_41 {strides = array<i32>} : memref<1x256xf32, #tpu.memory_space<vmem>>, vector<1x256xf32>,
    } else {
    }
    return
  }
  func.func @transform_0(%arg0: i32) -> (i32, i32) {
    %c0_i32 = arith.constant 0 : i32
    %c0_i32_0 = arith.constant 0 : i32
    return %arg0, %c0_i32 : i32, i32
  }
  func.func @transform_1(%arg0: i32) -> (i32, i32) {
    %c0_i32 = arith.constant 0 : i32
    %c0_i32_0 = arith.constant 0 : i32
    return %arg0, %c0_i32 : i32, i32
  }
  func.func @transform_2(%arg0: i32) -> (i32, i32) {
    %c0_i32 = arith.constant 0 : i32
    %c0_i32_0 = arith.constant 0 : i32
    %c0_i32_1 = arith.constant 0 : i32
    return %c0_i32, %c0_i32_0 : i32, i32
  }
  func.func @transform_3(%arg0: i32) -> (i32, i32) {
    %c0_i32 = arith.constant 0 : i32
    %c0_i32_0 = arith.constant 0 : i32
    %c0_i32_1 = arith.constant 0 : i32
    return %c0_i32, %c0_i32_0 : i32, i32
  }
  func.func @transform_4(%arg0: i32) -> (i32, i32) {
    %c0_i32 = arith.constant 0 : i32
    %c0_i32_0 = arith.constant 0 : i32
    %c0_i32_1 = arith.constant 0 : i32
    return %c0_i32, %c0_i32_0 : i32, i32
  }
}

</mosaic_0001>

<sc_bundles>
// kernel: kernel.10.cloned.1.call-start
scs
__scs_entry_jumppad:
0x0: {  	(pc) =	sbr.rel $0x88, $3  }
0x1: {  	(tag) =	ssettag $0x0;
	lr =	simm.s32 $0x1  }
0x2: {  	[smem:$0x3F94] =	sst lr;
	_ =	strace $0xD0000000  }
0x3: {  	_ = 	snop  }
0x4: {  	_ = 	snop  }
0x5: {  	_ = 	snop  }
0x6: {  	_ = 	snop  }
0x7: {  	_ = 	snop  }
__scs_overlays_trampoline_lowered:
0x8: {  	[smem:$0x3FA3] =	sst s0  }
0x9: {  	[smem:$0x3FA4] =	sst s1  }
0xa: {  	[smem:$0x3FA5] =	sst s2  }
0xb: {  	[smem:$0x3FA6] =	sst s3  }
0xc: {  	[smem:$0x3FA7] =	sst s4  }
0xd: {  	[smem:$0x3FA8] =	sst s5  }
0xe: {  	[smem:$0x3FA9] =	sst s6  }
0xf: {  	[smem:$0x3FAA] =	sst s7  }
0x10: {  	[smem:$0x3FAB] =	sst s8  }
0x11: {  	[smem:$0x3FAC] =	sst s9;
	s0 =	simm.s32 @!p0 $0x0  }
0x12: {  	s1 =	sld [smem:$0x3F92];
	s0 =	simm.s32 @p0 $0x1  }
0x13: {  	[smem:$0x3FAD] =	sst s0;
	s0 =	simm.s32 @!p1 $0x0  }
0x14: {  	s2 =	sld [smem:$0x3F91];
	s0 =	simm.s32 @p1 $0x1  }
0x15: {  	[smem:$0x3FAE] =	sst s0;
	s0 =	simm.s32 @!p2 $0x0  }
0x16: {  	s3 =	sld [smem:$0x3FDB];
	s0 =	simm.s32 @p2 $0x1  }
0x17: {  	s4 =	simm.s32 $0x1BF5;
	[smem:$0x3FB0] =	sst s0  }
0x18: {  	s0 =	sld [smem:$0x3F93];
	_ =	swait.ge [sflag:s4], $0x0  }
0x19: {  	s7 =	sld [smem:$0x3F94]  }
0x1a: {  	s8 =	sadd.s32 $0xFFFFE003, lr  }
0x1b: {  	s9 =	sadd.s32 $0xFFFFFEF7, lr;
	s5 =	simm.s32 $0xFFFFFFFF;
	p2 =	slt.u32 s8, $0xFFFFF086  }
0x1c: {  	p1 =	slt.u32 s9, $0xF7A;
	s5 =	simm.s32 @!p2 $0x0  }
0x1d: {  	s5 =	simm.s32 @p1 $0x1;
	p0 =	seq.s32 s7, s2  }
0x1e: {  	s7 =	smul.u32 @!p0 $0xF7A, s2;
	p2 =	seq.s32 @!p0 s5, $0x0  }
0x1f: {  	s9 =	smul.u32 $0xF7A, s1;
	s8 =	simm.s32 @!p0 $0x1BF5;
	p2 =	por !p2, p0  }
0x20: {  	[sflag:s8] =	ssyncset.s32 @!p0 $0xFFFFF086;
	s6 =	sadd.s32 @!p0 s3, s7;
	s7 =	simm.s32 @!p0 $0x108  }
0x21: {  	s3 =	sadd.s32 s3, s9;
	s6 =	sadd.s32 @!p0 $0x88, s6;
	s7 =	simm.s32 @p2 $0x1082  }
0x22: {  	[simem:s7], [sflag:s8] =	dma.local @!p0 [hbm:s6], $0xF7A  }
0x23: {  	s9 =	sor.u32 $0xD0000000, s2;
	s6 =	simm.s32 $0x108;
	_ =	swait.ge @!p0 [sflag:s8], $0x0  }
0x24: {  	s3 =	sadd.s32 $0x88, s3;
	s6 =	simm.s32 @!p1 $0x1082;
	[sflag:s4] =	ssyncset.s32 $0xFFFFF086  }
0x25: {  	[simem:s6], [sflag:s4] =	dma.local [hbm:s3], $0xF7A  }
0x26: {  	[smem:$0x3F94] =	sst s1;
	(tag) =	ssettag s2;
	_ =	strace s9  }
0x27: {  	s1 =	sld [smem:$0x3FA4]  }
0x28: {  	s2 =	sld [smem:$0x3FA5]  }
0x29: {  	s4 =	sld [smem:$0x3FA7]  }
0x2a: {  	p0 =	seq.s32 s5, $0x0;
	s5 =	sld [smem:$0x3FA8]  }
0x2b: {  	s6 =	sld [smem:$0x3FA9]  }
0x2c: {  	s7 =	sld [smem:$0x3FAA]  }
0x2d: {  	s3 =	simm.s32 $0x108;
	s8 =	sld [smem:$0x3FAB]  }
0x2e: {  	s3 =	simm.s32 @!p0 $0x1082;
	s9 =	sld [smem:$0x3FAC]  }
0x2f: {  	lr =	sadd.s32 s0, s3;
	s0 =	sld [smem:$0x3FA3]  }
0x30: {  	s3 =	sld [smem:$0x3FA6]  }
0x31: {  	[smem:$0x3FAF] =	sst s10  }
0x32: {  	s10 =	sld [smem:$0x3FAD];
	_ =	sdelay $0x3  }
0x33: {  	p0 =	seq.s32 s10, $0x1;
	s10 =	sld [smem:$0x3FAF];
	_ =	sdelay $0x3  }
0x34: {  	[smem:$0x3FAF] =	sst s10  }
0x35: {  	s10 =	sld [smem:$0x3FAE];
	_ =	sdelay $0x3  }
0x36: {  	p1 =	seq.s32 s10, $0x1;
	s10 =	sld [smem:$0x3FAF];
	_ =	sdelay $0x3  }
0x37: {  	[smem:$0x3FAF] =	sst s10  }
0x38: {  	s10 =	sld [smem:$0x3FB0]  }
0x39: {  	_ = 	snop;
	(pc) =	sbr.ind lr, $3  }
0x3a: {  	_ = 	snop  }
0x3b: {  	_ = 	snop  }
0x3c: {  	p2 =	seq.s32 s10, $0x1;
	s10 =	sld [smem:$0x3FAF]  }
0x3d: {  	_ =	shalt  }
0x3e: {  	_ =	shalt  }
0x3f: {  	_ =	shalt  }
0x40: {  	_ =	shalt  }
0x41: {  	_ =	shalt  }
0x42: {  	_ =	shalt  }
0x43: {  	_ =	shalt  }
0x44: {  	_ =	shalt  }
0x45: {  	_ =	shalt  }
0x46: {  	_ =	shalt  }
0x47: {  	_ =	shalt  }
0x48: {  	_ =	shalt  }
0x49: {  	_ =	shalt  }
0x4a: {  	_ =	shalt  }
0x4b: {  	_ =	shalt  }
0x4c: {  	_ =	shalt  }
0x4d: {  	_ =	shalt  }
0x4e: {  	_ =	shalt  }
0x4f: {  	_ =	shalt  }
0x50: {  	_ =	shalt  }
0x51: {  	_ =	shalt  }
0x52: {  	_ =	shalt  }
0x53: {  	_ =	shalt  }
0x54: {  	_ =	shalt  }
0x55: {  	_ =	shalt  }
0x56: {  	_ =	shalt  }
0x57: {  	_ =	shalt  }
0x58: {  	_ =	shalt  }
0x59: {  	_ =	shalt  }
0x5a: {  	_ =	shalt  }
0x5b: {  	_ =	shalt  }
0x5c: {  	_ =	shalt  }
0x5d: {  	_ =	shalt  }
0x5e: {  	_ =	shalt  }
0x5f: {  	_ =	shalt  }
0x60: {  	_ =	shalt  }
0x61: {  	_ =	shalt  }
0x62: {  	_ =	shalt  }
0x63: {  	_ =	shalt  }
0x64: {  	_ =	shalt  }
0x65: {  	_ =	shalt  }
0x66: {  	_ =	shalt  }
0x67: {  	_ =	shalt  }
0x68: {  	_ =	shalt  }
0x69: {  	_ =	shalt  }
0x6a: {  	_ =	shalt  }
0x6b: {  	_ =	shalt  }
0x6c: {  	_ =	shalt  }
0x6d: {  	_ =	shalt  }
0x6e: {  	_ =	shalt  }
0x6f: {  	_ =	shalt  }
0x70: {  	_ =	shalt  }
0x71: {  	_ =	shalt  }
0x72: {  	_ =	shalt  }
0x73: {  	_ =	shalt  }
0x74: {  	_ =	shalt  }
0x75: {  	_ =	shalt  }
0x76: {  	_ =	shalt  }
0x77: {  	_ =	shalt  }
0x78: {  	_ =	shalt  }
0x79: {  	_ =	shalt  }
0x7a: {  	_ =	shalt  }
0x7b: {  	_ =	shalt  }
0x7c: {  	_ =	shalt  }
0x7d: {  	_ =	shalt  }
0x7e: {  	_ =	shalt  }
0x7f: {  	_ =	shalt  }
0x80: {  	_ =	shalt  }
0x81: {  	_ =	shalt  }
0x82: {  	_ =	shalt  }
0x83: {  	_ =	shalt  }
0x84: {  	_ =	shalt  }
0x85: {  	_ =	shalt  }
0x86: {  	_ =	shalt  }
0x87: {  	_ =	shalt  }
.Lfunc_end0:
.L_simem_size_0:
called_computation.1_lowered:
.L_overlay_start_0:
0x88: {  	s2 =	sld [smem:$0x3FD9]  }
0x89: {  	s3 =	sld [smem:$0x3FFE];
	_ =	sdelay $0x1  }
0x8a: {  	s1 =	srdreg.scid  }
0x8b: {  	s0 =	sand.u32 $0x1, s1  }
0x8c: {  	s17 =	sshll.u32 s0, $0xA;
	s2 =	sadd.s32 s3, s2  }
0x8d: {  	s2 =	sadd.s32 s2, s17  }
0x8e: {  	[smem:$0x3FBB] =	sst s2  }
0x8f: {  	_ = 	snop  }
0x90: {  	s2 =	sld [smem:$0x3FD0];
	(tm) =	ssettm $0x1  }
0x91: {  	s18 =	sld [smem:$0x3FFB];
	_ =	sdelay $0x3  }
0x92: {  	_ =	strace s18  }
0x93: {  	s3 =	sld [smem:$0x3FFC];
	_ =	sdelay $0x3  }
0x94: {  	_ =	strace s3  }
0x95: {  	s3 =	sld [smem:$0x3FFD];
	_ =	sdelay $0x3  }
0x96: {  	_ =	strace s3  }
0x97: {  	_ =	strace $0x8FFFFFFF  }
0x98: {  	s19 =	sld [smem:$0x3FDB];
	_ =	sdelay $0x1  }
0x99: {  	s4 =	simm.s32 $_scs_section_size  }
0x9a: {  	s5 =	simm.s32 $_size__tile_overlayer_lowered;
	s6 =	simm.s32 $_tile_overlayer_lowered  }
0x9b: {  	s22 =	simm.s32 $0x1BFF;
	s21 =	sshll.u32 s6, $0x1;
	s3 =	sadd.s32 s4, s19  }
0x9c: {  	s7 =	simm.s32 $0x0;
	s20 =	sshll.u32 s5, $0x1;
	s5 =	sadd.s32 s21, s3  }
0x9d: {  	[timem:s7], [sflag:s22] =	dma.local [hbm:s5], s20  }
0x9e: {  	_ =	swait.ge [sflag:s22], s20  }
0x9f: {  	s4 =	ssub.s32 $0x0, s20;
	[sflag:s22] =	ssyncset.done $0x0  }
0xa0: {  	[sflag:s22] =	ssyncadd.s32 s4;
	_ =	sdelay $0x1  }
0xa1: {  	s23 =	simm.s32 $0x1B8B  }
0xa2: {  	_ =	swait.ge [sflag:s23], $0x1  }
0xa3: {  	[sflag:s23] =	ssyncset.done $0x0  }
0xa4: {  	s25 =	simm.s32 $0x1B8E;
	s24 =	sld [smem:$0x3FFE];
	[sflag:s23] =	ssyncadd.s32 $0xFFFFFFFF  }
0xa5: {  	s26 =	simm.s32 $execute0_lowered;
	[smem:$0x3FD2] =	sst s25  }
0xa6: {  	s5 =	sshll.u32 s26, $0x1;
	_ =	strace $0x80000049;
	[dreg:$0x1] =	wrdreg $0xFFFFFFFF  }
0xa7: {  	s28 =	simm.s32 $_size_execute0_lowered;
	s3 =	sadd.s32 s3, s5;
	[dreg:$0x0] =	wrdreg $0x0  }
0xa8: {  	s5 =	sshll.u32 s28, $0x1;
	[dreg:$0x2] =	wrdreg s3  }
0xa9: {  	[dreg:$0x3] =	wrdreg s5  }
0xaa: {  	[dreg:$0x4] =	wrdreg $0xC0  }
0xab: {  	_ =	task [dreg:s7], $0x5FFFF  }
0xac: {  	[dreg:$0x1] =	wrdreg $0xFFFFFFFF  }
0xad: {  	[dreg:$0x0] =	wrdreg $0x60  }
0xae: {  	[dreg:$0x2] =	wrdreg s24  }
0xaf: {  	[dreg:$0x3] =	wrdreg s2  }
0xb0: {  	[dreg:$0x4] =	wrdreg $0x9  }
0xb1: {  	_ =	task.clear_ibuf [dreg:s7], $0x5FFFF;
	_ =	strace $0x90000049  }
0xb2: {  	s29 =	simm.s32 $0x9;
	_ =	strace $0x8000004B  }
0xb3: {  	_ =	swait.ge [sflag:s29], $0x1  }
0xb4: {  	[sflag:s29] =	ssyncadd.s32 $0xFFFFFFFF  }
0xb5: {  	_ =	strace $0x9000004B  }
0xb6: {  	_ =	sfence  }
0xb7: {  	s30 =	sld [smem:$0x0];
	_ =	sdelay $0x2  }
0xb8: {  	s31 =	sshll.u32 s1, $0xD;
	s1 =	sshrl.u32 s1, $0x2  }
0xb9: {  	s3 =	sand.u32 $0x4000, s31;
	s1 =	sadd.s32 s1, s30  }
0xba: {  	s0 =	sor.u32 s3, s0;
	s1 =	sshll.u32 s1, $0x11  }
0xbb: {  	s0 =	sor.u32 s1, s0  }
0xbc: {  	s0 =	sadd.s32 $0x8F2B, s0  }
0xbd: {  	[sflag:s0] =	ssyncadd.remote.s32 $0x1  }
0xbe: {  	_ =	sfence.sel $0xFFFF  }
0xbf: {  	[dreg:$0x0] =	wrdreg $0xFFFFFFFF;
	(pc) =	sbr.abs _section_cstart, $3  }
0xc0: {  	[dreg:$0x1] =	wrdreg $0xFFFFFFFF  }
0xc1: {  	_ =	task.clear_ibuf [dreg:s7], $0x2FFFF;
	_ =	strace $0x9FFFFFFF  }
0xc2: {  	(tm) =	ssettm $0x7FFFFFFF  }
0xc3: {  	_ =	shalt  }
tec
execute0_lowered:
.L_overlay_start_1:
0x0: {  	(tag) =	ssettag $0x1  }
0x1: {  	s0 =	rddreg [dreg:$0x0]  }
0x2: {  	s2 =	simm.s32 $0x0;
	s1 =	srdreg.scid;
	s9 =	stileid.u32  }
0x3: {  	s16 =	simm.s32 $0x2;
	s18 =	simm.s32 $0x1;
	s19 =	simm.s32 $0x12900  }
0x4: {  	s20 =	simm.s32 $0x12980;
	s13 =	simm.s32 $0x12A00;
	s22 =	simm.s32 $0x80  }
0x5: {  	s23 =	simm.s32 $0x12A90;
	[smem:$0x7FF] =	sst s2;
	s3 =	sadd.s32 $0x2CA400, s0  }
0x6: {  	s4 =	sadd.s32 $0x33800, s0;
	s5 =	sadd.s32 $0x4C000, s0;
	s1 =	sand.u32 $0x1, s1  }
0x7: {  	s7 =	sadd.s32 $0x2800, s0;
	s8 =	sadd.s32 $0x1B000, s0;
	s6 =	sadd.s32 $0x7D600, s0  }
0x8: {  	s28 =	sadd.s32 $0x7D800, s0;
	_ =	strace $0x8000004A;
	[dreg:$0x3] =	wrdreg s1  }
.Ltmp0:
0x9: {  	s1 =	ssub.s32 $0x2, s1;
	[dreg:$0x4] =	wrdreg s6;
	(pc) =	sbr.rel .LBB2_1-.Ltmp0, $4  }
0xa: {  	s0 =	sadd.s32 $0x64800, s0;
	[dreg:$0x5] =	wrdreg s28;
	s29 =	sshrl.u32 s1, $0x1  }
0xb: {  	s31 =	sshll.u32 s9, $0x1;
	[dreg:$0x6] =	wrdreg s0;
	s30 =	ssub.s32 s1, s29  }
0xc: {  	s24 =	simm.s32 $0x16A90;
	[dreg:$0x7] =	wrdreg s31;
	s0 =	smax.u32 s30, $0x1  }
0xd: {  	v0 =	vimm.f32 $0.0e+00;
	s25 =	simm.s32 $0x17290;
	s1 =	simm.s32 $0x0;
	[dreg:$0x8] =	wrdreg s0  }
.LBB2_12:
0xe: {  	s1 =	rddreg [dreg:$0x9]  }
0xf: {  	s0 =	rddreg [dreg:$0x8];
	s1 =	sadd.s32 $0x1, s1  }
0x10: {  	p0 =	sne.s32 s1, s0  }
.Ltmp1:
0x11: {  	_ = 	snop;
	(pc) =	sbr.rel @!p0 .LBB2_13-.Ltmp1, $1  }
0x12: {  	_ =	sdelay $0x3  }
.LBB2_1:
0x13: {  	[dreg:$0x9] =	wrdreg s1  }
0x14: {  	s0 =	rddreg [dreg:$0x4];
	s29 =	simm.s32 $0x17A90  }
0x15: {  	[tilespmem:s29], [sflag:$0x2] =	stream.linear.gather [hbm4b:s0+s2], $0x68, $0x38;
	[tilespmem:$0x17B18] =	vst v63  }
0x16: {  	_ =	swait.ge [sflag:s16], $0x68  }
0x17: {  	[sflag:s16] =	ssyncset.done $0x0  }
0x18: {  	[sflag:s16] =	ssyncadd.s32 $0xFFFFFF98  }
0x19: {  	s31 =	simm.s32 $0x17B08;
	s30 =	rddreg [dreg:$0x1]  }
0x1a: {  	[tilespmem:s31], [sflag:$0x2] =	stream.linear.gather [hbm4b:s30+s2], $0x10, $0x38;
	[tilespmem:$0x17B18] =	vst v63  }
.Ltmp2:
0x1b: {  	_ = 	snop;
	(pc) =	sbr.rel .LBB2_2-.Ltmp2, $4  }
0x1c: {  	_ =	swait.ge [sflag:s16], $0x10  }
0x1d: {  	[sflag:s16] =	ssyncset.done $0x0  }
0x1e: {  	[sflag:s16] =	ssyncadd.s32 $0xFFFFFFF0  }
0x1f: {  	s9 =	simm.s32 $0x0;
	v1 =	vld [tilespmem:$0x17B08]  }
.LBB2_11:
0x20: {  	s6 =	rddreg [dreg:$0xb]  }
0x21: {  	s0 =	smul.u32 $0x2100, s6  }
0x22: {  	s1 =	rddreg [dreg:$0x5]  }
0x23: {  	s0 =	sadd.s32 s1, s0  }
0x24: {  	[hbm4b:s0+s2] =	stream.linear.scatter [tilespmem:s2], [sflag:$0x2], $0x10800, $0x38;
	[tilespmem:$0x17B18] =	vst v63  }
0x25: {  	s29 =	smul.u32 $0x420, s6;
	_ =	swait.ge [sflag:s16], $0x10800  }
0x26: {  	[sflag:s16] =	ssyncset.done $0x0;
	s30 =	rddreg [dreg:$0x6]  }
0x27: {  	s31 =	simm.s32 $0x10800;
	[sflag:s16] =	ssyncadd.s32 $0xFFFEF800;
	s0 =	sadd.s32 s30, s29  }
0x28: {  	[hbm4b:s0+s2] =	stream.linear.scatter [tilespmem:s31], [sflag:$0x2], $0x2100, $0x38;
	[tilespmem:$0x17B18] =	vst v63  }
0x29: {  	_ =	swait.ge [sflag:s16], $0x2100  }
0x2a: {  	s9 =	rddreg [dreg:$0xa]  }
0x2b: {  	s9 =	sadd.s32 $0x1, s9  }
0x2c: {  	p0 =	sne.s32 s9, $0x3  }
.Ltmp3:
0x2d: {  	_ = 	snop;
	(pc) =	sbr.rel @!p0 .LBB2_12-.Ltmp3, $3  }
0x2e: {  	_ =	sdelay $0x1  }
0x2f: {  	[sflag:s16] =	ssyncset.done $0x0  }
0x30: {  	[sflag:s16] =	ssyncadd.s32 $0xFFFFDF00  }
.LBB2_2:
0x31: {  	s0 =	simm.s32 $0x40  }
0x32: {  	[tilespmem:s0+$0xFFFFFFD0] =	vst v0  }
0x33: {  	[tilespmem:s0+$0xFFFFFFE0] =	vst v0  }
0x34: {  	[tilespmem:s0+$0xFFFFFFF0] =	vst v0  }
0x35: {  	[tilespmem:s0+$0x0] =	vst v0  }
0x36: {  	[tilespmem:s0+$0x10] =	vst v0  }
0x37: {  	[tilespmem:s0+$0x20] =	vst v0  }
0x38: {  	[tilespmem:s0+$0x30] =	vst v0  }
0x39: {  	s6 =	simm.s32 $0x0;
	s1 =	simm.s32 $0x40;
	[tilespmem:s0+$0xFFFFFFC0] =	vst v0  }
.LBB2_3:
0x3a: {  	p0 =	sne.s32 s1, $0x83C0;
	[tilespmem:s6+$0x10800] =	vst v0;
	s0 =	sadd.s32 $0x80, s0  }
0x3b: {  	[tilespmem:s0+$0xFFFFFFD0] =	vst v0  }
0x3c: {  	[tilespmem:s0+$0xFFFFFFE0] =	vst v0  }
0x3d: {  	[tilespmem:s0+$0xFFFFFFF0] =	vst v0  }
.Ltmp4:
0x3e: {  	[tilespmem:s0+$0x0] =	vst v0;
	(pc) =	sbr.rel @p0 .LBB2_3-.Ltmp4, $4  }
0x3f: {  	[tilespmem:s0+$0x10] =	vst v0  }
0x40: {  	[tilespmem:s0+$0x20] =	vst v0  }
0x41: {  	[tilespmem:s0+$0x30] =	vst v0  }
0x42: {  	s6 =	sshra.s32 s1, $0x2;
	s1 =	sadd.s32 $0x40, s1;
	[tilespmem:s0+$0xFFFFFFC0] =	vst v0  }
0x43: {  	s0 =	sshll.u32 s9, $0x5;
	s1 =	rddreg [dreg:$0x7]  }
0x44: {  	s21 =	rddreg [dreg:$0x3];
	s0 =	sor.u32 s0, s1  }
0x45: {  	[tilespmem:s6+$0x10800] =	vst v0;
	s0 =	sor.u32 s21, s0  }
0x46: {  	v2 =	vld [tilespmem:s0+$0x17A90];
	_ =	sdelay $0x4  }
0x47: {  	(v2sf) =	vpush v2, $0x0;
	_ =	sdelay $0x3  }
0x48: {  	(v2sf) =	vpush v2, $0x1;
	_ =	sdelay $0xa  }
0x49: {  	s31 =	spop (v2sf)  }
0x4a: {  	s26 =	sshra.s32 s31, $0x1F  }
0x4b: {  	[dreg:$0xb] =	wrdreg s0;
	s0 =	sshrl.u32 s26, $0x1D  }
0x4c: {  	s28 =	sadd.s32 s0, s31  }
0x4d: {  	[dreg:$0xa] =	wrdreg s9;
	s0 =	spop (v2sf);
	s9 =	sand.u32 $0xFFFFFFF8, s28  }
0x4e: {  	s1 =	ssub.s32 s0, s9  }
0x4f: {  	s1 =	sadd.s32 $0x7F, s1  }
0x50: {  	s29 =	sand.u32 $0x7F, s1  }
0x51: {  	s30 =	sshra.s32 s1, $0x1F;
	p1 =	slt.s32 s1, $0x1;
	p0 =	sne.s32 s29, $0x0  }
0x52: {  	s6 =	sshrl.u32 s30, $0x19;
	p0 =	por !p1, !p0  }
0x53: {  	s1 =	sadd.s32 s6, s1;
	s6 =	simm.s32 $0x1;
	p0 =	por !p0, !p0  }
0x54: {  	s1 =	sshra.s32 s1, $0x7;
	s6 =	simm.s32 @!p0 $0x0  }
0x55: {  	s1 =	ssub.s32 s1, s6  }
0x56: {  	p0 =	slt.s32 s1, $0x1  }
.Ltmp5:
0x57: {  	_ = 	snop;
	(pc) =	sbr.rel @p0 .LBB2_11-.Ltmp5, $1  }
0x58: {  	_ =	sdelay $0x3  }
.Ltmp6:
0x59: {  	(pc) =	sbr.rel .LBB2_6-.Ltmp6, $3  }
0x5a: {  	_ =	sdelay $0x1  }
0x5b: {  	s6 =	rddreg [dreg:$0xb]  }
0x5c: {  	s17 =	ssub.s32 s31, s9;
	s10 =	simm.s32 $0x0;
	s15 =	smul.u32 $0xFFFFFDF0, s6  }
.LBB2_9:
0x5d: {  	s6 =	spop (v2sf)  }
0x5e: {  	s6 =	sadd.s32 s15, s6  }
0x5f: {  	s11 =	sshll.u32 s6, $0x6  }
0x60: {  	v2 =	vpop (erf);
	s11 =	sshra.s32 s11, $0x2  }
0x61: {  	[tilespmem:s11+$0x10800] =	vst.add.f32.msk $0xffff, v2  }
0x62: {  	v3 =	vld [tilespmem:s26+$0xFFFFFFD0]  }
0x63: {  	v4 =	vld [tilespmem:s26+$0xFFFFFFC0]  }
0x64: {  	v5 =	vld [tilespmem:s26+$0xFFFFFFE0]  }
0x65: {  	v6 =	vld [tilespmem:s26+$0xFFFFFFF0]  }
0x66: {  	v2 =	vbroadcast v2, $0x0;
	v7 =	vld [tilespmem:s26+$0x0]  }
0x67: {  	v8 =	vld [tilespmem:s26+$0x10]  }
0x68: {  	s6 =	sshll.u32 s6, $0x9;
	v9 =	vld [tilespmem:s26+$0x20];
	v4 =	vmul.f32 v2, v4  }
0x69: {  	s6 =	sshra.s32 s6, $0x2;
	v10 =	vld [tilespmem:s26+$0x30];
	v3 =	vmul.f32 v2, v3  }
0x6a: {  	s21 =	sor.u32 $0x10, s6;
	v5 =	vmul.f32 v2, v5;
	[tilespmem:s6+$0x0] =	vst.add.f32.msk $0xffff, v4  }
0x6b: {  	s12 =	sor.u32 $0x20, s6;
	v61 =	vmul.f32 v2, v6;
	[tilespmem:s21+$0x0] =	vst.add.f32.msk $0xffff, v3  }
0x6c: {  	s26 =	sor.u32 $0x30, s6;
	v3 =	vmul.f32 v7, v2;
	[tilespmem:s12+$0x0] =	vst.add.f32.msk $0xffff, v5  }
0x6d: {  	s28 =	sor.u32 $0x40, s6;
	v62 =	vmul.f32 v8, v2;
	[tilespmem:s26+$0x0] =	vst.add.f32.msk $0xffff, v61  }
0x6e: {  	s29 =	sor.u32 $0x50, s6;
	v63 =	vmul.f32 v9, v2;
	[tilespmem:s28+$0x0] =	vst.add.f32.msk $0xffff, v3  }
0x6f: {  	s30 =	sor.u32 $0x60, s6;
	v2 =	vmul.f32 v10, v2;
	[tilespmem:s29+$0x0] =	vst.add.f32.msk $0xffff, v62  }
0x70: {  	s6 =	sor.u32 $0x70, s6;
	[tilespmem:s30+$0x0] =	vst.add.f32.msk $0xffff, v63  }
0x71: {  	s13 =	simm.s32 $0x12A00;
	[tilespmem:s6+$0x0] =	vst.add.f32.msk $0xffff, v2  }
.LBB2_10:
0x72: {  	s10 =	sadd.s32 $0x1, s10  }
0x73: {  	p0 =	sne.s32 s10, s1  }
.Ltmp7:
0x74: {  	_ = 	snop;
	(pc) =	sbr.rel @!p0 .LBB2_11-.Ltmp7, $2  }
0x75: {  	_ =	sdelay $0x2  }
0x76: {  	s17 =	sadd.s32 $0xFFFFFF80, s17  }
.LBB2_6:
0x77: {  	s6 =	sshll.u32 s10, $0x7  }
0x78: {  	s6 =	sadd.s32 s9, s6  }
0x79: {  	s11 =	sshrl.u32 s6, $0x3  }
0x7a: {  	s12 =	sadd.s32 s7, s11  }
0x7b: {  	[tilespmem:s19], [sflag:$0x2] =	stream.linear.gather [hbm4b:s12+s2], $0x80, $0x38;
	[tilespmem:$0x17B18] =	vst v63  }
0x7c: {  	_ =	swait.ge [sflag:s16], $0x80  }
0x7d: {  	[sflag:s16] =	ssyncset.done $0x0  }
0x7e: {  	s11 =	sadd.s32 s8, s11;
	[sflag:s16] =	ssyncadd.s32 $0xFFFFFF80  }
0x7f: {  	[tilespmem:s20], [sflag:$0x2] =	stream.linear.gather [hbm4b:s11+s2], $0x80, $0x38;
	[tilespmem:$0x17B18] =	vst v63  }
0x80: {  	_ =	swait.ge [sflag:s16], $0x80  }
0x81: {  	[sflag:s16] =	ssyncset.done $0x0  }
0x82: {  	[sflag:s16] =	ssyncadd.s32 $0xFFFFFF80  }
0x83: {  	[tilespmem:s13], [sflag:$0x2] =	stream.linear.gather [hbm4b:s11+s2], $0x80, $0x38;
	[tilespmem:$0x17B18] =	vst v63  }
0x84: {  	_ =	swait.ge [sflag:s16], $0x80  }
0x85: {  	[sflag:s16] =	ssyncset.done $0x0  }
0x86: {  	[sflag:s16] =	ssyncadd.s32 $0xFFFFFF80  }
0x87: {  	[tilespmem:s23], [sflag:$0x1] =	stream.indirect.gather [hbm4b:s3+s22], $0x80, s19, s22, $0xb8;
	[tilespmem:$0x17B18] =	vst v63  }
0x88: {  	_ = 	snop  }
0x89: {  	[tilespmem:s24], [sflag:$0x1] =	stream.indirect.gather [hbm4b:s4+s22], $0x10, s19, s22, $0xb8;
	[tilespmem:$0x17B18] =	vst v63  }
0x8a: {  	_ = 	snop  }
0x8b: {  	[tilespmem:s25], [sflag:$0x1] =	stream.indirect.gather [hbm4b:s5+s22], $0x10, s20, s22, $0xb8;
	[tilespmem:$0x17B18] =	vst v63  }
0x8c: {  	s14 =	ssub.s32 s0, s6;
	s11 =	ssub.s32 s31, s6;
	_ =	swait.ge [sflag:s18], $0x4000  }
0x8d: {  	p1 =	slt.s32 s14, $0x80;
	p0 =	sgt.s32 s11, $0x0;
	[sflag:s18] =	ssyncset.done $0x0  }
0x8e: {  	s14 =	simm.s32 @!p1 $0x80;
	s11 =	simm.s32 @!p0 $0x0;
	[sflag:s18] =	ssyncadd.s32 $0xFFFFC000  }
0x8f: {  	p0 =	sle.s32 s14, s11;
	_ =	swait.ge [sflag:s18], $0x800  }
.Ltmp8:
0x90: {  	[sflag:s18] =	ssyncset.done $0x0;
	(pc) =	sbr.rel @p0 .LBB2_10-.Ltmp8, $4  }
0x91: {  	[sflag:s18] =	ssyncadd.s32 $0xFFFFF800  }
0x92: {  	_ =	swait.ge [sflag:s18], $0x800  }
0x93: {  	[sflag:s18] =	ssyncset.done $0x0  }
0x94: {  	[sflag:s18] =	ssyncadd.s32 $0xFFFFF800  }
0x95: {  	p0 =	sgt.s32 s17, $0x0;
	s12 =	smov.u32 s17  }
0x96: {  	s12 =	simm.s32 @!p0 $0x0  }
0x97: {  	s6 =	sshll.u32 s12, $0x4  }
0x98: {  	s6 =	sand.u32 $0x3FFFFFF0, s6  }
0x99: {  	s13 =	sadd.s32 $0x17290, s6  }
0x9a: {  	s28 =	sadd.s32 $0x16A90, s6;
	v2 =	vld [tilespmem:s13+$0x0]  }
0x9b: {  	v3 =	vld [tilespmem:s28+$0x0];
	_ =	sdelay $0x4  }
0x9c: {  	v2 =	vadd.f32 v2, v3  }
0x9d: {  	s30 =	sshll.u32 s12, $0x2  }
0x9e: {  	s6 =	sshra.s32 s30, $0x2;
	v3 =	vmul.f32 $2.000000030e-01, v2  }
0x9f: {  	s6 =	sadd.s32 $0x12A00, s6;
	vm0 =	vgt.f32 v2, $0.0e+00  }
0xa0: {  	v2 =	vsel vm0, v2, v3;
	v3 =	vld [tilespmem:s6+$0x0];
	_ =	sdelay $0x4  }
0xa1: {  	(v2sf) =	vpush v3, $0x0;
	_ =	sdelay $0x4  }
0xa2: {  	v2 =	vsub.f32 v2, v1;
	_ =	sdelay $0x1  }
0xa3: {  	p0 =	sgt.s32 s11, s14;
	v2 =	vmul.f32 $1.442695020e+00, v2  }
0xa4: {  	s14 =	smov.u32 @p0 s11;
	s11 =	sadd.s32 $0x1, s11  }
0xa5: {  	p0 =	slt.u32 s11, s14;
	(erf) = vpow2.f32 v2  }
.Ltmp9:
0xa6: {  	_ = 	snop;
	(pc) =	sbr.rel @!p0 .LBB2_9-.Ltmp9, $4  }
0xa7: {  	s12 =	sshll.u32 s12, $0x7  }
0xa8: {  	s12 =	sand.u32 $0x3FFFFF80, s12  }
0xa9: {  	s26 =	sadd.s32 $0x12AD0, s12  }
0xaa: {  	s12 =	sadd.s32 $0x10, s13;
	s13 =	sadd.s32 $0x80, s26  }
.LBB2_8:
0xab: {  	s11 =	sadd.s32 $0x1, s11;
	s6 =	sadd.s32 $0x1, s6;
	s28 =	sadd.s32 $0x10, s28  }
0xac: {  	p0 =	slt.u32 s11, s14;
	s30 =	spop (v2sf)  }
0xad: {  	s30 =	sadd.s32 s15, s30  }
0xae: {  	s29 =	sshll.u32 s30, $0x6;
	s30 =	sshll.u32 s30, $0x9  }
0xaf: {  	s29 =	sshra.s32 s29, $0x2;
	v2 =	vpop (erf)  }
0xb0: {  	[tilespmem:s29+$0x10800] =	vst.add.f32.msk $0xffff, v2  }
0xb1: {  	v3 =	vld [tilespmem:s26+$0xFFFFFFD0]  }
0xb2: {  	v4 =	vld [tilespmem:s26+$0xFFFFFFC0]  }
0xb3: {  	v5 =	vld [tilespmem:s26+$0xFFFFFFE0]  }
0xb4: {  	v2 =	vbroadcast v2, $0x0;
	v6 =	vld [tilespmem:s26+$0xFFFFFFF0]  }
0xb5: {  	v7 =	vld [tilespmem:s26+$0x0]  }
0xb6: {  	v8 =	vld [tilespmem:s26+$0x10];
	v3 =	vmul.f32 v2, v3  }
0xb7: {  	s29 =	sshra.s32 s30, $0x2;
	v9 =	vld [tilespmem:s26+$0x20];
	v4 =	vmul.f32 v2, v4  }
0xb8: {  	s30 =	sor.u32 $0x10, s29;
	v10 =	vld [tilespmem:s26+$0x30];
	v5 =	vmul.f32 v2, v5;
	s26 =	smov.u32 s13  }
0xb9: {  	s21 =	sor.u32 $0x20, s29;
	[tilespmem:s29+$0x0] =	vst.add.f32.msk $0xffff, v4;
	v4 =	vmul.f32 v2, v6  }
0xba: {  	[tilespmem:s30+$0x0] =	vst.add.f32.msk $0xffff, v3;
	s30 =	sor.u32 $0x30, s29;
	v3 =	vmul.f32 v7, v2  }
0xbb: {  	[tilespmem:s21+$0x0] =	vst.add.f32.msk $0xffff, v5;
	s21 =	sor.u32 $0x40, s29;
	v5 =	vmul.f32 v8, v2  }
0xbc: {  	[tilespmem:s30+$0x0] =	vst.add.f32.msk $0xffff, v4;
	s30 =	sor.u32 $0x50, s29;
	v4 =	vmul.f32 v9, v2  }
0xbd: {  	[tilespmem:s21+$0x0] =	vst.add.f32.msk $0xffff, v3;
	s21 =	sor.u32 $0x60, s29;
	v2 =	vmul.f32 v10, v2  }
0xbe: {  	s29 =	sor.u32 $0x70, s29;
	[tilespmem:s30+$0x0] =	vst.add.f32.msk $0xffff, v5  }
0xbf: {  	[tilespmem:s21+$0x0] =	vst.add.f32.msk $0xffff, v4  }
0xc0: {  	[tilespmem:s29+$0x0] =	vst.add.f32.msk $0xffff, v2  }
0xc1: {  	v2 =	vld [tilespmem:s12+$0x0]  }
0xc2: {  	v3 =	vld [tilespmem:s28+$0x0]  }
0xc3: {  	v4 =	vld [tilespmem:s6+$0x0];
	_ =	sdelay $0x3  }
0xc4: {  	v2 =	vadd.f32 v2, v3  }
0xc5: {  	(v2sf) =	vpush v4, $0x0  }
0xc6: {  	v3 =	vmul.f32 $2.000000030e-01, v2  }
0xc7: {  	vm0 =	vgt.f32 v2, $0.0e+00  }
0xc8: {  	v2 =	vsel vm0, v2, v3  }
0xc9: {  	v2 =	vsub.f32 v2, v1;
	_ =	sdelay $0x1  }
0xca: {  	v2 =	vmul.f32 $1.442695020e+00, v2;
	_ =	sdelay $0x2  }
.Ltmp10:
0xcb: {  	(erf) = vpow2.f32 v2;
	(pc) =	sbr.rel @p0 .LBB2_8-.Ltmp10, $2  }
0xcc: {  	_ =	sdelay $0x2  }
0xcd: {  	s13 =	sadd.s32 $0x80, s13;
	s12 =	sadd.s32 $0x10, s12  }
.Ltmp11:
0xce: {  	_ = 	snop;
	(pc) =	sbr.rel .LBB2_9-.Ltmp11, $1  }
0xcf: {  	_ =	sdelay $0x3  }
.LBB2_13:
0xd0: {  	_ =	sfence.sel $0x180000  }
0xd1: {  	[bflag:$0x0] =	sbarrier.arrive $0xFFFF  }
0xd2: {  	_ =	strace $0x9000004A  }
0xd3: {  	s0 =	stileid.u32;
	[bflag:$0x2] =	sbarrier.arrive $0xFFFF  }
0xd4: {  	p0 =	sne.s32 s0, $0x0;
	s0 =	rddreg [dreg:$0x2]  }
0xd5: {  	s0 =	sadd.s32 @!p0 $0x100000, s0  }
0xd6: {  	[sflag:s0] =	ssyncadd.tile.s32 @!p0 $0x1;
	_ =	shalt  }
.Lfunc_end2:
_tile_overlayer_lowered:
.L_overlay_start_2:
0xd7: {  	(tag) =	ssettag $0x2  }
0xd8: {  	s0 =	rddreg [dreg:$0x0];
	s2 =	stileid.u32  }
0xd9: {  	s1 =	rddreg [dreg:$0x1];
	p0 =	sne.s32 s2, $0x0  }
0xda: {  	s3 =	rddreg [dreg:$0x2];
	[bflag:$0x3] =	sbarrier.arrive $0xFFFF;
	s2 =	simm.s32 @!p0 $0x1C02  }
0xdb: {  	[timem:s3], [sflag:s2] =	dma.local @!p0 [hbm:s0], s1  }
0xdc: {  	s0 =	simm.s32 @!p0 $0x2  }
0xdd: {  	_ =	swait.ge @!p0 [sflag:s0], s1  }
0xde: {  	s1 =	ssub.s32 @!p0 $0x0, s1;
	[sflag:s0] =	ssyncset.done @!p0 $0x0  }
0xdf: {  	[sflag:s0] =	ssyncadd.s32 @!p0 s1  }
0xe0: {  	[bflag:$0x3] =	sbarrier.arrive $0xFFFF  }
0xe1: {  	_ =	shalt  }

// kernel: kernel.7.cloned.1.call-start
scs
__scs_entry_jumppad:
0x0: {  	(pc) =	sbr.rel $0x88, $3  }
0x1: {  	(tag) =	ssettag $0x0;
	lr =	simm.s32 $0x1  }
0x2: {  	[smem:$0x3F94] =	sst lr;
	_ =	strace $0xD0000000  }
0x3: {  	_ = 	snop  }
0x4: {  	_ = 	snop  }
0x5: {  	_ = 	snop  }
0x6: {  	_ = 	snop  }
0x7: {  	_ = 	snop  }
__scs_overlays_trampoline_lowered:
0x8: {  	[smem:$0x3FA3] =	sst s0  }
0x9: {  	[smem:$0x3FA4] =	sst s1  }
0xa: {  	[smem:$0x3FA5] =	sst s2  }
0xb: {  	[smem:$0x3FA6] =	sst s3  }
0xc: {  	[smem:$0x3FA7] =	sst s4  }
0xd: {  	[smem:$0x3FA8] =	sst s5  }
0xe: {  	[smem:$0x3FA9] =	sst s6  }
0xf: {  	[smem:$0x3FAA] =	sst s7  }
0x10: {  	[smem:$0x3FAB] =	sst s8  }
0x11: {  	[smem:$0x3FAC] =	sst s9;
	s0 =	simm.s32 @!p0 $0x0  }
0x12: {  	s1 =	sld [smem:$0x3F92];
	s0 =	simm.s32 @p0 $0x1  }
0x13: {  	[smem:$0x3FAD] =	sst s0;
	s0 =	simm.s32 @!p1 $0x0  }
0x14: {  	s2 =	sld [smem:$0x3F91];
	s0 =	simm.s32 @p1 $0x1  }
0x15: {  	[smem:$0x3FAE] =	sst s0;
	s0 =	simm.s32 @!p2 $0x0  }
0x16: {  	s3 =	sld [smem:$0x3FDB];
	s0 =	simm.s32 @p2 $0x1  }
0x17: {  	s4 =	simm.s32 $0x1BF5;
	[smem:$0x3FB0] =	sst s0  }
0x18: {  	s0 =	sld [smem:$0x3F93];
	_ =	swait.ge [sflag:s4], $0x0  }
0x19: {  	s7 =	sld [smem:$0x3F94]  }
0x1a: {  	s8 =	sadd.s32 $0xFFFFE003, lr  }
0x1b: {  	s9 =	sadd.s32 $0xFFFFFEF7, lr;
	s5 =	simm.s32 $0xFFFFFFFF;
	p2 =	slt.u32 s8, $0xFFFFF086  }
0x1c: {  	p1 =	slt.u32 s9, $0xF7A;
	s5 =	simm.s32 @!p2 $0x0  }
0x1d: {  	s5 =	simm.s32 @p1 $0x1;
	p0 =	seq.s32 s7, s2  }
0x1e: {  	s7 =	smul.u32 @!p0 $0xF7A, s2;
	p2 =	seq.s32 @!p0 s5, $0x0  }
0x1f: {  	s9 =	smul.u32 $0xF7A, s1;
	s8 =	simm.s32 @!p0 $0x1BF5;
	p2 =	por !p2, p0  }
0x20: {  	[sflag:s8] =	ssyncset.s32 @!p0 $0xFFFFF086;
	s6 =	sadd.s32 @!p0 s3, s7;
	s7 =	simm.s32 @!p0 $0x108  }
0x21: {  	s3 =	sadd.s32 s3, s9;
	s6 =	sadd.s32 @!p0 $0x88, s6;
	s7 =	simm.s32 @p2 $0x1082  }
0x22: {  	[simem:s7], [sflag:s8] =	dma.local @!p0 [hbm:s6], $0xF7A  }
0x23: {  	s9 =	sor.u32 $0xD0000000, s2;
	s6 =	simm.s32 $0x108;
	_ =	swait.ge @!p0 [sflag:s8], $0x0  }
0x24: {  	s3 =	sadd.s32 $0x88, s3;
	s6 =	simm.s32 @!p1 $0x1082;
	[sflag:s4] =	ssyncset.s32 $0xFFFFF086  }
0x25: {  	[simem:s6], [sflag:s4] =	dma.local [hbm:s3], $0xF7A  }
0x26: {  	[smem:$0x3F94] =	sst s1;
	(tag) =	ssettag s2;
	_ =	strace s9  }
0x27: {  	s1 =	sld [smem:$0x3FA4]  }
0x28: {  	s2 =	sld [smem:$0x3FA5]  }
0x29: {  	s4 =	sld [smem:$0x3FA7]  }
0x2a: {  	p0 =	seq.s32 s5, $0x0;
	s5 =	sld [smem:$0x3FA8]  }
0x2b: {  	s6 =	sld [smem:$0x3FA9]  }
0x2c: {  	s7 =	sld [smem:$0x3FAA]  }
0x2d: {  	s3 =	simm.s32 $0x108;
	s8 =	sld [smem:$0x3FAB]  }
0x2e: {  	s3 =	simm.s32 @!p0 $0x1082;
	s9 =	sld [smem:$0x3FAC]  }
0x2f: {  	lr =	sadd.s32 s0, s3;
	s0 =	sld [smem:$0x3FA3]  }
0x30: {  	s3 =	sld [smem:$0x3FA6]  }
0x31: {  	[smem:$0x3FAF] =	sst s10  }
0x32: {  	s10 =	sld [smem:$0x3FAD];
	_ =	sdelay $0x3  }
0x33: {  	p0 =	seq.s32 s10, $0x1;
	s10 =	sld [smem:$0x3FAF];
	_ =	sdelay $0x3  }
0x34: {  	[smem:$0x3FAF] =	sst s10  }
0x35: {  	s10 =	sld [smem:$0x3FAE];
	_ =	sdelay $0x3  }
0x36: {  	p1 =	seq.s32 s10, $0x1;
	s10 =	sld [smem:$0x3FAF];
	_ =	sdelay $0x3  }
0x37: {  	[smem:$0x3FAF] =	sst s10  }
0x38: {  	s10 =	sld [smem:$0x3FB0]  }
0x39: {  	_ = 	snop;
	(pc) =	sbr.ind lr, $3  }
0x3a: {  	_ = 	snop  }
0x3b: {  	_ = 	snop  }
0x3c: {  	p2 =	seq.s32 s10, $0x1;
	s10 =	sld [smem:$0x3FAF]  }
0x3d: {  	_ =	shalt  }
0x3e: {  	_ =	shalt  }
0x3f: {  	_ =	shalt  }
0x40: {  	_ =	shalt  }
0x41: {  	_ =	shalt  }
0x42: {  	_ =	shalt  }
0x43: {  	_ =	shalt  }
0x44: {  	_ =	shalt  }
0x45: {  	_ =	shalt  }
0x46: {  	_ =	shalt  }
0x47: {  	_ =	shalt  }
0x48: {  	_ =	shalt  }
0x49: {  	_ =	shalt  }
0x4a: {  	_ =	shalt  }
0x4b: {  	_ =	shalt  }
0x4c: {  	_ =	shalt  }
0x4d: {  	_ =	shalt  }
0x4e: {  	_ =	shalt  }
0x4f: {  	_ =	shalt  }
0x50: {  	_ =	shalt  }
0x51: {  	_ =	shalt  }
0x52: {  	_ =	shalt  }
0x53: {  	_ =	shalt  }
0x54: {  	_ =	shalt  }
0x55: {  	_ =	shalt  }
0x56: {  	_ =	shalt  }
0x57: {  	_ =	shalt  }
0x58: {  	_ =	shalt  }
0x59: {  	_ =	shalt  }
0x5a: {  	_ =	shalt  }
0x5b: {  	_ =	shalt  }
0x5c: {  	_ =	shalt  }
0x5d: {  	_ =	shalt  }
0x5e: {  	_ =	shalt  }
0x5f: {  	_ =	shalt  }
0x60: {  	_ =	shalt  }
0x61: {  	_ =	shalt  }
0x62: {  	_ =	shalt  }
0x63: {  	_ =	shalt  }
0x64: {  	_ =	shalt  }
0x65: {  	_ =	shalt  }
0x66: {  	_ =	shalt  }
0x67: {  	_ =	shalt  }
0x68: {  	_ =	shalt  }
0x69: {  	_ =	shalt  }
0x6a: {  	_ =	shalt  }
0x6b: {  	_ =	shalt  }
0x6c: {  	_ =	shalt  }
0x6d: {  	_ =	shalt  }
0x6e: {  	_ =	shalt  }
0x6f: {  	_ =	shalt  }
0x70: {  	_ =	shalt  }
0x71: {  	_ =	shalt  }
0x72: {  	_ =	shalt  }
0x73: {  	_ =	shalt  }
0x74: {  	_ =	shalt  }
0x75: {  	_ =	shalt  }
0x76: {  	_ =	shalt  }
0x77: {  	_ =	shalt  }
0x78: {  	_ =	shalt  }
0x79: {  	_ =	shalt  }
0x7a: {  	_ =	shalt  }
0x7b: {  	_ =	shalt  }
0x7c: {  	_ =	shalt  }
0x7d: {  	_ =	shalt  }
0x7e: {  	_ =	shalt  }
0x7f: {  	_ =	shalt  }
0x80: {  	_ =	shalt  }
0x81: {  	_ =	shalt  }
0x82: {  	_ =	shalt  }
0x83: {  	_ =	shalt  }
0x84: {  	_ =	shalt  }
0x85: {  	_ =	shalt  }
0x86: {  	_ =	shalt  }
0x87: {  	_ =	shalt  }
.Lfunc_end0:
.L_simem_size_0:
called_computation_lowered:
.L_overlay_start_0:
0x88: {  	s2 =	sld [smem:$0x3FD9]  }
0x89: {  	s3 =	sld [smem:$0x3FFE];
	_ =	sdelay $0x1  }
0x8a: {  	s1 =	srdreg.scid  }
0x8b: {  	s0 =	sand.u32 $0x1, s1  }
0x8c: {  	s17 =	sshll.u32 s0, $0xA;
	s2 =	sadd.s32 s3, s2  }
0x8d: {  	s2 =	sadd.s32 s2, s17  }
0x8e: {  	[smem:$0x3FBB] =	sst s2  }
0x8f: {  	_ = 	snop  }
0x90: {  	s2 =	sld [smem:$0x3FD0];
	(tm) =	ssettm $0x1  }
0x91: {  	s18 =	sld [smem:$0x3FFB];
	_ =	sdelay $0x3  }
0x92: {  	_ =	strace s18  }
0x93: {  	s3 =	sld [smem:$0x3FFC];
	_ =	sdelay $0x3  }
0x94: {  	_ =	strace s3  }
0x95: {  	s3 =	sld [smem:$0x3FFD];
	_ =	sdelay $0x3  }
0x96: {  	_ =	strace s3  }
0x97: {  	_ =	strace $0x8FFFFFFF  }
0x98: {  	s19 =	sld [smem:$0x3FDB];
	_ =	sdelay $0x1  }
0x99: {  	s4 =	simm.s32 $_scs_section_size  }
0x9a: {  	s5 =	simm.s32 $_size__tile_overlayer_lowered;
	s6 =	simm.s32 $_tile_overlayer_lowered  }
0x9b: {  	s22 =	simm.s32 $0x1BFF;
	s21 =	sshll.u32 s6, $0x1;
	s3 =	sadd.s32 s4, s19  }
0x9c: {  	s7 =	simm.s32 $0x0;
	s20 =	sshll.u32 s5, $0x1;
	s5 =	sadd.s32 s21, s3  }
0x9d: {  	[timem:s7], [sflag:s22] =	dma.local [hbm:s5], s20  }
0x9e: {  	_ =	swait.ge [sflag:s22], s20  }
0x9f: {  	s4 =	ssub.s32 $0x0, s20;
	[sflag:s22] =	ssyncset.done $0x0  }
0xa0: {  	[sflag:s22] =	ssyncadd.s32 s4;
	_ =	sdelay $0x1  }
0xa1: {  	s23 =	simm.s32 $0x1B8B  }
0xa2: {  	_ =	swait.ge [sflag:s23], $0x1  }
0xa3: {  	[sflag:s23] =	ssyncset.done $0x0  }
0xa4: {  	s25 =	simm.s32 $0x1B8E;
	s24 =	sld [smem:$0x3FFE];
	[sflag:s23] =	ssyncadd.s32 $0xFFFFFFFF  }
0xa5: {  	s26 =	simm.s32 $execute0_lowered;
	[smem:$0x3FD2] =	sst s25  }
0xa6: {  	s5 =	sshll.u32 s26, $0x1;
	_ =	strace $0x80000046;
	[dreg:$0x1] =	wrdreg $0xFFFFFFFF  }
0xa7: {  	s28 =	simm.s32 $_size_execute0_lowered;
	s3 =	sadd.s32 s3, s5;
	[dreg:$0x0] =	wrdreg $0x0  }
0xa8: {  	s5 =	sshll.u32 s28, $0x1;
	[dreg:$0x2] =	wrdreg s3  }
0xa9: {  	[dreg:$0x3] =	wrdreg s5  }
0xaa: {  	[dreg:$0x4] =	wrdreg $0xC0  }
0xab: {  	_ =	task [dreg:s7], $0x5FFFF  }
0xac: {  	[dreg:$0x1] =	wrdreg $0xFFFFFFFF  }
0xad: {  	[dreg:$0x0] =	wrdreg $0x60  }
0xae: {  	[dreg:$0x2] =	wrdreg s24  }
0xaf: {  	[dreg:$0x3] =	wrdreg s2  }
0xb0: {  	[dreg:$0x4] =	wrdreg $0x9  }
0xb1: {  	_ =	task.clear_ibuf [dreg:s7], $0x5FFFF;
	_ =	strace $0x90000046  }
0xb2: {  	s29 =	simm.s32 $0x9;
	_ =	strace $0x80000048  }
0xb3: {  	_ =	swait.ge [sflag:s29], $0x1  }
0xb4: {  	[sflag:s29] =	ssyncadd.s32 $0xFFFFFFFF  }
0xb5: {  	_ =	strace $0x90000048  }
0xb6: {  	_ =	sfence  }
0xb7: {  	s30 =	sld [smem:$0x0];
	_ =	sdelay $0x2  }
0xb8: {  	s31 =	sshll.u32 s1, $0xD;
	s1 =	sshrl.u32 s1, $0x2  }
0xb9: {  	s3 =	sand.u32 $0x4000, s31;
	s1 =	sadd.s32 s1, s30  }
0xba: {  	s0 =	sor.u32 s3, s0;
	s1 =	sshll.u32 s1, $0x11  }
0xbb: {  	s0 =	sor.u32 s1, s0  }
0xbc: {  	s0 =	sadd.s32 $0x8F2B, s0  }
0xbd: {  	[sflag:s0] =	ssyncadd.remote.s32 $0x1  }
0xbe: {  	_ =	sfence.sel $0xFFFF  }
0xbf: {  	[dreg:$0x0] =	wrdreg $0xFFFFFFFF;
	(pc) =	sbr.abs _section_cstart, $3  }
0xc0: {  	[dreg:$0x1] =	wrdreg $0xFFFFFFFF  }
0xc1: {  	_ =	task.clear_ibuf [dreg:s7], $0x2FFFF;
	_ =	strace $0x9FFFFFFF  }
0xc2: {  	(tm) =	ssettm $0x7FFFFFFF  }
0xc3: {  	_ =	shalt  }
tec
execute0_lowered:
.L_overlay_start_1:
0x0: {  	(tag) =	ssettag $0x1  }
0x1: {  	s0 =	rddreg [dreg:$0x0]  }
0x2: {  	s2 =	simm.s32 $0x0;
	s1 =	srdreg.scid;
	s9 =	stileid.u32  }
0x3: {  	s16 =	simm.s32 $0x2;
	s18 =	simm.s32 $0x1;
	s19 =	simm.s32 $0x16B00  }
0x4: {  	s20 =	simm.s32 $0x16B80;
	s21 =	simm.s32 $0x16C00;
	s22 =	simm.s32 $0x80  }
0x5: {  	s23 =	simm.s32 $0x16C90;
	[smem:$0x7FF] =	sst s2;
	s3 =	sadd.s32 $0x27DC00, s0  }
0x6: {  	s4 =	sadd.s32 $0x33A00, s0;
	s5 =	sadd.s32 $0x4C200, s0;
	s1 =	sand.u32 $0x1, s1  }
0x7: {  	s7 =	sadd.s32 $0x2800, s0;
	s8 =	sadd.s32 $0x1B000, s0;
	s6 =	sadd.s32 $0x33800, s0  }
0x8: {  	s28 =	sadd.s32 $0x341200, s0;
	_ =	strace $0x80000047;
	[dreg:$0x5] =	wrdreg s1  }
.Ltmp0:
0x9: {  	s1 =	ssub.s32 $0x2, s1;
	[dreg:$0x6] =	wrdreg s6;
	(pc) =	sbr.rel .LBB2_1-.Ltmp0, $4  }
0xa: {  	s0 =	sadd.s32 $0x64A00, s0;
	[dreg:$0x7] =	wrdreg s28;
	s29 =	sshrl.u32 s1, $0x1  }
0xb: {  	s31 =	sshll.u32 s9, $0x1;
	[dreg:$0x8] =	wrdreg s0;
	s30 =	ssub.s32 s1, s29  }
0xc: {  	s24 =	simm.s32 $0x1AC90;
	[dreg:$0x9] =	wrdreg s31;
	s0 =	smax.u32 s30, $0x1  }
0xd: {  	v0 =	vimm.f32 $0.0e+00;
	s25 =	simm.s32 $0x1B490;
	s1 =	simm.s32 $0x0;
	[dreg:$0xa] =	wrdreg s0  }
.LBB2_11:
0xe: {  	s1 =	rddreg [dreg:$0xb]  }
0xf: {  	s0 =	rddreg [dreg:$0xa];
	s1 =	sadd.s32 $0x1, s1  }
0x10: {  	p0 =	sne.s32 s1, s0  }
.Ltmp1:
0x11: {  	_ = 	snop;
	(pc) =	sbr.rel @!p0 .LBB2_12-.Ltmp1, $1  }
0x12: {  	_ =	sdelay $0x3  }
.LBB2_1:
0x13: {  	[dreg:$0xb] =	wrdreg s1  }
0x14: {  	s0 =	rddreg [dreg:$0x6];
	s28 =	simm.s32 $0x1BC90  }
0x15: {  	[tilespmem:s28], [sflag:$0x2] =	stream.linear.gather [hbm4b:s0+s2], $0x128, $0x38;
	[tilespmem:$0x1BDD8] =	vst v63  }
0x16: {  	_ =	swait.ge [sflag:s16], $0x128  }
0x17: {  	[sflag:s16] =	ssyncset.done $0x0  }
0x18: {  	[sflag:s16] =	ssyncadd.s32 $0xFFFFFED8  }
0x19: {  	s31 =	simm.s32 $0x1BDC8;
	s30 =	rddreg [dreg:$0x1]  }
0x1a: {  	[tilespmem:s31], [sflag:$0x2] =	stream.linear.gather [hbm4b:s30+s2], $0x10, $0x38;
	[tilespmem:$0x1BDD8] =	vst v63  }
.Ltmp2:
0x1b: {  	_ = 	snop;
	(pc) =	sbr.rel .LBB2_2-.Ltmp2, $4  }
0x1c: {  	_ =	swait.ge [sflag:s16], $0x10  }
0x1d: {  	[sflag:s16] =	ssyncset.done $0x0  }
0x1e: {  	[sflag:s16] =	ssyncadd.s32 $0xFFFFFFF0  }
0x1f: {  	s29 =	simm.s32 $0x0;
	v1 =	vld [tilespmem:$0x1BDC8]  }
.LBB2_10:
0x20: {  	s0 =	smul.u32 $0x2C00, s30  }
0x21: {  	s1 =	rddreg [dreg:$0x7]  }
0x22: {  	s28 =	smul.u32 $0x160, s30;
	s0 =	sadd.s32 s1, s0  }
0x23: {  	[hbm4b:s0+s2] =	stream.linear.scatter [tilespmem:s2], [sflag:$0x2], $0x16000, $0x38;
	[tilespmem:$0x1BDD8] =	vst v63  }
0x24: {  	s31 =	simm.s32 $0x16000;
	s29 =	sadd.s32 $0x1, s29;
	_ =	swait.ge [sflag:s16], $0x16000  }
0x25: {  	p0 =	sne.s32 s29, $0x9;
	[sflag:s16] =	ssyncset.done $0x0;
	s30 =	rddreg [dreg:$0x8]  }
.Ltmp3:
0x26: {  	[sflag:s16] =	ssyncadd.s32 $0xFFFEA000;
	s0 =	sadd.s32 s30, s28;
	(pc) =	sbr.rel @!p0 .LBB2_11-.Ltmp3, $4  }
0x27: {  	[hbm4b:s0+s2] =	stream.linear.scatter [tilespmem:s31], [sflag:$0x2], $0xB00, $0x38;
	[tilespmem:$0x1BDD8] =	vst v63  }
0x28: {  	_ =	swait.ge [sflag:s16], $0xB00  }
0x29: {  	[sflag:s16] =	ssyncset.done $0x0  }
0x2a: {  	[sflag:s16] =	ssyncadd.s32 $0xFFFFF500  }
.LBB2_2:
0x2b: {  	s0 =	simm.s32 $0x100  }
0x2c: {  	[tilespmem:s0+$0xFFFFFF10] =	vst v0  }
0x2d: {  	[tilespmem:s0+$0xFFFFFF20] =	vst v0  }
0x2e: {  	[tilespmem:s0+$0xFFFFFF30] =	vst v0  }
0x2f: {  	[tilespmem:s0+$0xFFFFFF40] =	vst v0  }
0x30: {  	[tilespmem:s0+$0xFFFFFF50] =	vst v0  }
0x31: {  	[tilespmem:s0+$0xFFFFFF60] =	vst v0  }
0x32: {  	[tilespmem:s0+$0xFFFFFF70] =	vst v0  }
0x33: {  	[tilespmem:s0+$0xFFFFFF80] =	vst v0  }
0x34: {  	[tilespmem:s0+$0xFFFFFF90] =	vst v0  }
0x35: {  	[tilespmem:s0+$0xFFFFFFA0] =	vst v0  }
0x36: {  	[tilespmem:s0+$0xFFFFFFB0] =	vst v0  }
0x37: {  	[tilespmem:s0+$0xFFFFFFC0] =	vst v0  }
0x38: {  	[tilespmem:s0+$0xFFFFFFD0] =	vst v0  }
0x39: {  	[tilespmem:s0+$0xFFFFFFE0] =	vst v0  }
0x3a: {  	[tilespmem:s0+$0xFFFFFFF0] =	vst v0  }
0x3b: {  	[tilespmem:s0+$0x0] =	vst v0  }
0x3c: {  	[tilespmem:s0+$0x10] =	vst v0  }
0x3d: {  	[tilespmem:s0+$0x20] =	vst v0  }
0x3e: {  	[tilespmem:s0+$0x30] =	vst v0  }
0x3f: {  	[tilespmem:s0+$0x40] =	vst v0  }
0x40: {  	[tilespmem:s0+$0x50] =	vst v0  }
0x41: {  	[tilespmem:s0+$0x60] =	vst v0  }
0x42: {  	[tilespmem:s0+$0x70] =	vst v0  }
0x43: {  	[tilespmem:s0+$0x80] =	vst v0  }
0x44: {  	[tilespmem:s0+$0x90] =	vst v0  }
0x45: {  	[tilespmem:s0+$0xA0] =	vst v0  }
0x46: {  	[tilespmem:s0+$0xB0] =	vst v0  }
0x47: {  	[tilespmem:s0+$0xC0] =	vst v0  }
0x48: {  	[tilespmem:s0+$0xD0] =	vst v0  }
0x49: {  	[tilespmem:s0+$0xE0] =	vst v0  }
0x4a: {  	[tilespmem:s0+$0xF0] =	vst v0  }
0x4b: {  	s6 =	simm.s32 $0x0;
	s1 =	simm.s32 $0x40;
	[tilespmem:s0+$0xFFFFFF00] =	vst v0  }
.LBB2_3:
0x4c: {  	p0 =	sne.s32 s1, $0x2BC0;
	[tilespmem:s6+$0x16000] =	vst v0;
	s0 =	sadd.s32 $0x200, s0  }
0x4d: {  	[tilespmem:s0+$0xFFFFFF10] =	vst v0  }
0x4e: {  	[tilespmem:s0+$0xFFFFFF20] =	vst v0  }
0x4f: {  	[tilespmem:s0+$0xFFFFFF30] =	vst v0  }
0x50: {  	[tilespmem:s0+$0xFFFFFF40] =	vst v0  }
0x51: {  	[tilespmem:s0+$0xFFFFFF50] =	vst v0  }
0x52: {  	[tilespmem:s0+$0xFFFFFF60] =	vst v0  }
0x53: {  	[tilespmem:s0+$0xFFFFFF70] =	vst v0  }
0x54: {  	[tilespmem:s0+$0xFFFFFF80] =	vst v0  }
0x55: {  	[tilespmem:s0+$0xFFFFFF90] =	vst v0  }
0x56: {  	[tilespmem:s0+$0xFFFFFFA0] =	vst v0  }
0x57: {  	[tilespmem:s0+$0xFFFFFFB0] =	vst v0  }
0x58: {  	[tilespmem:s0+$0xFFFFFFC0] =	vst v0  }
0x59: {  	[tilespmem:s0+$0xFFFFFFD0] =	vst v0  }
0x5a: {  	[tilespmem:s0+$0xFFFFFFE0] =	vst v0  }
0x5b: {  	[tilespmem:s0+$0xFFFFFFF0] =	vst v0  }
0x5c: {  	[tilespmem:s0+$0x0] =	vst v0  }
0x5d: {  	[tilespmem:s0+$0x10] =	vst v0  }
0x5e: {  	[tilespmem:s0+$0x20] =	vst v0  }
0x5f: {  	[tilespmem:s0+$0x30] =	vst v0  }
0x60: {  	[tilespmem:s0+$0x40] =	vst v0  }
0x61: {  	[tilespmem:s0+$0x50] =	vst v0  }
0x62: {  	[tilespmem:s0+$0x60] =	vst v0  }
0x63: {  	[tilespmem:s0+$0x70] =	vst v0  }
0x64: {  	[tilespmem:s0+$0x80] =	vst v0  }
0x65: {  	[tilespmem:s0+$0x90] =	vst v0  }
0x66: {  	[tilespmem:s0+$0xA0] =	vst v0  }
0x67: {  	[tilespmem:s0+$0xB0] =	vst v0  }
.Ltmp4:
0x68: {  	[tilespmem:s0+$0xC0] =	vst v0;
	(pc) =	sbr.rel @p0 .LBB2_3-.Ltmp4, $4  }
0x69: {  	[tilespmem:s0+$0xD0] =	vst v0  }
0x6a: {  	[tilespmem:s0+$0xE0] =	vst v0  }
0x6b: {  	[tilespmem:s0+$0xF0] =	vst v0  }
0x6c: {  	s6 =	sshra.s32 s1, $0x2;
	s1 =	sadd.s32 $0x40, s1;
	[tilespmem:s0+$0xFFFFFF00] =	vst v0  }
0x6d: {  	s0 =	sshll.u32 s29, $0x5;
	s1 =	rddreg [dreg:$0x9]  }
0x6e: {  	s14 =	rddreg [dreg:$0x5];
	s0 =	sor.u32 s0, s1  }
0x6f: {  	[tilespmem:s6+$0x16000] =	vst v0;
	s30 =	sor.u32 s14, s0  }
0x70: {  	v2 =	vld [tilespmem:s30+$0x1BC90];
	_ =	sdelay $0x4  }
0x71: {  	(v2sf) =	vpush v2, $0x0;
	_ =	sdelay $0x3  }
0x72: {  	(v2sf) =	vpush v2, $0x1;
	_ =	sdelay $0xa  }
0x73: {  	s31 =	spop (v2sf)  }
0x74: {  	s15 =	sshra.s32 s31, $0x1F  }
0x75: {  	s0 =	sshrl.u32 s15, $0x1D  }
0x76: {  	s17 =	sadd.s32 s0, s31  }
0x77: {  	s0 =	spop (v2sf);
	s9 =	sand.u32 $0xFFFFFFF8, s17  }
0x78: {  	s1 =	ssub.s32 s0, s9  }
0x79: {  	s1 =	sadd.s32 $0x7F, s1  }
0x7a: {  	s26 =	sand.u32 $0x7F, s1  }
0x7b: {  	s28 =	sshra.s32 s1, $0x1F;
	p1 =	slt.s32 s1, $0x1;
	p0 =	sne.s32 s26, $0x0  }
0x7c: {  	s6 =	sshrl.u32 s28, $0x19;
	p0 =	por !p1, !p0  }
0x7d: {  	s1 =	sadd.s32 s6, s1;
	s6 =	simm.s32 $0x1;
	p0 =	por !p0, !p0  }
0x7e: {  	s1 =	sshra.s32 s1, $0x7;
	s6 =	simm.s32 @!p0 $0x0  }
0x7f: {  	s1 =	ssub.s32 s1, s6  }
0x80: {  	p0 =	slt.s32 s1, $0x1  }
.Ltmp5:
0x81: {  	_ = 	snop;
	(pc) =	sbr.rel @p0 .LBB2_10-.Ltmp5, $1  }
0x82: {  	_ =	sdelay $0x3  }
.Ltmp6:
0x83: {  	(pc) =	sbr.rel .LBB2_6-.Ltmp6, $3  }
0x84: {  	_ = 	snop  }
0x85: {  	s6 =	smul.u32 $0xFFFFFF50, s30;
	_ =	sdelay $0x1  }
0x86: {  	s15 =	ssub.s32 s31, s9;
	s17 =	simm.s32 $0x0;
	[dreg:$0x3] =	wrdreg s6  }
.LBB2_9:
0x87: {  	s17 =	sadd.s32 $0x1, s17  }
0x88: {  	p0 =	sne.s32 s17, s1  }
.Ltmp7:
0x89: {  	_ = 	snop;
	(pc) =	sbr.rel @!p0 .LBB2_10-.Ltmp7, $2  }
0x8a: {  	_ =	sdelay $0x2  }
0x8b: {  	s15 =	sadd.s32 $0xFFFFFF80, s15  }
.LBB2_6:
0x8c: {  	s6 =	sshll.u32 s17, $0x7  }
0x8d: {  	s6 =	sadd.s32 s9, s6  }
0x8e: {  	s10 =	sshrl.u32 s6, $0x3  }
0x8f: {  	s11 =	sadd.s32 s7, s10  }
0x90: {  	[tilespmem:s19], [sflag:$0x2] =	stream.linear.gather [hbm4b:s11+s2], $0x80, $0x38;
	[tilespmem:$0x1BDD8] =	vst v63  }
0x91: {  	_ =	swait.ge [sflag:s16], $0x80  }
0x92: {  	[sflag:s16] =	ssyncset.done $0x0  }
0x93: {  	s10 =	sadd.s32 s8, s10;
	[sflag:s16] =	ssyncadd.s32 $0xFFFFFF80  }
0x94: {  	[tilespmem:s20], [sflag:$0x2] =	stream.linear.gather [hbm4b:s10+s2], $0x80, $0x38;
	[tilespmem:$0x1BDD8] =	vst v63  }
0x95: {  	_ =	swait.ge [sflag:s16], $0x80  }
0x96: {  	[sflag:s16] =	ssyncset.done $0x0  }
0x97: {  	[sflag:s16] =	ssyncadd.s32 $0xFFFFFF80  }
0x98: {  	[tilespmem:s21], [sflag:$0x2] =	stream.linear.gather [hbm4b:s10+s2], $0x80, $0x38;
	[tilespmem:$0x1BDD8] =	vst v63  }
0x99: {  	_ =	swait.ge [sflag:s16], $0x80  }
0x9a: {  	[sflag:s16] =	ssyncset.done $0x0  }
0x9b: {  	[sflag:s16] =	ssyncadd.s32 $0xFFFFFF80  }
0x9c: {  	[tilespmem:s23], [sflag:$0x1] =	stream.indirect.gather [hbm4b:s3+s22], $0x80, s19, s22, $0xb8;
	[tilespmem:$0x1BDD8] =	vst v63  }
0x9d: {  	_ = 	snop  }
0x9e: {  	[tilespmem:s24], [sflag:$0x1] =	stream.indirect.gather [hbm4b:s4+s22], $0x10, s19, s22, $0xb8;
	[tilespmem:$0x1BDD8] =	vst v63  }
0x9f: {  	_ = 	snop  }
0xa0: {  	[tilespmem:s25], [sflag:$0x1] =	stream.indirect.gather [hbm4b:s5+s22], $0x10, s20, s22, $0xb8;
	[tilespmem:$0x1BDD8] =	vst v63  }
0xa1: {  	s11 =	ssub.s32 s0, s6;
	s10 =	ssub.s32 s31, s6;
	_ =	swait.ge [sflag:s18], $0x4000  }
0xa2: {  	p1 =	slt.s32 s11, $0x80;
	p0 =	sgt.s32 s10, $0x0;
	[sflag:s18] =	ssyncset.done $0x0  }
0xa3: {  	s11 =	simm.s32 @!p1 $0x80;
	s10 =	simm.s32 @!p0 $0x0;
	[sflag:s18] =	ssyncadd.s32 $0xFFFFC000  }
0xa4: {  	p0 =	sle.s32 s11, s10;
	_ =	swait.ge [sflag:s18], $0x800  }
.Ltmp8:
0xa5: {  	[sflag:s18] =	ssyncset.done $0x0;
	(pc) =	sbr.rel @p0 .LBB2_9-.Ltmp8, $4  }
0xa6: {  	[sflag:s18] =	ssyncadd.s32 $0xFFFFF800  }
0xa7: {  	_ =	swait.ge [sflag:s18], $0x800  }
0xa8: {  	[sflag:s18] =	ssyncset.done $0x0  }
0xa9: {  	[sflag:s18] =	ssyncadd.s32 $0xFFFFF800  }
0xaa: {  	p0 =	sgt.s32 s15, $0x0;
	s6 =	smov.u32 s15  }
0xab: {  	s6 =	simm.s32 @!p0 $0x0;
	p0 =	sgt.s32 s10, s11  }
0xac: {  	s14 =	sshll.u32 s6, $0x2;
	s26 =	sshll.u32 s6, $0x4;
	s6 =	sshll.u32 s6, $0x7  }
0xad: {  	s11 =	smov.u32 @p0 s10;
	s14 =	sshra.s32 s14, $0x2;
	s26 =	sand.u32 $0x3FFFFFF0, s26  }
0xae: {  	s6 =	sand.u32 $0x3FFFFF80, s6;
	[dreg:$0x4] =	wrdreg s11;
	s14 =	sadd.s32 $0x16C00, s14  }
0xaf: {  	s28 =	sadd.s32 $0x1AC90, s26;
	s26 =	sadd.s32 $0x1B490, s26;
	s6 =	sadd.s32 $0x16CD0, s6  }
.LBB2_8:
0xb0: {  	v2 =	vld [tilespmem:s28+$0x0]  }
0xb1: {  	v3 =	vld [tilespmem:s26+$0x0]  }
0xb2: {  	v4 =	vld [tilespmem:s14+$0x0];
	_ =	sdelay $0x4  }
0xb3: {  	v2 =	vadd.f32 v3, v2;
	(v2sf) =	vpush v4, $0x0;
	_ =	sdelay $0x1  }
0xb4: {  	v3 =	vmul.f32 $2.000000030e-01, v2  }
0xb5: {  	vm0 =	vgt.f32 v2, $0.0e+00  }
0xb6: {  	v2 =	vsel vm0, v2, v3  }
0xb7: {  	v2 =	vsub.f32 v2, v1;
	_ =	sdelay $0x1  }
0xb8: {  	v2 =	vmul.f32 $1.442695020e+00, v2;
	_ =	sdelay $0x1  }
0xb9: {  	(erf) = vpow2.f32 v2;
	_ =	sdelay $0x5  }
0xba: {  	s11 =	rddreg [dreg:$0x3];
	s12 =	spop (v2sf)  }
0xbb: {  	s11 =	sadd.s32 s11, s12  }
0xbc: {  	s12 =	sshll.u32 s11, $0x6  }
0xbd: {  	v2 =	vpop (erf);
	s12 =	sshra.s32 s12, $0x2  }
0xbe: {  	[tilespmem:s12+$0x16000] =	vst.add.f32.msk $0xffff, v2  }
0xbf: {  	v3 =	vld [tilespmem:s6+$0xFFFFFFC0]  }
0xc0: {  	v39 =	vld [tilespmem:s6+$0xFFFFFFD0]  }
0xc1: {  	v5 =	vld [tilespmem:s6+$0xFFFFFFE0]  }
0xc2: {  	v6 =	vld [tilespmem:s6+$0xFFFFFFF0]  }
0xc3: {  	v8 =	vbroadcast v2, $0x0;
	v7 =	vld [tilespmem:s6+$0x0]  }
0xc4: {  	v9 =	vld [tilespmem:s6+$0x10]  }
0xc5: {  	s11 =	sshll.u32 s11, $0xB;
	v10 =	vld [tilespmem:s6+$0x20];
	v11 =	vmul.f32 v8, v3  }
0xc6: {  	s11 =	sshra.s32 s11, $0x2;
	v12 =	vld [tilespmem:s6+$0x30];
	v13 =	vmul.f32 v8, v39  }
0xc7: {  	s13 =	sor.u32 $0x10, s11;
	v40 =	vmul.f32 v8, v5;
	[tilespmem:s11+$0x0] =	vst.add.f32.msk $0xffff, v11  }
0xc8: {  	v41 =	vmul.f32 v8, v6;
	[tilespmem:s13+$0x0] =	vst.add.f32.msk $0xffff, v13;
	s13 =	sor.u32 $0x20, s11  }
0xc9: {  	v42 =	vmul.f32 v7, v8;
	[tilespmem:s13+$0x0] =	vst.add.f32.msk $0xffff, v40;
	s13 =	sor.u32 $0x30, s11  }
0xca: {  	v43 =	vmul.f32 v9, v8;
	[tilespmem:s13+$0x0] =	vst.add.f32.msk $0xffff, v41;
	s13 =	sor.u32 $0x40, s11  }
0xcb: {  	v14 =	vbroadcast v2, $0x1;
	v44 =	vmul.f32 v10, v8;
	[tilespmem:s13+$0x0] =	vst.add.f32.msk $0xffff, v42;
	s13 =	sor.u32 $0x50, s11  }
0xcc: {  	v8 =	vmul.f32 v12, v8;
	[tilespmem:s13+$0x0] =	vst.add.f32.msk $0xffff, v43;
	s13 =	sor.u32 $0x60, s11  }
0xcd: {  	v45 =	vmul.f32 v14, v3;
	[tilespmem:s13+$0x0] =	vst.add.f32.msk $0xffff, v44;
	s13 =	sor.u32 $0x70, s11  }
0xce: {  	v46 =	vmul.f32 v14, v39;
	[tilespmem:s13+$0x0] =	vst.add.f32.msk $0xffff, v8;
	s13 =	sor.u32 $0x80, s11  }
0xcf: {  	v47 =	vmul.f32 v14, v5;
	[tilespmem:s13+$0x0] =	vst.add.f32.msk $0xffff, v45;
	s13 =	sor.u32 $0x90, s11  }
0xd0: {  	v48 =	vmul.f32 v14, v6;
	[tilespmem:s13+$0x0] =	vst.add.f32.msk $0xffff, v46;
	s13 =	sor.u32 $0xA0, s11  }
0xd1: {  	v49 =	vmul.f32 v7, v14;
	[tilespmem:s13+$0x0] =	vst.add.f32.msk $0xffff, v47;
	s13 =	sor.u32 $0xB0, s11  }
0xd2: {  	v50 =	vmul.f32 v9, v14;
	[tilespmem:s13+$0x0] =	vst.add.f32.msk $0xffff, v48;
	s13 =	sor.u32 $0xC0, s11  }
0xd3: {  	v52 =	vbroadcast v2, $0x2;
	v51 =	vmul.f32 v10, v14;
	[tilespmem:s13+$0x0] =	vst.add.f32.msk $0xffff, v49;
	s13 =	sor.u32 $0xD0, s11  }
0xd4: {  	v53 =	vmul.f32 v12, v14;
	[tilespmem:s13+$0x0] =	vst.add.f32.msk $0xffff, v50;
	s13 =	sor.u32 $0xE0, s11  }
0xd5: {  	v54 =	vmul.f32 v52, v3;
	[tilespmem:s13+$0x0] =	vst.add.f32.msk $0xffff, v51;
	s13 =	sor.u32 $0xF0, s11  }
0xd6: {  	v55 =	vmul.f32 v52, v39;
	[tilespmem:s13+$0x0] =	vst.add.f32.msk $0xffff, v53;
	s13 =	sor.u32 $0x100, s11  }
0xd7: {  	v56 =	vmul.f32 v52, v5;
	[tilespmem:s13+$0x0] =	vst.add.f32.msk $0xffff, v54;
	s13 =	sor.u32 $0x110, s11  }
0xd8: {  	v57 =	vmul.f32 v52, v6;
	[tilespmem:s13+$0x0] =	vst.add.f32.msk $0xffff, v55;
	s13 =	sor.u32 $0x120, s11  }
0xd9: {  	v58 =	vmul.f32 v7, v52;
	[tilespmem:s13+$0x0] =	vst.add.f32.msk $0xffff, v56;
	s13 =	sor.u32 $0x130, s11  }
0xda: {  	v59 =	vmul.f32 v9, v52;
	[tilespmem:s13+$0x0] =	vst.add.f32.msk $0xffff, v57;
	s13 =	sor.u32 $0x140, s11  }
0xdb: {  	v2 =	vbroadcast v2, $0x3;
	v60 =	vmul.f32 v10, v52;
	[tilespmem:s13+$0x0] =	vst.add.f32.msk $0xffff, v58;
	s13 =	sor.u32 $0x150, s11  }
0xdc: {  	v61 =	vmul.f32 v12, v52;
	[tilespmem:s13+$0x0] =	vst.add.f32.msk $0xffff, v59;
	s13 =	sor.u32 $0x160, s11  }
0xdd: {  	v3 =	vmul.f32 v2, v3;
	[tilespmem:s13+$0x0] =	vst.add.f32.msk $0xffff, v60;
	s13 =	sor.u32 $0x170, s11  }
0xde: {  	v4 =	vmul.f32 v2, v39;
	[tilespmem:s13+$0x0] =	vst.add.f32.msk $0xffff, v61;
	s13 =	sor.u32 $0x180, s11  }
0xdf: {  	[tilespmem:s13+$0x0] =	vst.add.f32.msk $0xffff, v3;
	s13 =	sor.u32 $0x190, s11;
	v3 =	vmul.f32 v2, v5  }
0xe0: {  	v62 =	vmul.f32 v2, v6;
	[tilespmem:s13+$0x0] =	vst.add.f32.msk $0xffff, v4;
	s13 =	sor.u32 $0x1A0, s11  }
0xe1: {  	[tilespmem:s13+$0x0] =	vst.add.f32.msk $0xffff, v3;
	s13 =	sor.u32 $0x1B0, s11  }
0xe2: {  	s10 =	sadd.s32 $0x1, s10;
	[tilespmem:s13+$0x0] =	vst.add.f32.msk $0xffff, v62;
	s13 =	rddreg [dreg:$0x4]  }
0xe3: {  	v3 =	vmul.f32 v7, v2;
	p0 =	slt.u32 s10, s13  }
.Ltmp9:
0xe4: {  	s12 =	sor.u32 $0x1C0, s11;
	v63 =	vmul.f32 v9, v2;
	(pc) =	sbr.rel @p0 .LBB2_8-.Ltmp9, $4  }
0xe5: {  	[tilespmem:s12+$0x0] =	vst.add.f32.msk $0xffff, v3;
	s12 =	sor.u32 $0x1D0, s11;
	v3 =	vmul.f32 v10, v2  }
0xe6: {  	v2 =	vmul.f32 v12, v2;
	[tilespmem:s12+$0x0] =	vst.add.f32.msk $0xffff, v63;
	s12 =	sor.u32 $0x1E0, s11  }
0xe7: {  	s14 =	sadd.s32 $0x1, s14;
	s11 =	sor.u32 $0x1F0, s11;
	[tilespmem:s12+$0x0] =	vst.add.f32.msk $0xffff, v3  }
0xe8: {  	s28 =	sadd.s32 $0x10, s28;
	s26 =	sadd.s32 $0x10, s26;
	s6 =	sadd.s32 $0x80, s6;
	[tilespmem:s11+$0x0] =	vst.add.f32.msk $0xffff, v2  }
.Ltmp10:
0xe9: {  	_ = 	snop;
	(pc) =	sbr.rel .LBB2_9-.Ltmp10, $1  }
0xea: {  	_ =	sdelay $0x3  }
.LBB2_12:
0xeb: {  	_ =	sfence.sel $0x180000  }
0xec: {  	[bflag:$0x0] =	sbarrier.arrive $0xFFFF  }
0xed: {  	_ =	strace $0x90000047  }
0xee: {  	s0 =	stileid.u32;
	[bflag:$0x2] =	sbarrier.arrive $0xFFFF  }
0xef: {  	p0 =	sne.s32 s0, $0x0;
	s0 =	rddreg [dreg:$0x2]  }
0xf0: {  	s0 =	sadd.s32 @!p0 $0x100000, s0  }
0xf1: {  	[sflag:s0] =	ssyncadd.tile.s32 @!p0 $0x1;
	_ =	shalt  }
.Lfunc_end2:
_tile_overlayer_lowered:
.L_overlay_start_2:
0xf2: {  	(tag) =	ssettag $0x2  }
0xf3: {  	s0 =	rddreg [dreg:$0x0];
	s2 =	stileid.u32  }
0xf4: {  	s1 =	rddreg [dreg:$0x1];
	p0 =	sne.s32 s2, $0x0  }
0xf5: {  	s3 =	rddreg [dreg:$0x2];
	[bflag:$0x3] =	sbarrier.arrive $0xFFFF;
	s2 =	simm.s32 @!p0 $0x1C02  }
0xf6: {  	[timem:s3], [sflag:s2] =	dma.local @!p0 [hbm:s0], s1  }
0xf7: {  	s0 =	simm.s32 @!p0 $0x2  }
0xf8: {  	_ =	swait.ge @!p0 [sflag:s0], s1  }
0xf9: {  	s1 =	ssub.s32 @!p0 $0x0, s1;
	[sflag:s0] =	ssyncset.done @!p0 $0x0  }
0xfa: {  	[sflag:s0] =	ssyncadd.s32 @!p0 s1  }
0xfb: {  	[bflag:$0x3] =	sbarrier.arrive $0xFFFF  }
0xfc: {  	_ =	shalt  }

</sc_bundles>
